<compile_context>
chip_gen: v7x
topology: tpu7x:2x2x1
jax: 0.10.2.dev20260603
libtpu: 0.0.44.dev20260713+nightly
codegen_flags: <defaults>
</compile_context>

<pallas_src>
import functools

import jax
import jax.numpy as jnp
from jax import lax
from jax.experimental import pallas as pl
from jax.experimental.pallas import tpu as pltpu
from jax.experimental.pallas import tpu_sc as plsc

N = 100000
E = 1600000
G = 64
D_IN, D_HID, D_OUT = 32, 16, 5

NPAD = 100352
RPT = NPAD // 16
WROWS = NPAD // 8
NREAL = N // 8

C = 128
NCHUNK = E // C
KB = 10
NBLK = 39

WB = WROWS // 8
RX = NPAD // 16

_MESH = plsc.VectorSubcoreMesh(core_axis_name="c", subcore_axis_name="s")
_SC_PARAMS = pltpu.CompilerParams(use_tc_tiling_on_sc=False)


def _worker(c, s):
    return s * 2 + c


def _chunk0(w):
    return w * 390 + jnp.minimum(w, 20)


def _fill_rows(ref, nrows, value):
    v = jnp.full((D_HID,), value, jnp.float32)

    def body(i, carry):
        ref[i] = v
        return carry

    lax.fori_loop(0, nrows, body, 0)


@functools.partial(
    pl.kernel,
    out_type=jax.ShapeDtypeStruct((2, NPAD, D_HID), jnp.float32),
    mesh=_MESH,
    scratch_types=[
        pltpu.VMEM((KB, C), jnp.int32),
        pltpu.VMEM((C, D_HID), jnp.float32),
        pltpu.VMEM((512, D_HID), jnp.float32),
        pltpu.VMEM_SHARED((NPAD, D_HID), jnp.float32),
        pltpu.SemaphoreType.DMA,
    ],
    compiler_params=_SC_PARAMS,
)
def _sc_degree(edges_hbm, parts_hbm, dstv, onesv, zbuf, acc, sem):
    c = lax.axis_index("c")
    s = lax.axis_index("s")
    w = _worker(c, s)
    r0 = s * RPT
    _fill_rows(zbuf, 512, 0.0)
    _fill_rows(onesv, C, 1.0)

    def zcp(t, carry):
        pltpu.sync_copy(zbuf, acc.at[pl.ds(r0 + t * 512, 512)])
        return carry

    lax.fori_loop(0, 12, zcp, 0)
    pltpu.sync_copy(zbuf.at[pl.ds(0, 128)],
                    acc.at[pl.ds(r0 + 6144, 128)])
    plsc.subcore_barrier()
    c0 = _chunk0(w)

    def block(b, carry):
        pltpu.sync_copy(edges_hbm.at[1, pl.ds(c0 + b * KB, KB)], dstv)
        ds = [pltpu.async_copy(onesv, acc.at[dstv.at[j]], sem, add=True)
              for j in range(KB)]
        for d in ds:
            d.wait()
        return carry

    lax.fori_loop(0, NBLK, block, 0)

    @pl.when(w < 20)
    def _tail():
        pltpu.sync_copy(edges_hbm.at[1, pl.ds(c0 + NBLK * KB, 1)],
                        dstv.at[pl.ds(0, 1)])
        pltpu.async_copy(onesv, acc.at[dstv.at[0]], sem, add=True).wait()

    plsc.subcore_barrier()
    pltpu.sync_copy(acc.at[pl.ds(r0, RPT)], parts_hbm.at[c].at[pl.ds(r0, RPT)])


@functools.partial(
    pl.kernel,
    out_type=jax.ShapeDtypeStruct((2, NPAD, D_HID), jnp.float32),
    mesh=_MESH,
    scratch_types=[
        pltpu.VMEM((KB, C), jnp.int32),
        pltpu.VMEM((KB, C), jnp.int32),
        pltpu.VMEM((KB, C, D_HID), jnp.float32),
        pltpu.VMEM_SHARED((NPAD, D_HID), jnp.float32),
    ] + [pltpu.SemaphoreType.DMA] * 12,
    compiler_params=_SC_PARAMS,
)
def _sc_scatter(y_hbm, edges_hbm, z16_hbm, parts_hbm,
                srcv, dstv, rows, acc, *sems):
    semg = sems[0:5]
    semsc = sems[5:10]
    semi, semi2 = sems[10], sems[11]
    c = lax.axis_index("c")
    s = lax.axis_index("s")
    w = _worker(c, s)
    r0 = s * RPT
    pltpu.sync_copy(z16_hbm.at[pl.ds(r0, RPT)], acc.at[pl.ds(r0, RPT)])
    plsc.subcore_barrier()
    c0 = _chunk0(w)
    WAVES = [(2 * t, 2 * t + 1) for t in range(KB // 2)]

    def block(b, carry):
        base = c0 + b * KB
        di = pltpu.async_copy(edges_hbm.at[0, pl.ds(base, KB)], srcv, semi)
        dd = pltpu.async_copy(edges_hbm.at[1, pl.ds(base, KB)], dstv, semi2)
        di.wait()
        gs = [[pltpu.async_copy(y_hbm.at[srcv.at[j]], rows.at[j], semg[t])
               for j in wave] for t, wave in enumerate(WAVES)]
        dd.wait()
        ss = []
        for t, wave in enumerate(WAVES):
            for d in gs[t]:
                d.wait()
            ss += [pltpu.async_copy(rows.at[j], acc.at[dstv.at[j]],
                                    semsc[t], add=True) for j in wave]
        for d in ss:
            d.wait()
        return carry

    lax.fori_loop(0, NBLK, block, 0)

    @pl.when(w < 20)
    def _tail():
        base = c0 + NBLK * KB
        pltpu.sync_copy(edges_hbm.at[0, pl.ds(base, 1)], srcv.at[pl.ds(0, 1)])
        pltpu.sync_copy(edges_hbm.at[1, pl.ds(base, 1)], dstv.at[pl.ds(0, 1)])
        pltpu.async_copy(y_hbm.at[srcv.at[0]], rows.at[0], semg[0]).wait()
        pltpu.async_copy(rows.at[0], acc.at[dstv.at[0]],
                         semsc[0], add=True).wait()

    plsc.subcore_barrier()
    pltpu.sync_copy(acc.at[pl.ds(r0, RPT)], parts_hbm.at[c].at[pl.ds(r0, RPT)])


def _tc_matmul_body(x_ref, w_ref, o_ref):
    o_ref[...] = jnp.dot(x_ref[...], w_ref[...],
                         preferred_element_type=jnp.float32)


def _tc_matmul(x8, w1big):
    return pl.pallas_call(
        _tc_matmul_body,
        grid=(16,),
        in_specs=[pl.BlockSpec((RX // 8, 8 * D_IN), lambda i: (i, 0)),
                  pl.BlockSpec((8 * D_IN, 128), lambda i: (0, 0))],
        out_specs=pl.BlockSpec((RX // 8, 128), lambda i: (i, 0)),
        out_shape=jax.ShapeDtypeStruct((WROWS, 128), jnp.float32),
    )(x8, w1big)


def _tc_prep_body(dp_ref, u_ref, y_ref, dinv_ref):
    i = pl.program_id(0)
    dinv = lax.rsqrt(dp_ref[0] + dp_ref[1] + 1.0)
    wrow = i * WB + jax.lax.broadcasted_iota(jnp.int32, (WB, 128), 0)
    u = jnp.where(wrow < NREAL, u_ref[...], 0.0)
    y_ref[...] = u * dinv
    dinv_ref[...] = dinv


def _tc_prep(degparts_w, u1_w):
    return pl.pallas_call(
        _tc_prep_body,
        grid=(8,),
        in_specs=[pl.BlockSpec((2, WB, 128), lambda i: (0, i, 0)),
                  pl.BlockSpec((WB, 128), lambda i: (i, 0))],
        out_specs=[pl.BlockSpec((WB, 128), lambda i: (i, 0)),
                   pl.BlockSpec((WB, 128), lambda i: (i, 0))],
        out_shape=[jax.ShapeDtypeStruct((WROWS, 128), jnp.float32),
                   jax.ShapeDtypeStruct((WROWS, 128), jnp.float32)],
    )(degparts_w, u1_w)


def _tc_mid_body(p_ref, y1_ref, dinv_ref, b1_ref, w2_ref, y2_ref):
    h = dinv_ref[...] * (p_ref[0] + p_ref[1] + y1_ref[...]) + b1_ref[...]
    h = jnp.maximum(h, 0.0)
    y2_ref[...] = jnp.dot(h, w2_ref[...],
                          preferred_element_type=jnp.float32) * dinv_ref[...]


def _tc_mid(parts1_w, y1_w, dinv_w, b1w, w2big):
    return pl.pallas_call(
        _tc_mid_body,
        grid=(8,),
        in_specs=[pl.BlockSpec((2, WB, 128), lambda i: (0, i, 0)),
                  pl.BlockSpec((WB, 128), lambda i: (i, 0)),
                  pl.BlockSpec((WB, 128), lambda i: (i, 0)),
                  pl.BlockSpec((1, 128), lambda i: (0, 0)),
                  pl.BlockSpec((128, 128), lambda i: (0, 0))],
        out_specs=pl.BlockSpec((WB, 128), lambda i: (i, 0)),
        out_shape=jax.ShapeDtypeStruct((WROWS, 128), jnp.float32),
    )(parts1_w, y1_w, dinv_w, b1w, w2big)


def _tc_mid2_body(p_ref, y2_ref, dinv_ref, b2_ref, h2_ref):
    h2_ref[...] = (dinv_ref[...] * (p_ref[0] + p_ref[1] + y2_ref[...])
                   + b2_ref[...])


def _tc_mid2(parts2_w, y2_w, dinv_w, b2w):
    return pl.pallas_call(
        _tc_mid2_body,
        grid=(8,),
        in_specs=[pl.BlockSpec((2, WB, 128), lambda i: (0, i, 0)),
                  pl.BlockSpec((WB, 128), lambda i: (i, 0)),
                  pl.BlockSpec((WB, 128), lambda i: (i, 0)),
                  pl.BlockSpec((1, 128), lambda i: (0, 0))],
        out_specs=pl.BlockSpec((WB, 128), lambda i: (i, 0)),
        out_shape=jax.ShapeDtypeStruct((WROWS, 128), jnp.float32),
    )(parts2_w, y2_w, dinv_w, b2w)


NPOOL = 80
BCHUNK = NPAD // C
KP = 8
PBLK = 3


@functools.partial(
    pl.kernel,
    out_type=[jax.ShapeDtypeStruct((2, NPOOL, D_HID), jnp.float32),
              jax.ShapeDtypeStruct((2, NPOOL, D_HID), jnp.float32)],
    mesh=_MESH,
    scratch_types=[
        pltpu.VMEM((KP, C), jnp.int32),
        pltpu.VMEM((KP * C, D_HID), jnp.float32),
        pltpu.VMEM((C, D_HID), jnp.float32),
        pltpu.VMEM_SHARED((NPOOL, D_HID), jnp.float32),
        pltpu.VMEM_SHARED((NPOOL, D_HID), jnp.float32),
        pltpu.SemaphoreType.DMA,
        pltpu.SemaphoreType.DMA,
    ],
    compiler_params=_SC_PARAMS,
)
def _sc_pool(h2_hbm, batch_hbm, hsum_hbm, cnt_hbm,
             bidx, rows, onesv, hacc, cacc, semh, semc):
    c = lax.axis_index("c")
    s = lax.axis_index("s")
    w = _worker(c, s)
    rp = s * (NPOOL // 16)
    _fill_rows(onesv, NPOOL // 16, 0.0)
    pltpu.sync_copy(onesv.at[pl.ds(0, NPOOL // 16)],
                    hacc.at[pl.ds(rp, NPOOL // 16)])
    pltpu.sync_copy(onesv.at[pl.ds(0, NPOOL // 16)],
                    cacc.at[pl.ds(rp, NPOOL // 16)])
    _fill_rows(onesv, C, 1.0)
    plsc.subcore_barrier()
    p0 = w * 24 + jnp.minimum(w, 16)

    def block(b, carry):
        base = p0 + b * KP
        pltpu.sync_copy(batch_hbm.at[pl.ds(base, KP)], bidx)
        pltpu.sync_copy(h2_hbm.at[pl.ds(base * C, KP * C)], rows)
        hs = [pltpu.async_copy(rows.at[pl.ds(j * C, C)],
                               hacc.at[bidx.at[j]], semh, add=True)
              for j in range(KP)]
        cs = [pltpu.async_copy(onesv, cacc.at[bidx.at[j]], semc, add=True)
              for j in range(KP)]
        for d in hs + cs:
            d.wait()
        return carry

    lax.fori_loop(0, PBLK, block, 0)

    @pl.when(w < 16)
    def _tail():
        base = p0 + PBLK * KP
        pltpu.sync_copy(batch_hbm.at[pl.ds(base, 1)], bidx.at[pl.ds(0, 1)])
        pltpu.sync_copy(h2_hbm.at[pl.ds(base * C, C)], rows.at[pl.ds(0, C)])
        pltpu.async_copy(rows.at[pl.ds(0, C)], hacc.at[bidx.at[0]],
                         semh, add=True).wait()
        pltpu.async_copy(onesv, cacc.at[bidx.at[0]], semc, add=True).wait()

    plsc.subcore_barrier()
    pltpu.sync_copy(hacc.at[pl.ds(rp, NPOOL // 16)],
                    hsum_hbm.at[c].at[pl.ds(rp, NPOOL // 16)])
    pltpu.sync_copy(cacc.at[pl.ds(rp, NPOOL // 16)],
                    cnt_hbm.at[c].at[pl.ds(rp, NPOOL // 16)])


def _tc_out_body(hp_ref, cp_ref, wl_ref, bl_ref, o_ref):
    sums = hp_ref[0, :G, :] + hp_ref[1, :G, :]
    cnts = cp_ref[0, :G, 0:1] + cp_ref[1, :G, 0:1]
    pooled = sums / jnp.maximum(cnts, 1.0)
    logits = jnp.dot(pooled, wl_ref[...],
                     preferred_element_type=jnp.float32) + bl_ref[...]
    m = jnp.max(logits, axis=1, keepdims=True)
    e = jnp.exp(logits - m)
    o_ref[...] = e / jnp.sum(e, axis=1, keepdims=True)


def _tc_out(hsum, cnt, wl, blw):
    return pl.pallas_call(
        _tc_out_body,
        in_specs=[pl.BlockSpec((2, NPOOL, D_HID), lambda: (0, 0, 0)),
                  pl.BlockSpec((2, NPOOL, D_HID), lambda: (0, 0, 0)),
                  pl.BlockSpec((D_HID, D_OUT), lambda: (0, 0)),
                  pl.BlockSpec((1, D_OUT), lambda: (0, 0))],
        out_specs=pl.BlockSpec((G, D_OUT), lambda: (0, 0)),
        out_shape=jax.ShapeDtypeStruct((G, D_OUT), jnp.float32),
    )(hsum, cnt, wl, blw)


def kernel(x, edge_index, batch, W1, b1, W2, b2, Wl, bl):
    edges3 = edge_index.astype(jnp.int32).reshape(2, NCHUNK, C)
    z16 = jnp.zeros((NPAD, D_HID), jnp.float32)

    x8 = x.reshape(NREAL, 8 * D_IN)
    w1big = jnp.kron(jnp.eye(8, dtype=jnp.float32), W1)
    w2big = jnp.kron(jnp.eye(8, dtype=jnp.float32), W2)
    b1w = jnp.tile(b1, 8).reshape(1, 128)
    b2w = jnp.tile(b2, 8).reshape(1, 128)

    degparts = _sc_degree(edges3)
    u1_w = _tc_matmul(x8, w1big)
    y1_w, dinv_w = _tc_prep(degparts.reshape(2, WROWS, 128), u1_w)
    parts1 = _sc_scatter(y1_w.reshape(NPAD, D_HID), edges3, z16)
    y2_w = _tc_mid(parts1.reshape(2, WROWS, 128), y1_w, dinv_w, b1w, w2big)
    parts2 = _sc_scatter(y2_w.reshape(NPAD, D_HID), edges3, z16)
    h2_w = _tc_mid2(parts2.reshape(2, WROWS, 128), y2_w, dinv_w, b2w)

    batchc = jnp.pad(batch.astype(jnp.int32), (0, NPAD - N),
                     constant_values=G).reshape(BCHUNK, C)
    hsum, cnt = _sc_pool(h2_w.reshape(NPAD, D_HID), batchc)
    return _tc_out(hsum, cnt, Wl, bl.reshape(1, D_OUT))

# --- scband reference (transcript-rebuilt; emitter-appended) ---
"""Pipeline reference for scband-model-32847909880089 (READ-ONLY COPY).

The authoritative reference and input builder live on the scoring server;
editing this copy changes nothing except your own understanding.
"""

import jax, jax.numpy as jnp
import numpy as np

N = 100000
E = 1600000
G = 64
D_IN, D_HID, D_OUT = 32, 16, 5


def setup_inputs(seed: int = 0) -> dict:
    key = jax.random.key(seed)
    ks = jax.random.split(key, 10)
    x = jax.random.normal(ks[0], (N, D_IN), dtype=jnp.float32)
    edge_index = jax.random.randint(ks[1], (2, E), 0, N)
    batch = jnp.sort(jax.random.randint(ks[2], (N,), 0, G))
    W1 = jax.random.normal(ks[3], (D_IN, D_HID), dtype=jnp.float32) * 0.1
    b1 = jnp.zeros((D_HID,), dtype=jnp.float32)
    W2 = jax.random.normal(ks[4], (D_HID, D_HID), dtype=jnp.float32) * 0.1
    b2 = jnp.zeros((D_HID,), dtype=jnp.float32)
    Wl = jax.random.normal(ks[5], (D_HID, D_OUT), dtype=jnp.float32) * 0.1
    bl = jnp.zeros((D_OUT,), dtype=jnp.float32)
    return {"x": x, "edge_index": edge_index, "batch": batch,
            "W1": W1, "b1": b1, "W2": W2, "b2": b2, "Wl": Wl, "bl": bl}


def _gcn_conv(x, edge_index, W, b):
    # PyG GCNConv: add self-loops, symmetric normalization, linear transform,
    # scatter-add aggregation at destination, then bias.
    src = edge_index[0]
    dst = edge_index[1]
    loop = jnp.arange(N, dtype=src.dtype)
    src = jnp.concatenate([src, loop])
    dst = jnp.concatenate([dst, loop])
    deg = jnp.zeros((N,), jnp.float32).at[dst].add(1.0)
    dinv = jnp.where(deg > 0, 1.0 / jnp.sqrt(deg), 0.0)
    norm = dinv[src] * dinv[dst]
    xw = x @ W
    msgs = xw[src] * norm[:, None]
    out = jnp.zeros((N, W.shape[1]), jnp.float32).at[dst].add(msgs)
    return out + b


def reference(x, edge_index, batch, W1, b1, W2, b2, Wl, bl):
    h = _gcn_conv(x, edge_index, W1, b1)
    h = jax.nn.relu(h)
    h = _gcn_conv(h, edge_index, W2, b2)
    # global_mean_pool over batch segment ids
    sums = jax.ops.segment_sum(h, batch, num_segments=G)
    cnts = jax.ops.segment_sum(jnp.ones((N, 1), jnp.float32), batch, num_segments=G)
    pooled = sums / jnp.clip(cnts, 1.0)
    logits = pooled @ Wl + bl
    return jax.nn.softmax(logits, axis=-1)

if __name__ == "__main__":
    import jax
    _d = setup_inputs()
    print(jax.jit(kernel)(*tuple(_d.values())))

</pallas_src>

<mosaic_0001>
#map = affine_map<(d0, d1) -> (0, 0, 0)>
module attributes {stable_mosaic.version = 14 : i64} {
  func.func @_sc_degree(%arg0: i32, %arg1: i32, %arg2: memref<2x12500x128xi32, #tpu.memory_space<hbm>>, %arg3: memref<2x100352x16xf32, #tpu.memory_space<hbm>>, %arg4: memref<10x128xi32, #tpu.memory_space<vmem>>, %arg5: memref<128x16xf32, #tpu.memory_space<vmem>>, %arg6: memref<512x16xf32, #tpu.memory_space<vmem>>, %arg7: memref<100352x16xf32, #tpu.memory_space<vmem_shared>>, %arg8: memref<!tpu.dma_semaphore, #tpu.memory_space<semaphore_mem>>) attributes {dimension_semantics = [#tpu.dimension_semantics<core_parallel>, #tpu.dimension_semantics<subcore_parallel>], iteration_bounds = array<i64: 2, 16>, scalar_prefetch = 0 : i64, scratch_operands = 5 : i64, tpu.core_type = #tpu.core_type<sc_vector_subcore>, window_params = [{transform_indices = #map}, {transform_indices = #map}]} {
    %mul3A = arith.constant 2 : i32
    %mul3A_0 = arith.muli %arg1, %mul3A : i32
    %add3A = arith.addi %mul3A_0, %arg0 : i32
    %mul3A_1 = arith.constant 6272 : i32
    %mul3A_2 = arith.muli %arg1, %mul3A_1 : i32
    %broadcast_in_dim3A = arith.constant 0.000000e+00 : f32
    %broadcast_in_dim3A_3 = vector.broadcast %broadcast_in_dim3A : f32 to vector<16xf32>
    %scan3A = arith.constant 0 : i32
    %scan3A_4 = arith.constant 0 : i32
    %scan3A_5 = arith.constant 512 : i32
    %scan3A_6 = arith.addi %scan3A_4, %scan3A_5 : i32
    %scan3A_7 = arith.constant 1 : i32
    scf.for %scan3A_38 = %scan3A_4 to %scan3A_6 step %scan3A_7  : i32 {
      %swap3A = arith.index_cast %scan3A_38 : i32 to index
      %swap3A_39 = arith.constant 0 : index
      %swap3A_40 = tpu.vector_load %arg6[%swap3A, %swap3A_39] {strides = array<i32>} : memref<512x16xf32, #tpu.memory_space<vmem>>, vector<1x16xf32>,
      %swap3A_41 = vector.shape_cast %swap3A_40 : vector<1x16xf32> to vector<16xf32>
      %swap3A_42 = vector.shape_cast %broadcast_in_dim3A_3 : vector<16xf32> to vector<1x16xf32>
      tpu.vector_store %arg6[%swap3A, %swap3A_39], %swap3A_42 {strides = array<i32>} : memref<512x16xf32, #tpu.memory_space<vmem>>, vector<1x16xf32>,
    }
    %scan3A_8 = arith.constant 512 : i32
    %broadcast_in_dim3A_9 = arith.constant 1.000000e+00 : f32
    %broadcast_in_dim3A_10 = vector.broadcast %broadcast_in_dim3A_9 : f32 to vector<16xf32>
    %scan3A_11 = arith.constant 0 : i32
    %scan3A_12 = arith.constant 0 : i32
    %scan3A_13 = arith.constant 128 : i32
    %scan3A_14 = arith.addi %scan3A_12, %scan3A_13 : i32
    %scan3A_15 = arith.constant 1 : i32
    scf.for %scan3A_38 = %scan3A_12 to %scan3A_14 step %scan3A_15  : i32 {
      %swap3A = arith.index_cast %scan3A_38 : i32 to index
      %swap3A_39 = arith.constant 0 : index
      %swap3A_40 = tpu.vector_load %arg5[%swap3A, %swap3A_39] {strides = array<i32>} : memref<128x16xf32, #tpu.memory_space<vmem>>, vector<1x16xf32>,
      %swap3A_41 = vector.shape_cast %swap3A_40 : vector<1x16xf32> to vector<16xf32>
      %swap3A_42 = vector.shape_cast %broadcast_in_dim3A_10 : vector<16xf32> to vector<1x16xf32>
      tpu.vector_store %arg5[%swap3A, %swap3A_39], %swap3A_42 {strides = array<i32>} : memref<128x16xf32, #tpu.memory_space<vmem>>, vector<1x16xf32>,
    }
    %scan3A_16 = arith.constant 128 : i32
    %scan3A_17 = arith.constant 0 : i32
    %scan3A_18 = arith.constant 0 : i32
    %scan3A_19 = arith.constant 12 : i32
    %scan3A_20 = arith.addi %scan3A_18, %scan3A_19 : i32
    %scan3A_21 = arith.constant 1 : i32
    scf.for %scan3A_38 = %scan3A_18 to %scan3A_20 step %scan3A_21  : i32 {
      %mul3A_39 = arith.constant 512 : i32
      %mul3A_40 = arith.muli %scan3A_38, %mul3A_39 : i32
      %add3A_41 = arith.addi %mul3A_2, %mul3A_40 : i32
      "tpu.region"() ({
        %run_scoped3A = tpu.sem_alloc : memref<!tpu.dma_semaphore, #tpu.memory_space<semaphore_mem>>
        %dma_start3A = arith.constant 0 : i32
        %dma_start3A_42 = tpu.memref_slice %arg7[%add3A_41, %dma_start3A] : memref<100352x16xf32, #tpu.memory_space<vmem_shared>> -> memref<512x16xf32, #tpu.memory_space<vmem_shared>>
        %dma_start3A_43 = arith.constant 0 : i32
        %dma_start3A_44 = tpu.memref_slice %arg7[%add3A_41, %dma_start3A_43] : memref<100352x16xf32, #tpu.memory_space<vmem_shared>> -> memref<512x16xf32, #tpu.memory_space<vmem_shared>>
        tpu.enqueue_dma source(%arg6 : memref<512x16xf32, #tpu.memory_space<vmem>>) target(%dma_start3A_44 : memref<512x16xf32, #tpu.memory_space<vmem_shared>>) target_semaphore(%run_scoped3A : memref<!tpu.dma_semaphore, #tpu.memory_space<semaphore_mem>>)
        %dma_wait3A = arith.constant 0 : i32
        %dma_wait3A_45 = tpu.memref_slice %arg7[%add3A_41, %dma_wait3A] : memref<100352x16xf32, #tpu.memory_space<vmem_shared>> -> memref<512x16xf32, #tpu.memory_space<vmem_shared>>
        %dma_wait3A_46 = arith.constant 0 : i32
        %dma_wait3A_47 = tpu.memref_slice %arg7[%add3A_41, %dma_wait3A_46] : memref<100352x16xf32, #tpu.memory_space<vmem_shared>> -> memref<512x16xf32, #tpu.memory_space<vmem_shared>>
        tpu.wait_dma2 semaphore(%run_scoped3A : memref<!tpu.dma_semaphore, #tpu.memory_space<semaphore_mem>>) src(%arg6 : memref<512x16xf32, #tpu.memory_space<vmem>>) dst(%dma_wait3A_47 : memref<512x16xf32, #tpu.memory_space<vmem_shared>>)
        tpu.yield
      }) : () -> ()
    }
    %scan3A_22 = arith.constant 12 : i32
    %add3A_23 = arith.constant 6144 : i32
    %add3A_24 = arith.addi %mul3A_2, %add3A_23 : i32
    "tpu.region"() ({
      %run_scoped3A = tpu.sem_alloc : memref<!tpu.dma_semaphore, #tpu.memory_space<semaphore_mem>>
      %dma_start3A = arith.constant 0 : i32
      %dma_start3A_38 = arith.constant 0 : i32
      %dma_start3A_39 = tpu.memref_slice %arg6[%dma_start3A, %dma_start3A_38] : memref<512x16xf32, #tpu.memory_space<vmem>> -> memref<128x16xf32, #tpu.memory_space<vmem>>
      %dma_start3A_40 = arith.constant 0 : i32
      %dma_start3A_41 = tpu.memref_slice %arg7[%add3A_24, %dma_start3A_40] : memref<100352x16xf32, #tpu.memory_space<vmem_shared>> -> memref<128x16xf32, #tpu.memory_space<vmem_shared>>
      %dma_start3A_42 = arith.constant 0 : i32
      %dma_start3A_43 = tpu.memref_slice %arg7[%add3A_24, %dma_start3A_42] : memref<100352x16xf32, #tpu.memory_space<vmem_shared>> -> memref<128x16xf32, #tpu.memory_space<vmem_shared>>
      %dma_start3A_44 = arith.constant 0 : i32
      %dma_start3A_45 = arith.constant 0 : i32
      %dma_start3A_46 = tpu.memref_slice %arg6[%dma_start3A_44, %dma_start3A_45] : memref<512x16xf32, #tpu.memory_space<vmem>> -> memref<128x16xf32, #tpu.memory_space<vmem>>
      tpu.enqueue_dma source(%dma_start3A_46 : memref<128x16xf32, #tpu.memory_space<vmem>>) target(%dma_start3A_43 : memref<128x16xf32, #tpu.memory_space<vmem_shared>>) target_semaphore(%run_scoped3A : memref<!tpu.dma_semaphore, #tpu.memory_space<semaphore_mem>>)
      %dma_wait3A = arith.constant 0 : i32
      %dma_wait3A_47 = arith.constant 0 : i32
      %dma_wait3A_48 = tpu.memref_slice %arg6[%dma_wait3A, %dma_wait3A_47] : memref<512x16xf32, #tpu.memory_space<vmem>> -> memref<128x16xf32, #tpu.memory_space<vmem>>
      %dma_wait3A_49 = arith.constant 0 : i32
      %dma_wait3A_50 = tpu.memref_slice %arg7[%add3A_24, %dma_wait3A_49] : memref<100352x16xf32, #tpu.memory_space<vmem_shared>> -> memref<128x16xf32, #tpu.memory_space<vmem_shared>>
      %dma_wait3A_51 = arith.constant 0 : i32
      %dma_wait3A_52 = tpu.memref_slice %arg7[%add3A_24, %dma_wait3A_51] : memref<100352x16xf32, #tpu.memory_space<vmem_shared>> -> memref<128x16xf32, #tpu.memory_space<vmem_shared>>
      %dma_wait3A_53 = arith.constant 0 : i32
      %dma_wait3A_54 = arith.constant 0 : i32
      %dma_wait3A_55 = tpu.memref_slice %arg6[%dma_wait3A_53, %dma_wait3A_54] : memref<512x16xf32, #tpu.memory_space<vmem>> -> memref<128x16xf32, #tpu.memory_space<vmem>>
      tpu.wait_dma2 semaphore(%run_scoped3A : memref<!tpu.dma_semaphore, #tpu.memory_space<semaphore_mem>>) src(%dma_wait3A_55 : memref<128x16xf32, #tpu.memory_space<vmem>>) dst(%dma_wait3A_52 : memref<128x16xf32, #tpu.memory_space<vmem_shared>>)
      tpu.yield
    }) : () -> ()
    %barrier3A = arith.constant 0 : index
    tpu.barrier barrier_id(%barrier3A)
    %mul3A_25 = arith.constant 390 : i32
    %mul3A_26 = arith.muli %add3A, %mul3A_25 : i32
    %min3A = arith.constant 20 : i32
    %min3A_27 = arith.minsi %add3A, %min3A : i32
    %add3A_28 = arith.addi %mul3A_26, %min3A_27 : i32
    %scan3A_29 = arith.constant 0 : i32
    %scan3A_30 = arith.constant 0 : i32
    %scan3A_31 = arith.constant 39 : i32
    %scan3A_32 = arith.addi %scan3A_30, %scan3A_31 : i32
    %scan3A_33 = arith.constant 1 : i32
    scf.for %scan3A_38 = %scan3A_30 to %scan3A_32 step %scan3A_33  : i32 {
      %mul3A_39 = arith.constant 10 : i32
      %mul3A_40 = arith.muli %scan3A_38, %mul3A_39 : i32
      %add3A_41 = arith.addi %add3A_28, %mul3A_40 : i32
      %run_scoped3A = arith.constant 1 : i32
      "tpu.region"() ({
        %run_scoped3A_180 = tpu.sem_alloc : memref<!tpu.dma_semaphore, #tpu.memory_space<semaphore_mem>>
        %dma_start3A_181 = arith.constant 0 : i32
        %dma_start3A_182 = tpu.memref_slice %arg2[%run_scoped3A, %add3A_41, %dma_start3A_181] : memref<2x12500x128xi32, #tpu.memory_space<hbm>> -> memref<1x10x128xi32, #tpu.memory_space<hbm>>
        %dma_start3A_183 = tpu.memref_squeeze %dma_start3A_182 : memref<1x10x128xi32, #tpu.memory_space<hbm>> -> memref<10x128xi32, #tpu.memory_space<hbm>>
        %dma_start3A_184 = arith.constant 0 : i32
        %dma_start3A_185 = tpu.memref_slice %arg2[%run_scoped3A, %add3A_41, %dma_start3A_184] : memref<2x12500x128xi32, #tpu.memory_space<hbm>> -> memref<1x10x128xi32, #tpu.memory_space<hbm>>
        %dma_start3A_186 = tpu.memref_squeeze %dma_start3A_185 : memref<1x10x128xi32, #tpu.memory_space<hbm>> -> memref<10x128xi32, #tpu.memory_space<hbm>>
        tpu.enqueue_dma source(%dma_start3A_186 : memref<10x128xi32, #tpu.memory_space<hbm>>) target(%arg4 : memref<10x128xi32, #tpu.memory_space<vmem>>) target_semaphore(%run_scoped3A_180 : memref<!tpu.dma_semaphore, #tpu.memory_space<semaphore_mem>>)
        %dma_wait3A_187 = arith.constant 0 : i32
        %dma_wait3A_188 = tpu.memref_slice %arg2[%run_scoped3A, %add3A_41, %dma_wait3A_187] : memref<2x12500x128xi32, #tpu.memory_space<hbm>> -> memref<1x10x128xi32, #tpu.memory_space<hbm>>
        %dma_wait3A_189 = tpu.memref_squeeze %dma_wait3A_188 : memref<1x10x128xi32, #tpu.memory_space<hbm>> -> memref<10x128xi32, #tpu.memory_space<hbm>>
        %dma_wait3A_190 = arith.constant 0 : i32
        %dma_wait3A_191 = tpu.memref_slice %arg2[%run_scoped3A, %add3A_41, %dma_wait3A_190] : memref<2x12500x128xi32, #tpu.memory_space<hbm>> -> memref<1x10x128xi32, #tpu.memory_space<hbm>>
        %dma_wait3A_192 = tpu.memref_squeeze %dma_wait3A_191 : memref<1x10x128xi32, #tpu.memory_space<hbm>> -> memref<10x128xi32, #tpu.memory_space<hbm>>
        tpu.wait_dma2 semaphore(%run_scoped3A_180 : memref<!tpu.dma_semaphore, #tpu.memory_space<semaphore_mem>>) src(%dma_wait3A_192 : memref<10x128xi32, #tpu.memory_space<hbm>>) dst(%arg4 : memref<10x128xi32, #tpu.memory_space<vmem>>)
        tpu.yield
      }) : () -> ()
      %dma_start3A = arith.constant 0 : i32
      %dma_start3A_42 = arith.constant 0 : i32
      %dma_start3A_43 = tpu.memref_slice %arg4[%dma_start3A, %dma_start3A_42] : memref<10x128xi32, #tpu.memory_space<vmem>> -> memref<1x128xi32, #tpu.memory_space<vmem>>
      %dma_start3A_44 = tpu.memref_squeeze %dma_start3A_43 : memref<1x128xi32, #tpu.memory_space<vmem>> -> memref<128xi32, #tpu.memory_space<vmem>>
      %dma_start3A_45 = arith.constant 0 : i32
      %dma_start3A_46 = arith.constant 0 : i32
      %dma_start3A_47 = tpu.memref_slice %arg7[%dma_start3A_45, %dma_start3A_46] : memref<100352x16xf32, #tpu.memory_space<vmem_shared>> -> memref<100352x16xf32, #tpu.memory_space<vmem_shared>>
      tpu.enqueue_indirect_dma source(%arg5 : memref<128x16xf32, #tpu.memory_space<vmem>>) target(%dma_start3A_47 : memref<100352x16xf32, #tpu.memory_space<vmem_shared>>) offsets(%dma_start3A_44 : memref<128xi32, #tpu.memory_space<vmem>>) semaphore(%arg8 : memref<!tpu.dma_semaphore, #tpu.memory_space<semaphore_mem>>) {add = true}
      %dma_start3A_48 = arith.constant 1 : i32
      %dma_start3A_49 = arith.constant 0 : i32
      %dma_start3A_50 = tpu.memref_slice %arg4[%dma_start3A_48, %dma_start3A_49] : memref<10x128xi32, #tpu.memory_space<vmem>> -> memref<1x128xi32, #tpu.memory_space<vmem>>
      %dma_start3A_51 = tpu.memref_squeeze %dma_start3A_50 : memref<1x128xi32, #tpu.memory_space<vmem>> -> memref<128xi32, #tpu.memory_space<vmem>>
      %dma_start3A_52 = arith.constant 0 : i32
      %dma_start3A_53 = arith.constant 0 : i32
      %dma_start3A_54 = tpu.memref_slice %arg7[%dma_start3A_52, %dma_start3A_53] : memref<100352x16xf32, #tpu.memory_space<vmem_shared>> -> memref<100352x16xf32, #tpu.memory_space<vmem_shared>>
      tpu.enqueue_indirect_dma source(%arg5 : memref<128x16xf32, #tpu.memory_space<vmem>>) target(%dma_start3A_54 : memref<100352x16xf32, #tpu.memory_space<vmem_shared>>) offsets(%dma_start3A_51 : memref<128xi32, #tpu.memory_space<vmem>>) semaphore(%arg8 : memref<!tpu.dma_semaphore, #tpu.memory_space<semaphore_mem>>) {add = true}
      %dma_start3A_55 = arith.constant 2 : i32
      %dma_start3A_56 = arith.constant 0 : i32
      %dma_start3A_57 = tpu.memref_slice %arg4[%dma_start3A_55, %dma_start3A_56] : memref<10x128xi32, #tpu.memory_space<vmem>> -> memref<1x128xi32, #tpu.memory_space<vmem>>
      %dma_start3A_58 = tpu.memref_squeeze %dma_start3A_57 : memref<1x128xi32, #tpu.memory_space<vmem>> -> memref<128xi32, #tpu.memory_space<vmem>>
      %dma_start3A_59 = arith.constant 0 : i32
      %dma_start3A_60 = arith.constant 0 : i32
      %dma_start3A_61 = tpu.memref_slice %arg7[%dma_start3A_59, %dma_start3A_60] : memref<100352x16xf32, #tpu.memory_space<vmem_shared>> -> memref<100352x16xf32, #tpu.memory_space<vmem_shared>>
      tpu.enqueue_indirect_dma source(%arg5 : memref<128x16xf32, #tpu.memory_space<vmem>>) target(%dma_start3A_61 : memref<100352x16xf32, #tpu.memory_space<vmem_shared>>) offsets(%dma_start3A_58 : memref<128xi32, #tpu.memory_space<vmem>>) semaphore(%arg8 : memref<!tpu.dma_semaphore, #tpu.memory_space<semaphore_mem>>) {add = true}
      %dma_start3A_62 = arith.constant 3 : i32
      %dma_start3A_63 = arith.constant 0 : i32
      %dma_start3A_64 = tpu.memref_slice %arg4[%dma_start3A_62, %dma_start3A_63] : memref<10x128xi32, #tpu.memory_space<vmem>> -> memref<1x128xi32, #tpu.memory_space<vmem>>
      %dma_start3A_65 = tpu.memref_squeeze %dma_start3A_64 : memref<1x128xi32, #tpu.memory_space<vmem>> -> memref<128xi32, #tpu.memory_space<vmem>>
      %dma_start3A_66 = arith.constant 0 : i32
      %dma_start3A_67 = arith.constant 0 : i32
      %dma_start3A_68 = tpu.memref_slice %arg7[%dma_start3A_66, %dma_start3A_67] : memref<100352x16xf32, #tpu.memory_space<vmem_shared>> -> memref<100352x16xf32, #tpu.memory_space<vmem_shared>>
      tpu.enqueue_indirect_dma source(%arg5 : memref<128x16xf32, #tpu.memory_space<vmem>>) target(%dma_start3A_68 : memref<100352x16xf32, #tpu.memory_space<vmem_shared>>) offsets(%dma_start3A_65 : memref<128xi32, #tpu.memory_space<vmem>>) semaphore(%arg8 : memref<!tpu.dma_semaphore, #tpu.memory_space<semaphore_mem>>) {add = true}
      %dma_start3A_69 = arith.constant 4 : i32
      %dma_start3A_70 = arith.constant 0 : i32
      %dma_start3A_71 = tpu.memref_slice %arg4[%dma_start3A_69, %dma_start3A_70] : memref<10x128xi32, #tpu.memory_space<vmem>> -> memref<1x128xi32, #tpu.memory_space<vmem>>
      %dma_start3A_72 = tpu.memref_squeeze %dma_start3A_71 : memref<1x128xi32, #tpu.memory_space<vmem>> -> memref<128xi32, #tpu.memory_space<vmem>>
      %dma_start3A_73 = arith.constant 0 : i32
      %dma_start3A_74 = arith.constant 0 : i32
      %dma_start3A_75 = tpu.memref_slice %arg7[%dma_start3A_73, %dma_start3A_74] : memref<100352x16xf32, #tpu.memory_space<vmem_shared>> -> memref<100352x16xf32, #tpu.memory_space<vmem_shared>>
      tpu.enqueue_indirect_dma source(%arg5 : memref<128x16xf32, #tpu.memory_space<vmem>>) target(%dma_start3A_75 : memref<100352x16xf32, #tpu.memory_space<vmem_shared>>) offsets(%dma_start3A_72 : memref<128xi32, #tpu.memory_space<vmem>>) semaphore(%arg8 : memref<!tpu.dma_semaphore, #tpu.memory_space<semaphore_mem>>) {add = true}
      %dma_start3A_76 = arith.constant 5 : i32
      %dma_start3A_77 = arith.constant 0 : i32
      %dma_start3A_78 = tpu.memref_slice %arg4[%dma_start3A_76, %dma_start3A_77] : memref<10x128xi32, #tpu.memory_space<vmem>> -> memref<1x128xi32, #tpu.memory_space<vmem>>
      %dma_start3A_79 = tpu.memref_squeeze %dma_start3A_78 : memref<1x128xi32, #tpu.memory_space<vmem>> -> memref<128xi32, #tpu.memory_space<vmem>>
      %dma_start3A_80 = arith.constant 0 : i32
      %dma_start3A_81 = arith.constant 0 : i32
      %dma_start3A_82 = tpu.memref_slice %arg7[%dma_start3A_80, %dma_start3A_81] : memref<100352x16xf32, #tpu.memory_space<vmem_shared>> -> memref<100352x16xf32, #tpu.memory_space<vmem_shared>>
      tpu.enqueue_indirect_dma source(%arg5 : memref<128x16xf32, #tpu.memory_space<vmem>>) target(%dma_start3A_82 : memref<100352x16xf32, #tpu.memory_space<vmem_shared>>) offsets(%dma_start3A_79 : memref<128xi32, #tpu.memory_space<vmem>>) semaphore(%arg8 : memref<!tpu.dma_semaphore, #tpu.memory_space<semaphore_mem>>) {add = true}
      %dma_start3A_83 = arith.constant 6 : i32
      %dma_start3A_84 = arith.constant 0 : i32
      %dma_start3A_85 = tpu.memref_slice %arg4[%dma_start3A_83, %dma_start3A_84] : memref<10x128xi32, #tpu.memory_space<vmem>> -> memref<1x128xi32, #tpu.memory_space<vmem>>
      %dma_start3A_86 = tpu.memref_squeeze %dma_start3A_85 : memref<1x128xi32, #tpu.memory_space<vmem>> -> memref<128xi32, #tpu.memory_space<vmem>>
      %dma_start3A_87 = arith.constant 0 : i32
      %dma_start3A_88 = arith.constant 0 : i32
      %dma_start3A_89 = tpu.memref_slice %arg7[%dma_start3A_87, %dma_start3A_88] : memref<100352x16xf32, #tpu.memory_space<vmem_shared>> -> memref<100352x16xf32, #tpu.memory_space<vmem_shared>>
      tpu.enqueue_indirect_dma source(%arg5 : memref<128x16xf32, #tpu.memory_space<vmem>>) target(%dma_start3A_89 : memref<100352x16xf32, #tpu.memory_space<vmem_shared>>) offsets(%dma_start3A_86 : memref<128xi32, #tpu.memory_space<vmem>>) semaphore(%arg8 : memref<!tpu.dma_semaphore, #tpu.memory_space<semaphore_mem>>) {add = true}
      %dma_start3A_90 = arith.constant 7 : i32
      %dma_start3A_91 = arith.constant 0 : i32
      %dma_start3A_92 = tpu.memref_slice %arg4[%dma_start3A_90, %dma_start3A_91] : memref<10x128xi32, #tpu.memory_space<vmem>> -> memref<1x128xi32, #tpu.memory_space<vmem>>
      %dma_start3A_93 = tpu.memref_squeeze %dma_start3A_92 : memref<1x128xi32, #tpu.memory_space<vmem>> -> memref<128xi32, #tpu.memory_space<vmem>>
      %dma_start3A_94 = arith.constant 0 : i32
      %dma_start3A_95 = arith.constant 0 : i32
      %dma_start3A_96 = tpu.memref_slice %arg7[%dma_start3A_94, %dma_start3A_95] : memref<100352x16xf32, #tpu.memory_space<vmem_shared>> -> memref<100352x16xf32, #tpu.memory_space<vmem_shared>>
      tpu.enqueue_indirect_dma source(%arg5 : memref<128x16xf32, #tpu.memory_space<vmem>>) target(%dma_start3A_96 : memref<100352x16xf32, #tpu.memory_space<vmem_shared>>) offsets(%dma_start3A_93 : memref<128xi32, #tpu.memory_space<vmem>>) semaphore(%arg8 : memref<!tpu.dma_semaphore, #tpu.memory_space<semaphore_mem>>) {add = true}
      %dma_start3A_97 = arith.constant 8 : i32
      %dma_start3A_98 = arith.constant 0 : i32
      %dma_start3A_99 = tpu.memref_slice %arg4[%dma_start3A_97, %dma_start3A_98] : memref<10x128xi32, #tpu.memory_space<vmem>> -> memref<1x128xi32, #tpu.memory_space<vmem>>
      %dma_start3A_100 = tpu.memref_squeeze %dma_start3A_99 : memref<1x128xi32, #tpu.memory_space<vmem>> -> memref<128xi32, #tpu.memory_space<vmem>>
      %dma_start3A_101 = arith.constant 0 : i32
      %dma_start3A_102 = arith.constant 0 : i32
      %dma_start3A_103 = tpu.memref_slice %arg7[%dma_start3A_101, %dma_start3A_102] : memref<100352x16xf32, #tpu.memory_space<vmem_shared>> -> memref<100352x16xf32, #tpu.memory_space<vmem_shared>>
      tpu.enqueue_indirect_dma source(%arg5 : memref<128x16xf32, #tpu.memory_space<vmem>>) target(%dma_start3A_103 : memref<100352x16xf32, #tpu.memory_space<vmem_shared>>) offsets(%dma_start3A_100 : memref<128xi32, #tpu.memory_space<vmem>>) semaphore(%arg8 : memref<!tpu.dma_semaphore, #tpu.memory_space<semaphore_mem>>) {add = true}
      %dma_start3A_104 = arith.constant 9 : i32
      %dma_start3A_105 = arith.constant 0 : i32
      %dma_start3A_106 = tpu.memref_slice %arg4[%dma_start3A_104, %dma_start3A_105] : memref<10x128xi32, #tpu.memory_space<vmem>> -> memref<1x128xi32, #tpu.memory_space<vmem>>
      %dma_start3A_107 = tpu.memref_squeeze %dma_start3A_106 : memref<1x128xi32, #tpu.memory_space<vmem>> -> memref<128xi32, #tpu.memory_space<vmem>>
      %dma_start3A_108 = arith.constant 0 : i32
      %dma_start3A_109 = arith.constant 0 : i32
      %dma_start3A_110 = tpu.memref_slice %arg7[%dma_start3A_108, %dma_start3A_109] : memref<100352x16xf32, #tpu.memory_space<vmem_shared>> -> memref<100352x16xf32, #tpu.memory_space<vmem_shared>>
      tpu.enqueue_indirect_dma source(%arg5 : memref<128x16xf32, #tpu.memory_space<vmem>>) target(%dma_start3A_110 : memref<100352x16xf32, #tpu.memory_space<vmem_shared>>) offsets(%dma_start3A_107 : memref<128xi32, #tpu.memory_space<vmem>>) semaphore(%arg8 : memref<!tpu.dma_semaphore, #tpu.memory_space<semaphore_mem>>) {add = true}
      %dma_wait3A = arith.constant 0 : i32
      %dma_wait3A_111 = arith.constant 0 : i32
      %dma_wait3A_112 = tpu.memref_slice %arg4[%dma_wait3A, %dma_wait3A_111] : memref<10x128xi32, #tpu.memory_space<vmem>> -> memref<1x128xi32, #tpu.memory_space<vmem>>
      %dma_wait3A_113 = tpu.memref_squeeze %dma_wait3A_112 : memref<1x128xi32, #tpu.memory_space<vmem>> -> memref<128xi32, #tpu.memory_space<vmem>>
      %dma_wait3A_114 = arith.constant 0 : i32
      %dma_wait3A_115 = arith.constant 0 : i32
      %dma_wait3A_116 = tpu.memref_slice %arg7[%dma_wait3A_114, %dma_wait3A_115] : memref<100352x16xf32, #tpu.memory_space<vmem_shared>> -> memref<100352x16xf32, #tpu.memory_space<vmem_shared>>
      tpu.wait_indirect_dma semaphore(%arg8 : memref<!tpu.dma_semaphore, #tpu.memory_space<semaphore_mem>>) src(%arg5 : memref<128x16xf32, #tpu.memory_space<vmem>>) dst(%dma_wait3A_116 : memref<100352x16xf32, #tpu.memory_space<vmem_shared>>)
      %dma_wait3A_117 = arith.constant 1 : i32
      %dma_wait3A_118 = arith.constant 0 : i32
      %dma_wait3A_119 = tpu.memref_slice %arg4[%dma_wait3A_117, %dma_wait3A_118] : memref<10x128xi32, #tpu.memory_space<vmem>> -> memref<1x128xi32, #tpu.memory_space<vmem>>
      %dma_wait3A_120 = tpu.memref_squeeze %dma_wait3A_119 : memref<1x128xi32, #tpu.memory_space<vmem>> -> memref<128xi32, #tpu.memory_space<vmem>>
      %dma_wait3A_121 = arith.constant 0 : i32
      %dma_wait3A_122 = arith.constant 0 : i32
      %dma_wait3A_123 = tpu.memref_slice %arg7[%dma_wait3A_121, %dma_wait3A_122] : memref<100352x16xf32, #tpu.memory_space<vmem_shared>> -> memref<100352x16xf32, #tpu.memory_space<vmem_shared>>
      tpu.wait_indirect_dma semaphore(%arg8 : memref<!tpu.dma_semaphore, #tpu.memory_space<semaphore_mem>>) src(%arg5 : memref<128x16xf32, #tpu.memory_space<vmem>>) dst(%dma_wait3A_123 : memref<100352x16xf32, #tpu.memory_space<vmem_shared>>)
      %dma_wait3A_124 = arith.constant 2 : i32
      %dma_wait3A_125 = arith.constant 0 : i32
      %dma_wait3A_126 = tpu.memref_slice %arg4[%dma_wait3A_124, %dma_wait3A_125] : memref<10x128xi32, #tpu.memory_space<vmem>> -> memref<1x128xi32, #tpu.memory_space<vmem>>
      %dma_wait3A_127 = tpu.memref_squeeze %dma_wait3A_126 : memref<1x128xi32, #tpu.memory_space<vmem>> -> memref<128xi32, #tpu.memory_space<vmem>>
      %dma_wait3A_128 = arith.constant 0 : i32
      %dma_wait3A_129 = arith.constant 0 : i32
      %dma_wait3A_130 = tpu.memref_slice %arg7[%dma_wait3A_128, %dma_wait3A_129] : memref<100352x16xf32, #tpu.memory_space<vmem_shared>> -> memref<100352x16xf32, #tpu.memory_space<vmem_shared>>
      tpu.wait_indirect_dma semaphore(%arg8 : memref<!tpu.dma_semaphore, #tpu.memory_space<semaphore_mem>>) src(%arg5 : memref<128x16xf32, #tpu.memory_space<vmem>>) dst(%dma_wait3A_130 : memref<100352x16xf32, #tpu.memory_space<vmem_shared>>)
      %dma_wait3A_131 = arith.constant 3 : i32
      %dma_wait3A_132 = arith.constant 0 : i32
      %dma_wait3A_133 = tpu.memref_slice %arg4[%dma_wait3A_131, %dma_wait3A_132] : memref<10x128xi32, #tpu.memory_space<vmem>> -> memref<1x128xi32, #tpu.memory_space<vmem>>
      %dma_wait3A_134 = tpu.memref_squeeze %dma_wait3A_133 : memref<1x128xi32, #tpu.memory_space<vmem>> -> memref<128xi32, #tpu.memory_space<vmem>>
      %dma_wait3A_135 = arith.constant 0 : i32
      %dma_wait3A_136 = arith.constant 0 : i32
      %dma_wait3A_137 = tpu.memref_slice %arg7[%dma_wait3A_135, %dma_wait3A_136] : memref<100352x16xf32, #tpu.memory_space<vmem_shared>> -> memref<100352x16xf32, #tpu.memory_space<vmem_shared>>
      tpu.wait_indirect_dma semaphore(%arg8 : memref<!tpu.dma_semaphore, #tpu.memory_space<semaphore_mem>>) src(%arg5 : memref<128x16xf32, #tpu.memory_space<vmem>>) dst(%dma_wait3A_137 : memref<100352x16xf32, #tpu.memory_space<vmem_shared>>)
      %dma_wait3A_138 = arith.constant 4 : i32
      %dma_wait3A_139 = arith.constant 0 : i32
      %dma_wait3A_140 = tpu.memref_slice %arg4[%dma_wait3A_138, %dma_wait3A_139] : memref<10x128xi32, #tpu.memory_space<vmem>> -> memref<1x128xi32, #tpu.memory_space<vmem>>
      %dma_wait3A_141 = tpu.memref_squeeze %dma_wait3A_140 : memref<1x128xi32, #tpu.memory_space<vmem>> -> memref<128xi32, #tpu.memory_space<vmem>>
      %dma_wait3A_142 = arith.constant 0 : i32
      %dma_wait3A_143 = arith.constant 0 : i32
      %dma_wait3A_144 = tpu.memref_slice %arg7[%dma_wait3A_142, %dma_wait3A_143] : memref<100352x16xf32, #tpu.memory_space<vmem_shared>> -> memref<100352x16xf32, #tpu.memory_space<vmem_shared>>
      tpu.wait_indirect_dma semaphore(%arg8 : memref<!tpu.dma_semaphore, #tpu.memory_space<semaphore_mem>>) src(%arg5 : memref<128x16xf32, #tpu.memory_space<vmem>>) dst(%dma_wait3A_144 : memref<100352x16xf32, #tpu.memory_space<vmem_shared>>)
      %dma_wait3A_145 = arith.constant 5 : i32
      %dma_wait3A_146 = arith.constant 0 : i32
      %dma_wait3A_147 = tpu.memref_slice %arg4[%dma_wait3A_145, %dma_wait3A_146] : memref<10x128xi32, #tpu.memory_space<vmem>> -> memref<1x128xi32, #tpu.memory_space<vmem>>
      %dma_wait3A_148 = tpu.memref_squeeze %dma_wait3A_147 : memref<1x128xi32, #tpu.memory_space<vmem>> -> memref<128xi32, #tpu.memory_space<vmem>>
      %dma_wait3A_149 = arith.constant 0 : i32
      %dma_wait3A_150 = arith.constant 0 : i32
      %dma_wait3A_151 = tpu.memref_slice %arg7[%dma_wait3A_149, %dma_wait3A_150] : memref<100352x16xf32, #tpu.memory_space<vmem_shared>> -> memref<100352x16xf32, #tpu.memory_space<vmem_shared>>
      tpu.wait_indirect_dma semaphore(%arg8 : memref<!tpu.dma_semaphore, #tpu.memory_space<semaphore_mem>>) src(%arg5 : memref<128x16xf32, #tpu.memory_space<vmem>>) dst(%dma_wait3A_151 : memref<100352x16xf32, #tpu.memory_space<vmem_shared>>)
      %dma_wait3A_152 = arith.constant 6 : i32
      %dma_wait3A_153 = arith.constant 0 : i32
      %dma_wait3A_154 = tpu.memref_slice %arg4[%dma_wait3A_152, %dma_wait3A_153] : memref<10x128xi32, #tpu.memory_space<vmem>> -> memref<1x128xi32, #tpu.memory_space<vmem>>
      %dma_wait3A_155 = tpu.memref_squeeze %dma_wait3A_154 : memref<1x128xi32, #tpu.memory_space<vmem>> -> memref<128xi32, #tpu.memory_space<vmem>>
      %dma_wait3A_156 = arith.constant 0 : i32
      %dma_wait3A_157 = arith.constant 0 : i32
      %dma_wait3A_158 = tpu.memref_slice %arg7[%dma_wait3A_156, %dma_wait3A_157] : memref<100352x16xf32, #tpu.memory_space<vmem_shared>> -> memref<100352x16xf32, #tpu.memory_space<vmem_shared>>
      tpu.wait_indirect_dma semaphore(%arg8 : memref<!tpu.dma_semaphore, #tpu.memory_space<semaphore_mem>>) src(%arg5 : memref<128x16xf32, #tpu.memory_space<vmem>>) dst(%dma_wait3A_158 : memref<100352x16xf32, #tpu.memory_space<vmem_shared>>)
      %dma_wait3A_159 = arith.constant 7 : i32
      %dma_wait3A_160 = arith.constant 0 : i32
      %dma_wait3A_161 = tpu.memref_slice %arg4[%dma_wait3A_159, %dma_wait3A_160] : memref<10x128xi32, #tpu.memory_space<vmem>> -> memref<1x128xi32, #tpu.memory_space<vmem>>
      %dma_wait3A_162 = tpu.memref_squeeze %dma_wait3A_161 : memref<1x128xi32, #tpu.memory_space<vmem>> -> memref<128xi32, #tpu.memory_space<vmem>>
      %dma_wait3A_163 = arith.constant 0 : i32
      %dma_wait3A_164 = arith.constant 0 : i32
      %dma_wait3A_165 = tpu.memref_slice %arg7[%dma_wait3A_163, %dma_wait3A_164] : memref<100352x16xf32, #tpu.memory_space<vmem_shared>> -> memref<100352x16xf32, #tpu.memory_space<vmem_shared>>
      tpu.wait_indirect_dma semaphore(%arg8 : memref<!tpu.dma_semaphore, #tpu.memory_space<semaphore_mem>>) src(%arg5 : memref<128x16xf32, #tpu.memory_space<vmem>>) dst(%dma_wait3A_165 : memref<100352x16xf32, #tpu.memory_space<vmem_shared>>)
      %dma_wait3A_166 = arith.constant 8 : i32
      %dma_wait3A_167 = arith.constant 0 : i32
      %dma_wait3A_168 = tpu.memref_slice %arg4[%dma_wait3A_166, %dma_wait3A_167] : memref<10x128xi32, #tpu.memory_space<vmem>> -> memref<1x128xi32, #tpu.memory_space<vmem>>
      %dma_wait3A_169 = tpu.memref_squeeze %dma_wait3A_168 : memref<1x128xi32, #tpu.memory_space<vmem>> -> memref<128xi32, #tpu.memory_space<vmem>>
      %dma_wait3A_170 = arith.constant 0 : i32
      %dma_wait3A_171 = arith.constant 0 : i32
      %dma_wait3A_172 = tpu.memref_slice %arg7[%dma_wait3A_170, %dma_wait3A_171] : memref<100352x16xf32, #tpu.memory_space<vmem_shared>> -> memref<100352x16xf32, #tpu.memory_space<vmem_shared>>
      tpu.wait_indirect_dma semaphore(%arg8 : memref<!tpu.dma_semaphore, #tpu.memory_space<semaphore_mem>>) src(%arg5 : memref<128x16xf32, #tpu.memory_space<vmem>>) dst(%dma_wait3A_172 : memref<100352x16xf32, #tpu.memory_space<vmem_shared>>)
      %dma_wait3A_173 = arith.constant 9 : i32
      %dma_wait3A_174 = arith.constant 0 : i32
      %dma_wait3A_175 = tpu.memref_slice %arg4[%dma_wait3A_173, %dma_wait3A_174] : memref<10x128xi32, #tpu.memory_space<vmem>> -> memref<1x128xi32, #tpu.memory_space<vmem>>
      %dma_wait3A_176 = tpu.memref_squeeze %dma_wait3A_175 : memref<1x128xi32, #tpu.memory_space<vmem>> -> memref<128xi32, #tpu.memory_space<vmem>>
      %dma_wait3A_177 = arith.constant 0 : i32
      %dma_wait3A_178 = arith.constant 0 : i32
      %dma_wait3A_179 = tpu.memref_slice %arg7[%dma_wait3A_177, %dma_wait3A_178] : memref<100352x16xf32, #tpu.memory_space<vmem_shared>> -> memref<100352x16xf32, #tpu.memory_space<vmem_shared>>
      tpu.wait_indirect_dma semaphore(%arg8 : memref<!tpu.dma_semaphore, #tpu.memory_space<semaphore_mem>>) src(%arg5 : memref<128x16xf32, #tpu.memory_space<vmem>>) dst(%dma_wait3A_179 : memref<100352x16xf32, #tpu.memory_space<vmem_shared>>)
    }
    %scan3A_34 = arith.constant 39 : i32
    %lt3A = arith.constant 20 : i32
    %lt3A_35 = arith.cmpi slt, %add3A, %lt3A : i32
    %convert_element_type3A = arith.extui %lt3A_35 : i1 to i32
    %cond3A = arith.constant 0 : i32
    %cond3A_36 = arith.cmpi ne, %convert_element_type3A, %cond3A : i32
    scf.if %cond3A_36 {
      %add3A_38 = arith.constant 390 : i32
      %add3A_39 = arith.addi %add3A_28, %add3A_38 : i32
      %run_scoped3A = arith.constant 1 : i32
      "tpu.region"() ({
        %run_scoped3A_52 = tpu.sem_alloc : memref<!tpu.dma_semaphore, #tpu.memory_space<semaphore_mem>>
        %dma_start3A_53 = arith.constant 0 : i32
        %dma_start3A_54 = arith.constant 0 : i32
        %dma_start3A_55 = tpu.memref_slice %arg4[%dma_start3A_53, %dma_start3A_54] : memref<10x128xi32, #tpu.memory_space<vmem>> -> memref<1x128xi32, #tpu.memory_space<vmem>>
        %dma_start3A_56 = arith.constant 0 : i32
        %dma_start3A_57 = tpu.memref_slice %arg2[%run_scoped3A, %add3A_39, %dma_start3A_56] : memref<2x12500x128xi32, #tpu.memory_space<hbm>> -> memref<1x1x128xi32, #tpu.memory_space<hbm>>
        %dma_start3A_58 = tpu.memref_squeeze %dma_start3A_57 : memref<1x1x128xi32, #tpu.memory_space<hbm>> -> memref<1x128xi32, #tpu.memory_space<hbm>>
        %dma_start3A_59 = arith.constant 0 : i32
        %dma_start3A_60 = arith.constant 0 : i32
        %dma_start3A_61 = tpu.memref_slice %arg4[%dma_start3A_59, %dma_start3A_60] : memref<10x128xi32, #tpu.memory_space<vmem>> -> memref<1x128xi32, #tpu.memory_space<vmem>>
        %dma_start3A_62 = arith.constant 0 : i32
        %dma_start3A_63 = tpu.memref_slice %arg2[%run_scoped3A, %add3A_39, %dma_start3A_62] : memref<2x12500x128xi32, #tpu.memory_space<hbm>> -> memref<1x1x128xi32, #tpu.memory_space<hbm>>
        %dma_start3A_64 = tpu.memref_squeeze %dma_start3A_63 : memref<1x1x128xi32, #tpu.memory_space<hbm>> -> memref<1x128xi32, #tpu.memory_space<hbm>>
        tpu.enqueue_dma source(%dma_start3A_64 : memref<1x128xi32, #tpu.memory_space<hbm>>) target(%dma_start3A_61 : memref<1x128xi32, #tpu.memory_space<vmem>>) target_semaphore(%run_scoped3A_52 : memref<!tpu.dma_semaphore, #tpu.memory_space<semaphore_mem>>)
        %dma_wait3A_65 = arith.constant 0 : i32
        %dma_wait3A_66 = arith.constant 0 : i32
        %dma_wait3A_67 = tpu.memref_slice %arg4[%dma_wait3A_65, %dma_wait3A_66] : memref<10x128xi32, #tpu.memory_space<vmem>> -> memref<1x128xi32, #tpu.memory_space<vmem>>
        %dma_wait3A_68 = arith.constant 0 : i32
        %dma_wait3A_69 = tpu.memref_slice %arg2[%run_scoped3A, %add3A_39, %dma_wait3A_68] : memref<2x12500x128xi32, #tpu.memory_space<hbm>> -> memref<1x1x128xi32, #tpu.memory_space<hbm>>
        %dma_wait3A_70 = tpu.memref_squeeze %dma_wait3A_69 : memref<1x1x128xi32, #tpu.memory_space<hbm>> -> memref<1x128xi32, #tpu.memory_space<hbm>>
        %dma_wait3A_71 = arith.constant 0 : i32
        %dma_wait3A_72 = arith.constant 0 : i32
        %dma_wait3A_73 = tpu.memref_slice %arg4[%dma_wait3A_71, %dma_wait3A_72] : memref<10x128xi32, #tpu.memory_space<vmem>> -> memref<1x128xi32, #tpu.memory_space<vmem>>
        %dma_wait3A_74 = arith.constant 0 : i32
        %dma_wait3A_75 = tpu.memref_slice %arg2[%run_scoped3A, %add3A_39, %dma_wait3A_74] : memref<2x12500x128xi32, #tpu.memory_space<hbm>> -> memref<1x1x128xi32, #tpu.memory_space<hbm>>
        %dma_wait3A_76 = tpu.memref_squeeze %dma_wait3A_75 : memref<1x1x128xi32, #tpu.memory_space<hbm>> -> memref<1x128xi32, #tpu.memory_space<hbm>>
        tpu.wait_dma2 semaphore(%run_scoped3A_52 : memref<!tpu.dma_semaphore, #tpu.memory_space<semaphore_mem>>) src(%dma_wait3A_76 : memref<1x128xi32, #tpu.memory_space<hbm>>) dst(%dma_wait3A_73 : memref<1x128xi32, #tpu.memory_space<vmem>>)
        tpu.yield
      }) : () -> ()
      %dma_start3A = arith.constant 0 : i32
      %dma_start3A_40 = arith.constant 0 : i32
      %dma_start3A_41 = tpu.memref_slice %arg4[%dma_start3A, %dma_start3A_40] : memref<10x128xi32, #tpu.memory_space<vmem>> -> memref<1x128xi32, #tpu.memory_space<vmem>>
      %dma_start3A_42 = tpu.memref_squeeze %dma_start3A_41 : memref<1x128xi32, #tpu.memory_space<vmem>> -> memref<128xi32, #tpu.memory_space<vmem>>
      %dma_start3A_43 = arith.constant 0 : i32
      %dma_start3A_44 = arith.constant 0 : i32
      %dma_start3A_45 = tpu.memref_slice %arg7[%dma_start3A_43, %dma_start3A_44] : memref<100352x16xf32, #tpu.memory_space<vmem_shared>> -> memref<100352x16xf32, #tpu.memory_space<vmem_shared>>
      tpu.enqueue_indirect_dma source(%arg5 : memref<128x16xf32, #tpu.memory_space<vmem>>) target(%dma_start3A_45 : memref<100352x16xf32, #tpu.memory_space<vmem_shared>>) offsets(%dma_start3A_42 : memref<128xi32, #tpu.memory_space<vmem>>) semaphore(%arg8 : memref<!tpu.dma_semaphore, #tpu.memory_space<semaphore_mem>>) {add = true}
      %dma_wait3A = arith.constant 0 : i32
      %dma_wait3A_46 = arith.constant 0 : i32
      %dma_wait3A_47 = tpu.memref_slice %arg4[%dma_wait3A, %dma_wait3A_46] : memref<10x128xi32, #tpu.memory_space<vmem>> -> memref<1x128xi32, #tpu.memory_space<vmem>>
      %dma_wait3A_48 = tpu.memref_squeeze %dma_wait3A_47 : memref<1x128xi32, #tpu.memory_space<vmem>> -> memref<128xi32, #tpu.memory_space<vmem>>
      %dma_wait3A_49 = arith.constant 0 : i32
      %dma_wait3A_50 = arith.constant 0 : i32
      %dma_wait3A_51 = tpu.memref_slice %arg7[%dma_wait3A_49, %dma_wait3A_50] : memref<100352x16xf32, #tpu.memory_space<vmem_shared>> -> memref<100352x16xf32, #tpu.memory_space<vmem_shared>>
      tpu.wait_indirect_dma semaphore(%arg8 : memref<!tpu.dma_semaphore, #tpu.memory_space<semaphore_mem>>) src(%arg5 : memref<128x16xf32, #tpu.memory_space<vmem>>) dst(%dma_wait3A_51 : memref<100352x16xf32, #tpu.memory_space<vmem_shared>>)
    } else {
    }
    %barrier3A_37 = arith.constant 0 : index
    tpu.barrier barrier_id(%barrier3A_37)
    "tpu.region"() ({
      %run_scoped3A = tpu.sem_alloc : memref<!tpu.dma_semaphore, #tpu.memory_space<semaphore_mem>>
      %dma_start3A = arith.constant 0 : i32
      %dma_start3A_38 = arith.constant 0 : i32
      %dma_start3A_39 = tpu.memref_slice %arg3[%arg0, %dma_start3A, %dma_start3A_38] : memref<2x100352x16xf32, #tpu.memory_space<hbm>> -> memref<1x100352x16xf32, #tpu.memory_space<hbm>>
      %dma_start3A_40 = tpu.memref_squeeze %dma_start3A_39 : memref<1x100352x16xf32, #tpu.memory_space<hbm>> -> memref<100352x16xf32, #tpu.memory_space<hbm>>
      %dma_start3A_41 = arith.constant 0 : i32
      %dma_start3A_42 = tpu.memref_slice %dma_start3A_40[%mul3A_2, %dma_start3A_41] : memref<100352x16xf32, #tpu.memory_space<hbm>> -> memref<6272x16xf32, #tpu.memory_space<hbm>>
      %dma_start3A_43 = arith.constant 0 : i32
      %dma_start3A_44 = tpu.memref_slice %arg7[%mul3A_2, %dma_start3A_43] : memref<100352x16xf32, #tpu.memory_space<vmem_shared>> -> memref<6272x16xf32, #tpu.memory_space<vmem_shared>>
      tpu.enqueue_dma source(%dma_start3A_44 : memref<6272x16xf32, #tpu.memory_space<vmem_shared>>) target(%dma_start3A_42 : memref<6272x16xf32, #tpu.memory_space<hbm>>) target_semaphore(%run_scoped3A : memref<!tpu.dma_semaphore, #tpu.memory_space<semaphore_mem>>)
      %dma_wait3A = arith.constant 0 : i32
      %dma_wait3A_45 = arith.constant 0 : i32
      %dma_wait3A_46 = tpu.memref_slice %arg3[%arg0, %dma_wait3A, %dma_wait3A_45] : memref<2x100352x16xf32, #tpu.memory_space<hbm>> -> memref<1x100352x16xf32, #tpu.memory_space<hbm>>
      %dma_wait3A_47 = tpu.memref_squeeze %dma_wait3A_46 : memref<1x100352x16xf32, #tpu.memory_space<hbm>> -> memref<100352x16xf32, #tpu.memory_space<hbm>>
      %dma_wait3A_48 = arith.constant 0 : i32
      %dma_wait3A_49 = tpu.memref_slice %dma_wait3A_47[%mul3A_2, %dma_wait3A_48] : memref<100352x16xf32, #tpu.memory_space<hbm>> -> memref<6272x16xf32, #tpu.memory_space<hbm>>
      %dma_wait3A_50 = arith.constant 0 : i32
      %dma_wait3A_51 = tpu.memref_slice %arg7[%mul3A_2, %dma_wait3A_50] : memref<100352x16xf32, #tpu.memory_space<vmem_shared>> -> memref<6272x16xf32, #tpu.memory_space<vmem_shared>>
      tpu.wait_dma2 semaphore(%run_scoped3A : memref<!tpu.dma_semaphore, #tpu.memory_space<semaphore_mem>>) src(%dma_wait3A_51 : memref<6272x16xf32, #tpu.memory_space<vmem_shared>>) dst(%dma_wait3A_49 : memref<6272x16xf32, #tpu.memory_space<hbm>>)
      tpu.yield
    }) : () -> ()
    return
  }
}

#map = affine_map<(d0, d1) -> (0, 0)>
#map1 = affine_map<(d0, d1) -> (0, 0, 0)>
module attributes {stable_mosaic.version = 14 : i64} {
  func.func @_sc_scatter(%arg0: i32, %arg1: i32, %arg2: memref<100352x16xf32, #tpu.memory_space<hbm>>, %arg3: memref<2x12500x128xi32, #tpu.memory_space<hbm>>, %arg4: memref<100352x16xf32, #tpu.memory_space<hbm>>, %arg5: memref<2x100352x16xf32, #tpu.memory_space<hbm>>, %arg6: memref<10x128xi32, #tpu.memory_space<vmem>>, %arg7: memref<10x128xi32, #tpu.memory_space<vmem>>, %arg8: memref<10x128x16xf32, #tpu.memory_space<vmem>>, %arg9: memref<100352x16xf32, #tpu.memory_space<vmem_shared>>, %arg10: memref<!tpu.dma_semaphore, #tpu.memory_space<semaphore_mem>>, %arg11: memref<!tpu.dma_semaphore, #tpu.memory_space<semaphore_mem>>, %arg12: memref<!tpu.dma_semaphore, #tpu.memory_space<semaphore_mem>>, %arg13: memref<!tpu.dma_semaphore, #tpu.memory_space<semaphore_mem>>, %arg14: memref<!tpu.dma_semaphore, #tpu.memory_space<semaphore_mem>>, %arg15: memref<!tpu.dma_semaphore, #tpu.memory_space<semaphore_mem>>, %arg16: memref<!tpu.dma_semaphore, #tpu.memory_space<semaphore_mem>>, %arg17: memref<!tpu.dma_semaphore, #tpu.memory_space<semaphore_mem>>, %arg18: memref<!tpu.dma_semaphore, #tpu.memory_space<semaphore_mem>>, %arg19: memref<!tpu.dma_semaphore, #tpu.memory_space<semaphore_mem>>, %arg20: memref<!tpu.dma_semaphore, #tpu.memory_space<semaphore_mem>>, %arg21: memref<!tpu.dma_semaphore, #tpu.memory_space<semaphore_mem>>) attributes {dimension_semantics = [#tpu.dimension_semantics<core_parallel>, #tpu.dimension_semantics<subcore_parallel>], iteration_bounds = array<i64: 2, 16>, scalar_prefetch = 0 : i64, scratch_operands = 16 : i64, tpu.core_type = #tpu.core_type<sc_vector_subcore>, window_params = [{transform_indices = #map}, {transform_indices = #map1}, {transform_indices = #map}, {transform_indices = #map1}]} {
    %mul3A = arith.constant 2 : i32
    %mul3A_0 = arith.muli %arg1, %mul3A : i32
    %add3A = arith.addi %mul3A_0, %arg0 : i32
    %mul3A_1 = arith.constant 6272 : i32
    %mul3A_2 = arith.muli %arg1, %mul3A_1 : i32
    "tpu.region"() ({
      %run_scoped3A = tpu.sem_alloc : memref<!tpu.dma_semaphore, #tpu.memory_space<semaphore_mem>>
      %dma_start3A = arith.constant 0 : i32
      %dma_start3A_15 = tpu.memref_slice %arg9[%mul3A_2, %dma_start3A] : memref<100352x16xf32, #tpu.memory_space<vmem_shared>> -> memref<6272x16xf32, #tpu.memory_space<vmem_shared>>
      %dma_start3A_16 = arith.constant 0 : i32
      %dma_start3A_17 = tpu.memref_slice %arg4[%mul3A_2, %dma_start3A_16] : memref<100352x16xf32, #tpu.memory_space<hbm>> -> memref<6272x16xf32, #tpu.memory_space<hbm>>
      tpu.enqueue_dma source(%dma_start3A_17 : memref<6272x16xf32, #tpu.memory_space<hbm>>) target(%dma_start3A_15 : memref<6272x16xf32, #tpu.memory_space<vmem_shared>>) target_semaphore(%run_scoped3A : memref<!tpu.dma_semaphore, #tpu.memory_space<semaphore_mem>>)
      %dma_wait3A = arith.constant 0 : i32
      %dma_wait3A_18 = tpu.memref_slice %arg9[%mul3A_2, %dma_wait3A] : memref<100352x16xf32, #tpu.memory_space<vmem_shared>> -> memref<6272x16xf32, #tpu.memory_space<vmem_shared>>
      %dma_wait3A_19 = arith.constant 0 : i32
      %dma_wait3A_20 = tpu.memref_slice %arg4[%mul3A_2, %dma_wait3A_19] : memref<100352x16xf32, #tpu.memory_space<hbm>> -> memref<6272x16xf32, #tpu.memory_space<hbm>>
      tpu.wait_dma2 semaphore(%run_scoped3A : memref<!tpu.dma_semaphore, #tpu.memory_space<semaphore_mem>>) src(%dma_wait3A_20 : memref<6272x16xf32, #tpu.memory_space<hbm>>) dst(%dma_wait3A_18 : memref<6272x16xf32, #tpu.memory_space<vmem_shared>>)
      tpu.yield
    }) : () -> ()
    %barrier3A = arith.constant 0 : index
    tpu.barrier barrier_id(%barrier3A)
    %mul3A_3 = arith.constant 390 : i32
    %mul3A_4 = arith.muli %add3A, %mul3A_3 : i32
    %min3A = arith.constant 20 : i32
    %min3A_5 = arith.minsi %add3A, %min3A : i32
    %add3A_6 = arith.addi %mul3A_4, %min3A_5 : i32
    %scan3A = arith.constant 0 : i32
    %scan3A_7 = arith.constant 0 : i32
    %scan3A_8 = arith.constant 39 : i32
    %scan3A_9 = arith.addi %scan3A_7, %scan3A_8 : i32
    %scan3A_10 = arith.constant 1 : i32
    scf.for %scan3A_15 = %scan3A_7 to %scan3A_9 step %scan3A_10  : i32 {
      %mul3A_16 = arith.constant 10 : i32
      %mul3A_17 = arith.muli %scan3A_15, %mul3A_16 : i32
      %add3A_18 = arith.addi %add3A_6, %mul3A_17 : i32
      %dma_start3A = arith.constant 0 : i32
      %dma_start3A_19 = arith.constant 0 : i32
      %dma_start3A_20 = tpu.memref_slice %arg3[%dma_start3A, %add3A_18, %dma_start3A_19] : memref<2x12500x128xi32, #tpu.memory_space<hbm>> -> memref<1x10x128xi32, #tpu.memory_space<hbm>>
      %dma_start3A_21 = tpu.memref_squeeze %dma_start3A_20 : memref<1x10x128xi32, #tpu.memory_space<hbm>> -> memref<10x128xi32, #tpu.memory_space<hbm>>
      %dma_start3A_22 = arith.constant 0 : i32
      %dma_start3A_23 = tpu.memref_slice %arg3[%dma_start3A, %add3A_18, %dma_start3A_22] : memref<2x12500x128xi32, #tpu.memory_space<hbm>> -> memref<1x10x128xi32, #tpu.memory_space<hbm>>
      %dma_start3A_24 = tpu.memref_squeeze %dma_start3A_23 : memref<1x10x128xi32, #tpu.memory_space<hbm>> -> memref<10x128xi32, #tpu.memory_space<hbm>>
      tpu.enqueue_dma source(%dma_start3A_24 : memref<10x128xi32, #tpu.memory_space<hbm>>) target(%arg6 : memref<10x128xi32, #tpu.memory_space<vmem>>) target_semaphore(%arg20 : memref<!tpu.dma_semaphore, #tpu.memory_space<semaphore_mem>>)
      %dma_start3A_25 = arith.constant 1 : i32
      %dma_start3A_26 = arith.constant 0 : i32
      %dma_start3A_27 = tpu.memref_slice %arg3[%dma_start3A_25, %add3A_18, %dma_start3A_26] : memref<2x12500x128xi32, #tpu.memory_space<hbm>> -> memref<1x10x128xi32, #tpu.memory_space<hbm>>
      %dma_start3A_28 = tpu.memref_squeeze %dma_start3A_27 : memref<1x10x128xi32, #tpu.memory_space<hbm>> -> memref<10x128xi32, #tpu.memory_space<hbm>>
      %dma_start3A_29 = arith.constant 0 : i32
      %dma_start3A_30 = tpu.memref_slice %arg3[%dma_start3A_25, %add3A_18, %dma_start3A_29] : memref<2x12500x128xi32, #tpu.memory_space<hbm>> -> memref<1x10x128xi32, #tpu.memory_space<hbm>>
      %dma_start3A_31 = tpu.memref_squeeze %dma_start3A_30 : memref<1x10x128xi32, #tpu.memory_space<hbm>> -> memref<10x128xi32, #tpu.memory_space<hbm>>
      tpu.enqueue_dma source(%dma_start3A_31 : memref<10x128xi32, #tpu.memory_space<hbm>>) target(%arg7 : memref<10x128xi32, #tpu.memory_space<vmem>>) target_semaphore(%arg21 : memref<!tpu.dma_semaphore, #tpu.memory_space<semaphore_mem>>)
      %dma_wait3A = arith.constant 0 : i32
      %dma_wait3A_32 = arith.constant 0 : i32
      %dma_wait3A_33 = tpu.memref_slice %arg3[%dma_wait3A, %add3A_18, %dma_wait3A_32] : memref<2x12500x128xi32, #tpu.memory_space<hbm>> -> memref<1x10x128xi32, #tpu.memory_space<hbm>>
      %dma_wait3A_34 = tpu.memref_squeeze %dma_wait3A_33 : memref<1x10x128xi32, #tpu.memory_space<hbm>> -> memref<10x128xi32, #tpu.memory_space<hbm>>
      %dma_wait3A_35 = arith.constant 0 : i32
      %dma_wait3A_36 = tpu.memref_slice %arg3[%dma_wait3A, %add3A_18, %dma_wait3A_35] : memref<2x12500x128xi32, #tpu.memory_space<hbm>> -> memref<1x10x128xi32, #tpu.memory_space<hbm>>
      %dma_wait3A_37 = tpu.memref_squeeze %dma_wait3A_36 : memref<1x10x128xi32, #tpu.memory_space<hbm>> -> memref<10x128xi32, #tpu.memory_space<hbm>>
      tpu.wait_dma2 semaphore(%arg20 : memref<!tpu.dma_semaphore, #tpu.memory_space<semaphore_mem>>) src(%dma_wait3A_37 : memref<10x128xi32, #tpu.memory_space<hbm>>) dst(%arg6 : memref<10x128xi32, #tpu.memory_space<vmem>>)
      %dma_start3A_38 = arith.constant 0 : i32
      %dma_start3A_39 = arith.constant 0 : i32
      %dma_start3A_40 = arith.constant 0 : i32
      %dma_start3A_41 = arith.constant 0 : i32
      %dma_start3A_42 = tpu.memref_slice %arg8[%dma_start3A_39, %dma_start3A_40, %dma_start3A_41] : memref<10x128x16xf32, #tpu.memory_space<vmem>> -> memref<1x128x16xf32, #tpu.memory_space<vmem>>
      %dma_start3A_43 = tpu.memref_squeeze %dma_start3A_42 : memref<1x128x16xf32, #tpu.memory_space<vmem>> -> memref<128x16xf32, #tpu.memory_space<vmem>>
      %dma_start3A_44 = arith.constant 0 : i32
      %dma_start3A_45 = tpu.memref_slice %arg6[%dma_start3A_38, %dma_start3A_44] : memref<10x128xi32, #tpu.memory_space<vmem>> -> memref<1x128xi32, #tpu.memory_space<vmem>>
      %dma_start3A_46 = tpu.memref_squeeze %dma_start3A_45 : memref<1x128xi32, #tpu.memory_space<vmem>> -> memref<128xi32, #tpu.memory_space<vmem>>
      %dma_start3A_47 = arith.constant 0 : i32
      %dma_start3A_48 = arith.constant 0 : i32
      %dma_start3A_49 = tpu.memref_slice %arg2[%dma_start3A_47, %dma_start3A_48] : memref<100352x16xf32, #tpu.memory_space<hbm>> -> memref<100352x16xf32, #tpu.memory_space<hbm>>
      tpu.enqueue_indirect_dma source(%dma_start3A_49 : memref<100352x16xf32, #tpu.memory_space<hbm>>) target(%dma_start3A_43 : memref<128x16xf32, #tpu.memory_space<vmem>>) offsets(%dma_start3A_46 : memref<128xi32, #tpu.memory_space<vmem>>) semaphore(%arg10 : memref<!tpu.dma_semaphore, #tpu.memory_space<semaphore_mem>>)
      %dma_start3A_50 = arith.constant 1 : i32
      %dma_start3A_51 = arith.constant 1 : i32
      %dma_start3A_52 = arith.constant 0 : i32
      %dma_start3A_53 = arith.constant 0 : i32
      %dma_start3A_54 = tpu.memref_slice %arg8[%dma_start3A_51, %dma_start3A_52, %dma_start3A_53] : memref<10x128x16xf32, #tpu.memory_space<vmem>> -> memref<1x128x16xf32, #tpu.memory_space<vmem>>
      %dma_start3A_55 = tpu.memref_squeeze %dma_start3A_54 : memref<1x128x16xf32, #tpu.memory_space<vmem>> -> memref<128x16xf32, #tpu.memory_space<vmem>>
      %dma_start3A_56 = arith.constant 0 : i32
      %dma_start3A_57 = tpu.memref_slice %arg6[%dma_start3A_50, %dma_start3A_56] : memref<10x128xi32, #tpu.memory_space<vmem>> -> memref<1x128xi32, #tpu.memory_space<vmem>>
      %dma_start3A_58 = tpu.memref_squeeze %dma_start3A_57 : memref<1x128xi32, #tpu.memory_space<vmem>> -> memref<128xi32, #tpu.memory_space<vmem>>
      %dma_start3A_59 = arith.constant 0 : i32
      %dma_start3A_60 = arith.constant 0 : i32
      %dma_start3A_61 = tpu.memref_slice %arg2[%dma_start3A_59, %dma_start3A_60] : memref<100352x16xf32, #tpu.memory_space<hbm>> -> memref<100352x16xf32, #tpu.memory_space<hbm>>
      tpu.enqueue_indirect_dma source(%dma_start3A_61 : memref<100352x16xf32, #tpu.memory_space<hbm>>) target(%dma_start3A_55 : memref<128x16xf32, #tpu.memory_space<vmem>>) offsets(%dma_start3A_58 : memref<128xi32, #tpu.memory_space<vmem>>) semaphore(%arg10 : memref<!tpu.dma_semaphore, #tpu.memory_space<semaphore_mem>>)
      %dma_start3A_62 = arith.constant 2 : i32
      %dma_start3A_63 = arith.constant 2 : i32
      %dma_start3A_64 = arith.constant 0 : i32
      %dma_start3A_65 = arith.constant 0 : i32
      %dma_start3A_66 = tpu.memref_slice %arg8[%dma_start3A_63, %dma_start3A_64, %dma_start3A_65] : memref<10x128x16xf32, #tpu.memory_space<vmem>> -> memref<1x128x16xf32, #tpu.memory_space<vmem>>
      %dma_start3A_67 = tpu.memref_squeeze %dma_start3A_66 : memref<1x128x16xf32, #tpu.memory_space<vmem>> -> memref<128x16xf32, #tpu.memory_space<vmem>>
      %dma_start3A_68 = arith.constant 0 : i32
      %dma_start3A_69 = tpu.memref_slice %arg6[%dma_start3A_62, %dma_start3A_68] : memref<10x128xi32, #tpu.memory_space<vmem>> -> memref<1x128xi32, #tpu.memory_space<vmem>>
      %dma_start3A_70 = tpu.memref_squeeze %dma_start3A_69 : memref<1x128xi32, #tpu.memory_space<vmem>> -> memref<128xi32, #tpu.memory_space<vmem>>
      %dma_start3A_71 = arith.constant 0 : i32
      %dma_start3A_72 = arith.constant 0 : i32
      %dma_start3A_73 = tpu.memref_slice %arg2[%dma_start3A_71, %dma_start3A_72] : memref<100352x16xf32, #tpu.memory_space<hbm>> -> memref<100352x16xf32, #tpu.memory_space<hbm>>
      tpu.enqueue_indirect_dma source(%dma_start3A_73 : memref<100352x16xf32, #tpu.memory_space<hbm>>) target(%dma_start3A_67 : memref<128x16xf32, #tpu.memory_space<vmem>>) offsets(%dma_start3A_70 : memref<128xi32, #tpu.memory_space<vmem>>) semaphore(%arg11 : memref<!tpu.dma_semaphore, #tpu.memory_space<semaphore_mem>>)
      %dma_start3A_74 = arith.constant 3 : i32
      %dma_start3A_75 = arith.constant 3 : i32
      %dma_start3A_76 = arith.constant 0 : i32
      %dma_start3A_77 = arith.constant 0 : i32
      %dma_start3A_78 = tpu.memref_slice %arg8[%dma_start3A_75, %dma_start3A_76, %dma_start3A_77] : memref<10x128x16xf32, #tpu.memory_space<vmem>> -> memref<1x128x16xf32, #tpu.memory_space<vmem>>
      %dma_start3A_79 = tpu.memref_squeeze %dma_start3A_78 : memref<1x128x16xf32, #tpu.memory_space<vmem>> -> memref<128x16xf32, #tpu.memory_space<vmem>>
      %dma_start3A_80 = arith.constant 0 : i32
      %dma_start3A_81 = tpu.memref_slice %arg6[%dma_start3A_74, %dma_start3A_80] : memref<10x128xi32, #tpu.memory_space<vmem>> -> memref<1x128xi32, #tpu.memory_space<vmem>>
      %dma_start3A_82 = tpu.memref_squeeze %dma_start3A_81 : memref<1x128xi32, #tpu.memory_space<vmem>> -> memref<128xi32, #tpu.memory_space<vmem>>
      %dma_start3A_83 = arith.constant 0 : i32
      %dma_start3A_84 = arith.constant 0 : i32
      %dma_start3A_85 = tpu.memref_slice %arg2[%dma_start3A_83, %dma_start3A_84] : memref<100352x16xf32, #tpu.memory_space<hbm>> -> memref<100352x16xf32, #tpu.memory_space<hbm>>
      tpu.enqueue_indirect_dma source(%dma_start3A_85 : memref<100352x16xf32, #tpu.memory_space<hbm>>) target(%dma_start3A_79 : memref<128x16xf32, #tpu.memory_space<vmem>>) offsets(%dma_start3A_82 : memref<128xi32, #tpu.memory_space<vmem>>) semaphore(%arg11 : memref<!tpu.dma_semaphore, #tpu.memory_space<semaphore_mem>>)
      %dma_start3A_86 = arith.constant 4 : i32
      %dma_start3A_87 = arith.constant 4 : i32
      %dma_start3A_88 = arith.constant 0 : i32
      %dma_start3A_89 = arith.constant 0 : i32
      %dma_start3A_90 = tpu.memref_slice %arg8[%dma_start3A_87, %dma_start3A_88, %dma_start3A_89] : memref<10x128x16xf32, #tpu.memory_space<vmem>> -> memref<1x128x16xf32, #tpu.memory_space<vmem>>
      %dma_start3A_91 = tpu.memref_squeeze %dma_start3A_90 : memref<1x128x16xf32, #tpu.memory_space<vmem>> -> memref<128x16xf32, #tpu.memory_space<vmem>>
      %dma_start3A_92 = arith.constant 0 : i32
      %dma_start3A_93 = tpu.memref_slice %arg6[%dma_start3A_86, %dma_start3A_92] : memref<10x128xi32, #tpu.memory_space<vmem>> -> memref<1x128xi32, #tpu.memory_space<vmem>>
      %dma_start3A_94 = tpu.memref_squeeze %dma_start3A_93 : memref<1x128xi32, #tpu.memory_space<vmem>> -> memref<128xi32, #tpu.memory_space<vmem>>
      %dma_start3A_95 = arith.constant 0 : i32
      %dma_start3A_96 = arith.constant 0 : i32
      %dma_start3A_97 = tpu.memref_slice %arg2[%dma_start3A_95, %dma_start3A_96] : memref<100352x16xf32, #tpu.memory_space<hbm>> -> memref<100352x16xf32, #tpu.memory_space<hbm>>
      tpu.enqueue_indirect_dma source(%dma_start3A_97 : memref<100352x16xf32, #tpu.memory_space<hbm>>) target(%dma_start3A_91 : memref<128x16xf32, #tpu.memory_space<vmem>>) offsets(%dma_start3A_94 : memref<128xi32, #tpu.memory_space<vmem>>) semaphore(%arg12 : memref<!tpu.dma_semaphore, #tpu.memory_space<semaphore_mem>>)
      %dma_start3A_98 = arith.constant 5 : i32
      %dma_start3A_99 = arith.constant 5 : i32
      %dma_start3A_100 = arith.constant 0 : i32
      %dma_start3A_101 = arith.constant 0 : i32
      %dma_start3A_102 = tpu.memref_slice %arg8[%dma_start3A_99, %dma_start3A_100, %dma_start3A_101] : memref<10x128x16xf32, #tpu.memory_space<vmem>> -> memref<1x128x16xf32, #tpu.memory_space<vmem>>
      %dma_start3A_103 = tpu.memref_squeeze %dma_start3A_102 : memref<1x128x16xf32, #tpu.memory_space<vmem>> -> memref<128x16xf32, #tpu.memory_space<vmem>>
      %dma_start3A_104 = arith.constant 0 : i32
      %dma_start3A_105 = tpu.memref_slice %arg6[%dma_start3A_98, %dma_start3A_104] : memref<10x128xi32, #tpu.memory_space<vmem>> -> memref<1x128xi32, #tpu.memory_space<vmem>>
      %dma_start3A_106 = tpu.memref_squeeze %dma_start3A_105 : memref<1x128xi32, #tpu.memory_space<vmem>> -> memref<128xi32, #tpu.memory_space<vmem>>
      %dma_start3A_107 = arith.constant 0 : i32
      %dma_start3A_108 = arith.constant 0 : i32
      %dma_start3A_109 = tpu.memref_slice %arg2[%dma_start3A_107, %dma_start3A_108] : memref<100352x16xf32, #tpu.memory_space<hbm>> -> memref<100352x16xf32, #tpu.memory_space<hbm>>
      tpu.enqueue_indirect_dma source(%dma_start3A_109 : memref<100352x16xf32, #tpu.memory_space<hbm>>) target(%dma_start3A_103 : memref<128x16xf32, #tpu.memory_space<vmem>>) offsets(%dma_start3A_106 : memref<128xi32, #tpu.memory_space<vmem>>) semaphore(%arg12 : memref<!tpu.dma_semaphore, #tpu.memory_space<semaphore_mem>>)
      %dma_start3A_110 = arith.constant 6 : i32
      %dma_start3A_111 = arith.constant 6 : i32
      %dma_start3A_112 = arith.constant 0 : i32
      %dma_start3A_113 = arith.constant 0 : i32
      %dma_start3A_114 = tpu.memref_slice %arg8[%dma_start3A_111, %dma_start3A_112, %dma_start3A_113] : memref<10x128x16xf32, #tpu.memory_space<vmem>> -> memref<1x128x16xf32, #tpu.memory_space<vmem>>
      %dma_start3A_115 = tpu.memref_squeeze %dma_start3A_114 : memref<1x128x16xf32, #tpu.memory_space<vmem>> -> memref<128x16xf32, #tpu.memory_space<vmem>>
      %dma_start3A_116 = arith.constant 0 : i32
      %dma_start3A_117 = tpu.memref_slice %arg6[%dma_start3A_110, %dma_start3A_116] : memref<10x128xi32, #tpu.memory_space<vmem>> -> memref<1x128xi32, #tpu.memory_space<vmem>>
      %dma_start3A_118 = tpu.memref_squeeze %dma_start3A_117 : memref<1x128xi32, #tpu.memory_space<vmem>> -> memref<128xi32, #tpu.memory_space<vmem>>
      %dma_start3A_119 = arith.constant 0 : i32
      %dma_start3A_120 = arith.constant 0 : i32
      %dma_start3A_121 = tpu.memref_slice %arg2[%dma_start3A_119, %dma_start3A_120] : memref<100352x16xf32, #tpu.memory_space<hbm>> -> memref<100352x16xf32, #tpu.memory_space<hbm>>
      tpu.enqueue_indirect_dma source(%dma_start3A_121 : memref<100352x16xf32, #tpu.memory_space<hbm>>) target(%dma_start3A_115 : memref<128x16xf32, #tpu.memory_space<vmem>>) offsets(%dma_start3A_118 : memref<128xi32, #tpu.memory_space<vmem>>) semaphore(%arg13 : memref<!tpu.dma_semaphore, #tpu.memory_space<semaphore_mem>>)
      %dma_start3A_122 = arith.constant 7 : i32
      %dma_start3A_123 = arith.constant 7 : i32
      %dma_start3A_124 = arith.constant 0 : i32
      %dma_start3A_125 = arith.constant 0 : i32
      %dma_start3A_126 = tpu.memref_slice %arg8[%dma_start3A_123, %dma_start3A_124, %dma_start3A_125] : memref<10x128x16xf32, #tpu.memory_space<vmem>> -> memref<1x128x16xf32, #tpu.memory_space<vmem>>
      %dma_start3A_127 = tpu.memref_squeeze %dma_start3A_126 : memref<1x128x16xf32, #tpu.memory_space<vmem>> -> memref<128x16xf32, #tpu.memory_space<vmem>>
      %dma_start3A_128 = arith.constant 0 : i32
      %dma_start3A_129 = tpu.memref_slice %arg6[%dma_start3A_122, %dma_start3A_128] : memref<10x128xi32, #tpu.memory_space<vmem>> -> memref<1x128xi32, #tpu.memory_space<vmem>>
      %dma_start3A_130 = tpu.memref_squeeze %dma_start3A_129 : memref<1x128xi32, #tpu.memory_space<vmem>> -> memref<128xi32, #tpu.memory_space<vmem>>
      %dma_start3A_131 = arith.constant 0 : i32
      %dma_start3A_132 = arith.constant 0 : i32
      %dma_start3A_133 = tpu.memref_slice %arg2[%dma_start3A_131, %dma_start3A_132] : memref<100352x16xf32, #tpu.memory_space<hbm>> -> memref<100352x16xf32, #tpu.memory_space<hbm>>
      tpu.enqueue_indirect_dma source(%dma_start3A_133 : memref<100352x16xf32, #tpu.memory_space<hbm>>) target(%dma_start3A_127 : memref<128x16xf32, #tpu.memory_space<vmem>>) offsets(%dma_start3A_130 : memref<128xi32, #tpu.memory_space<vmem>>) semaphore(%arg13 : memref<!tpu.dma_semaphore, #tpu.memory_space<semaphore_mem>>)
      %dma_start3A_134 = arith.constant 8 : i32
      %dma_start3A_135 = arith.constant 8 : i32
      %dma_start3A_136 = arith.constant 0 : i32
      %dma_start3A_137 = arith.constant 0 : i32
      %dma_start3A_138 = tpu.memref_slice %arg8[%dma_start3A_135, %dma_start3A_136, %dma_start3A_137] : memref<10x128x16xf32, #tpu.memory_space<vmem>> -> memref<1x128x16xf32, #tpu.memory_space<vmem>>
      %dma_start3A_139 = tpu.memref_squeeze %dma_start3A_138 : memref<1x128x16xf32, #tpu.memory_space<vmem>> -> memref<128x16xf32, #tpu.memory_space<vmem>>
      %dma_start3A_140 = arith.constant 0 : i32
      %dma_start3A_141 = tpu.memref_slice %arg6[%dma_start3A_134, %dma_start3A_140] : memref<10x128xi32, #tpu.memory_space<vmem>> -> memref<1x128xi32, #tpu.memory_space<vmem>>
      %dma_start3A_142 = tpu.memref_squeeze %dma_start3A_141 : memref<1x128xi32, #tpu.memory_space<vmem>> -> memref<128xi32, #tpu.memory_space<vmem>>
      %dma_start3A_143 = arith.constant 0 : i32
      %dma_start3A_144 = arith.constant 0 : i32
      %dma_start3A_145 = tpu.memref_slice %arg2[%dma_start3A_143, %dma_start3A_144] : memref<100352x16xf32, #tpu.memory_space<hbm>> -> memref<100352x16xf32, #tpu.memory_space<hbm>>
      tpu.enqueue_indirect_dma source(%dma_start3A_145 : memref<100352x16xf32, #tpu.memory_space<hbm>>) target(%dma_start3A_139 : memref<128x16xf32, #tpu.memory_space<vmem>>) offsets(%dma_start3A_142 : memref<128xi32, #tpu.memory_space<vmem>>) semaphore(%arg14 : memref<!tpu.dma_semaphore, #tpu.memory_space<semaphore_mem>>)
      %dma_start3A_146 = arith.constant 9 : i32
      %dma_start3A_147 = arith.constant 9 : i32
      %dma_start3A_148 = arith.constant 0 : i32
      %dma_start3A_149 = arith.constant 0 : i32
      %dma_start3A_150 = tpu.memref_slice %arg8[%dma_start3A_147, %dma_start3A_148, %dma_start3A_149] : memref<10x128x16xf32, #tpu.memory_space<vmem>> -> memref<1x128x16xf32, #tpu.memory_space<vmem>>
      %dma_start3A_151 = tpu.memref_squeeze %dma_start3A_150 : memref<1x128x16xf32, #tpu.memory_space<vmem>> -> memref<128x16xf32, #tpu.memory_space<vmem>>
      %dma_start3A_152 = arith.constant 0 : i32
      %dma_start3A_153 = tpu.memref_slice %arg6[%dma_start3A_146, %dma_start3A_152] : memref<10x128xi32, #tpu.memory_space<vmem>> -> memref<1x128xi32, #tpu.memory_space<vmem>>
      %dma_start3A_154 = tpu.memref_squeeze %dma_start3A_153 : memref<1x128xi32, #tpu.memory_space<vmem>> -> memref<128xi32, #tpu.memory_space<vmem>>
      %dma_start3A_155 = arith.constant 0 : i32
      %dma_start3A_156 = arith.constant 0 : i32
      %dma_start3A_157 = tpu.memref_slice %arg2[%dma_start3A_155, %dma_start3A_156] : memref<100352x16xf32, #tpu.memory_space<hbm>> -> memref<100352x16xf32, #tpu.memory_space<hbm>>
      tpu.enqueue_indirect_dma source(%dma_start3A_157 : memref<100352x16xf32, #tpu.memory_space<hbm>>) target(%dma_start3A_151 : memref<128x16xf32, #tpu.memory_space<vmem>>) offsets(%dma_start3A_154 : memref<128xi32, #tpu.memory_space<vmem>>) semaphore(%arg14 : memref<!tpu.dma_semaphore, #tpu.memory_space<semaphore_mem>>)
      %dma_wait3A_158 = arith.constant 1 : i32
      %dma_wait3A_159 = arith.constant 0 : i32
      %dma_wait3A_160 = tpu.memref_slice %arg3[%dma_wait3A_158, %add3A_18, %dma_wait3A_159] : memref<2x12500x128xi32, #tpu.memory_space<hbm>> -> memref<1x10x128xi32, #tpu.memory_space<hbm>>
      %dma_wait3A_161 = tpu.memref_squeeze %dma_wait3A_160 : memref<1x10x128xi32, #tpu.memory_space<hbm>> -> memref<10x128xi32, #tpu.memory_space<hbm>>
      %dma_wait3A_162 = arith.constant 0 : i32
      %dma_wait3A_163 = tpu.memref_slice %arg3[%dma_wait3A_158, %add3A_18, %dma_wait3A_162] : memref<2x12500x128xi32, #tpu.memory_space<hbm>> -> memref<1x10x128xi32, #tpu.memory_space<hbm>>
      %dma_wait3A_164 = tpu.memref_squeeze %dma_wait3A_163 : memref<1x10x128xi32, #tpu.memory_space<hbm>> -> memref<10x128xi32, #tpu.memory_space<hbm>>
      tpu.wait_dma2 semaphore(%arg21 : memref<!tpu.dma_semaphore, #tpu.memory_space<semaphore_mem>>) src(%dma_wait3A_164 : memref<10x128xi32, #tpu.memory_space<hbm>>) dst(%arg7 : memref<10x128xi32, #tpu.memory_space<vmem>>)
      %dma_wait3A_165 = arith.constant 0 : i32
      %dma_wait3A_166 = arith.constant 0 : i32
      %dma_wait3A_167 = arith.constant 0 : i32
      %dma_wait3A_168 = arith.constant 0 : i32
      %dma_wait3A_169 = tpu.memref_slice %arg8[%dma_wait3A_166, %dma_wait3A_167, %dma_wait3A_168] : memref<10x128x16xf32, #tpu.memory_space<vmem>> -> memref<1x128x16xf32, #tpu.memory_space<vmem>>
      %dma_wait3A_170 = tpu.memref_squeeze %dma_wait3A_169 : memref<1x128x16xf32, #tpu.memory_space<vmem>> -> memref<128x16xf32, #tpu.memory_space<vmem>>
      %dma_wait3A_171 = arith.constant 0 : i32
      %dma_wait3A_172 = tpu.memref_slice %arg6[%dma_wait3A_165, %dma_wait3A_171] : memref<10x128xi32, #tpu.memory_space<vmem>> -> memref<1x128xi32, #tpu.memory_space<vmem>>
      %dma_wait3A_173 = tpu.memref_squeeze %dma_wait3A_172 : memref<1x128xi32, #tpu.memory_space<vmem>> -> memref<128xi32, #tpu.memory_space<vmem>>
      %dma_wait3A_174 = arith.constant 0 : i32
      %dma_wait3A_175 = arith.constant 0 : i32
      %dma_wait3A_176 = tpu.memref_slice %arg2[%dma_wait3A_174, %dma_wait3A_175] : memref<100352x16xf32, #tpu.memory_space<hbm>> -> memref<100352x16xf32, #tpu.memory_space<hbm>>
      tpu.wait_indirect_dma semaphore(%arg10 : memref<!tpu.dma_semaphore, #tpu.memory_space<semaphore_mem>>) src(%dma_wait3A_176 : memref<100352x16xf32, #tpu.memory_space<hbm>>) dst(%dma_wait3A_170 : memref<128x16xf32, #tpu.memory_space<vmem>>)
      %dma_wait3A_177 = arith.constant 1 : i32
      %dma_wait3A_178 = arith.constant 1 : i32
      %dma_wait3A_179 = arith.constant 0 : i32
      %dma_wait3A_180 = arith.constant 0 : i32
      %dma_wait3A_181 = tpu.memref_slice %arg8[%dma_wait3A_178, %dma_wait3A_179, %dma_wait3A_180] : memref<10x128x16xf32, #tpu.memory_space<vmem>> -> memref<1x128x16xf32, #tpu.memory_space<vmem>>
      %dma_wait3A_182 = tpu.memref_squeeze %dma_wait3A_181 : memref<1x128x16xf32, #tpu.memory_space<vmem>> -> memref<128x16xf32, #tpu.memory_space<vmem>>
      %dma_wait3A_183 = arith.constant 0 : i32
      %dma_wait3A_184 = tpu.memref_slice %arg6[%dma_wait3A_177, %dma_wait3A_183] : memref<10x128xi32, #tpu.memory_space<vmem>> -> memref<1x128xi32, #tpu.memory_space<vmem>>
      %dma_wait3A_185 = tpu.memref_squeeze %dma_wait3A_184 : memref<1x128xi32, #tpu.memory_space<vmem>> -> memref<128xi32, #tpu.memory_space<vmem>>
      %dma_wait3A_186 = arith.constant 0 : i32
      %dma_wait3A_187 = arith.constant 0 : i32
      %dma_wait3A_188 = tpu.memref_slice %arg2[%dma_wait3A_186, %dma_wait3A_187] : memref<100352x16xf32, #tpu.memory_space<hbm>> -> memref<100352x16xf32, #tpu.memory_space<hbm>>
      tpu.wait_indirect_dma semaphore(%arg10 : memref<!tpu.dma_semaphore, #tpu.memory_space<semaphore_mem>>) src(%dma_wait3A_188 : memref<100352x16xf32, #tpu.memory_space<hbm>>) dst(%dma_wait3A_182 : memref<128x16xf32, #tpu.memory_space<vmem>>)
      %dma_start3A_189 = arith.constant 0 : i32
      %dma_start3A_190 = arith.constant 0 : i32
      %dma_start3A_191 = arith.constant 0 : i32
      %dma_start3A_192 = arith.constant 0 : i32
      %dma_start3A_193 = tpu.memref_slice %arg8[%dma_start3A_189, %dma_start3A_191, %dma_start3A_192] : memref<10x128x16xf32, #tpu.memory_space<vmem>> -> memref<1x128x16xf32, #tpu.memory_space<vmem>>
      %dma_start3A_194 = tpu.memref_squeeze %dma_start3A_193 : memref<1x128x16xf32, #tpu.memory_space<vmem>> -> memref<128x16xf32, #tpu.memory_space<vmem>>
      %dma_start3A_195 = arith.constant 0 : i32
      %dma_start3A_196 = tpu.memref_slice %arg7[%dma_start3A_190, %dma_start3A_195] : memref<10x128xi32, #tpu.memory_space<vmem>> -> memref<1x128xi32, #tpu.memory_space<vmem>>
      %dma_start3A_197 = tpu.memref_squeeze %dma_start3A_196 : memref<1x128xi32, #tpu.memory_space<vmem>> -> memref<128xi32, #tpu.memory_space<vmem>>
      %dma_start3A_198 = arith.constant 0 : i32
      %dma_start3A_199 = arith.constant 0 : i32
      %dma_start3A_200 = tpu.memref_slice %arg9[%dma_start3A_198, %dma_start3A_199] : memref<100352x16xf32, #tpu.memory_space<vmem_shared>> -> memref<100352x16xf32, #tpu.memory_space<vmem_shared>>
      tpu.enqueue_indirect_dma source(%dma_start3A_194 : memref<128x16xf32, #tpu.memory_space<vmem>>) target(%dma_start3A_200 : memref<100352x16xf32, #tpu.memory_space<vmem_shared>>) offsets(%dma_start3A_197 : memref<128xi32, #tpu.memory_space<vmem>>) semaphore(%arg15 : memref<!tpu.dma_semaphore, #tpu.memory_space<semaphore_mem>>) {add = true}
      %dma_start3A_201 = arith.constant 1 : i32
      %dma_start3A_202 = arith.constant 1 : i32
      %dma_start3A_203 = arith.constant 0 : i32
      %dma_start3A_204 = arith.constant 0 : i32
      %dma_start3A_205 = tpu.memref_slice %arg8[%dma_start3A_201, %dma_start3A_203, %dma_start3A_204] : memref<10x128x16xf32, #tpu.memory_space<vmem>> -> memref<1x128x16xf32, #tpu.memory_space<vmem>>
      %dma_start3A_206 = tpu.memref_squeeze %dma_start3A_205 : memref<1x128x16xf32, #tpu.memory_space<vmem>> -> memref<128x16xf32, #tpu.memory_space<vmem>>
      %dma_start3A_207 = arith.constant 0 : i32
      %dma_start3A_208 = tpu.memref_slice %arg7[%dma_start3A_202, %dma_start3A_207] : memref<10x128xi32, #tpu.memory_space<vmem>> -> memref<1x128xi32, #tpu.memory_space<vmem>>
      %dma_start3A_209 = tpu.memref_squeeze %dma_start3A_208 : memref<1x128xi32, #tpu.memory_space<vmem>> -> memref<128xi32, #tpu.memory_space<vmem>>
      %dma_start3A_210 = arith.constant 0 : i32
      %dma_start3A_211 = arith.constant 0 : i32
      %dma_start3A_212 = tpu.memref_slice %arg9[%dma_start3A_210, %dma_start3A_211] : memref<100352x16xf32, #tpu.memory_space<vmem_shared>> -> memref<100352x16xf32, #tpu.memory_space<vmem_shared>>
      tpu.enqueue_indirect_dma source(%dma_start3A_206 : memref<128x16xf32, #tpu.memory_space<vmem>>) target(%dma_start3A_212 : memref<100352x16xf32, #tpu.memory_space<vmem_shared>>) offsets(%dma_start3A_209 : memref<128xi32, #tpu.memory_space<vmem>>) semaphore(%arg15 : memref<!tpu.dma_semaphore, #tpu.memory_space<semaphore_mem>>) {add = true}
      %dma_wait3A_213 = arith.constant 2 : i32
      %dma_wait3A_214 = arith.constant 2 : i32
      %dma_wait3A_215 = arith.constant 0 : i32
      %dma_wait3A_216 = arith.constant 0 : i32
      %dma_wait3A_217 = tpu.memref_slice %arg8[%dma_wait3A_214, %dma_wait3A_215, %dma_wait3A_216] : memref<10x128x16xf32, #tpu.memory_space<vmem>> -> memref<1x128x16xf32, #tpu.memory_space<vmem>>
      %dma_wait3A_218 = tpu.memref_squeeze %dma_wait3A_217 : memref<1x128x16xf32, #tpu.memory_space<vmem>> -> memref<128x16xf32, #tpu.memory_space<vmem>>
      %dma_wait3A_219 = arith.constant 0 : i32
      %dma_wait3A_220 = tpu.memref_slice %arg6[%dma_wait3A_213, %dma_wait3A_219] : memref<10x128xi32, #tpu.memory_space<vmem>> -> memref<1x128xi32, #tpu.memory_space<vmem>>
      %dma_wait3A_221 = tpu.memref_squeeze %dma_wait3A_220 : memref<1x128xi32, #tpu.memory_space<vmem>> -> memref<128xi32, #tpu.memory_space<vmem>>
      %dma_wait3A_222 = arith.constant 0 : i32
      %dma_wait3A_223 = arith.constant 0 : i32
      %dma_wait3A_224 = tpu.memref_slice %arg2[%dma_wait3A_222, %dma_wait3A_223] : memref<100352x16xf32, #tpu.memory_space<hbm>> -> memref<100352x16xf32, #tpu.memory_space<hbm>>
      tpu.wait_indirect_dma semaphore(%arg11 : memref<!tpu.dma_semaphore, #tpu.memory_space<semaphore_mem>>) src(%dma_wait3A_224 : memref<100352x16xf32, #tpu.memory_space<hbm>>) dst(%dma_wait3A_218 : memref<128x16xf32, #tpu.memory_space<vmem>>)
      %dma_wait3A_225 = arith.constant 3 : i32
      %dma_wait3A_226 = arith.constant 3 : i32
      %dma_wait3A_227 = arith.constant 0 : i32
      %dma_wait3A_228 = arith.constant 0 : i32
      %dma_wait3A_229 = tpu.memref_slice %arg8[%dma_wait3A_226, %dma_wait3A_227, %dma_wait3A_228] : memref<10x128x16xf32, #tpu.memory_space<vmem>> -> memref<1x128x16xf32, #tpu.memory_space<vmem>>
      %dma_wait3A_230 = tpu.memref_squeeze %dma_wait3A_229 : memref<1x128x16xf32, #tpu.memory_space<vmem>> -> memref<128x16xf32, #tpu.memory_space<vmem>>
      %dma_wait3A_231 = arith.constant 0 : i32
      %dma_wait3A_232 = tpu.memref_slice %arg6[%dma_wait3A_225, %dma_wait3A_231] : memref<10x128xi32, #tpu.memory_space<vmem>> -> memref<1x128xi32, #tpu.memory_space<vmem>>
      %dma_wait3A_233 = tpu.memref_squeeze %dma_wait3A_232 : memref<1x128xi32, #tpu.memory_space<vmem>> -> memref<128xi32, #tpu.memory_space<vmem>>
      %dma_wait3A_234 = arith.constant 0 : i32
      %dma_wait3A_235 = arith.constant 0 : i32
      %dma_wait3A_236 = tpu.memref_slice %arg2[%dma_wait3A_234, %dma_wait3A_235] : memref<100352x16xf32, #tpu.memory_space<hbm>> -> memref<100352x16xf32, #tpu.memory_space<hbm>>
      tpu.wait_indirect_dma semaphore(%arg11 : memref<!tpu.dma_semaphore, #tpu.memory_space<semaphore_mem>>) src(%dma_wait3A_236 : memref<100352x16xf32, #tpu.memory_space<hbm>>) dst(%dma_wait3A_230 : memref<128x16xf32, #tpu.memory_space<vmem>>)
      %dma_start3A_237 = arith.constant 2 : i32
      %dma_start3A_238 = arith.constant 2 : i32
      %dma_start3A_239 = arith.constant 0 : i32
      %dma_start3A_240 = arith.constant 0 : i32
      %dma_start3A_241 = tpu.memref_slice %arg8[%dma_start3A_237, %dma_start3A_239, %dma_start3A_240] : memref<10x128x16xf32, #tpu.memory_space<vmem>> -> memref<1x128x16xf32, #tpu.memory_space<vmem>>
      %dma_start3A_242 = tpu.memref_squeeze %dma_start3A_241 : memref<1x128x16xf32, #tpu.memory_space<vmem>> -> memref<128x16xf32, #tpu.memory_space<vmem>>
      %dma_start3A_243 = arith.constant 0 : i32
      %dma_start3A_244 = tpu.memref_slice %arg7[%dma_start3A_238, %dma_start3A_243] : memref<10x128xi32, #tpu.memory_space<vmem>> -> memref<1x128xi32, #tpu.memory_space<vmem>>
      %dma_start3A_245 = tpu.memref_squeeze %dma_start3A_244 : memref<1x128xi32, #tpu.memory_space<vmem>> -> memref<128xi32, #tpu.memory_space<vmem>>
      %dma_start3A_246 = arith.constant 0 : i32
      %dma_start3A_247 = arith.constant 0 : i32
      %dma_start3A_248 = tpu.memref_slice %arg9[%dma_start3A_246, %dma_start3A_247] : memref<100352x16xf32, #tpu.memory_space<vmem_shared>> -> memref<100352x16xf32, #tpu.memory_space<vmem_shared>>
      tpu.enqueue_indirect_dma source(%dma_start3A_242 : memref<128x16xf32, #tpu.memory_space<vmem>>) target(%dma_start3A_248 : memref<100352x16xf32, #tpu.memory_space<vmem_shared>>) offsets(%dma_start3A_245 : memref<128xi32, #tpu.memory_space<vmem>>) semaphore(%arg16 : memref<!tpu.dma_semaphore, #tpu.memory_space<semaphore_mem>>) {add = true}
      %dma_start3A_249 = arith.constant 3 : i32
      %dma_start3A_250 = arith.constant 3 : i32
      %dma_start3A_251 = arith.constant 0 : i32
      %dma_start3A_252 = arith.constant 0 : i32
      %dma_start3A_253 = tpu.memref_slice %arg8[%dma_start3A_249, %dma_start3A_251, %dma_start3A_252] : memref<10x128x16xf32, #tpu.memory_space<vmem>> -> memref<1x128x16xf32, #tpu.memory_space<vmem>>
      %dma_start3A_254 = tpu.memref_squeeze %dma_start3A_253 : memref<1x128x16xf32, #tpu.memory_space<vmem>> -> memref<128x16xf32, #tpu.memory_space<vmem>>
      %dma_start3A_255 = arith.constant 0 : i32
      %dma_start3A_256 = tpu.memref_slice %arg7[%dma_start3A_250, %dma_start3A_255] : memref<10x128xi32, #tpu.memory_space<vmem>> -> memref<1x128xi32, #tpu.memory_space<vmem>>
      %dma_start3A_257 = tpu.memref_squeeze %dma_start3A_256 : memref<1x128xi32, #tpu.memory_space<vmem>> -> memref<128xi32, #tpu.memory_space<vmem>>
      %dma_start3A_258 = arith.constant 0 : i32
      %dma_start3A_259 = arith.constant 0 : i32
      %dma_start3A_260 = tpu.memref_slice %arg9[%dma_start3A_258, %dma_start3A_259] : memref<100352x16xf32, #tpu.memory_space<vmem_shared>> -> memref<100352x16xf32, #tpu.memory_space<vmem_shared>>
      tpu.enqueue_indirect_dma source(%dma_start3A_254 : memref<128x16xf32, #tpu.memory_space<vmem>>) target(%dma_start3A_260 : memref<100352x16xf32, #tpu.memory_space<vmem_shared>>) offsets(%dma_start3A_257 : memref<128xi32, #tpu.memory_space<vmem>>) semaphore(%arg16 : memref<!tpu.dma_semaphore, #tpu.memory_space<semaphore_mem>>) {add = true}
      %dma_wait3A_261 = arith.constant 4 : i32
      %dma_wait3A_262 = arith.constant 4 : i32
      %dma_wait3A_263 = arith.constant 0 : i32
      %dma_wait3A_264 = arith.constant 0 : i32
      %dma_wait3A_265 = tpu.memref_slice %arg8[%dma_wait3A_262, %dma_wait3A_263, %dma_wait3A_264] : memref<10x128x16xf32, #tpu.memory_space<vmem>> -> memref<1x128x16xf32, #tpu.memory_space<vmem>>
      %dma_wait3A_266 = tpu.memref_squeeze %dma_wait3A_265 : memref<1x128x16xf32, #tpu.memory_space<vmem>> -> memref<128x16xf32, #tpu.memory_space<vmem>>
      %dma_wait3A_267 = arith.constant 0 : i32
      %dma_wait3A_268 = tpu.memref_slice %arg6[%dma_wait3A_261, %dma_wait3A_267] : memref<10x128xi32, #tpu.memory_space<vmem>> -> memref<1x128xi32, #tpu.memory_space<vmem>>
      %dma_wait3A_269 = tpu.memref_squeeze %dma_wait3A_268 : memref<1x128xi32, #tpu.memory_space<vmem>> -> memref<128xi32, #tpu.memory_space<vmem>>
      %dma_wait3A_270 = arith.constant 0 : i32
      %dma_wait3A_271 = arith.constant 0 : i32
      %dma_wait3A_272 = tpu.memref_slice %arg2[%dma_wait3A_270, %dma_wait3A_271] : memref<100352x16xf32, #tpu.memory_space<hbm>> -> memref<100352x16xf32, #tpu.memory_space<hbm>>
      tpu.wait_indirect_dma semaphore(%arg12 : memref<!tpu.dma_semaphore, #tpu.memory_space<semaphore_mem>>) src(%dma_wait3A_272 : memref<100352x16xf32, #tpu.memory_space<hbm>>) dst(%dma_wait3A_266 : memref<128x16xf32, #tpu.memory_space<vmem>>)
      %dma_wait3A_273 = arith.constant 5 : i32
      %dma_wait3A_274 = arith.constant 5 : i32
      %dma_wait3A_275 = arith.constant 0 : i32
      %dma_wait3A_276 = arith.constant 0 : i32
      %dma_wait3A_277 = tpu.memref_slice %arg8[%dma_wait3A_274, %dma_wait3A_275, %dma_wait3A_276] : memref<10x128x16xf32, #tpu.memory_space<vmem>> -> memref<1x128x16xf32, #tpu.memory_space<vmem>>
      %dma_wait3A_278 = tpu.memref_squeeze %dma_wait3A_277 : memref<1x128x16xf32, #tpu.memory_space<vmem>> -> memref<128x16xf32, #tpu.memory_space<vmem>>
      %dma_wait3A_279 = arith.constant 0 : i32
      %dma_wait3A_280 = tpu.memref_slice %arg6[%dma_wait3A_273, %dma_wait3A_279] : memref<10x128xi32, #tpu.memory_space<vmem>> -> memref<1x128xi32, #tpu.memory_space<vmem>>
      %dma_wait3A_281 = tpu.memref_squeeze %dma_wait3A_280 : memref<1x128xi32, #tpu.memory_space<vmem>> -> memref<128xi32, #tpu.memory_space<vmem>>
      %dma_wait3A_282 = arith.constant 0 : i32
      %dma_wait3A_283 = arith.constant 0 : i32
      %dma_wait3A_284 = tpu.memref_slice %arg2[%dma_wait3A_282, %dma_wait3A_283] : memref<100352x16xf32, #tpu.memory_space<hbm>> -> memref<100352x16xf32, #tpu.memory_space<hbm>>
      tpu.wait_indirect_dma semaphore(%arg12 : memref<!tpu.dma_semaphore, #tpu.memory_space<semaphore_mem>>) src(%dma_wait3A_284 : memref<100352x16xf32, #tpu.memory_space<hbm>>) dst(%dma_wait3A_278 : memref<128x16xf32, #tpu.memory_space<vmem>>)
      %dma_start3A_285 = arith.constant 4 : i32
      %dma_start3A_286 = arith.constant 4 : i32
      %dma_start3A_287 = arith.constant 0 : i32
      %dma_start3A_288 = arith.constant 0 : i32
      %dma_start3A_289 = tpu.memref_slice %arg8[%dma_start3A_285, %dma_start3A_287, %dma_start3A_288] : memref<10x128x16xf32, #tpu.memory_space<vmem>> -> memref<1x128x16xf32, #tpu.memory_space<vmem>>
      %dma_start3A_290 = tpu.memref_squeeze %dma_start3A_289 : memref<1x128x16xf32, #tpu.memory_space<vmem>> -> memref<128x16xf32, #tpu.memory_space<vmem>>
      %dma_start3A_291 = arith.constant 0 : i32
      %dma_start3A_292 = tpu.memref_slice %arg7[%dma_start3A_286, %dma_start3A_291] : memref<10x128xi32, #tpu.memory_space<vmem>> -> memref<1x128xi32, #tpu.memory_space<vmem>>
      %dma_start3A_293 = tpu.memref_squeeze %dma_start3A_292 : memref<1x128xi32, #tpu.memory_space<vmem>> -> memref<128xi32, #tpu.memory_space<vmem>>
      %dma_start3A_294 = arith.constant 0 : i32
      %dma_start3A_295 = arith.constant 0 : i32
      %dma_start3A_296 = tpu.memref_slice %arg9[%dma_start3A_294, %dma_start3A_295] : memref<100352x16xf32, #tpu.memory_space<vmem_shared>> -> memref<100352x16xf32, #tpu.memory_space<vmem_shared>>
      tpu.enqueue_indirect_dma source(%dma_start3A_290 : memref<128x16xf32, #tpu.memory_space<vmem>>) target(%dma_start3A_296 : memref<100352x16xf32, #tpu.memory_space<vmem_shared>>) offsets(%dma_start3A_293 : memref<128xi32, #tpu.memory_space<vmem>>) semaphore(%arg17 : memref<!tpu.dma_semaphore, #tpu.memory_space<semaphore_mem>>) {add = true}
      %dma_start3A_297 = arith.constant 5 : i32
      %dma_start3A_298 = arith.constant 5 : i32
      %dma_start3A_299 = arith.constant 0 : i32
      %dma_start3A_300 = arith.constant 0 : i32
      %dma_start3A_301 = tpu.memref_slice %arg8[%dma_start3A_297, %dma_start3A_299, %dma_start3A_300] : memref<10x128x16xf32, #tpu.memory_space<vmem>> -> memref<1x128x16xf32, #tpu.memory_space<vmem>>
      %dma_start3A_302 = tpu.memref_squeeze %dma_start3A_301 : memref<1x128x16xf32, #tpu.memory_space<vmem>> -> memref<128x16xf32, #tpu.memory_space<vmem>>
      %dma_start3A_303 = arith.constant 0 : i32
      %dma_start3A_304 = tpu.memref_slice %arg7[%dma_start3A_298, %dma_start3A_303] : memref<10x128xi32, #tpu.memory_space<vmem>> -> memref<1x128xi32, #tpu.memory_space<vmem>>
      %dma_start3A_305 = tpu.memref_squeeze %dma_start3A_304 : memref<1x128xi32, #tpu.memory_space<vmem>> -> memref<128xi32, #tpu.memory_space<vmem>>
      %dma_start3A_306 = arith.constant 0 : i32
      %dma_start3A_307 = arith.constant 0 : i32
      %dma_start3A_308 = tpu.memref_slice %arg9[%dma_start3A_306, %dma_start3A_307] : memref<100352x16xf32, #tpu.memory_space<vmem_shared>> -> memref<100352x16xf32, #tpu.memory_space<vmem_shared>>
      tpu.enqueue_indirect_dma source(%dma_start3A_302 : memref<128x16xf32, #tpu.memory_space<vmem>>) target(%dma_start3A_308 : memref<100352x16xf32, #tpu.memory_space<vmem_shared>>) offsets(%dma_start3A_305 : memref<128xi32, #tpu.memory_space<vmem>>) semaphore(%arg17 : memref<!tpu.dma_semaphore, #tpu.memory_space<semaphore_mem>>) {add = true}
      %dma_wait3A_309 = arith.constant 6 : i32
      %dma_wait3A_310 = arith.constant 6 : i32
      %dma_wait3A_311 = arith.constant 0 : i32
      %dma_wait3A_312 = arith.constant 0 : i32
      %dma_wait3A_313 = tpu.memref_slice %arg8[%dma_wait3A_310, %dma_wait3A_311, %dma_wait3A_312] : memref<10x128x16xf32, #tpu.memory_space<vmem>> -> memref<1x128x16xf32, #tpu.memory_space<vmem>>
      %dma_wait3A_314 = tpu.memref_squeeze %dma_wait3A_313 : memref<1x128x16xf32, #tpu.memory_space<vmem>> -> memref<128x16xf32, #tpu.memory_space<vmem>>
      %dma_wait3A_315 = arith.constant 0 : i32
      %dma_wait3A_316 = tpu.memref_slice %arg6[%dma_wait3A_309, %dma_wait3A_315] : memref<10x128xi32, #tpu.memory_space<vmem>> -> memref<1x128xi32, #tpu.memory_space<vmem>>
      %dma_wait3A_317 = tpu.memref_squeeze %dma_wait3A_316 : memref<1x128xi32, #tpu.memory_space<vmem>> -> memref<128xi32, #tpu.memory_space<vmem>>
      %dma_wait3A_318 = arith.constant 0 : i32
      %dma_wait3A_319 = arith.constant 0 : i32
      %dma_wait3A_320 = tpu.memref_slice %arg2[%dma_wait3A_318, %dma_wait3A_319] : memref<100352x16xf32, #tpu.memory_space<hbm>> -> memref<100352x16xf32, #tpu.memory_space<hbm>>
      tpu.wait_indirect_dma semaphore(%arg13 : memref<!tpu.dma_semaphore, #tpu.memory_space<semaphore_mem>>) src(%dma_wait3A_320 : memref<100352x16xf32, #tpu.memory_space<hbm>>) dst(%dma_wait3A_314 : memref<128x16xf32, #tpu.memory_space<vmem>>)
      %dma_wait3A_321 = arith.constant 7 : i32
      %dma_wait3A_322 = arith.constant 7 : i32
      %dma_wait3A_323 = arith.constant 0 : i32
      %dma_wait3A_324 = arith.constant 0 : i32
      %dma_wait3A_325 = tpu.memref_slice %arg8[%dma_wait3A_322, %dma_wait3A_323, %dma_wait3A_324] : memref<10x128x16xf32, #tpu.memory_space<vmem>> -> memref<1x128x16xf32, #tpu.memory_space<vmem>>
      %dma_wait3A_326 = tpu.memref_squeeze %dma_wait3A_325 : memref<1x128x16xf32, #tpu.memory_space<vmem>> -> memref<128x16xf32, #tpu.memory_space<vmem>>
      %dma_wait3A_327 = arith.constant 0 : i32
      %dma_wait3A_328 = tpu.memref_slice %arg6[%dma_wait3A_321, %dma_wait3A_327] : memref<10x128xi32, #tpu.memory_space<vmem>> -> memref<1x128xi32, #tpu.memory_space<vmem>>
      %dma_wait3A_329 = tpu.memref_squeeze %dma_wait3A_328 : memref<1x128xi32, #tpu.memory_space<vmem>> -> memref<128xi32, #tpu.memory_space<vmem>>
      %dma_wait3A_330 = arith.constant 0 : i32
      %dma_wait3A_331 = arith.constant 0 : i32
      %dma_wait3A_332 = tpu.memref_slice %arg2[%dma_wait3A_330, %dma_wait3A_331] : memref<100352x16xf32, #tpu.memory_space<hbm>> -> memref<100352x16xf32, #tpu.memory_space<hbm>>
      tpu.wait_indirect_dma semaphore(%arg13 : memref<!tpu.dma_semaphore, #tpu.memory_space<semaphore_mem>>) src(%dma_wait3A_332 : memref<100352x16xf32, #tpu.memory_space<hbm>>) dst(%dma_wait3A_326 : memref<128x16xf32, #tpu.memory_space<vmem>>)
      %dma_start3A_333 = arith.constant 6 : i32
      %dma_start3A_334 = arith.constant 6 : i32
      %dma_start3A_335 = arith.constant 0 : i32
      %dma_start3A_336 = arith.constant 0 : i32
      %dma_start3A_337 = tpu.memref_slice %arg8[%dma_start3A_333, %dma_start3A_335, %dma_start3A_336] : memref<10x128x16xf32, #tpu.memory_space<vmem>> -> memref<1x128x16xf32, #tpu.memory_space<vmem>>
      %dma_start3A_338 = tpu.memref_squeeze %dma_start3A_337 : memref<1x128x16xf32, #tpu.memory_space<vmem>> -> memref<128x16xf32, #tpu.memory_space<vmem>>
      %dma_start3A_339 = arith.constant 0 : i32
      %dma_start3A_340 = tpu.memref_slice %arg7[%dma_start3A_334, %dma_start3A_339] : memref<10x128xi32, #tpu.memory_space<vmem>> -> memref<1x128xi32, #tpu.memory_space<vmem>>
      %dma_start3A_341 = tpu.memref_squeeze %dma_start3A_340 : memref<1x128xi32, #tpu.memory_space<vmem>> -> memref<128xi32, #tpu.memory_space<vmem>>
      %dma_start3A_342 = arith.constant 0 : i32
      %dma_start3A_343 = arith.constant 0 : i32
      %dma_start3A_344 = tpu.memref_slice %arg9[%dma_start3A_342, %dma_start3A_343] : memref<100352x16xf32, #tpu.memory_space<vmem_shared>> -> memref<100352x16xf32, #tpu.memory_space<vmem_shared>>
      tpu.enqueue_indirect_dma source(%dma_start3A_338 : memref<128x16xf32, #tpu.memory_space<vmem>>) target(%dma_start3A_344 : memref<100352x16xf32, #tpu.memory_space<vmem_shared>>) offsets(%dma_start3A_341 : memref<128xi32, #tpu.memory_space<vmem>>) semaphore(%arg18 : memref<!tpu.dma_semaphore, #tpu.memory_space<semaphore_mem>>) {add = true}
      %dma_start3A_345 = arith.constant 7 : i32
      %dma_start3A_346 = arith.constant 7 : i32
      %dma_start3A_347 = arith.constant 0 : i32
      %dma_start3A_348 = arith.constant 0 : i32
      %dma_start3A_349 = tpu.memref_slice %arg8[%dma_start3A_345, %dma_start3A_347, %dma_start3A_348] : memref<10x128x16xf32, #tpu.memory_space<vmem>> -> memref<1x128x16xf32, #tpu.memory_space<vmem>>
      %dma_start3A_350 = tpu.memref_squeeze %dma_start3A_349 : memref<1x128x16xf32, #tpu.memory_space<vmem>> -> memref<128x16xf32, #tpu.memory_space<vmem>>
      %dma_start3A_351 = arith.constant 0 : i32
      %dma_start3A_352 = tpu.memref_slice %arg7[%dma_start3A_346, %dma_start3A_351] : memref<10x128xi32, #tpu.memory_space<vmem>> -> memref<1x128xi32, #tpu.memory_space<vmem>>
      %dma_start3A_353 = tpu.memref_squeeze %dma_start3A_352 : memref<1x128xi32, #tpu.memory_space<vmem>> -> memref<128xi32, #tpu.memory_space<vmem>>
      %dma_start3A_354 = arith.constant 0 : i32
      %dma_start3A_355 = arith.constant 0 : i32
      %dma_start3A_356 = tpu.memref_slice %arg9[%dma_start3A_354, %dma_start3A_355] : memref<100352x16xf32, #tpu.memory_space<vmem_shared>> -> memref<100352x16xf32, #tpu.memory_space<vmem_shared>>
      tpu.enqueue_indirect_dma source(%dma_start3A_350 : memref<128x16xf32, #tpu.memory_space<vmem>>) target(%dma_start3A_356 : memref<100352x16xf32, #tpu.memory_space<vmem_shared>>) offsets(%dma_start3A_353 : memref<128xi32, #tpu.memory_space<vmem>>) semaphore(%arg18 : memref<!tpu.dma_semaphore, #tpu.memory_space<semaphore_mem>>) {add = true}
      %dma_wait3A_357 = arith.constant 8 : i32
      %dma_wait3A_358 = arith.constant 8 : i32
      %dma_wait3A_359 = arith.constant 0 : i32
      %dma_wait3A_360 = arith.constant 0 : i32
      %dma_wait3A_361 = tpu.memref_slice %arg8[%dma_wait3A_358, %dma_wait3A_359, %dma_wait3A_360] : memref<10x128x16xf32, #tpu.memory_space<vmem>> -> memref<1x128x16xf32, #tpu.memory_space<vmem>>
      %dma_wait3A_362 = tpu.memref_squeeze %dma_wait3A_361 : memref<1x128x16xf32, #tpu.memory_space<vmem>> -> memref<128x16xf32, #tpu.memory_space<vmem>>
      %dma_wait3A_363 = arith.constant 0 : i32
      %dma_wait3A_364 = tpu.memref_slice %arg6[%dma_wait3A_357, %dma_wait3A_363] : memref<10x128xi32, #tpu.memory_space<vmem>> -> memref<1x128xi32, #tpu.memory_space<vmem>>
      %dma_wait3A_365 = tpu.memref_squeeze %dma_wait3A_364 : memref<1x128xi32, #tpu.memory_space<vmem>> -> memref<128xi32, #tpu.memory_space<vmem>>
      %dma_wait3A_366 = arith.constant 0 : i32
      %dma_wait3A_367 = arith.constant 0 : i32
      %dma_wait3A_368 = tpu.memref_slice %arg2[%dma_wait3A_366, %dma_wait3A_367] : memref<100352x16xf32, #tpu.memory_space<hbm>> -> memref<100352x16xf32, #tpu.memory_space<hbm>>
      tpu.wait_indirect_dma semaphore(%arg14 : memref<!tpu.dma_semaphore, #tpu.memory_space<semaphore_mem>>) src(%dma_wait3A_368 : memref<100352x16xf32, #tpu.memory_space<hbm>>) dst(%dma_wait3A_362 : memref<128x16xf32, #tpu.memory_space<vmem>>)
      %dma_wait3A_369 = arith.constant 9 : i32
      %dma_wait3A_370 = arith.constant 9 : i32
      %dma_wait3A_371 = arith.constant 0 : i32
      %dma_wait3A_372 = arith.constant 0 : i32
      %dma_wait3A_373 = tpu.memref_slice %arg8[%dma_wait3A_370, %dma_wait3A_371, %dma_wait3A_372] : memref<10x128x16xf32, #tpu.memory_space<vmem>> -> memref<1x128x16xf32, #tpu.memory_space<vmem>>
      %dma_wait3A_374 = tpu.memref_squeeze %dma_wait3A_373 : memref<1x128x16xf32, #tpu.memory_space<vmem>> -> memref<128x16xf32, #tpu.memory_space<vmem>>
      %dma_wait3A_375 = arith.constant 0 : i32
      %dma_wait3A_376 = tpu.memref_slice %arg6[%dma_wait3A_369, %dma_wait3A_375] : memref<10x128xi32, #tpu.memory_space<vmem>> -> memref<1x128xi32, #tpu.memory_space<vmem>>
      %dma_wait3A_377 = tpu.memref_squeeze %dma_wait3A_376 : memref<1x128xi32, #tpu.memory_space<vmem>> -> memref<128xi32, #tpu.memory_space<vmem>>
      %dma_wait3A_378 = arith.constant 0 : i32
      %dma_wait3A_379 = arith.constant 0 : i32
      %dma_wait3A_380 = tpu.memref_slice %arg2[%dma_wait3A_378, %dma_wait3A_379] : memref<100352x16xf32, #tpu.memory_space<hbm>> -> memref<100352x16xf32, #tpu.memory_space<hbm>>
      tpu.wait_indirect_dma semaphore(%arg14 : memref<!tpu.dma_semaphore, #tpu.memory_space<semaphore_mem>>) src(%dma_wait3A_380 : memref<100352x16xf32, #tpu.memory_space<hbm>>) dst(%dma_wait3A_374 : memref<128x16xf32, #tpu.memory_space<vmem>>)
      %dma_start3A_381 = arith.constant 8 : i32
      %dma_start3A_382 = arith.constant 8 : i32
      %dma_start3A_383 = arith.constant 0 : i32
      %dma_start3A_384 = arith.constant 0 : i32
      %dma_start3A_385 = tpu.memref_slice %arg8[%dma_start3A_381, %dma_start3A_383, %dma_start3A_384] : memref<10x128x16xf32, #tpu.memory_space<vmem>> -> memref<1x128x16xf32, #tpu.memory_space<vmem>>
      %dma_start3A_386 = tpu.memref_squeeze %dma_start3A_385 : memref<1x128x16xf32, #tpu.memory_space<vmem>> -> memref<128x16xf32, #tpu.memory_space<vmem>>
      %dma_start3A_387 = arith.constant 0 : i32
      %dma_start3A_388 = tpu.memref_slice %arg7[%dma_start3A_382, %dma_start3A_387] : memref<10x128xi32, #tpu.memory_space<vmem>> -> memref<1x128xi32, #tpu.memory_space<vmem>>
      %dma_start3A_389 = tpu.memref_squeeze %dma_start3A_388 : memref<1x128xi32, #tpu.memory_space<vmem>> -> memref<128xi32, #tpu.memory_space<vmem>>
      %dma_start3A_390 = arith.constant 0 : i32
      %dma_start3A_391 = arith.constant 0 : i32
      %dma_start3A_392 = tpu.memref_slice %arg9[%dma_start3A_390, %dma_start3A_391] : memref<100352x16xf32, #tpu.memory_space<vmem_shared>> -> memref<100352x16xf32, #tpu.memory_space<vmem_shared>>
      tpu.enqueue_indirect_dma source(%dma_start3A_386 : memref<128x16xf32, #tpu.memory_space<vmem>>) target(%dma_start3A_392 : memref<100352x16xf32, #tpu.memory_space<vmem_shared>>) offsets(%dma_start3A_389 : memref<128xi32, #tpu.memory_space<vmem>>) semaphore(%arg19 : memref<!tpu.dma_semaphore, #tpu.memory_space<semaphore_mem>>) {add = true}
      %dma_start3A_393 = arith.constant 9 : i32
      %dma_start3A_394 = arith.constant 9 : i32
      %dma_start3A_395 = arith.constant 0 : i32
      %dma_start3A_396 = arith.constant 0 : i32
      %dma_start3A_397 = tpu.memref_slice %arg8[%dma_start3A_393, %dma_start3A_395, %dma_start3A_396] : memref<10x128x16xf32, #tpu.memory_space<vmem>> -> memref<1x128x16xf32, #tpu.memory_space<vmem>>
      %dma_start3A_398 = tpu.memref_squeeze %dma_start3A_397 : memref<1x128x16xf32, #tpu.memory_space<vmem>> -> memref<128x16xf32, #tpu.memory_space<vmem>>
      %dma_start3A_399 = arith.constant 0 : i32
      %dma_start3A_400 = tpu.memref_slice %arg7[%dma_start3A_394, %dma_start3A_399] : memref<10x128xi32, #tpu.memory_space<vmem>> -> memref<1x128xi32, #tpu.memory_space<vmem>>
      %dma_start3A_401 = tpu.memref_squeeze %dma_start3A_400 : memref<1x128xi32, #tpu.memory_space<vmem>> -> memref<128xi32, #tpu.memory_space<vmem>>
      %dma_start3A_402 = arith.constant 0 : i32
      %dma_start3A_403 = arith.constant 0 : i32
      %dma_start3A_404 = tpu.memref_slice %arg9[%dma_start3A_402, %dma_start3A_403] : memref<100352x16xf32, #tpu.memory_space<vmem_shared>> -> memref<100352x16xf32, #tpu.memory_space<vmem_shared>>
      tpu.enqueue_indirect_dma source(%dma_start3A_398 : memref<128x16xf32, #tpu.memory_space<vmem>>) target(%dma_start3A_404 : memref<100352x16xf32, #tpu.memory_space<vmem_shared>>) offsets(%dma_start3A_401 : memref<128xi32, #tpu.memory_space<vmem>>) semaphore(%arg19 : memref<!tpu.dma_semaphore, #tpu.memory_space<semaphore_mem>>) {add = true}
      %dma_wait3A_405 = arith.constant 0 : i32
      %dma_wait3A_406 = arith.constant 0 : i32
      %dma_wait3A_407 = arith.constant 0 : i32
      %dma_wait3A_408 = arith.constant 0 : i32
      %dma_wait3A_409 = tpu.memref_slice %arg8[%dma_wait3A_405, %dma_wait3A_407, %dma_wait3A_408] : memref<10x128x16xf32, #tpu.memory_space<vmem>> -> memref<1x128x16xf32, #tpu.memory_space<vmem>>
      %dma_wait3A_410 = tpu.memref_squeeze %dma_wait3A_409 : memref<1x128x16xf32, #tpu.memory_space<vmem>> -> memref<128x16xf32, #tpu.memory_space<vmem>>
      %dma_wait3A_411 = arith.constant 0 : i32
      %dma_wait3A_412 = tpu.memref_slice %arg7[%dma_wait3A_406, %dma_wait3A_411] : memref<10x128xi32, #tpu.memory_space<vmem>> -> memref<1x128xi32, #tpu.memory_space<vmem>>
      %dma_wait3A_413 = tpu.memref_squeeze %dma_wait3A_412 : memref<1x128xi32, #tpu.memory_space<vmem>> -> memref<128xi32, #tpu.memory_space<vmem>>
      %dma_wait3A_414 = arith.constant 0 : i32
      %dma_wait3A_415 = arith.constant 0 : i32
      %dma_wait3A_416 = tpu.memref_slice %arg9[%dma_wait3A_414, %dma_wait3A_415] : memref<100352x16xf32, #tpu.memory_space<vmem_shared>> -> memref<100352x16xf32, #tpu.memory_space<vmem_shared>>
      tpu.wait_indirect_dma semaphore(%arg15 : memref<!tpu.dma_semaphore, #tpu.memory_space<semaphore_mem>>) src(%dma_wait3A_410 : memref<128x16xf32, #tpu.memory_space<vmem>>) dst(%dma_wait3A_416 : memref<100352x16xf32, #tpu.memory_space<vmem_shared>>)
      %dma_wait3A_417 = arith.constant 1 : i32
      %dma_wait3A_418 = arith.constant 1 : i32
      %dma_wait3A_419 = arith.constant 0 : i32
      %dma_wait3A_420 = arith.constant 0 : i32
      %dma_wait3A_421 = tpu.memref_slice %arg8[%dma_wait3A_417, %dma_wait3A_419, %dma_wait3A_420] : memref<10x128x16xf32, #tpu.memory_space<vmem>> -> memref<1x128x16xf32, #tpu.memory_space<vmem>>
      %dma_wait3A_422 = tpu.memref_squeeze %dma_wait3A_421 : memref<1x128x16xf32, #tpu.memory_space<vmem>> -> memref<128x16xf32, #tpu.memory_space<vmem>>
      %dma_wait3A_423 = arith.constant 0 : i32
      %dma_wait3A_424 = tpu.memref_slice %arg7[%dma_wait3A_418, %dma_wait3A_423] : memref<10x128xi32, #tpu.memory_space<vmem>> -> memref<1x128xi32, #tpu.memory_space<vmem>>
      %dma_wait3A_425 = tpu.memref_squeeze %dma_wait3A_424 : memref<1x128xi32, #tpu.memory_space<vmem>> -> memref<128xi32, #tpu.memory_space<vmem>>
      %dma_wait3A_426 = arith.constant 0 : i32
      %dma_wait3A_427 = arith.constant 0 : i32
      %dma_wait3A_428 = tpu.memref_slice %arg9[%dma_wait3A_426, %dma_wait3A_427] : memref<100352x16xf32, #tpu.memory_space<vmem_shared>> -> memref<100352x16xf32, #tpu.memory_space<vmem_shared>>
      tpu.wait_indirect_dma semaphore(%arg15 : memref<!tpu.dma_semaphore, #tpu.memory_space<semaphore_mem>>) src(%dma_wait3A_422 : memref<128x16xf32, #tpu.memory_space<vmem>>) dst(%dma_wait3A_428 : memref<100352x16xf32, #tpu.memory_space<vmem_shared>>)
      %dma_wait3A_429 = arith.constant 2 : i32
      %dma_wait3A_430 = arith.constant 2 : i32
      %dma_wait3A_431 = arith.constant 0 : i32
      %dma_wait3A_432 = arith.constant 0 : i32
      %dma_wait3A_433 = tpu.memref_slice %arg8[%dma_wait3A_429, %dma_wait3A_431, %dma_wait3A_432] : memref<10x128x16xf32, #tpu.memory_space<vmem>> -> memref<1x128x16xf32, #tpu.memory_space<vmem>>
      %dma_wait3A_434 = tpu.memref_squeeze %dma_wait3A_433 : memref<1x128x16xf32, #tpu.memory_space<vmem>> -> memref<128x16xf32, #tpu.memory_space<vmem>>
      %dma_wait3A_435 = arith.constant 0 : i32
      %dma_wait3A_436 = tpu.memref_slice %arg7[%dma_wait3A_430, %dma_wait3A_435] : memref<10x128xi32, #tpu.memory_space<vmem>> -> memref<1x128xi32, #tpu.memory_space<vmem>>
      %dma_wait3A_437 = tpu.memref_squeeze %dma_wait3A_436 : memref<1x128xi32, #tpu.memory_space<vmem>> -> memref<128xi32, #tpu.memory_space<vmem>>
      %dma_wait3A_438 = arith.constant 0 : i32
      %dma_wait3A_439 = arith.constant 0 : i32
      %dma_wait3A_440 = tpu.memref_slice %arg9[%dma_wait3A_438, %dma_wait3A_439] : memref<100352x16xf32, #tpu.memory_space<vmem_shared>> -> memref<100352x16xf32, #tpu.memory_space<vmem_shared>>
      tpu.wait_indirect_dma semaphore(%arg16 : memref<!tpu.dma_semaphore, #tpu.memory_space<semaphore_mem>>) src(%dma_wait3A_434 : memref<128x16xf32, #tpu.memory_space<vmem>>) dst(%dma_wait3A_440 : memref<100352x16xf32, #tpu.memory_space<vmem_shared>>)
      %dma_wait3A_441 = arith.constant 3 : i32
      %dma_wait3A_442 = arith.constant 3 : i32
      %dma_wait3A_443 = arith.constant 0 : i32
      %dma_wait3A_444 = arith.constant 0 : i32
      %dma_wait3A_445 = tpu.memref_slice %arg8[%dma_wait3A_441, %dma_wait3A_443, %dma_wait3A_444] : memref<10x128x16xf32, #tpu.memory_space<vmem>> -> memref<1x128x16xf32, #tpu.memory_space<vmem>>
      %dma_wait3A_446 = tpu.memref_squeeze %dma_wait3A_445 : memref<1x128x16xf32, #tpu.memory_space<vmem>> -> memref<128x16xf32, #tpu.memory_space<vmem>>
      %dma_wait3A_447 = arith.constant 0 : i32
      %dma_wait3A_448 = tpu.memref_slice %arg7[%dma_wait3A_442, %dma_wait3A_447] : memref<10x128xi32, #tpu.memory_space<vmem>> -> memref<1x128xi32, #tpu.memory_space<vmem>>
      %dma_wait3A_449 = tpu.memref_squeeze %dma_wait3A_448 : memref<1x128xi32, #tpu.memory_space<vmem>> -> memref<128xi32, #tpu.memory_space<vmem>>
      %dma_wait3A_450 = arith.constant 0 : i32
      %dma_wait3A_451 = arith.constant 0 : i32
      %dma_wait3A_452 = tpu.memref_slice %arg9[%dma_wait3A_450, %dma_wait3A_451] : memref<100352x16xf32, #tpu.memory_space<vmem_shared>> -> memref<100352x16xf32, #tpu.memory_space<vmem_shared>>
      tpu.wait_indirect_dma semaphore(%arg16 : memref<!tpu.dma_semaphore, #tpu.memory_space<semaphore_mem>>) src(%dma_wait3A_446 : memref<128x16xf32, #tpu.memory_space<vmem>>) dst(%dma_wait3A_452 : memref<100352x16xf32, #tpu.memory_space<vmem_shared>>)
      %dma_wait3A_453 = arith.constant 4 : i32
      %dma_wait3A_454 = arith.constant 4 : i32
      %dma_wait3A_455 = arith.constant 0 : i32
      %dma_wait3A_456 = arith.constant 0 : i32
      %dma_wait3A_457 = tpu.memref_slice %arg8[%dma_wait3A_453, %dma_wait3A_455, %dma_wait3A_456] : memref<10x128x16xf32, #tpu.memory_space<vmem>> -> memref<1x128x16xf32, #tpu.memory_space<vmem>>
      %dma_wait3A_458 = tpu.memref_squeeze %dma_wait3A_457 : memref<1x128x16xf32, #tpu.memory_space<vmem>> -> memref<128x16xf32, #tpu.memory_space<vmem>>
      %dma_wait3A_459 = arith.constant 0 : i32
      %dma_wait3A_460 = tpu.memref_slice %arg7[%dma_wait3A_454, %dma_wait3A_459] : memref<10x128xi32, #tpu.memory_space<vmem>> -> memref<1x128xi32, #tpu.memory_space<vmem>>
      %dma_wait3A_461 = tpu.memref_squeeze %dma_wait3A_460 : memref<1x128xi32, #tpu.memory_space<vmem>> -> memref<128xi32, #tpu.memory_space<vmem>>
      %dma_wait3A_462 = arith.constant 0 : i32
      %dma_wait3A_463 = arith.constant 0 : i32
      %dma_wait3A_464 = tpu.memref_slice %arg9[%dma_wait3A_462, %dma_wait3A_463] : memref<100352x16xf32, #tpu.memory_space<vmem_shared>> -> memref<100352x16xf32, #tpu.memory_space<vmem_shared>>
      tpu.wait_indirect_dma semaphore(%arg17 : memref<!tpu.dma_semaphore, #tpu.memory_space<semaphore_mem>>) src(%dma_wait3A_458 : memref<128x16xf32, #tpu.memory_space<vmem>>) dst(%dma_wait3A_464 : memref<100352x16xf32, #tpu.memory_space<vmem_shared>>)
      %dma_wait3A_465 = arith.constant 5 : i32
      %dma_wait3A_466 = arith.constant 5 : i32
      %dma_wait3A_467 = arith.constant 0 : i32
      %dma_wait3A_468 = arith.constant 0 : i32
      %dma_wait3A_469 = tpu.memref_slice %arg8[%dma_wait3A_465, %dma_wait3A_467, %dma_wait3A_468] : memref<10x128x16xf32, #tpu.memory_space<vmem>> -> memref<1x128x16xf32, #tpu.memory_space<vmem>>
      %dma_wait3A_470 = tpu.memref_squeeze %dma_wait3A_469 : memref<1x128x16xf32, #tpu.memory_space<vmem>> -> memref<128x16xf32, #tpu.memory_space<vmem>>
      %dma_wait3A_471 = arith.constant 0 : i32
      %dma_wait3A_472 = tpu.memref_slice %arg7[%dma_wait3A_466, %dma_wait3A_471] : memref<10x128xi32, #tpu.memory_space<vmem>> -> memref<1x128xi32, #tpu.memory_space<vmem>>
      %dma_wait3A_473 = tpu.memref_squeeze %dma_wait3A_472 : memref<1x128xi32, #tpu.memory_space<vmem>> -> memref<128xi32, #tpu.memory_space<vmem>>
      %dma_wait3A_474 = arith.constant 0 : i32
      %dma_wait3A_475 = arith.constant 0 : i32
      %dma_wait3A_476 = tpu.memref_slice %arg9[%dma_wait3A_474, %dma_wait3A_475] : memref<100352x16xf32, #tpu.memory_space<vmem_shared>> -> memref<100352x16xf32, #tpu.memory_space<vmem_shared>>
      tpu.wait_indirect_dma semaphore(%arg17 : memref<!tpu.dma_semaphore, #tpu.memory_space<semaphore_mem>>) src(%dma_wait3A_470 : memref<128x16xf32, #tpu.memory_space<vmem>>) dst(%dma_wait3A_476 : memref<100352x16xf32, #tpu.memory_space<vmem_shared>>)
      %dma_wait3A_477 = arith.constant 6 : i32
      %dma_wait3A_478 = arith.constant 6 : i32
      %dma_wait3A_479 = arith.constant 0 : i32
      %dma_wait3A_480 = arith.constant 0 : i32
      %dma_wait3A_481 = tpu.memref_slice %arg8[%dma_wait3A_477, %dma_wait3A_479, %dma_wait3A_480] : memref<10x128x16xf32, #tpu.memory_space<vmem>> -> memref<1x128x16xf32, #tpu.memory_space<vmem>>
      %dma_wait3A_482 = tpu.memref_squeeze %dma_wait3A_481 : memref<1x128x16xf32, #tpu.memory_space<vmem>> -> memref<128x16xf32, #tpu.memory_space<vmem>>
      %dma_wait3A_483 = arith.constant 0 : i32
      %dma_wait3A_484 = tpu.memref_slice %arg7[%dma_wait3A_478, %dma_wait3A_483] : memref<10x128xi32, #tpu.memory_space<vmem>> -> memref<1x128xi32, #tpu.memory_space<vmem>>
      %dma_wait3A_485 = tpu.memref_squeeze %dma_wait3A_484 : memref<1x128xi32, #tpu.memory_space<vmem>> -> memref<128xi32, #tpu.memory_space<vmem>>
      %dma_wait3A_486 = arith.constant 0 : i32
      %dma_wait3A_487 = arith.constant 0 : i32
      %dma_wait3A_488 = tpu.memref_slice %arg9[%dma_wait3A_486, %dma_wait3A_487] : memref<100352x16xf32, #tpu.memory_space<vmem_shared>> -> memref<100352x16xf32, #tpu.memory_space<vmem_shared>>
      tpu.wait_indirect_dma semaphore(%arg18 : memref<!tpu.dma_semaphore, #tpu.memory_space<semaphore_mem>>) src(%dma_wait3A_482 : memref<128x16xf32, #tpu.memory_space<vmem>>) dst(%dma_wait3A_488 : memref<100352x16xf32, #tpu.memory_space<vmem_shared>>)
      %dma_wait3A_489 = arith.constant 7 : i32
      %dma_wait3A_490 = arith.constant 7 : i32
      %dma_wait3A_491 = arith.constant 0 : i32
      %dma_wait3A_492 = arith.constant 0 : i32
      %dma_wait3A_493 = tpu.memref_slice %arg8[%dma_wait3A_489, %dma_wait3A_491, %dma_wait3A_492] : memref<10x128x16xf32, #tpu.memory_space<vmem>> -> memref<1x128x16xf32, #tpu.memory_space<vmem>>
      %dma_wait3A_494 = tpu.memref_squeeze %dma_wait3A_493 : memref<1x128x16xf32, #tpu.memory_space<vmem>> -> memref<128x16xf32, #tpu.memory_space<vmem>>
      %dma_wait3A_495 = arith.constant 0 : i32
      %dma_wait3A_496 = tpu.memref_slice %arg7[%dma_wait3A_490, %dma_wait3A_495] : memref<10x128xi32, #tpu.memory_space<vmem>> -> memref<1x128xi32, #tpu.memory_space<vmem>>
      %dma_wait3A_497 = tpu.memref_squeeze %dma_wait3A_496 : memref<1x128xi32, #tpu.memory_space<vmem>> -> memref<128xi32, #tpu.memory_space<vmem>>
      %dma_wait3A_498 = arith.constant 0 : i32
      %dma_wait3A_499 = arith.constant 0 : i32
      %dma_wait3A_500 = tpu.memref_slice %arg9[%dma_wait3A_498, %dma_wait3A_499] : memref<100352x16xf32, #tpu.memory_space<vmem_shared>> -> memref<100352x16xf32, #tpu.memory_space<vmem_shared>>
      tpu.wait_indirect_dma semaphore(%arg18 : memref<!tpu.dma_semaphore, #tpu.memory_space<semaphore_mem>>) src(%dma_wait3A_494 : memref<128x16xf32, #tpu.memory_space<vmem>>) dst(%dma_wait3A_500 : memref<100352x16xf32, #tpu.memory_space<vmem_shared>>)
      %dma_wait3A_501 = arith.constant 8 : i32
      %dma_wait3A_502 = arith.constant 8 : i32
      %dma_wait3A_503 = arith.constant 0 : i32
      %dma_wait3A_504 = arith.constant 0 : i32
      %dma_wait3A_505 = tpu.memref_slice %arg8[%dma_wait3A_501, %dma_wait3A_503, %dma_wait3A_504] : memref<10x128x16xf32, #tpu.memory_space<vmem>> -> memref<1x128x16xf32, #tpu.memory_space<vmem>>
      %dma_wait3A_506 = tpu.memref_squeeze %dma_wait3A_505 : memref<1x128x16xf32, #tpu.memory_space<vmem>> -> memref<128x16xf32, #tpu.memory_space<vmem>>
      %dma_wait3A_507 = arith.constant 0 : i32
      %dma_wait3A_508 = tpu.memref_slice %arg7[%dma_wait3A_502, %dma_wait3A_507] : memref<10x128xi32, #tpu.memory_space<vmem>> -> memref<1x128xi32, #tpu.memory_space<vmem>>
      %dma_wait3A_509 = tpu.memref_squeeze %dma_wait3A_508 : memref<1x128xi32, #tpu.memory_space<vmem>> -> memref<128xi32, #tpu.memory_space<vmem>>
      %dma_wait3A_510 = arith.constant 0 : i32
      %dma_wait3A_511 = arith.constant 0 : i32
      %dma_wait3A_512 = tpu.memref_slice %arg9[%dma_wait3A_510, %dma_wait3A_511] : memref<100352x16xf32, #tpu.memory_space<vmem_shared>> -> memref<100352x16xf32, #tpu.memory_space<vmem_shared>>
      tpu.wait_indirect_dma semaphore(%arg19 : memref<!tpu.dma_semaphore, #tpu.memory_space<semaphore_mem>>) src(%dma_wait3A_506 : memref<128x16xf32, #tpu.memory_space<vmem>>) dst(%dma_wait3A_512 : memref<100352x16xf32, #tpu.memory_space<vmem_shared>>)
      %dma_wait3A_513 = arith.constant 9 : i32
      %dma_wait3A_514 = arith.constant 9 : i32
      %dma_wait3A_515 = arith.constant 0 : i32
      %dma_wait3A_516 = arith.constant 0 : i32
      %dma_wait3A_517 = tpu.memref_slice %arg8[%dma_wait3A_513, %dma_wait3A_515, %dma_wait3A_516] : memref<10x128x16xf32, #tpu.memory_space<vmem>> -> memref<1x128x16xf32, #tpu.memory_space<vmem>>
      %dma_wait3A_518 = tpu.memref_squeeze %dma_wait3A_517 : memref<1x128x16xf32, #tpu.memory_space<vmem>> -> memref<128x16xf32, #tpu.memory_space<vmem>>
      %dma_wait3A_519 = arith.constant 0 : i32
      %dma_wait3A_520 = tpu.memref_slice %arg7[%dma_wait3A_514, %dma_wait3A_519] : memref<10x128xi32, #tpu.memory_space<vmem>> -> memref<1x128xi32, #tpu.memory_space<vmem>>
      %dma_wait3A_521 = tpu.memref_squeeze %dma_wait3A_520 : memref<1x128xi32, #tpu.memory_space<vmem>> -> memref<128xi32, #tpu.memory_space<vmem>>
      %dma_wait3A_522 = arith.constant 0 : i32
      %dma_wait3A_523 = arith.constant 0 : i32
      %dma_wait3A_524 = tpu.memref_slice %arg9[%dma_wait3A_522, %dma_wait3A_523] : memref<100352x16xf32, #tpu.memory_space<vmem_shared>> -> memref<100352x16xf32, #tpu.memory_space<vmem_shared>>
      tpu.wait_indirect_dma semaphore(%arg19 : memref<!tpu.dma_semaphore, #tpu.memory_space<semaphore_mem>>) src(%dma_wait3A_518 : memref<128x16xf32, #tpu.memory_space<vmem>>) dst(%dma_wait3A_524 : memref<100352x16xf32, #tpu.memory_space<vmem_shared>>)
    }
    %scan3A_11 = arith.constant 39 : i32
    %lt3A = arith.constant 20 : i32
    %lt3A_12 = arith.cmpi slt, %add3A, %lt3A : i32
    %convert_element_type3A = arith.extui %lt3A_12 : i1 to i32
    %cond3A = arith.constant 0 : i32
    %cond3A_13 = arith.cmpi ne, %convert_element_type3A, %cond3A : i32
    scf.if %cond3A_13 {
      %add3A_15 = arith.constant 390 : i32
      %add3A_16 = arith.addi %add3A_6, %add3A_15 : i32
      %run_scoped3A = arith.constant 0 : i32
      "tpu.region"() ({
        %run_scoped3A_64 = tpu.sem_alloc : memref<!tpu.dma_semaphore, #tpu.memory_space<semaphore_mem>>
        %dma_start3A_65 = arith.constant 0 : i32
        %dma_start3A_66 = arith.constant 0 : i32
        %dma_start3A_67 = tpu.memref_slice %arg6[%dma_start3A_65, %dma_start3A_66] : memref<10x128xi32, #tpu.memory_space<vmem>> -> memref<1x128xi32, #tpu.memory_space<vmem>>
        %dma_start3A_68 = arith.constant 0 : i32
        %dma_start3A_69 = tpu.memref_slice %arg3[%run_scoped3A, %add3A_16, %dma_start3A_68] : memref<2x12500x128xi32, #tpu.memory_space<hbm>> -> memref<1x1x128xi32, #tpu.memory_space<hbm>>
        %dma_start3A_70 = tpu.memref_squeeze %dma_start3A_69 : memref<1x1x128xi32, #tpu.memory_space<hbm>> -> memref<1x128xi32, #tpu.memory_space<hbm>>
        %dma_start3A_71 = arith.constant 0 : i32
        %dma_start3A_72 = arith.constant 0 : i32
        %dma_start3A_73 = tpu.memref_slice %arg6[%dma_start3A_71, %dma_start3A_72] : memref<10x128xi32, #tpu.memory_space<vmem>> -> memref<1x128xi32, #tpu.memory_space<vmem>>
        %dma_start3A_74 = arith.constant 0 : i32
        %dma_start3A_75 = tpu.memref_slice %arg3[%run_scoped3A, %add3A_16, %dma_start3A_74] : memref<2x12500x128xi32, #tpu.memory_space<hbm>> -> memref<1x1x128xi32, #tpu.memory_space<hbm>>
        %dma_start3A_76 = tpu.memref_squeeze %dma_start3A_75 : memref<1x1x128xi32, #tpu.memory_space<hbm>> -> memref<1x128xi32, #tpu.memory_space<hbm>>
        tpu.enqueue_dma source(%dma_start3A_76 : memref<1x128xi32, #tpu.memory_space<hbm>>) target(%dma_start3A_73 : memref<1x128xi32, #tpu.memory_space<vmem>>) target_semaphore(%run_scoped3A_64 : memref<!tpu.dma_semaphore, #tpu.memory_space<semaphore_mem>>)
        %dma_wait3A_77 = arith.constant 0 : i32
        %dma_wait3A_78 = arith.constant 0 : i32
        %dma_wait3A_79 = tpu.memref_slice %arg6[%dma_wait3A_77, %dma_wait3A_78] : memref<10x128xi32, #tpu.memory_space<vmem>> -> memref<1x128xi32, #tpu.memory_space<vmem>>
        %dma_wait3A_80 = arith.constant 0 : i32
        %dma_wait3A_81 = tpu.memref_slice %arg3[%run_scoped3A, %add3A_16, %dma_wait3A_80] : memref<2x12500x128xi32, #tpu.memory_space<hbm>> -> memref<1x1x128xi32, #tpu.memory_space<hbm>>
        %dma_wait3A_82 = tpu.memref_squeeze %dma_wait3A_81 : memref<1x1x128xi32, #tpu.memory_space<hbm>> -> memref<1x128xi32, #tpu.memory_space<hbm>>
        %dma_wait3A_83 = arith.constant 0 : i32
        %dma_wait3A_84 = arith.constant 0 : i32
        %dma_wait3A_85 = tpu.memref_slice %arg6[%dma_wait3A_83, %dma_wait3A_84] : memref<10x128xi32, #tpu.memory_space<vmem>> -> memref<1x128xi32, #tpu.memory_space<vmem>>
        %dma_wait3A_86 = arith.constant 0 : i32
        %dma_wait3A_87 = tpu.memref_slice %arg3[%run_scoped3A, %add3A_16, %dma_wait3A_86] : memref<2x12500x128xi32, #tpu.memory_space<hbm>> -> memref<1x1x128xi32, #tpu.memory_space<hbm>>
        %dma_wait3A_88 = tpu.memref_squeeze %dma_wait3A_87 : memref<1x1x128xi32, #tpu.memory_space<hbm>> -> memref<1x128xi32, #tpu.memory_space<hbm>>
        tpu.wait_dma2 semaphore(%run_scoped3A_64 : memref<!tpu.dma_semaphore, #tpu.memory_space<semaphore_mem>>) src(%dma_wait3A_88 : memref<1x128xi32, #tpu.memory_space<hbm>>) dst(%dma_wait3A_85 : memref<1x128xi32, #tpu.memory_space<vmem>>)
        tpu.yield
      }) : () -> ()
      %run_scoped3A_17 = arith.constant 1 : i32
      "tpu.region"() ({
        %run_scoped3A_64 = tpu.sem_alloc : memref<!tpu.dma_semaphore, #tpu.memory_space<semaphore_mem>>
        %dma_start3A_65 = arith.constant 0 : i32
        %dma_start3A_66 = arith.constant 0 : i32
        %dma_start3A_67 = tpu.memref_slice %arg7[%dma_start3A_65, %dma_start3A_66] : memref<10x128xi32, #tpu.memory_space<vmem>> -> memref<1x128xi32, #tpu.memory_space<vmem>>
        %dma_start3A_68 = arith.constant 0 : i32
        %dma_start3A_69 = tpu.memref_slice %arg3[%run_scoped3A_17, %add3A_16, %dma_start3A_68] : memref<2x12500x128xi32, #tpu.memory_space<hbm>> -> memref<1x1x128xi32, #tpu.memory_space<hbm>>
        %dma_start3A_70 = tpu.memref_squeeze %dma_start3A_69 : memref<1x1x128xi32, #tpu.memory_space<hbm>> -> memref<1x128xi32, #tpu.memory_space<hbm>>
        %dma_start3A_71 = arith.constant 0 : i32
        %dma_start3A_72 = arith.constant 0 : i32
        %dma_start3A_73 = tpu.memref_slice %arg7[%dma_start3A_71, %dma_start3A_72] : memref<10x128xi32, #tpu.memory_space<vmem>> -> memref<1x128xi32, #tpu.memory_space<vmem>>
        %dma_start3A_74 = arith.constant 0 : i32
        %dma_start3A_75 = tpu.memref_slice %arg3[%run_scoped3A_17, %add3A_16, %dma_start3A_74] : memref<2x12500x128xi32, #tpu.memory_space<hbm>> -> memref<1x1x128xi32, #tpu.memory_space<hbm>>
        %dma_start3A_76 = tpu.memref_squeeze %dma_start3A_75 : memref<1x1x128xi32, #tpu.memory_space<hbm>> -> memref<1x128xi32, #tpu.memory_space<hbm>>
        tpu.enqueue_dma source(%dma_start3A_76 : memref<1x128xi32, #tpu.memory_space<hbm>>) target(%dma_start3A_73 : memref<1x128xi32, #tpu.memory_space<vmem>>) target_semaphore(%run_scoped3A_64 : memref<!tpu.dma_semaphore, #tpu.memory_space<semaphore_mem>>)
        %dma_wait3A_77 = arith.constant 0 : i32
        %dma_wait3A_78 = arith.constant 0 : i32
        %dma_wait3A_79 = tpu.memref_slice %arg7[%dma_wait3A_77, %dma_wait3A_78] : memref<10x128xi32, #tpu.memory_space<vmem>> -> memref<1x128xi32, #tpu.memory_space<vmem>>
        %dma_wait3A_80 = arith.constant 0 : i32
        %dma_wait3A_81 = tpu.memref_slice %arg3[%run_scoped3A_17, %add3A_16, %dma_wait3A_80] : memref<2x12500x128xi32, #tpu.memory_space<hbm>> -> memref<1x1x128xi32, #tpu.memory_space<hbm>>
        %dma_wait3A_82 = tpu.memref_squeeze %dma_wait3A_81 : memref<1x1x128xi32, #tpu.memory_space<hbm>> -> memref<1x128xi32, #tpu.memory_space<hbm>>
        %dma_wait3A_83 = arith.constant 0 : i32
        %dma_wait3A_84 = arith.constant 0 : i32
        %dma_wait3A_85 = tpu.memref_slice %arg7[%dma_wait3A_83, %dma_wait3A_84] : memref<10x128xi32, #tpu.memory_space<vmem>> -> memref<1x128xi32, #tpu.memory_space<vmem>>
        %dma_wait3A_86 = arith.constant 0 : i32
        %dma_wait3A_87 = tpu.memref_slice %arg3[%run_scoped3A_17, %add3A_16, %dma_wait3A_86] : memref<2x12500x128xi32, #tpu.memory_space<hbm>> -> memref<1x1x128xi32, #tpu.memory_space<hbm>>
        %dma_wait3A_88 = tpu.memref_squeeze %dma_wait3A_87 : memref<1x1x128xi32, #tpu.memory_space<hbm>> -> memref<1x128xi32, #tpu.memory_space<hbm>>
        tpu.wait_dma2 semaphore(%run_scoped3A_64 : memref<!tpu.dma_semaphore, #tpu.memory_space<semaphore_mem>>) src(%dma_wait3A_88 : memref<1x128xi32, #tpu.memory_space<hbm>>) dst(%dma_wait3A_85 : memref<1x128xi32, #tpu.memory_space<vmem>>)
        tpu.yield
      }) : () -> ()
      %dma_start3A = arith.constant 0 : i32
      %dma_start3A_18 = arith.constant 0 : i32
      %dma_start3A_19 = arith.constant 0 : i32
      %dma_start3A_20 = arith.constant 0 : i32
      %dma_start3A_21 = tpu.memref_slice %arg8[%dma_start3A_18, %dma_start3A_19, %dma_start3A_20] : memref<10x128x16xf32, #tpu.memory_space<vmem>> -> memref<1x128x16xf32, #tpu.memory_space<vmem>>
      %dma_start3A_22 = tpu.memref_squeeze %dma_start3A_21 : memref<1x128x16xf32, #tpu.memory_space<vmem>> -> memref<128x16xf32, #tpu.memory_space<vmem>>
      %dma_start3A_23 = arith.constant 0 : i32
      %dma_start3A_24 = tpu.memref_slice %arg6[%dma_start3A, %dma_start3A_23] : memref<10x128xi32, #tpu.memory_space<vmem>> -> memref<1x128xi32, #tpu.memory_space<vmem>>
      %dma_start3A_25 = tpu.memref_squeeze %dma_start3A_24 : memref<1x128xi32, #tpu.memory_space<vmem>> -> memref<128xi32, #tpu.memory_space<vmem>>
      %dma_start3A_26 = arith.constant 0 : i32
      %dma_start3A_27 = arith.constant 0 : i32
      %dma_start3A_28 = tpu.memref_slice %arg2[%dma_start3A_26, %dma_start3A_27] : memref<100352x16xf32, #tpu.memory_space<hbm>> -> memref<100352x16xf32, #tpu.memory_space<hbm>>
      tpu.enqueue_indirect_dma source(%dma_start3A_28 : memref<100352x16xf32, #tpu.memory_space<hbm>>) target(%dma_start3A_22 : memref<128x16xf32, #tpu.memory_space<vmem>>) offsets(%dma_start3A_25 : memref<128xi32, #tpu.memory_space<vmem>>) semaphore(%arg10 : memref<!tpu.dma_semaphore, #tpu.memory_space<semaphore_mem>>)
      %dma_wait3A = arith.constant 0 : i32
      %dma_wait3A_29 = arith.constant 0 : i32
      %dma_wait3A_30 = arith.constant 0 : i32
      %dma_wait3A_31 = arith.constant 0 : i32
      %dma_wait3A_32 = tpu.memref_slice %arg8[%dma_wait3A_29, %dma_wait3A_30, %dma_wait3A_31] : memref<10x128x16xf32, #tpu.memory_space<vmem>> -> memref<1x128x16xf32, #tpu.memory_space<vmem>>
      %dma_wait3A_33 = tpu.memref_squeeze %dma_wait3A_32 : memref<1x128x16xf32, #tpu.memory_space<vmem>> -> memref<128x16xf32, #tpu.memory_space<vmem>>
      %dma_wait3A_34 = arith.constant 0 : i32
      %dma_wait3A_35 = tpu.memref_slice %arg6[%dma_wait3A, %dma_wait3A_34] : memref<10x128xi32, #tpu.memory_space<vmem>> -> memref<1x128xi32, #tpu.memory_space<vmem>>
      %dma_wait3A_36 = tpu.memref_squeeze %dma_wait3A_35 : memref<1x128xi32, #tpu.memory_space<vmem>> -> memref<128xi32, #tpu.memory_space<vmem>>
      %dma_wait3A_37 = arith.constant 0 : i32
      %dma_wait3A_38 = arith.constant 0 : i32
      %dma_wait3A_39 = tpu.memref_slice %arg2[%dma_wait3A_37, %dma_wait3A_38] : memref<100352x16xf32, #tpu.memory_space<hbm>> -> memref<100352x16xf32, #tpu.memory_space<hbm>>
      tpu.wait_indirect_dma semaphore(%arg10 : memref<!tpu.dma_semaphore, #tpu.memory_space<semaphore_mem>>) src(%dma_wait3A_39 : memref<100352x16xf32, #tpu.memory_space<hbm>>) dst(%dma_wait3A_33 : memref<128x16xf32, #tpu.memory_space<vmem>>)
      %dma_start3A_40 = arith.constant 0 : i32
      %dma_start3A_41 = arith.constant 0 : i32
      %dma_start3A_42 = arith.constant 0 : i32
      %dma_start3A_43 = arith.constant 0 : i32
      %dma_start3A_44 = tpu.memref_slice %arg8[%dma_start3A_40, %dma_start3A_42, %dma_start3A_43] : memref<10x128x16xf32, #tpu.memory_space<vmem>> -> memref<1x128x16xf32, #tpu.memory_space<vmem>>
      %dma_start3A_45 = tpu.memref_squeeze %dma_start3A_44 : memref<1x128x16xf32, #tpu.memory_space<vmem>> -> memref<128x16xf32, #tpu.memory_space<vmem>>
      %dma_start3A_46 = arith.constant 0 : i32
      %dma_start3A_47 = tpu.memref_slice %arg7[%dma_start3A_41, %dma_start3A_46] : memref<10x128xi32, #tpu.memory_space<vmem>> -> memref<1x128xi32, #tpu.memory_space<vmem>>
      %dma_start3A_48 = tpu.memref_squeeze %dma_start3A_47 : memref<1x128xi32, #tpu.memory_space<vmem>> -> memref<128xi32, #tpu.memory_space<vmem>>
      %dma_start3A_49 = arith.constant 0 : i32
      %dma_start3A_50 = arith.constant 0 : i32
      %dma_start3A_51 = tpu.memref_slice %arg9[%dma_start3A_49, %dma_start3A_50] : memref<100352x16xf32, #tpu.memory_space<vmem_shared>> -> memref<100352x16xf32, #tpu.memory_space<vmem_shared>>
      tpu.enqueue_indirect_dma source(%dma_start3A_45 : memref<128x16xf32, #tpu.memory_space<vmem>>) target(%dma_start3A_51 : memref<100352x16xf32, #tpu.memory_space<vmem_shared>>) offsets(%dma_start3A_48 : memref<128xi32, #tpu.memory_space<vmem>>) semaphore(%arg15 : memref<!tpu.dma_semaphore, #tpu.memory_space<semaphore_mem>>) {add = true}
      %dma_wait3A_52 = arith.constant 0 : i32
      %dma_wait3A_53 = arith.constant 0 : i32
      %dma_wait3A_54 = arith.constant 0 : i32
      %dma_wait3A_55 = arith.constant 0 : i32
      %dma_wait3A_56 = tpu.memref_slice %arg8[%dma_wait3A_52, %dma_wait3A_54, %dma_wait3A_55] : memref<10x128x16xf32, #tpu.memory_space<vmem>> -> memref<1x128x16xf32, #tpu.memory_space<vmem>>
      %dma_wait3A_57 = tpu.memref_squeeze %dma_wait3A_56 : memref<1x128x16xf32, #tpu.memory_space<vmem>> -> memref<128x16xf32, #tpu.memory_space<vmem>>
      %dma_wait3A_58 = arith.constant 0 : i32
      %dma_wait3A_59 = tpu.memref_slice %arg7[%dma_wait3A_53, %dma_wait3A_58] : memref<10x128xi32, #tpu.memory_space<vmem>> -> memref<1x128xi32, #tpu.memory_space<vmem>>
      %dma_wait3A_60 = tpu.memref_squeeze %dma_wait3A_59 : memref<1x128xi32, #tpu.memory_space<vmem>> -> memref<128xi32, #tpu.memory_space<vmem>>
      %dma_wait3A_61 = arith.constant 0 : i32
      %dma_wait3A_62 = arith.constant 0 : i32
      %dma_wait3A_63 = tpu.memref_slice %arg9[%dma_wait3A_61, %dma_wait3A_62] : memref<100352x16xf32, #tpu.memory_space<vmem_shared>> -> memref<100352x16xf32, #tpu.memory_space<vmem_shared>>
      tpu.wait_indirect_dma semaphore(%arg15 : memref<!tpu.dma_semaphore, #tpu.memory_space<semaphore_mem>>) src(%dma_wait3A_57 : memref<128x16xf32, #tpu.memory_space<vmem>>) dst(%dma_wait3A_63 : memref<100352x16xf32, #tpu.memory_space<vmem_shared>>)
    } else {
    }
    %barrier3A_14 = arith.constant 0 : index
    tpu.barrier barrier_id(%barrier3A_14)
    "tpu.region"() ({
      %run_scoped3A = tpu.sem_alloc : memref<!tpu.dma_semaphore, #tpu.memory_space<semaphore_mem>>
      %dma_start3A = arith.constant 0 : i32
      %dma_start3A_15 = arith.constant 0 : i32
      %dma_start3A_16 = tpu.memref_slice %arg5[%arg0, %dma_start3A, %dma_start3A_15] : memref<2x100352x16xf32, #tpu.memory_space<hbm>> -> memref<1x100352x16xf32, #tpu.memory_space<hbm>>
      %dma_start3A_17 = tpu.memref_squeeze %dma_start3A_16 : memref<1x100352x16xf32, #tpu.memory_space<hbm>> -> memref<100352x16xf32, #tpu.memory_space<hbm>>
      %dma_start3A_18 = arith.constant 0 : i32
      %dma_start3A_19 = tpu.memref_slice %dma_start3A_17[%mul3A_2, %dma_start3A_18] : memref<100352x16xf32, #tpu.memory_space<hbm>> -> memref<6272x16xf32, #tpu.memory_space<hbm>>
      %dma_start3A_20 = arith.constant 0 : i32
      %dma_start3A_21 = tpu.memref_slice %arg9[%mul3A_2, %dma_start3A_20] : memref<100352x16xf32, #tpu.memory_space<vmem_shared>> -> memref<6272x16xf32, #tpu.memory_space<vmem_shared>>
      tpu.enqueue_dma source(%dma_start3A_21 : memref<6272x16xf32, #tpu.memory_space<vmem_shared>>) target(%dma_start3A_19 : memref<6272x16xf32, #tpu.memory_space<hbm>>) target_semaphore(%run_scoped3A : memref<!tpu.dma_semaphore, #tpu.memory_space<semaphore_mem>>)
      %dma_wait3A = arith.constant 0 : i32
      %dma_wait3A_22 = arith.constant 0 : i32
      %dma_wait3A_23 = tpu.memref_slice %arg5[%arg0, %dma_wait3A, %dma_wait3A_22] : memref<2x100352x16xf32, #tpu.memory_space<hbm>> -> memref<1x100352x16xf32, #tpu.memory_space<hbm>>
      %dma_wait3A_24 = tpu.memref_squeeze %dma_wait3A_23 : memref<1x100352x16xf32, #tpu.memory_space<hbm>> -> memref<100352x16xf32, #tpu.memory_space<hbm>>
      %dma_wait3A_25 = arith.constant 0 : i32
      %dma_wait3A_26 = tpu.memref_slice %dma_wait3A_24[%mul3A_2, %dma_wait3A_25] : memref<100352x16xf32, #tpu.memory_space<hbm>> -> memref<6272x16xf32, #tpu.memory_space<hbm>>
      %dma_wait3A_27 = arith.constant 0 : i32
      %dma_wait3A_28 = tpu.memref_slice %arg9[%mul3A_2, %dma_wait3A_27] : memref<100352x16xf32, #tpu.memory_space<vmem_shared>> -> memref<6272x16xf32, #tpu.memory_space<vmem_shared>>
      tpu.wait_dma2 semaphore(%run_scoped3A : memref<!tpu.dma_semaphore, #tpu.memory_space<semaphore_mem>>) src(%dma_wait3A_28 : memref<6272x16xf32, #tpu.memory_space<vmem_shared>>) dst(%dma_wait3A_26 : memref<6272x16xf32, #tpu.memory_space<hbm>>)
      tpu.yield
    }) : () -> ()
    return
  }
}

#map = affine_map<(d0, d1) -> (0, 0)>
#map1 = affine_map<(d0, d1) -> (0, 0, 0)>
module attributes {stable_mosaic.version = 14 : i64} {
  func.func @_sc_pool(%arg0: i32, %arg1: i32, %arg2: memref<100352x16xf32, #tpu.memory_space<hbm>>, %arg3: memref<784x128xi32, #tpu.memory_space<hbm>>, %arg4: memref<2x80x16xf32, #tpu.memory_space<hbm>>, %arg5: memref<2x80x16xf32, #tpu.memory_space<hbm>>, %arg6: memref<8x128xi32, #tpu.memory_space<vmem>>, %arg7: memref<1024x16xf32, #tpu.memory_space<vmem>>, %arg8: memref<128x16xf32, #tpu.memory_space<vmem>>, %arg9: memref<80x16xf32, #tpu.memory_space<vmem_shared>>, %arg10: memref<80x16xf32, #tpu.memory_space<vmem_shared>>, %arg11: memref<!tpu.dma_semaphore, #tpu.memory_space<semaphore_mem>>, %arg12: memref<!tpu.dma_semaphore, #tpu.memory_space<semaphore_mem>>) attributes {dimension_semantics = [#tpu.dimension_semantics<core_parallel>, #tpu.dimension_semantics<subcore_parallel>], iteration_bounds = array<i64: 2, 16>, scalar_prefetch = 0 : i64, scratch_operands = 7 : i64, tpu.core_type = #tpu.core_type<sc_vector_subcore>, window_params = [{transform_indices = #map}, {transform_indices = #map}, {transform_indices = #map1}, {transform_indices = #map1}]} {
    %mul3A = arith.constant 2 : i32
    %mul3A_0 = arith.muli %arg1, %mul3A : i32
    %add3A = arith.addi %mul3A_0, %arg0 : i32
    %mul3A_1 = arith.constant 5 : i32
    %mul3A_2 = arith.muli %arg1, %mul3A_1 : i32
    %broadcast_in_dim3A = arith.constant 0.000000e+00 : f32
    %broadcast_in_dim3A_3 = vector.broadcast %broadcast_in_dim3A : f32 to vector<16xf32>
    %scan3A = arith.constant 0 : i32
    %scan3A_4 = arith.constant 0 : i32
    %scan3A_5 = arith.constant 5 : i32
    %scan3A_6 = arith.addi %scan3A_4, %scan3A_5 : i32
    %scan3A_7 = arith.constant 1 : i32
    scf.for %scan3A_30 = %scan3A_4 to %scan3A_6 step %scan3A_7  : i32 {
      %swap3A = arith.index_cast %scan3A_30 : i32 to index
      %swap3A_31 = arith.constant 0 : index
      %swap3A_32 = tpu.vector_load %arg8[%swap3A, %swap3A_31] {strides = array<i32>} : memref<128x16xf32, #tpu.memory_space<vmem>>, vector<1x16xf32>,
      %swap3A_33 = vector.shape_cast %swap3A_32 : vector<1x16xf32> to vector<16xf32>
      %swap3A_34 = vector.shape_cast %broadcast_in_dim3A_3 : vector<16xf32> to vector<1x16xf32>
      tpu.vector_store %arg8[%swap3A, %swap3A_31], %swap3A_34 {strides = array<i32>} : memref<128x16xf32, #tpu.memory_space<vmem>>, vector<1x16xf32>,
    }
    %scan3A_8 = arith.constant 5 : i32
    "tpu.region"() ({
      %run_scoped3A = tpu.sem_alloc : memref<!tpu.dma_semaphore, #tpu.memory_space<semaphore_mem>>
      %dma_start3A = arith.constant 0 : i32
      %dma_start3A_30 = arith.constant 0 : i32
      %dma_start3A_31 = tpu.memref_slice %arg8[%dma_start3A, %dma_start3A_30] : memref<128x16xf32, #tpu.memory_space<vmem>> -> memref<5x16xf32, #tpu.memory_space<vmem>>
      %dma_start3A_32 = arith.constant 0 : i32
      %dma_start3A_33 = tpu.memref_slice %arg9[%mul3A_2, %dma_start3A_32] : memref<80x16xf32, #tpu.memory_space<vmem_shared>> -> memref<5x16xf32, #tpu.memory_space<vmem_shared>>
      %dma_start3A_34 = arith.constant 0 : i32
      %dma_start3A_35 = tpu.memref_slice %arg9[%mul3A_2, %dma_start3A_34] : memref<80x16xf32, #tpu.memory_space<vmem_shared>> -> memref<5x16xf32, #tpu.memory_space<vmem_shared>>
      %dma_start3A_36 = arith.constant 0 : i32
      %dma_start3A_37 = arith.constant 0 : i32
      %dma_start3A_38 = tpu.memref_slice %arg8[%dma_start3A_36, %dma_start3A_37] : memref<128x16xf32, #tpu.memory_space<vmem>> -> memref<5x16xf32, #tpu.memory_space<vmem>>
      tpu.enqueue_dma source(%dma_start3A_38 : memref<5x16xf32, #tpu.memory_space<vmem>>) target(%dma_start3A_35 : memref<5x16xf32, #tpu.memory_space<vmem_shared>>) target_semaphore(%run_scoped3A : memref<!tpu.dma_semaphore, #tpu.memory_space<semaphore_mem>>)
      %dma_wait3A = arith.constant 0 : i32
      %dma_wait3A_39 = arith.constant 0 : i32
      %dma_wait3A_40 = tpu.memref_slice %arg8[%dma_wait3A, %dma_wait3A_39] : memref<128x16xf32, #tpu.memory_space<vmem>> -> memref<5x16xf32, #tpu.memory_space<vmem>>
      %dma_wait3A_41 = arith.constant 0 : i32
      %dma_wait3A_42 = tpu.memref_slice %arg9[%mul3A_2, %dma_wait3A_41] : memref<80x16xf32, #tpu.memory_space<vmem_shared>> -> memref<5x16xf32, #tpu.memory_space<vmem_shared>>
      %dma_wait3A_43 = arith.constant 0 : i32
      %dma_wait3A_44 = tpu.memref_slice %arg9[%mul3A_2, %dma_wait3A_43] : memref<80x16xf32, #tpu.memory_space<vmem_shared>> -> memref<5x16xf32, #tpu.memory_space<vmem_shared>>
      %dma_wait3A_45 = arith.constant 0 : i32
      %dma_wait3A_46 = arith.constant 0 : i32
      %dma_wait3A_47 = tpu.memref_slice %arg8[%dma_wait3A_45, %dma_wait3A_46] : memref<128x16xf32, #tpu.memory_space<vmem>> -> memref<5x16xf32, #tpu.memory_space<vmem>>
      tpu.wait_dma2 semaphore(%run_scoped3A : memref<!tpu.dma_semaphore, #tpu.memory_space<semaphore_mem>>) src(%dma_wait3A_47 : memref<5x16xf32, #tpu.memory_space<vmem>>) dst(%dma_wait3A_44 : memref<5x16xf32, #tpu.memory_space<vmem_shared>>)
      tpu.yield
    }) : () -> ()
    "tpu.region"() ({
      %run_scoped3A = tpu.sem_alloc : memref<!tpu.dma_semaphore, #tpu.memory_space<semaphore_mem>>
      %dma_start3A = arith.constant 0 : i32
      %dma_start3A_30 = arith.constant 0 : i32
      %dma_start3A_31 = tpu.memref_slice %arg8[%dma_start3A, %dma_start3A_30] : memref<128x16xf32, #tpu.memory_space<vmem>> -> memref<5x16xf32, #tpu.memory_space<vmem>>
      %dma_start3A_32 = arith.constant 0 : i32
      %dma_start3A_33 = tpu.memref_slice %arg10[%mul3A_2, %dma_start3A_32] : memref<80x16xf32, #tpu.memory_space<vmem_shared>> -> memref<5x16xf32, #tpu.memory_space<vmem_shared>>
      %dma_start3A_34 = arith.constant 0 : i32
      %dma_start3A_35 = tpu.memref_slice %arg10[%mul3A_2, %dma_start3A_34] : memref<80x16xf32, #tpu.memory_space<vmem_shared>> -> memref<5x16xf32, #tpu.memory_space<vmem_shared>>
      %dma_start3A_36 = arith.constant 0 : i32
      %dma_start3A_37 = arith.constant 0 : i32
      %dma_start3A_38 = tpu.memref_slice %arg8[%dma_start3A_36, %dma_start3A_37] : memref<128x16xf32, #tpu.memory_space<vmem>> -> memref<5x16xf32, #tpu.memory_space<vmem>>
      tpu.enqueue_dma source(%dma_start3A_38 : memref<5x16xf32, #tpu.memory_space<vmem>>) target(%dma_start3A_35 : memref<5x16xf32, #tpu.memory_space<vmem_shared>>) target_semaphore(%run_scoped3A : memref<!tpu.dma_semaphore, #tpu.memory_space<semaphore_mem>>)
      %dma_wait3A = arith.constant 0 : i32
      %dma_wait3A_39 = arith.constant 0 : i32
      %dma_wait3A_40 = tpu.memref_slice %arg8[%dma_wait3A, %dma_wait3A_39] : memref<128x16xf32, #tpu.memory_space<vmem>> -> memref<5x16xf32, #tpu.memory_space<vmem>>
      %dma_wait3A_41 = arith.constant 0 : i32
      %dma_wait3A_42 = tpu.memref_slice %arg10[%mul3A_2, %dma_wait3A_41] : memref<80x16xf32, #tpu.memory_space<vmem_shared>> -> memref<5x16xf32, #tpu.memory_space<vmem_shared>>
      %dma_wait3A_43 = arith.constant 0 : i32
      %dma_wait3A_44 = tpu.memref_slice %arg10[%mul3A_2, %dma_wait3A_43] : memref<80x16xf32, #tpu.memory_space<vmem_shared>> -> memref<5x16xf32, #tpu.memory_space<vmem_shared>>
      %dma_wait3A_45 = arith.constant 0 : i32
      %dma_wait3A_46 = arith.constant 0 : i32
      %dma_wait3A_47 = tpu.memref_slice %arg8[%dma_wait3A_45, %dma_wait3A_46] : memref<128x16xf32, #tpu.memory_space<vmem>> -> memref<5x16xf32, #tpu.memory_space<vmem>>
      tpu.wait_dma2 semaphore(%run_scoped3A : memref<!tpu.dma_semaphore, #tpu.memory_space<semaphore_mem>>) src(%dma_wait3A_47 : memref<5x16xf32, #tpu.memory_space<vmem>>) dst(%dma_wait3A_44 : memref<5x16xf32, #tpu.memory_space<vmem_shared>>)
      tpu.yield
    }) : () -> ()
    %broadcast_in_dim3A_9 = arith.constant 1.000000e+00 : f32
    %broadcast_in_dim3A_10 = vector.broadcast %broadcast_in_dim3A_9 : f32 to vector<16xf32>
    %scan3A_11 = arith.constant 0 : i32
    %scan3A_12 = arith.constant 0 : i32
    %scan3A_13 = arith.constant 128 : i32
    %scan3A_14 = arith.addi %scan3A_12, %scan3A_13 : i32
    %scan3A_15 = arith.constant 1 : i32
    scf.for %scan3A_30 = %scan3A_12 to %scan3A_14 step %scan3A_15  : i32 {
      %swap3A = arith.index_cast %scan3A_30 : i32 to index
      %swap3A_31 = arith.constant 0 : index
      %swap3A_32 = tpu.vector_load %arg8[%swap3A, %swap3A_31] {strides = array<i32>} : memref<128x16xf32, #tpu.memory_space<vmem>>, vector<1x16xf32>,
      %swap3A_33 = vector.shape_cast %swap3A_32 : vector<1x16xf32> to vector<16xf32>
      %swap3A_34 = vector.shape_cast %broadcast_in_dim3A_10 : vector<16xf32> to vector<1x16xf32>
      tpu.vector_store %arg8[%swap3A, %swap3A_31], %swap3A_34 {strides = array<i32>} : memref<128x16xf32, #tpu.memory_space<vmem>>, vector<1x16xf32>,
    }
    %scan3A_16 = arith.constant 128 : i32
    %barrier3A = arith.constant 0 : index
    tpu.barrier barrier_id(%barrier3A)
    %mul3A_17 = arith.constant 24 : i32
    %mul3A_18 = arith.muli %add3A, %mul3A_17 : i32
    %min3A = arith.constant 16 : i32
    %min3A_19 = arith.minsi %add3A, %min3A : i32
    %add3A_20 = arith.addi %mul3A_18, %min3A_19 : i32
    %scan3A_21 = arith.constant 0 : i32
    %scan3A_22 = arith.constant 0 : i32
    %scan3A_23 = arith.constant 3 : i32
    %scan3A_24 = arith.addi %scan3A_22, %scan3A_23 : i32
    %scan3A_25 = arith.constant 1 : i32
    scf.for %scan3A_30 = %scan3A_22 to %scan3A_24 step %scan3A_25  : i32 {
      %mul3A_31 = arith.constant 8 : i32
      %mul3A_32 = arith.muli %scan3A_30, %mul3A_31 : i32
      %add3A_33 = arith.addi %add3A_20, %mul3A_32 : i32
      "tpu.region"() ({
        %run_scoped3A = tpu.sem_alloc : memref<!tpu.dma_semaphore, #tpu.memory_space<semaphore_mem>>
        %dma_start3A_306 = arith.constant 0 : i32
        %dma_start3A_307 = tpu.memref_slice %arg3[%add3A_33, %dma_start3A_306] : memref<784x128xi32, #tpu.memory_space<hbm>> -> memref<8x128xi32, #tpu.memory_space<hbm>>
        %dma_start3A_308 = arith.constant 0 : i32
        %dma_start3A_309 = tpu.memref_slice %arg3[%add3A_33, %dma_start3A_308] : memref<784x128xi32, #tpu.memory_space<hbm>> -> memref<8x128xi32, #tpu.memory_space<hbm>>
        tpu.enqueue_dma source(%dma_start3A_309 : memref<8x128xi32, #tpu.memory_space<hbm>>) target(%arg6 : memref<8x128xi32, #tpu.memory_space<vmem>>) target_semaphore(%run_scoped3A : memref<!tpu.dma_semaphore, #tpu.memory_space<semaphore_mem>>)
        %dma_wait3A_310 = arith.constant 0 : i32
        %dma_wait3A_311 = tpu.memref_slice %arg3[%add3A_33, %dma_wait3A_310] : memref<784x128xi32, #tpu.memory_space<hbm>> -> memref<8x128xi32, #tpu.memory_space<hbm>>
        %dma_wait3A_312 = arith.constant 0 : i32
        %dma_wait3A_313 = tpu.memref_slice %arg3[%add3A_33, %dma_wait3A_312] : memref<784x128xi32, #tpu.memory_space<hbm>> -> memref<8x128xi32, #tpu.memory_space<hbm>>
        tpu.wait_dma2 semaphore(%run_scoped3A : memref<!tpu.dma_semaphore, #tpu.memory_space<semaphore_mem>>) src(%dma_wait3A_313 : memref<8x128xi32, #tpu.memory_space<hbm>>) dst(%arg6 : memref<8x128xi32, #tpu.memory_space<vmem>>)
        tpu.yield
      }) : () -> ()
      %mul3A_34 = arith.constant 128 : i32
      %mul3A_35 = arith.muli %add3A_33, %mul3A_34 : i32
      "tpu.region"() ({
        %run_scoped3A = tpu.sem_alloc : memref<!tpu.dma_semaphore, #tpu.memory_space<semaphore_mem>>
        %dma_start3A_306 = arith.constant 0 : i32
        %dma_start3A_307 = tpu.memref_slice %arg2[%mul3A_35, %dma_start3A_306] : memref<100352x16xf32, #tpu.memory_space<hbm>> -> memref<1024x16xf32, #tpu.memory_space<hbm>>
        %dma_start3A_308 = arith.constant 0 : i32
        %dma_start3A_309 = tpu.memref_slice %arg2[%mul3A_35, %dma_start3A_308] : memref<100352x16xf32, #tpu.memory_space<hbm>> -> memref<1024x16xf32, #tpu.memory_space<hbm>>
        tpu.enqueue_dma source(%dma_start3A_309 : memref<1024x16xf32, #tpu.memory_space<hbm>>) target(%arg7 : memref<1024x16xf32, #tpu.memory_space<vmem>>) target_semaphore(%run_scoped3A : memref<!tpu.dma_semaphore, #tpu.memory_space<semaphore_mem>>)
        %dma_wait3A_310 = arith.constant 0 : i32
        %dma_wait3A_311 = tpu.memref_slice %arg2[%mul3A_35, %dma_wait3A_310] : memref<100352x16xf32, #tpu.memory_space<hbm>> -> memref<1024x16xf32, #tpu.memory_space<hbm>>
        %dma_wait3A_312 = arith.constant 0 : i32
        %dma_wait3A_313 = tpu.memref_slice %arg2[%mul3A_35, %dma_wait3A_312] : memref<100352x16xf32, #tpu.memory_space<hbm>> -> memref<1024x16xf32, #tpu.memory_space<hbm>>
        tpu.wait_dma2 semaphore(%run_scoped3A : memref<!tpu.dma_semaphore, #tpu.memory_space<semaphore_mem>>) src(%dma_wait3A_313 : memref<1024x16xf32, #tpu.memory_space<hbm>>) dst(%arg7 : memref<1024x16xf32, #tpu.memory_space<vmem>>)
        tpu.yield
      }) : () -> ()
      %dma_start3A = arith.constant 0 : i32
      %dma_start3A_36 = arith.constant 0 : i32
      %dma_start3A_37 = arith.constant 0 : i32
      %dma_start3A_38 = tpu.memref_slice %arg7[%dma_start3A_36, %dma_start3A_37] : memref<1024x16xf32, #tpu.memory_space<vmem>> -> memref<128x16xf32, #tpu.memory_space<vmem>>
      %dma_start3A_39 = arith.constant 0 : i32
      %dma_start3A_40 = tpu.memref_slice %arg6[%dma_start3A, %dma_start3A_39] : memref<8x128xi32, #tpu.memory_space<vmem>> -> memref<1x128xi32, #tpu.memory_space<vmem>>
      %dma_start3A_41 = tpu.memref_squeeze %dma_start3A_40 : memref<1x128xi32, #tpu.memory_space<vmem>> -> memref<128xi32, #tpu.memory_space<vmem>>
      %dma_start3A_42 = arith.constant 0 : i32
      %dma_start3A_43 = arith.constant 0 : i32
      %dma_start3A_44 = tpu.memref_slice %arg9[%dma_start3A_42, %dma_start3A_43] : memref<80x16xf32, #tpu.memory_space<vmem_shared>> -> memref<80x16xf32, #tpu.memory_space<vmem_shared>>
      tpu.enqueue_indirect_dma source(%dma_start3A_38 : memref<128x16xf32, #tpu.memory_space<vmem>>) target(%dma_start3A_44 : memref<80x16xf32, #tpu.memory_space<vmem_shared>>) offsets(%dma_start3A_41 : memref<128xi32, #tpu.memory_space<vmem>>) semaphore(%arg11 : memref<!tpu.dma_semaphore, #tpu.memory_space<semaphore_mem>>) {add = true}
      %dma_start3A_45 = arith.constant 1 : i32
      %dma_start3A_46 = arith.constant 128 : i32
      %dma_start3A_47 = arith.constant 0 : i32
      %dma_start3A_48 = tpu.memref_slice %arg7[%dma_start3A_46, %dma_start3A_47] : memref<1024x16xf32, #tpu.memory_space<vmem>> -> memref<128x16xf32, #tpu.memory_space<vmem>>
      %dma_start3A_49 = arith.constant 0 : i32
      %dma_start3A_50 = tpu.memref_slice %arg6[%dma_start3A_45, %dma_start3A_49] : memref<8x128xi32, #tpu.memory_space<vmem>> -> memref<1x128xi32, #tpu.memory_space<vmem>>
      %dma_start3A_51 = tpu.memref_squeeze %dma_start3A_50 : memref<1x128xi32, #tpu.memory_space<vmem>> -> memref<128xi32, #tpu.memory_space<vmem>>
      %dma_start3A_52 = arith.constant 0 : i32
      %dma_start3A_53 = arith.constant 0 : i32
      %dma_start3A_54 = tpu.memref_slice %arg9[%dma_start3A_52, %dma_start3A_53] : memref<80x16xf32, #tpu.memory_space<vmem_shared>> -> memref<80x16xf32, #tpu.memory_space<vmem_shared>>
      tpu.enqueue_indirect_dma source(%dma_start3A_48 : memref<128x16xf32, #tpu.memory_space<vmem>>) target(%dma_start3A_54 : memref<80x16xf32, #tpu.memory_space<vmem_shared>>) offsets(%dma_start3A_51 : memref<128xi32, #tpu.memory_space<vmem>>) semaphore(%arg11 : memref<!tpu.dma_semaphore, #tpu.memory_space<semaphore_mem>>) {add = true}
      %dma_start3A_55 = arith.constant 2 : i32
      %dma_start3A_56 = arith.constant 256 : i32
      %dma_start3A_57 = arith.constant 0 : i32
      %dma_start3A_58 = tpu.memref_slice %arg7[%dma_start3A_56, %dma_start3A_57] : memref<1024x16xf32, #tpu.memory_space<vmem>> -> memref<128x16xf32, #tpu.memory_space<vmem>>
      %dma_start3A_59 = arith.constant 0 : i32
      %dma_start3A_60 = tpu.memref_slice %arg6[%dma_start3A_55, %dma_start3A_59] : memref<8x128xi32, #tpu.memory_space<vmem>> -> memref<1x128xi32, #tpu.memory_space<vmem>>
      %dma_start3A_61 = tpu.memref_squeeze %dma_start3A_60 : memref<1x128xi32, #tpu.memory_space<vmem>> -> memref<128xi32, #tpu.memory_space<vmem>>
      %dma_start3A_62 = arith.constant 0 : i32
      %dma_start3A_63 = arith.constant 0 : i32
      %dma_start3A_64 = tpu.memref_slice %arg9[%dma_start3A_62, %dma_start3A_63] : memref<80x16xf32, #tpu.memory_space<vmem_shared>> -> memref<80x16xf32, #tpu.memory_space<vmem_shared>>
      tpu.enqueue_indirect_dma source(%dma_start3A_58 : memref<128x16xf32, #tpu.memory_space<vmem>>) target(%dma_start3A_64 : memref<80x16xf32, #tpu.memory_space<vmem_shared>>) offsets(%dma_start3A_61 : memref<128xi32, #tpu.memory_space<vmem>>) semaphore(%arg11 : memref<!tpu.dma_semaphore, #tpu.memory_space<semaphore_mem>>) {add = true}
      %dma_start3A_65 = arith.constant 3 : i32
      %dma_start3A_66 = arith.constant 384 : i32
      %dma_start3A_67 = arith.constant 0 : i32
      %dma_start3A_68 = tpu.memref_slice %arg7[%dma_start3A_66, %dma_start3A_67] : memref<1024x16xf32, #tpu.memory_space<vmem>> -> memref<128x16xf32, #tpu.memory_space<vmem>>
      %dma_start3A_69 = arith.constant 0 : i32
      %dma_start3A_70 = tpu.memref_slice %arg6[%dma_start3A_65, %dma_start3A_69] : memref<8x128xi32, #tpu.memory_space<vmem>> -> memref<1x128xi32, #tpu.memory_space<vmem>>
      %dma_start3A_71 = tpu.memref_squeeze %dma_start3A_70 : memref<1x128xi32, #tpu.memory_space<vmem>> -> memref<128xi32, #tpu.memory_space<vmem>>
      %dma_start3A_72 = arith.constant 0 : i32
      %dma_start3A_73 = arith.constant 0 : i32
      %dma_start3A_74 = tpu.memref_slice %arg9[%dma_start3A_72, %dma_start3A_73] : memref<80x16xf32, #tpu.memory_space<vmem_shared>> -> memref<80x16xf32, #tpu.memory_space<vmem_shared>>
      tpu.enqueue_indirect_dma source(%dma_start3A_68 : memref<128x16xf32, #tpu.memory_space<vmem>>) target(%dma_start3A_74 : memref<80x16xf32, #tpu.memory_space<vmem_shared>>) offsets(%dma_start3A_71 : memref<128xi32, #tpu.memory_space<vmem>>) semaphore(%arg11 : memref<!tpu.dma_semaphore, #tpu.memory_space<semaphore_mem>>) {add = true}
      %dma_start3A_75 = arith.constant 4 : i32
      %dma_start3A_76 = arith.constant 512 : i32
      %dma_start3A_77 = arith.constant 0 : i32
      %dma_start3A_78 = tpu.memref_slice %arg7[%dma_start3A_76, %dma_start3A_77] : memref<1024x16xf32, #tpu.memory_space<vmem>> -> memref<128x16xf32, #tpu.memory_space<vmem>>
      %dma_start3A_79 = arith.constant 0 : i32
      %dma_start3A_80 = tpu.memref_slice %arg6[%dma_start3A_75, %dma_start3A_79] : memref<8x128xi32, #tpu.memory_space<vmem>> -> memref<1x128xi32, #tpu.memory_space<vmem>>
      %dma_start3A_81 = tpu.memref_squeeze %dma_start3A_80 : memref<1x128xi32, #tpu.memory_space<vmem>> -> memref<128xi32, #tpu.memory_space<vmem>>
      %dma_start3A_82 = arith.constant 0 : i32
      %dma_start3A_83 = arith.constant 0 : i32
      %dma_start3A_84 = tpu.memref_slice %arg9[%dma_start3A_82, %dma_start3A_83] : memref<80x16xf32, #tpu.memory_space<vmem_shared>> -> memref<80x16xf32, #tpu.memory_space<vmem_shared>>
      tpu.enqueue_indirect_dma source(%dma_start3A_78 : memref<128x16xf32, #tpu.memory_space<vmem>>) target(%dma_start3A_84 : memref<80x16xf32, #tpu.memory_space<vmem_shared>>) offsets(%dma_start3A_81 : memref<128xi32, #tpu.memory_space<vmem>>) semaphore(%arg11 : memref<!tpu.dma_semaphore, #tpu.memory_space<semaphore_mem>>) {add = true}
      %dma_start3A_85 = arith.constant 5 : i32
      %dma_start3A_86 = arith.constant 640 : i32
      %dma_start3A_87 = arith.constant 0 : i32
      %dma_start3A_88 = tpu.memref_slice %arg7[%dma_start3A_86, %dma_start3A_87] : memref<1024x16xf32, #tpu.memory_space<vmem>> -> memref<128x16xf32, #tpu.memory_space<vmem>>
      %dma_start3A_89 = arith.constant 0 : i32
      %dma_start3A_90 = tpu.memref_slice %arg6[%dma_start3A_85, %dma_start3A_89] : memref<8x128xi32, #tpu.memory_space<vmem>> -> memref<1x128xi32, #tpu.memory_space<vmem>>
      %dma_start3A_91 = tpu.memref_squeeze %dma_start3A_90 : memref<1x128xi32, #tpu.memory_space<vmem>> -> memref<128xi32, #tpu.memory_space<vmem>>
      %dma_start3A_92 = arith.constant 0 : i32
      %dma_start3A_93 = arith.constant 0 : i32
      %dma_start3A_94 = tpu.memref_slice %arg9[%dma_start3A_92, %dma_start3A_93] : memref<80x16xf32, #tpu.memory_space<vmem_shared>> -> memref<80x16xf32, #tpu.memory_space<vmem_shared>>
      tpu.enqueue_indirect_dma source(%dma_start3A_88 : memref<128x16xf32, #tpu.memory_space<vmem>>) target(%dma_start3A_94 : memref<80x16xf32, #tpu.memory_space<vmem_shared>>) offsets(%dma_start3A_91 : memref<128xi32, #tpu.memory_space<vmem>>) semaphore(%arg11 : memref<!tpu.dma_semaphore, #tpu.memory_space<semaphore_mem>>) {add = true}
      %dma_start3A_95 = arith.constant 6 : i32
      %dma_start3A_96 = arith.constant 768 : i32
      %dma_start3A_97 = arith.constant 0 : i32
      %dma_start3A_98 = tpu.memref_slice %arg7[%dma_start3A_96, %dma_start3A_97] : memref<1024x16xf32, #tpu.memory_space<vmem>> -> memref<128x16xf32, #tpu.memory_space<vmem>>
      %dma_start3A_99 = arith.constant 0 : i32
      %dma_start3A_100 = tpu.memref_slice %arg6[%dma_start3A_95, %dma_start3A_99] : memref<8x128xi32, #tpu.memory_space<vmem>> -> memref<1x128xi32, #tpu.memory_space<vmem>>
      %dma_start3A_101 = tpu.memref_squeeze %dma_start3A_100 : memref<1x128xi32, #tpu.memory_space<vmem>> -> memref<128xi32, #tpu.memory_space<vmem>>
      %dma_start3A_102 = arith.constant 0 : i32
      %dma_start3A_103 = arith.constant 0 : i32
      %dma_start3A_104 = tpu.memref_slice %arg9[%dma_start3A_102, %dma_start3A_103] : memref<80x16xf32, #tpu.memory_space<vmem_shared>> -> memref<80x16xf32, #tpu.memory_space<vmem_shared>>
      tpu.enqueue_indirect_dma source(%dma_start3A_98 : memref<128x16xf32, #tpu.memory_space<vmem>>) target(%dma_start3A_104 : memref<80x16xf32, #tpu.memory_space<vmem_shared>>) offsets(%dma_start3A_101 : memref<128xi32, #tpu.memory_space<vmem>>) semaphore(%arg11 : memref<!tpu.dma_semaphore, #tpu.memory_space<semaphore_mem>>) {add = true}
      %dma_start3A_105 = arith.constant 7 : i32
      %dma_start3A_106 = arith.constant 896 : i32
      %dma_start3A_107 = arith.constant 0 : i32
      %dma_start3A_108 = tpu.memref_slice %arg7[%dma_start3A_106, %dma_start3A_107] : memref<1024x16xf32, #tpu.memory_space<vmem>> -> memref<128x16xf32, #tpu.memory_space<vmem>>
      %dma_start3A_109 = arith.constant 0 : i32
      %dma_start3A_110 = tpu.memref_slice %arg6[%dma_start3A_105, %dma_start3A_109] : memref<8x128xi32, #tpu.memory_space<vmem>> -> memref<1x128xi32, #tpu.memory_space<vmem>>
      %dma_start3A_111 = tpu.memref_squeeze %dma_start3A_110 : memref<1x128xi32, #tpu.memory_space<vmem>> -> memref<128xi32, #tpu.memory_space<vmem>>
      %dma_start3A_112 = arith.constant 0 : i32
      %dma_start3A_113 = arith.constant 0 : i32
      %dma_start3A_114 = tpu.memref_slice %arg9[%dma_start3A_112, %dma_start3A_113] : memref<80x16xf32, #tpu.memory_space<vmem_shared>> -> memref<80x16xf32, #tpu.memory_space<vmem_shared>>
      tpu.enqueue_indirect_dma source(%dma_start3A_108 : memref<128x16xf32, #tpu.memory_space<vmem>>) target(%dma_start3A_114 : memref<80x16xf32, #tpu.memory_space<vmem_shared>>) offsets(%dma_start3A_111 : memref<128xi32, #tpu.memory_space<vmem>>) semaphore(%arg11 : memref<!tpu.dma_semaphore, #tpu.memory_space<semaphore_mem>>) {add = true}
      %dma_start3A_115 = arith.constant 0 : i32
      %dma_start3A_116 = arith.constant 0 : i32
      %dma_start3A_117 = tpu.memref_slice %arg6[%dma_start3A_115, %dma_start3A_116] : memref<8x128xi32, #tpu.memory_space<vmem>> -> memref<1x128xi32, #tpu.memory_space<vmem>>
      %dma_start3A_118 = tpu.memref_squeeze %dma_start3A_117 : memref<1x128xi32, #tpu.memory_space<vmem>> -> memref<128xi32, #tpu.memory_space<vmem>>
      %dma_start3A_119 = arith.constant 0 : i32
      %dma_start3A_120 = arith.constant 0 : i32
      %dma_start3A_121 = tpu.memref_slice %arg10[%dma_start3A_119, %dma_start3A_120] : memref<80x16xf32, #tpu.memory_space<vmem_shared>> -> memref<80x16xf32, #tpu.memory_space<vmem_shared>>
      tpu.enqueue_indirect_dma source(%arg8 : memref<128x16xf32, #tpu.memory_space<vmem>>) target(%dma_start3A_121 : memref<80x16xf32, #tpu.memory_space<vmem_shared>>) offsets(%dma_start3A_118 : memref<128xi32, #tpu.memory_space<vmem>>) semaphore(%arg12 : memref<!tpu.dma_semaphore, #tpu.memory_space<semaphore_mem>>) {add = true}
      %dma_start3A_122 = arith.constant 1 : i32
      %dma_start3A_123 = arith.constant 0 : i32
      %dma_start3A_124 = tpu.memref_slice %arg6[%dma_start3A_122, %dma_start3A_123] : memref<8x128xi32, #tpu.memory_space<vmem>> -> memref<1x128xi32, #tpu.memory_space<vmem>>
      %dma_start3A_125 = tpu.memref_squeeze %dma_start3A_124 : memref<1x128xi32, #tpu.memory_space<vmem>> -> memref<128xi32, #tpu.memory_space<vmem>>
      %dma_start3A_126 = arith.constant 0 : i32
      %dma_start3A_127 = arith.constant 0 : i32
      %dma_start3A_128 = tpu.memref_slice %arg10[%dma_start3A_126, %dma_start3A_127] : memref<80x16xf32, #tpu.memory_space<vmem_shared>> -> memref<80x16xf32, #tpu.memory_space<vmem_shared>>
      tpu.enqueue_indirect_dma source(%arg8 : memref<128x16xf32, #tpu.memory_space<vmem>>) target(%dma_start3A_128 : memref<80x16xf32, #tpu.memory_space<vmem_shared>>) offsets(%dma_start3A_125 : memref<128xi32, #tpu.memory_space<vmem>>) semaphore(%arg12 : memref<!tpu.dma_semaphore, #tpu.memory_space<semaphore_mem>>) {add = true}
      %dma_start3A_129 = arith.constant 2 : i32
      %dma_start3A_130 = arith.constant 0 : i32
      %dma_start3A_131 = tpu.memref_slice %arg6[%dma_start3A_129, %dma_start3A_130] : memref<8x128xi32, #tpu.memory_space<vmem>> -> memref<1x128xi32, #tpu.memory_space<vmem>>
      %dma_start3A_132 = tpu.memref_squeeze %dma_start3A_131 : memref<1x128xi32, #tpu.memory_space<vmem>> -> memref<128xi32, #tpu.memory_space<vmem>>
      %dma_start3A_133 = arith.constant 0 : i32
      %dma_start3A_134 = arith.constant 0 : i32
      %dma_start3A_135 = tpu.memref_slice %arg10[%dma_start3A_133, %dma_start3A_134] : memref<80x16xf32, #tpu.memory_space<vmem_shared>> -> memref<80x16xf32, #tpu.memory_space<vmem_shared>>
      tpu.enqueue_indirect_dma source(%arg8 : memref<128x16xf32, #tpu.memory_space<vmem>>) target(%dma_start3A_135 : memref<80x16xf32, #tpu.memory_space<vmem_shared>>) offsets(%dma_start3A_132 : memref<128xi32, #tpu.memory_space<vmem>>) semaphore(%arg12 : memref<!tpu.dma_semaphore, #tpu.memory_space<semaphore_mem>>) {add = true}
      %dma_start3A_136 = arith.constant 3 : i32
      %dma_start3A_137 = arith.constant 0 : i32
      %dma_start3A_138 = tpu.memref_slice %arg6[%dma_start3A_136, %dma_start3A_137] : memref<8x128xi32, #tpu.memory_space<vmem>> -> memref<1x128xi32, #tpu.memory_space<vmem>>
      %dma_start3A_139 = tpu.memref_squeeze %dma_start3A_138 : memref<1x128xi32, #tpu.memory_space<vmem>> -> memref<128xi32, #tpu.memory_space<vmem>>
      %dma_start3A_140 = arith.constant 0 : i32
      %dma_start3A_141 = arith.constant 0 : i32
      %dma_start3A_142 = tpu.memref_slice %arg10[%dma_start3A_140, %dma_start3A_141] : memref<80x16xf32, #tpu.memory_space<vmem_shared>> -> memref<80x16xf32, #tpu.memory_space<vmem_shared>>
      tpu.enqueue_indirect_dma source(%arg8 : memref<128x16xf32, #tpu.memory_space<vmem>>) target(%dma_start3A_142 : memref<80x16xf32, #tpu.memory_space<vmem_shared>>) offsets(%dma_start3A_139 : memref<128xi32, #tpu.memory_space<vmem>>) semaphore(%arg12 : memref<!tpu.dma_semaphore, #tpu.memory_space<semaphore_mem>>) {add = true}
      %dma_start3A_143 = arith.constant 4 : i32
      %dma_start3A_144 = arith.constant 0 : i32
      %dma_start3A_145 = tpu.memref_slice %arg6[%dma_start3A_143, %dma_start3A_144] : memref<8x128xi32, #tpu.memory_space<vmem>> -> memref<1x128xi32, #tpu.memory_space<vmem>>
      %dma_start3A_146 = tpu.memref_squeeze %dma_start3A_145 : memref<1x128xi32, #tpu.memory_space<vmem>> -> memref<128xi32, #tpu.memory_space<vmem>>
      %dma_start3A_147 = arith.constant 0 : i32
      %dma_start3A_148 = arith.constant 0 : i32
      %dma_start3A_149 = tpu.memref_slice %arg10[%dma_start3A_147, %dma_start3A_148] : memref<80x16xf32, #tpu.memory_space<vmem_shared>> -> memref<80x16xf32, #tpu.memory_space<vmem_shared>>
      tpu.enqueue_indirect_dma source(%arg8 : memref<128x16xf32, #tpu.memory_space<vmem>>) target(%dma_start3A_149 : memref<80x16xf32, #tpu.memory_space<vmem_shared>>) offsets(%dma_start3A_146 : memref<128xi32, #tpu.memory_space<vmem>>) semaphore(%arg12 : memref<!tpu.dma_semaphore, #tpu.memory_space<semaphore_mem>>) {add = true}
      %dma_start3A_150 = arith.constant 5 : i32
      %dma_start3A_151 = arith.constant 0 : i32
      %dma_start3A_152 = tpu.memref_slice %arg6[%dma_start3A_150, %dma_start3A_151] : memref<8x128xi32, #tpu.memory_space<vmem>> -> memref<1x128xi32, #tpu.memory_space<vmem>>
      %dma_start3A_153 = tpu.memref_squeeze %dma_start3A_152 : memref<1x128xi32, #tpu.memory_space<vmem>> -> memref<128xi32, #tpu.memory_space<vmem>>
      %dma_start3A_154 = arith.constant 0 : i32
      %dma_start3A_155 = arith.constant 0 : i32
      %dma_start3A_156 = tpu.memref_slice %arg10[%dma_start3A_154, %dma_start3A_155] : memref<80x16xf32, #tpu.memory_space<vmem_shared>> -> memref<80x16xf32, #tpu.memory_space<vmem_shared>>
      tpu.enqueue_indirect_dma source(%arg8 : memref<128x16xf32, #tpu.memory_space<vmem>>) target(%dma_start3A_156 : memref<80x16xf32, #tpu.memory_space<vmem_shared>>) offsets(%dma_start3A_153 : memref<128xi32, #tpu.memory_space<vmem>>) semaphore(%arg12 : memref<!tpu.dma_semaphore, #tpu.memory_space<semaphore_mem>>) {add = true}
      %dma_start3A_157 = arith.constant 6 : i32
      %dma_start3A_158 = arith.constant 0 : i32
      %dma_start3A_159 = tpu.memref_slice %arg6[%dma_start3A_157, %dma_start3A_158] : memref<8x128xi32, #tpu.memory_space<vmem>> -> memref<1x128xi32, #tpu.memory_space<vmem>>
      %dma_start3A_160 = tpu.memref_squeeze %dma_start3A_159 : memref<1x128xi32, #tpu.memory_space<vmem>> -> memref<128xi32, #tpu.memory_space<vmem>>
      %dma_start3A_161 = arith.constant 0 : i32
      %dma_start3A_162 = arith.constant 0 : i32
      %dma_start3A_163 = tpu.memref_slice %arg10[%dma_start3A_161, %dma_start3A_162] : memref<80x16xf32, #tpu.memory_space<vmem_shared>> -> memref<80x16xf32, #tpu.memory_space<vmem_shared>>
      tpu.enqueue_indirect_dma source(%arg8 : memref<128x16xf32, #tpu.memory_space<vmem>>) target(%dma_start3A_163 : memref<80x16xf32, #tpu.memory_space<vmem_shared>>) offsets(%dma_start3A_160 : memref<128xi32, #tpu.memory_space<vmem>>) semaphore(%arg12 : memref<!tpu.dma_semaphore, #tpu.memory_space<semaphore_mem>>) {add = true}
      %dma_start3A_164 = arith.constant 7 : i32
      %dma_start3A_165 = arith.constant 0 : i32
      %dma_start3A_166 = tpu.memref_slice %arg6[%dma_start3A_164, %dma_start3A_165] : memref<8x128xi32, #tpu.memory_space<vmem>> -> memref<1x128xi32, #tpu.memory_space<vmem>>
      %dma_start3A_167 = tpu.memref_squeeze %dma_start3A_166 : memref<1x128xi32, #tpu.memory_space<vmem>> -> memref<128xi32, #tpu.memory_space<vmem>>
      %dma_start3A_168 = arith.constant 0 : i32
      %dma_start3A_169 = arith.constant 0 : i32
      %dma_start3A_170 = tpu.memref_slice %arg10[%dma_start3A_168, %dma_start3A_169] : memref<80x16xf32, #tpu.memory_space<vmem_shared>> -> memref<80x16xf32, #tpu.memory_space<vmem_shared>>
      tpu.enqueue_indirect_dma source(%arg8 : memref<128x16xf32, #tpu.memory_space<vmem>>) target(%dma_start3A_170 : memref<80x16xf32, #tpu.memory_space<vmem_shared>>) offsets(%dma_start3A_167 : memref<128xi32, #tpu.memory_space<vmem>>) semaphore(%arg12 : memref<!tpu.dma_semaphore, #tpu.memory_space<semaphore_mem>>) {add = true}
      %dma_wait3A = arith.constant 0 : i32
      %dma_wait3A_171 = arith.constant 0 : i32
      %dma_wait3A_172 = arith.constant 0 : i32
      %dma_wait3A_173 = tpu.memref_slice %arg7[%dma_wait3A_171, %dma_wait3A_172] : memref<1024x16xf32, #tpu.memory_space<vmem>> -> memref<128x16xf32, #tpu.memory_space<vmem>>
      %dma_wait3A_174 = arith.constant 0 : i32
      %dma_wait3A_175 = tpu.memref_slice %arg6[%dma_wait3A, %dma_wait3A_174] : memref<8x128xi32, #tpu.memory_space<vmem>> -> memref<1x128xi32, #tpu.memory_space<vmem>>
      %dma_wait3A_176 = tpu.memref_squeeze %dma_wait3A_175 : memref<1x128xi32, #tpu.memory_space<vmem>> -> memref<128xi32, #tpu.memory_space<vmem>>
      %dma_wait3A_177 = arith.constant 0 : i32
      %dma_wait3A_178 = arith.constant 0 : i32
      %dma_wait3A_179 = tpu.memref_slice %arg9[%dma_wait3A_177, %dma_wait3A_178] : memref<80x16xf32, #tpu.memory_space<vmem_shared>> -> memref<80x16xf32, #tpu.memory_space<vmem_shared>>
      tpu.wait_indirect_dma semaphore(%arg11 : memref<!tpu.dma_semaphore, #tpu.memory_space<semaphore_mem>>) src(%dma_wait3A_173 : memref<128x16xf32, #tpu.memory_space<vmem>>) dst(%dma_wait3A_179 : memref<80x16xf32, #tpu.memory_space<vmem_shared>>)
      %dma_wait3A_180 = arith.constant 1 : i32
      %dma_wait3A_181 = arith.constant 128 : i32
      %dma_wait3A_182 = arith.constant 0 : i32
      %dma_wait3A_183 = tpu.memref_slice %arg7[%dma_wait3A_181, %dma_wait3A_182] : memref<1024x16xf32, #tpu.memory_space<vmem>> -> memref<128x16xf32, #tpu.memory_space<vmem>>
      %dma_wait3A_184 = arith.constant 0 : i32
      %dma_wait3A_185 = tpu.memref_slice %arg6[%dma_wait3A_180, %dma_wait3A_184] : memref<8x128xi32, #tpu.memory_space<vmem>> -> memref<1x128xi32, #tpu.memory_space<vmem>>
      %dma_wait3A_186 = tpu.memref_squeeze %dma_wait3A_185 : memref<1x128xi32, #tpu.memory_space<vmem>> -> memref<128xi32, #tpu.memory_space<vmem>>
      %dma_wait3A_187 = arith.constant 0 : i32
      %dma_wait3A_188 = arith.constant 0 : i32
      %dma_wait3A_189 = tpu.memref_slice %arg9[%dma_wait3A_187, %dma_wait3A_188] : memref<80x16xf32, #tpu.memory_space<vmem_shared>> -> memref<80x16xf32, #tpu.memory_space<vmem_shared>>
      tpu.wait_indirect_dma semaphore(%arg11 : memref<!tpu.dma_semaphore, #tpu.memory_space<semaphore_mem>>) src(%dma_wait3A_183 : memref<128x16xf32, #tpu.memory_space<vmem>>) dst(%dma_wait3A_189 : memref<80x16xf32, #tpu.memory_space<vmem_shared>>)
      %dma_wait3A_190 = arith.constant 2 : i32
      %dma_wait3A_191 = arith.constant 256 : i32
      %dma_wait3A_192 = arith.constant 0 : i32
      %dma_wait3A_193 = tpu.memref_slice %arg7[%dma_wait3A_191, %dma_wait3A_192] : memref<1024x16xf32, #tpu.memory_space<vmem>> -> memref<128x16xf32, #tpu.memory_space<vmem>>
      %dma_wait3A_194 = arith.constant 0 : i32
      %dma_wait3A_195 = tpu.memref_slice %arg6[%dma_wait3A_190, %dma_wait3A_194] : memref<8x128xi32, #tpu.memory_space<vmem>> -> memref<1x128xi32, #tpu.memory_space<vmem>>
      %dma_wait3A_196 = tpu.memref_squeeze %dma_wait3A_195 : memref<1x128xi32, #tpu.memory_space<vmem>> -> memref<128xi32, #tpu.memory_space<vmem>>
      %dma_wait3A_197 = arith.constant 0 : i32
      %dma_wait3A_198 = arith.constant 0 : i32
      %dma_wait3A_199 = tpu.memref_slice %arg9[%dma_wait3A_197, %dma_wait3A_198] : memref<80x16xf32, #tpu.memory_space<vmem_shared>> -> memref<80x16xf32, #tpu.memory_space<vmem_shared>>
      tpu.wait_indirect_dma semaphore(%arg11 : memref<!tpu.dma_semaphore, #tpu.memory_space<semaphore_mem>>) src(%dma_wait3A_193 : memref<128x16xf32, #tpu.memory_space<vmem>>) dst(%dma_wait3A_199 : memref<80x16xf32, #tpu.memory_space<vmem_shared>>)
      %dma_wait3A_200 = arith.constant 3 : i32
      %dma_wait3A_201 = arith.constant 384 : i32
      %dma_wait3A_202 = arith.constant 0 : i32
      %dma_wait3A_203 = tpu.memref_slice %arg7[%dma_wait3A_201, %dma_wait3A_202] : memref<1024x16xf32, #tpu.memory_space<vmem>> -> memref<128x16xf32, #tpu.memory_space<vmem>>
      %dma_wait3A_204 = arith.constant 0 : i32
      %dma_wait3A_205 = tpu.memref_slice %arg6[%dma_wait3A_200, %dma_wait3A_204] : memref<8x128xi32, #tpu.memory_space<vmem>> -> memref<1x128xi32, #tpu.memory_space<vmem>>
      %dma_wait3A_206 = tpu.memref_squeeze %dma_wait3A_205 : memref<1x128xi32, #tpu.memory_space<vmem>> -> memref<128xi32, #tpu.memory_space<vmem>>
      %dma_wait3A_207 = arith.constant 0 : i32
      %dma_wait3A_208 = arith.constant 0 : i32
      %dma_wait3A_209 = tpu.memref_slice %arg9[%dma_wait3A_207, %dma_wait3A_208] : memref<80x16xf32, #tpu.memory_space<vmem_shared>> -> memref<80x16xf32, #tpu.memory_space<vmem_shared>>
      tpu.wait_indirect_dma semaphore(%arg11 : memref<!tpu.dma_semaphore, #tpu.memory_space<semaphore_mem>>) src(%dma_wait3A_203 : memref<128x16xf32, #tpu.memory_space<vmem>>) dst(%dma_wait3A_209 : memref<80x16xf32, #tpu.memory_space<vmem_shared>>)
      %dma_wait3A_210 = arith.constant 4 : i32
      %dma_wait3A_211 = arith.constant 512 : i32
      %dma_wait3A_212 = arith.constant 0 : i32
      %dma_wait3A_213 = tpu.memref_slice %arg7[%dma_wait3A_211, %dma_wait3A_212] : memref<1024x16xf32, #tpu.memory_space<vmem>> -> memref<128x16xf32, #tpu.memory_space<vmem>>
      %dma_wait3A_214 = arith.constant 0 : i32
      %dma_wait3A_215 = tpu.memref_slice %arg6[%dma_wait3A_210, %dma_wait3A_214] : memref<8x128xi32, #tpu.memory_space<vmem>> -> memref<1x128xi32, #tpu.memory_space<vmem>>
      %dma_wait3A_216 = tpu.memref_squeeze %dma_wait3A_215 : memref<1x128xi32, #tpu.memory_space<vmem>> -> memref<128xi32, #tpu.memory_space<vmem>>
      %dma_wait3A_217 = arith.constant 0 : i32
      %dma_wait3A_218 = arith.constant 0 : i32
      %dma_wait3A_219 = tpu.memref_slice %arg9[%dma_wait3A_217, %dma_wait3A_218] : memref<80x16xf32, #tpu.memory_space<vmem_shared>> -> memref<80x16xf32, #tpu.memory_space<vmem_shared>>
      tpu.wait_indirect_dma semaphore(%arg11 : memref<!tpu.dma_semaphore, #tpu.memory_space<semaphore_mem>>) src(%dma_wait3A_213 : memref<128x16xf32, #tpu.memory_space<vmem>>) dst(%dma_wait3A_219 : memref<80x16xf32, #tpu.memory_space<vmem_shared>>)
      %dma_wait3A_220 = arith.constant 5 : i32
      %dma_wait3A_221 = arith.constant 640 : i32
      %dma_wait3A_222 = arith.constant 0 : i32
      %dma_wait3A_223 = tpu.memref_slice %arg7[%dma_wait3A_221, %dma_wait3A_222] : memref<1024x16xf32, #tpu.memory_space<vmem>> -> memref<128x16xf32, #tpu.memory_space<vmem>>
      %dma_wait3A_224 = arith.constant 0 : i32
      %dma_wait3A_225 = tpu.memref_slice %arg6[%dma_wait3A_220, %dma_wait3A_224] : memref<8x128xi32, #tpu.memory_space<vmem>> -> memref<1x128xi32, #tpu.memory_space<vmem>>
      %dma_wait3A_226 = tpu.memref_squeeze %dma_wait3A_225 : memref<1x128xi32, #tpu.memory_space<vmem>> -> memref<128xi32, #tpu.memory_space<vmem>>
      %dma_wait3A_227 = arith.constant 0 : i32
      %dma_wait3A_228 = arith.constant 0 : i32
      %dma_wait3A_229 = tpu.memref_slice %arg9[%dma_wait3A_227, %dma_wait3A_228] : memref<80x16xf32, #tpu.memory_space<vmem_shared>> -> memref<80x16xf32, #tpu.memory_space<vmem_shared>>
      tpu.wait_indirect_dma semaphore(%arg11 : memref<!tpu.dma_semaphore, #tpu.memory_space<semaphore_mem>>) src(%dma_wait3A_223 : memref<128x16xf32, #tpu.memory_space<vmem>>) dst(%dma_wait3A_229 : memref<80x16xf32, #tpu.memory_space<vmem_shared>>)
      %dma_wait3A_230 = arith.constant 6 : i32
      %dma_wait3A_231 = arith.constant 768 : i32
      %dma_wait3A_232 = arith.constant 0 : i32
      %dma_wait3A_233 = tpu.memref_slice %arg7[%dma_wait3A_231, %dma_wait3A_232] : memref<1024x16xf32, #tpu.memory_space<vmem>> -> memref<128x16xf32, #tpu.memory_space<vmem>>
      %dma_wait3A_234 = arith.constant 0 : i32
      %dma_wait3A_235 = tpu.memref_slice %arg6[%dma_wait3A_230, %dma_wait3A_234] : memref<8x128xi32, #tpu.memory_space<vmem>> -> memref<1x128xi32, #tpu.memory_space<vmem>>
      %dma_wait3A_236 = tpu.memref_squeeze %dma_wait3A_235 : memref<1x128xi32, #tpu.memory_space<vmem>> -> memref<128xi32, #tpu.memory_space<vmem>>
      %dma_wait3A_237 = arith.constant 0 : i32
      %dma_wait3A_238 = arith.constant 0 : i32
      %dma_wait3A_239 = tpu.memref_slice %arg9[%dma_wait3A_237, %dma_wait3A_238] : memref<80x16xf32, #tpu.memory_space<vmem_shared>> -> memref<80x16xf32, #tpu.memory_space<vmem_shared>>
      tpu.wait_indirect_dma semaphore(%arg11 : memref<!tpu.dma_semaphore, #tpu.memory_space<semaphore_mem>>) src(%dma_wait3A_233 : memref<128x16xf32, #tpu.memory_space<vmem>>) dst(%dma_wait3A_239 : memref<80x16xf32, #tpu.memory_space<vmem_shared>>)
      %dma_wait3A_240 = arith.constant 7 : i32
      %dma_wait3A_241 = arith.constant 896 : i32
      %dma_wait3A_242 = arith.constant 0 : i32
      %dma_wait3A_243 = tpu.memref_slice %arg7[%dma_wait3A_241, %dma_wait3A_242] : memref<1024x16xf32, #tpu.memory_space<vmem>> -> memref<128x16xf32, #tpu.memory_space<vmem>>
      %dma_wait3A_244 = arith.constant 0 : i32
      %dma_wait3A_245 = tpu.memref_slice %arg6[%dma_wait3A_240, %dma_wait3A_244] : memref<8x128xi32, #tpu.memory_space<vmem>> -> memref<1x128xi32, #tpu.memory_space<vmem>>
      %dma_wait3A_246 = tpu.memref_squeeze %dma_wait3A_245 : memref<1x128xi32, #tpu.memory_space<vmem>> -> memref<128xi32, #tpu.memory_space<vmem>>
      %dma_wait3A_247 = arith.constant 0 : i32
      %dma_wait3A_248 = arith.constant 0 : i32
      %dma_wait3A_249 = tpu.memref_slice %arg9[%dma_wait3A_247, %dma_wait3A_248] : memref<80x16xf32, #tpu.memory_space<vmem_shared>> -> memref<80x16xf32, #tpu.memory_space<vmem_shared>>
      tpu.wait_indirect_dma semaphore(%arg11 : memref<!tpu.dma_semaphore, #tpu.memory_space<semaphore_mem>>) src(%dma_wait3A_243 : memref<128x16xf32, #tpu.memory_space<vmem>>) dst(%dma_wait3A_249 : memref<80x16xf32, #tpu.memory_space<vmem_shared>>)
      %dma_wait3A_250 = arith.constant 0 : i32
      %dma_wait3A_251 = arith.constant 0 : i32
      %dma_wait3A_252 = tpu.memref_slice %arg6[%dma_wait3A_250, %dma_wait3A_251] : memref<8x128xi32, #tpu.memory_space<vmem>> -> memref<1x128xi32, #tpu.memory_space<vmem>>
      %dma_wait3A_253 = tpu.memref_squeeze %dma_wait3A_252 : memref<1x128xi32, #tpu.memory_space<vmem>> -> memref<128xi32, #tpu.memory_space<vmem>>
      %dma_wait3A_254 = arith.constant 0 : i32
      %dma_wait3A_255 = arith.constant 0 : i32
      %dma_wait3A_256 = tpu.memref_slice %arg10[%dma_wait3A_254, %dma_wait3A_255] : memref<80x16xf32, #tpu.memory_space<vmem_shared>> -> memref<80x16xf32, #tpu.memory_space<vmem_shared>>
      tpu.wait_indirect_dma semaphore(%arg12 : memref<!tpu.dma_semaphore, #tpu.memory_space<semaphore_mem>>) src(%arg8 : memref<128x16xf32, #tpu.memory_space<vmem>>) dst(%dma_wait3A_256 : memref<80x16xf32, #tpu.memory_space<vmem_shared>>)
      %dma_wait3A_257 = arith.constant 1 : i32
      %dma_wait3A_258 = arith.constant 0 : i32
      %dma_wait3A_259 = tpu.memref_slice %arg6[%dma_wait3A_257, %dma_wait3A_258] : memref<8x128xi32, #tpu.memory_space<vmem>> -> memref<1x128xi32, #tpu.memory_space<vmem>>
      %dma_wait3A_260 = tpu.memref_squeeze %dma_wait3A_259 : memref<1x128xi32, #tpu.memory_space<vmem>> -> memref<128xi32, #tpu.memory_space<vmem>>
      %dma_wait3A_261 = arith.constant 0 : i32
      %dma_wait3A_262 = arith.constant 0 : i32
      %dma_wait3A_263 = tpu.memref_slice %arg10[%dma_wait3A_261, %dma_wait3A_262] : memref<80x16xf32, #tpu.memory_space<vmem_shared>> -> memref<80x16xf32, #tpu.memory_space<vmem_shared>>
      tpu.wait_indirect_dma semaphore(%arg12 : memref<!tpu.dma_semaphore, #tpu.memory_space<semaphore_mem>>) src(%arg8 : memref<128x16xf32, #tpu.memory_space<vmem>>) dst(%dma_wait3A_263 : memref<80x16xf32, #tpu.memory_space<vmem_shared>>)
      %dma_wait3A_264 = arith.constant 2 : i32
      %dma_wait3A_265 = arith.constant 0 : i32
      %dma_wait3A_266 = tpu.memref_slice %arg6[%dma_wait3A_264, %dma_wait3A_265] : memref<8x128xi32, #tpu.memory_space<vmem>> -> memref<1x128xi32, #tpu.memory_space<vmem>>
      %dma_wait3A_267 = tpu.memref_squeeze %dma_wait3A_266 : memref<1x128xi32, #tpu.memory_space<vmem>> -> memref<128xi32, #tpu.memory_space<vmem>>
      %dma_wait3A_268 = arith.constant 0 : i32
      %dma_wait3A_269 = arith.constant 0 : i32
      %dma_wait3A_270 = tpu.memref_slice %arg10[%dma_wait3A_268, %dma_wait3A_269] : memref<80x16xf32, #tpu.memory_space<vmem_shared>> -> memref<80x16xf32, #tpu.memory_space<vmem_shared>>
      tpu.wait_indirect_dma semaphore(%arg12 : memref<!tpu.dma_semaphore, #tpu.memory_space<semaphore_mem>>) src(%arg8 : memref<128x16xf32, #tpu.memory_space<vmem>>) dst(%dma_wait3A_270 : memref<80x16xf32, #tpu.memory_space<vmem_shared>>)
      %dma_wait3A_271 = arith.constant 3 : i32
      %dma_wait3A_272 = arith.constant 0 : i32
      %dma_wait3A_273 = tpu.memref_slice %arg6[%dma_wait3A_271, %dma_wait3A_272] : memref<8x128xi32, #tpu.memory_space<vmem>> -> memref<1x128xi32, #tpu.memory_space<vmem>>
      %dma_wait3A_274 = tpu.memref_squeeze %dma_wait3A_273 : memref<1x128xi32, #tpu.memory_space<vmem>> -> memref<128xi32, #tpu.memory_space<vmem>>
      %dma_wait3A_275 = arith.constant 0 : i32
      %dma_wait3A_276 = arith.constant 0 : i32
      %dma_wait3A_277 = tpu.memref_slice %arg10[%dma_wait3A_275, %dma_wait3A_276] : memref<80x16xf32, #tpu.memory_space<vmem_shared>> -> memref<80x16xf32, #tpu.memory_space<vmem_shared>>
      tpu.wait_indirect_dma semaphore(%arg12 : memref<!tpu.dma_semaphore, #tpu.memory_space<semaphore_mem>>) src(%arg8 : memref<128x16xf32, #tpu.memory_space<vmem>>) dst(%dma_wait3A_277 : memref<80x16xf32, #tpu.memory_space<vmem_shared>>)
      %dma_wait3A_278 = arith.constant 4 : i32
      %dma_wait3A_279 = arith.constant 0 : i32
      %dma_wait3A_280 = tpu.memref_slice %arg6[%dma_wait3A_278, %dma_wait3A_279] : memref<8x128xi32, #tpu.memory_space<vmem>> -> memref<1x128xi32, #tpu.memory_space<vmem>>
      %dma_wait3A_281 = tpu.memref_squeeze %dma_wait3A_280 : memref<1x128xi32, #tpu.memory_space<vmem>> -> memref<128xi32, #tpu.memory_space<vmem>>
      %dma_wait3A_282 = arith.constant 0 : i32
      %dma_wait3A_283 = arith.constant 0 : i32
      %dma_wait3A_284 = tpu.memref_slice %arg10[%dma_wait3A_282, %dma_wait3A_283] : memref<80x16xf32, #tpu.memory_space<vmem_shared>> -> memref<80x16xf32, #tpu.memory_space<vmem_shared>>
      tpu.wait_indirect_dma semaphore(%arg12 : memref<!tpu.dma_semaphore, #tpu.memory_space<semaphore_mem>>) src(%arg8 : memref<128x16xf32, #tpu.memory_space<vmem>>) dst(%dma_wait3A_284 : memref<80x16xf32, #tpu.memory_space<vmem_shared>>)
      %dma_wait3A_285 = arith.constant 5 : i32
      %dma_wait3A_286 = arith.constant 0 : i32
      %dma_wait3A_287 = tpu.memref_slice %arg6[%dma_wait3A_285, %dma_wait3A_286] : memref<8x128xi32, #tpu.memory_space<vmem>> -> memref<1x128xi32, #tpu.memory_space<vmem>>
      %dma_wait3A_288 = tpu.memref_squeeze %dma_wait3A_287 : memref<1x128xi32, #tpu.memory_space<vmem>> -> memref<128xi32, #tpu.memory_space<vmem>>
      %dma_wait3A_289 = arith.constant 0 : i32
      %dma_wait3A_290 = arith.constant 0 : i32
      %dma_wait3A_291 = tpu.memref_slice %arg10[%dma_wait3A_289, %dma_wait3A_290] : memref<80x16xf32, #tpu.memory_space<vmem_shared>> -> memref<80x16xf32, #tpu.memory_space<vmem_shared>>
      tpu.wait_indirect_dma semaphore(%arg12 : memref<!tpu.dma_semaphore, #tpu.memory_space<semaphore_mem>>) src(%arg8 : memref<128x16xf32, #tpu.memory_space<vmem>>) dst(%dma_wait3A_291 : memref<80x16xf32, #tpu.memory_space<vmem_shared>>)
      %dma_wait3A_292 = arith.constant 6 : i32
      %dma_wait3A_293 = arith.constant 0 : i32
      %dma_wait3A_294 = tpu.memref_slice %arg6[%dma_wait3A_292, %dma_wait3A_293] : memref<8x128xi32, #tpu.memory_space<vmem>> -> memref<1x128xi32, #tpu.memory_space<vmem>>
      %dma_wait3A_295 = tpu.memref_squeeze %dma_wait3A_294 : memref<1x128xi32, #tpu.memory_space<vmem>> -> memref<128xi32, #tpu.memory_space<vmem>>
      %dma_wait3A_296 = arith.constant 0 : i32
      %dma_wait3A_297 = arith.constant 0 : i32
      %dma_wait3A_298 = tpu.memref_slice %arg10[%dma_wait3A_296, %dma_wait3A_297] : memref<80x16xf32, #tpu.memory_space<vmem_shared>> -> memref<80x16xf32, #tpu.memory_space<vmem_shared>>
      tpu.wait_indirect_dma semaphore(%arg12 : memref<!tpu.dma_semaphore, #tpu.memory_space<semaphore_mem>>) src(%arg8 : memref<128x16xf32, #tpu.memory_space<vmem>>) dst(%dma_wait3A_298 : memref<80x16xf32, #tpu.memory_space<vmem_shared>>)
      %dma_wait3A_299 = arith.constant 7 : i32
      %dma_wait3A_300 = arith.constant 0 : i32
      %dma_wait3A_301 = tpu.memref_slice %arg6[%dma_wait3A_299, %dma_wait3A_300] : memref<8x128xi32, #tpu.memory_space<vmem>> -> memref<1x128xi32, #tpu.memory_space<vmem>>
      %dma_wait3A_302 = tpu.memref_squeeze %dma_wait3A_301 : memref<1x128xi32, #tpu.memory_space<vmem>> -> memref<128xi32, #tpu.memory_space<vmem>>
      %dma_wait3A_303 = arith.constant 0 : i32
      %dma_wait3A_304 = arith.constant 0 : i32
      %dma_wait3A_305 = tpu.memref_slice %arg10[%dma_wait3A_303, %dma_wait3A_304] : memref<80x16xf32, #tpu.memory_space<vmem_shared>> -> memref<80x16xf32, #tpu.memory_space<vmem_shared>>
      tpu.wait_indirect_dma semaphore(%arg12 : memref<!tpu.dma_semaphore, #tpu.memory_space<semaphore_mem>>) src(%arg8 : memref<128x16xf32, #tpu.memory_space<vmem>>) dst(%dma_wait3A_305 : memref<80x16xf32, #tpu.memory_space<vmem_shared>>)
    }
    %scan3A_26 = arith.constant 3 : i32
    %lt3A = arith.constant 16 : i32
    %lt3A_27 = arith.cmpi slt, %add3A, %lt3A : i32
    %convert_element_type3A = arith.extui %lt3A_27 : i1 to i32
    %cond3A = arith.constant 0 : i32
    %cond3A_28 = arith.cmpi ne, %convert_element_type3A, %cond3A : i32
    scf.if %cond3A_28 {
      %add3A_30 = arith.constant 24 : i32
      %add3A_31 = arith.addi %add3A_20, %add3A_30 : i32
      "tpu.region"() ({
        %run_scoped3A = tpu.sem_alloc : memref<!tpu.dma_semaphore, #tpu.memory_space<semaphore_mem>>
        %dma_start3A_66 = arith.constant 0 : i32
        %dma_start3A_67 = arith.constant 0 : i32
        %dma_start3A_68 = tpu.memref_slice %arg6[%dma_start3A_66, %dma_start3A_67] : memref<8x128xi32, #tpu.memory_space<vmem>> -> memref<1x128xi32, #tpu.memory_space<vmem>>
        %dma_start3A_69 = arith.constant 0 : i32
        %dma_start3A_70 = tpu.memref_slice %arg3[%add3A_31, %dma_start3A_69] : memref<784x128xi32, #tpu.memory_space<hbm>> -> memref<1x128xi32, #tpu.memory_space<hbm>>
        %dma_start3A_71 = arith.constant 0 : i32
        %dma_start3A_72 = arith.constant 0 : i32
        %dma_start3A_73 = tpu.memref_slice %arg6[%dma_start3A_71, %dma_start3A_72] : memref<8x128xi32, #tpu.memory_space<vmem>> -> memref<1x128xi32, #tpu.memory_space<vmem>>
        %dma_start3A_74 = arith.constant 0 : i32
        %dma_start3A_75 = tpu.memref_slice %arg3[%add3A_31, %dma_start3A_74] : memref<784x128xi32, #tpu.memory_space<hbm>> -> memref<1x128xi32, #tpu.memory_space<hbm>>
        tpu.enqueue_dma source(%dma_start3A_75 : memref<1x128xi32, #tpu.memory_space<hbm>>) target(%dma_start3A_73 : memref<1x128xi32, #tpu.memory_space<vmem>>) target_semaphore(%run_scoped3A : memref<!tpu.dma_semaphore, #tpu.memory_space<semaphore_mem>>)
        %dma_wait3A_76 = arith.constant 0 : i32
        %dma_wait3A_77 = arith.constant 0 : i32
        %dma_wait3A_78 = tpu.memref_slice %arg6[%dma_wait3A_76, %dma_wait3A_77] : memref<8x128xi32, #tpu.memory_space<vmem>> -> memref<1x128xi32, #tpu.memory_space<vmem>>
        %dma_wait3A_79 = arith.constant 0 : i32
        %dma_wait3A_80 = tpu.memref_slice %arg3[%add3A_31, %dma_wait3A_79] : memref<784x128xi32, #tpu.memory_space<hbm>> -> memref<1x128xi32, #tpu.memory_space<hbm>>
        %dma_wait3A_81 = arith.constant 0 : i32
        %dma_wait3A_82 = arith.constant 0 : i32
        %dma_wait3A_83 = tpu.memref_slice %arg6[%dma_wait3A_81, %dma_wait3A_82] : memref<8x128xi32, #tpu.memory_space<vmem>> -> memref<1x128xi32, #tpu.memory_space<vmem>>
        %dma_wait3A_84 = arith.constant 0 : i32
        %dma_wait3A_85 = tpu.memref_slice %arg3[%add3A_31, %dma_wait3A_84] : memref<784x128xi32, #tpu.memory_space<hbm>> -> memref<1x128xi32, #tpu.memory_space<hbm>>
        tpu.wait_dma2 semaphore(%run_scoped3A : memref<!tpu.dma_semaphore, #tpu.memory_space<semaphore_mem>>) src(%dma_wait3A_85 : memref<1x128xi32, #tpu.memory_space<hbm>>) dst(%dma_wait3A_83 : memref<1x128xi32, #tpu.memory_space<vmem>>)
        tpu.yield
      }) : () -> ()
      %mul3A_32 = arith.constant 128 : i32
      %mul3A_33 = arith.muli %add3A_31, %mul3A_32 : i32
      "tpu.region"() ({
        %run_scoped3A = tpu.sem_alloc : memref<!tpu.dma_semaphore, #tpu.memory_space<semaphore_mem>>
        %dma_start3A_66 = arith.constant 0 : i32
        %dma_start3A_67 = arith.constant 0 : i32
        %dma_start3A_68 = tpu.memref_slice %arg7[%dma_start3A_66, %dma_start3A_67] : memref<1024x16xf32, #tpu.memory_space<vmem>> -> memref<128x16xf32, #tpu.memory_space<vmem>>
        %dma_start3A_69 = arith.constant 0 : i32
        %dma_start3A_70 = tpu.memref_slice %arg2[%mul3A_33, %dma_start3A_69] : memref<100352x16xf32, #tpu.memory_space<hbm>> -> memref<128x16xf32, #tpu.memory_space<hbm>>
        %dma_start3A_71 = arith.constant 0 : i32
        %dma_start3A_72 = arith.constant 0 : i32
        %dma_start3A_73 = tpu.memref_slice %arg7[%dma_start3A_71, %dma_start3A_72] : memref<1024x16xf32, #tpu.memory_space<vmem>> -> memref<128x16xf32, #tpu.memory_space<vmem>>
        %dma_start3A_74 = arith.constant 0 : i32
        %dma_start3A_75 = tpu.memref_slice %arg2[%mul3A_33, %dma_start3A_74] : memref<100352x16xf32, #tpu.memory_space<hbm>> -> memref<128x16xf32, #tpu.memory_space<hbm>>
        tpu.enqueue_dma source(%dma_start3A_75 : memref<128x16xf32, #tpu.memory_space<hbm>>) target(%dma_start3A_73 : memref<128x16xf32, #tpu.memory_space<vmem>>) target_semaphore(%run_scoped3A : memref<!tpu.dma_semaphore, #tpu.memory_space<semaphore_mem>>)
        %dma_wait3A_76 = arith.constant 0 : i32
        %dma_wait3A_77 = arith.constant 0 : i32
        %dma_wait3A_78 = tpu.memref_slice %arg7[%dma_wait3A_76, %dma_wait3A_77] : memref<1024x16xf32, #tpu.memory_space<vmem>> -> memref<128x16xf32, #tpu.memory_space<vmem>>
        %dma_wait3A_79 = arith.constant 0 : i32
        %dma_wait3A_80 = tpu.memref_slice %arg2[%mul3A_33, %dma_wait3A_79] : memref<100352x16xf32, #tpu.memory_space<hbm>> -> memref<128x16xf32, #tpu.memory_space<hbm>>
        %dma_wait3A_81 = arith.constant 0 : i32
        %dma_wait3A_82 = arith.constant 0 : i32
        %dma_wait3A_83 = tpu.memref_slice %arg7[%dma_wait3A_81, %dma_wait3A_82] : memref<1024x16xf32, #tpu.memory_space<vmem>> -> memref<128x16xf32, #tpu.memory_space<vmem>>
        %dma_wait3A_84 = arith.constant 0 : i32
        %dma_wait3A_85 = tpu.memref_slice %arg2[%mul3A_33, %dma_wait3A_84] : memref<100352x16xf32, #tpu.memory_space<hbm>> -> memref<128x16xf32, #tpu.memory_space<hbm>>
        tpu.wait_dma2 semaphore(%run_scoped3A : memref<!tpu.dma_semaphore, #tpu.memory_space<semaphore_mem>>) src(%dma_wait3A_85 : memref<128x16xf32, #tpu.memory_space<hbm>>) dst(%dma_wait3A_83 : memref<128x16xf32, #tpu.memory_space<vmem>>)
        tpu.yield
      }) : () -> ()
      %dma_start3A = arith.constant 0 : i32
      %dma_start3A_34 = arith.constant 0 : i32
      %dma_start3A_35 = arith.constant 0 : i32
      %dma_start3A_36 = tpu.memref_slice %arg7[%dma_start3A_34, %dma_start3A_35] : memref<1024x16xf32, #tpu.memory_space<vmem>> -> memref<128x16xf32, #tpu.memory_space<vmem>>
      %dma_start3A_37 = arith.constant 0 : i32
      %dma_start3A_38 = tpu.memref_slice %arg6[%dma_start3A, %dma_start3A_37] : memref<8x128xi32, #tpu.memory_space<vmem>> -> memref<1x128xi32, #tpu.memory_space<vmem>>
      %dma_start3A_39 = tpu.memref_squeeze %dma_start3A_38 : memref<1x128xi32, #tpu.memory_space<vmem>> -> memref<128xi32, #tpu.memory_space<vmem>>
      %dma_start3A_40 = arith.constant 0 : i32
      %dma_start3A_41 = arith.constant 0 : i32
      %dma_start3A_42 = tpu.memref_slice %arg9[%dma_start3A_40, %dma_start3A_41] : memref<80x16xf32, #tpu.memory_space<vmem_shared>> -> memref<80x16xf32, #tpu.memory_space<vmem_shared>>
      tpu.enqueue_indirect_dma source(%dma_start3A_36 : memref<128x16xf32, #tpu.memory_space<vmem>>) target(%dma_start3A_42 : memref<80x16xf32, #tpu.memory_space<vmem_shared>>) offsets(%dma_start3A_39 : memref<128xi32, #tpu.memory_space<vmem>>) semaphore(%arg11 : memref<!tpu.dma_semaphore, #tpu.memory_space<semaphore_mem>>) {add = true}
      %dma_wait3A = arith.constant 0 : i32
      %dma_wait3A_43 = arith.constant 0 : i32
      %dma_wait3A_44 = arith.constant 0 : i32
      %dma_wait3A_45 = tpu.memref_slice %arg7[%dma_wait3A_43, %dma_wait3A_44] : memref<1024x16xf32, #tpu.memory_space<vmem>> -> memref<128x16xf32, #tpu.memory_space<vmem>>
      %dma_wait3A_46 = arith.constant 0 : i32
      %dma_wait3A_47 = tpu.memref_slice %arg6[%dma_wait3A, %dma_wait3A_46] : memref<8x128xi32, #tpu.memory_space<vmem>> -> memref<1x128xi32, #tpu.memory_space<vmem>>
      %dma_wait3A_48 = tpu.memref_squeeze %dma_wait3A_47 : memref<1x128xi32, #tpu.memory_space<vmem>> -> memref<128xi32, #tpu.memory_space<vmem>>
      %dma_wait3A_49 = arith.constant 0 : i32
      %dma_wait3A_50 = arith.constant 0 : i32
      %dma_wait3A_51 = tpu.memref_slice %arg9[%dma_wait3A_49, %dma_wait3A_50] : memref<80x16xf32, #tpu.memory_space<vmem_shared>> -> memref<80x16xf32, #tpu.memory_space<vmem_shared>>
      tpu.wait_indirect_dma semaphore(%arg11 : memref<!tpu.dma_semaphore, #tpu.memory_space<semaphore_mem>>) src(%dma_wait3A_45 : memref<128x16xf32, #tpu.memory_space<vmem>>) dst(%dma_wait3A_51 : memref<80x16xf32, #tpu.memory_space<vmem_shared>>)
      %dma_start3A_52 = arith.constant 0 : i32
      %dma_start3A_53 = arith.constant 0 : i32
      %dma_start3A_54 = tpu.memref_slice %arg6[%dma_start3A_52, %dma_start3A_53] : memref<8x128xi32, #tpu.memory_space<vmem>> -> memref<1x128xi32, #tpu.memory_space<vmem>>
      %dma_start3A_55 = tpu.memref_squeeze %dma_start3A_54 : memref<1x128xi32, #tpu.memory_space<vmem>> -> memref<128xi32, #tpu.memory_space<vmem>>
      %dma_start3A_56 = arith.constant 0 : i32
      %dma_start3A_57 = arith.constant 0 : i32
      %dma_start3A_58 = tpu.memref_slice %arg10[%dma_start3A_56, %dma_start3A_57] : memref<80x16xf32, #tpu.memory_space<vmem_shared>> -> memref<80x16xf32, #tpu.memory_space<vmem_shared>>
      tpu.enqueue_indirect_dma source(%arg8 : memref<128x16xf32, #tpu.memory_space<vmem>>) target(%dma_start3A_58 : memref<80x16xf32, #tpu.memory_space<vmem_shared>>) offsets(%dma_start3A_55 : memref<128xi32, #tpu.memory_space<vmem>>) semaphore(%arg12 : memref<!tpu.dma_semaphore, #tpu.memory_space<semaphore_mem>>) {add = true}
      %dma_wait3A_59 = arith.constant 0 : i32
      %dma_wait3A_60 = arith.constant 0 : i32
      %dma_wait3A_61 = tpu.memref_slice %arg6[%dma_wait3A_59, %dma_wait3A_60] : memref<8x128xi32, #tpu.memory_space<vmem>> -> memref<1x128xi32, #tpu.memory_space<vmem>>
      %dma_wait3A_62 = tpu.memref_squeeze %dma_wait3A_61 : memref<1x128xi32, #tpu.memory_space<vmem>> -> memref<128xi32, #tpu.memory_space<vmem>>
      %dma_wait3A_63 = arith.constant 0 : i32
      %dma_wait3A_64 = arith.constant 0 : i32
      %dma_wait3A_65 = tpu.memref_slice %arg10[%dma_wait3A_63, %dma_wait3A_64] : memref<80x16xf32, #tpu.memory_space<vmem_shared>> -> memref<80x16xf32, #tpu.memory_space<vmem_shared>>
      tpu.wait_indirect_dma semaphore(%arg12 : memref<!tpu.dma_semaphore, #tpu.memory_space<semaphore_mem>>) src(%arg8 : memref<128x16xf32, #tpu.memory_space<vmem>>) dst(%dma_wait3A_65 : memref<80x16xf32, #tpu.memory_space<vmem_shared>>)
    } else {
    }
    %barrier3A_29 = arith.constant 0 : index
    tpu.barrier barrier_id(%barrier3A_29)
    "tpu.region"() ({
      %run_scoped3A = tpu.sem_alloc : memref<!tpu.dma_semaphore, #tpu.memory_space<semaphore_mem>>
      %dma_start3A = arith.constant 0 : i32
      %dma_start3A_30 = arith.constant 0 : i32
      %dma_start3A_31 = tpu.memref_slice %arg4[%arg0, %dma_start3A, %dma_start3A_30] : memref<2x80x16xf32, #tpu.memory_space<hbm>> -> memref<1x80x16xf32, #tpu.memory_space<hbm>>
      %dma_start3A_32 = tpu.memref_squeeze %dma_start3A_31 : memref<1x80x16xf32, #tpu.memory_space<hbm>> -> memref<80x16xf32, #tpu.memory_space<hbm>>
      %dma_start3A_33 = arith.constant 0 : i32
      %dma_start3A_34 = tpu.memref_slice %dma_start3A_32[%mul3A_2, %dma_start3A_33] : memref<80x16xf32, #tpu.memory_space<hbm>> -> memref<5x16xf32, #tpu.memory_space<hbm>>
      %dma_start3A_35 = arith.constant 0 : i32
      %dma_start3A_36 = tpu.memref_slice %arg9[%mul3A_2, %dma_start3A_35] : memref<80x16xf32, #tpu.memory_space<vmem_shared>> -> memref<5x16xf32, #tpu.memory_space<vmem_shared>>
      tpu.enqueue_dma source(%dma_start3A_36 : memref<5x16xf32, #tpu.memory_space<vmem_shared>>) target(%dma_start3A_34 : memref<5x16xf32, #tpu.memory_space<hbm>>) target_semaphore(%run_scoped3A : memref<!tpu.dma_semaphore, #tpu.memory_space<semaphore_mem>>)
      %dma_wait3A = arith.constant 0 : i32
      %dma_wait3A_37 = arith.constant 0 : i32
      %dma_wait3A_38 = tpu.memref_slice %arg4[%arg0, %dma_wait3A, %dma_wait3A_37] : memref<2x80x16xf32, #tpu.memory_space<hbm>> -> memref<1x80x16xf32, #tpu.memory_space<hbm>>
      %dma_wait3A_39 = tpu.memref_squeeze %dma_wait3A_38 : memref<1x80x16xf32, #tpu.memory_space<hbm>> -> memref<80x16xf32, #tpu.memory_space<hbm>>
      %dma_wait3A_40 = arith.constant 0 : i32
      %dma_wait3A_41 = tpu.memref_slice %dma_wait3A_39[%mul3A_2, %dma_wait3A_40] : memref<80x16xf32, #tpu.memory_space<hbm>> -> memref<5x16xf32, #tpu.memory_space<hbm>>
      %dma_wait3A_42 = arith.constant 0 : i32
      %dma_wait3A_43 = tpu.memref_slice %arg9[%mul3A_2, %dma_wait3A_42] : memref<80x16xf32, #tpu.memory_space<vmem_shared>> -> memref<5x16xf32, #tpu.memory_space<vmem_shared>>
      tpu.wait_dma2 semaphore(%run_scoped3A : memref<!tpu.dma_semaphore, #tpu.memory_space<semaphore_mem>>) src(%dma_wait3A_43 : memref<5x16xf32, #tpu.memory_space<vmem_shared>>) dst(%dma_wait3A_41 : memref<5x16xf32, #tpu.memory_space<hbm>>)
      tpu.yield
    }) : () -> ()
    "tpu.region"() ({
      %run_scoped3A = tpu.sem_alloc : memref<!tpu.dma_semaphore, #tpu.memory_space<semaphore_mem>>
      %dma_start3A = arith.constant 0 : i32
      %dma_start3A_30 = arith.constant 0 : i32
      %dma_start3A_31 = tpu.memref_slice %arg5[%arg0, %dma_start3A, %dma_start3A_30] : memref<2x80x16xf32, #tpu.memory_space<hbm>> -> memref<1x80x16xf32, #tpu.memory_space<hbm>>
      %dma_start3A_32 = tpu.memref_squeeze %dma_start3A_31 : memref<1x80x16xf32, #tpu.memory_space<hbm>> -> memref<80x16xf32, #tpu.memory_space<hbm>>
      %dma_start3A_33 = arith.constant 0 : i32
      %dma_start3A_34 = tpu.memref_slice %dma_start3A_32[%mul3A_2, %dma_start3A_33] : memref<80x16xf32, #tpu.memory_space<hbm>> -> memref<5x16xf32, #tpu.memory_space<hbm>>
      %dma_start3A_35 = arith.constant 0 : i32
      %dma_start3A_36 = tpu.memref_slice %arg10[%mul3A_2, %dma_start3A_35] : memref<80x16xf32, #tpu.memory_space<vmem_shared>> -> memref<5x16xf32, #tpu.memory_space<vmem_shared>>
      tpu.enqueue_dma source(%dma_start3A_36 : memref<5x16xf32, #tpu.memory_space<vmem_shared>>) target(%dma_start3A_34 : memref<5x16xf32, #tpu.memory_space<hbm>>) target_semaphore(%run_scoped3A : memref<!tpu.dma_semaphore, #tpu.memory_space<semaphore_mem>>)
      %dma_wait3A = arith.constant 0 : i32
      %dma_wait3A_37 = arith.constant 0 : i32
      %dma_wait3A_38 = tpu.memref_slice %arg5[%arg0, %dma_wait3A, %dma_wait3A_37] : memref<2x80x16xf32, #tpu.memory_space<hbm>> -> memref<1x80x16xf32, #tpu.memory_space<hbm>>
      %dma_wait3A_39 = tpu.memref_squeeze %dma_wait3A_38 : memref<1x80x16xf32, #tpu.memory_space<hbm>> -> memref<80x16xf32, #tpu.memory_space<hbm>>
      %dma_wait3A_40 = arith.constant 0 : i32
      %dma_wait3A_41 = tpu.memref_slice %dma_wait3A_39[%mul3A_2, %dma_wait3A_40] : memref<80x16xf32, #tpu.memory_space<hbm>> -> memref<5x16xf32, #tpu.memory_space<hbm>>
      %dma_wait3A_42 = arith.constant 0 : i32
      %dma_wait3A_43 = tpu.memref_slice %arg10[%mul3A_2, %dma_wait3A_42] : memref<80x16xf32, #tpu.memory_space<vmem_shared>> -> memref<5x16xf32, #tpu.memory_space<vmem_shared>>
      tpu.wait_dma2 semaphore(%run_scoped3A : memref<!tpu.dma_semaphore, #tpu.memory_space<semaphore_mem>>) src(%dma_wait3A_43 : memref<5x16xf32, #tpu.memory_space<vmem_shared>>) dst(%dma_wait3A_41 : memref<5x16xf32, #tpu.memory_space<hbm>>)
      tpu.yield
    }) : () -> ()
    return
  }
}

#map = affine_map<(d0, d1) -> (0, 0)>
#map1 = affine_map<(d0, d1) -> (0, 0, 0)>
module attributes {stable_mosaic.version = 14 : i64} {
  func.func @_sc_scatter(%arg0: i32, %arg1: i32, %arg2: memref<100352x16xf32, #tpu.memory_space<hbm>>, %arg3: memref<2x12500x128xi32, #tpu.memory_space<hbm>>, %arg4: memref<100352x16xf32, #tpu.memory_space<hbm>>, %arg5: memref<2x100352x16xf32, #tpu.memory_space<hbm>>, %arg6: memref<10x128xi32, #tpu.memory_space<vmem>>, %arg7: memref<10x128xi32, #tpu.memory_space<vmem>>, %arg8: memref<10x128x16xf32, #tpu.memory_space<vmem>>, %arg9: memref<100352x16xf32, #tpu.memory_space<vmem_shared>>, %arg10: memref<!tpu.dma_semaphore, #tpu.memory_space<semaphore_mem>>, %arg11: memref<!tpu.dma_semaphore, #tpu.memory_space<semaphore_mem>>, %arg12: memref<!tpu.dma_semaphore, #tpu.memory_space<semaphore_mem>>, %arg13: memref<!tpu.dma_semaphore, #tpu.memory_space<semaphore_mem>>, %arg14: memref<!tpu.dma_semaphore, #tpu.memory_space<semaphore_mem>>, %arg15: memref<!tpu.dma_semaphore, #tpu.memory_space<semaphore_mem>>, %arg16: memref<!tpu.dma_semaphore, #tpu.memory_space<semaphore_mem>>, %arg17: memref<!tpu.dma_semaphore, #tpu.memory_space<semaphore_mem>>, %arg18: memref<!tpu.dma_semaphore, #tpu.memory_space<semaphore_mem>>, %arg19: memref<!tpu.dma_semaphore, #tpu.memory_space<semaphore_mem>>, %arg20: memref<!tpu.dma_semaphore, #tpu.memory_space<semaphore_mem>>, %arg21: memref<!tpu.dma_semaphore, #tpu.memory_space<semaphore_mem>>) attributes {dimension_semantics = [#tpu.dimension_semantics<core_parallel>, #tpu.dimension_semantics<subcore_parallel>], iteration_bounds = array<i64: 2, 16>, scalar_prefetch = 0 : i64, scratch_operands = 16 : i64, tpu.core_type = #tpu.core_type<sc_vector_subcore>, window_params = [{transform_indices = #map}, {transform_indices = #map1}, {transform_indices = #map}, {transform_indices = #map1}]} {
    %mul3A = arith.constant 2 : i32
    %mul3A_0 = arith.muli %arg1, %mul3A : i32
    %add3A = arith.addi %mul3A_0, %arg0 : i32
    %mul3A_1 = arith.constant 6272 : i32
    %mul3A_2 = arith.muli %arg1, %mul3A_1 : i32
    "tpu.region"() ({
      %run_scoped3A = tpu.sem_alloc : memref<!tpu.dma_semaphore, #tpu.memory_space<semaphore_mem>>
      %dma_start3A = arith.constant 0 : i32
      %dma_start3A_15 = tpu.memref_slice %arg9[%mul3A_2, %dma_start3A] : memref<100352x16xf32, #tpu.memory_space<vmem_shared>> -> memref<6272x16xf32, #tpu.memory_space<vmem_shared>>
      %dma_start3A_16 = arith.constant 0 : i32
      %dma_start3A_17 = tpu.memref_slice %arg4[%mul3A_2, %dma_start3A_16] : memref<100352x16xf32, #tpu.memory_space<hbm>> -> memref<6272x16xf32, #tpu.memory_space<hbm>>
      tpu.enqueue_dma source(%dma_start3A_17 : memref<6272x16xf32, #tpu.memory_space<hbm>>) target(%dma_start3A_15 : memref<6272x16xf32, #tpu.memory_space<vmem_shared>>) target_semaphore(%run_scoped3A : memref<!tpu.dma_semaphore, #tpu.memory_space<semaphore_mem>>)
      %dma_wait3A = arith.constant 0 : i32
      %dma_wait3A_18 = tpu.memref_slice %arg9[%mul3A_2, %dma_wait3A] : memref<100352x16xf32, #tpu.memory_space<vmem_shared>> -> memref<6272x16xf32, #tpu.memory_space<vmem_shared>>
      %dma_wait3A_19 = arith.constant 0 : i32
      %dma_wait3A_20 = tpu.memref_slice %arg4[%mul3A_2, %dma_wait3A_19] : memref<100352x16xf32, #tpu.memory_space<hbm>> -> memref<6272x16xf32, #tpu.memory_space<hbm>>
      tpu.wait_dma2 semaphore(%run_scoped3A : memref<!tpu.dma_semaphore, #tpu.memory_space<semaphore_mem>>) src(%dma_wait3A_20 : memref<6272x16xf32, #tpu.memory_space<hbm>>) dst(%dma_wait3A_18 : memref<6272x16xf32, #tpu.memory_space<vmem_shared>>)
      tpu.yield
    }) : () -> ()
    %barrier3A = arith.constant 0 : index
    tpu.barrier barrier_id(%barrier3A)
    %mul3A_3 = arith.constant 390 : i32
    %mul3A_4 = arith.muli %add3A, %mul3A_3 : i32
    %min3A = arith.constant 20 : i32
    %min3A_5 = arith.minsi %add3A, %min3A : i32
    %add3A_6 = arith.addi %mul3A_4, %min3A_5 : i32
    %scan3A = arith.constant 0 : i32
    %scan3A_7 = arith.constant 0 : i32
    %scan3A_8 = arith.constant 39 : i32
    %scan3A_9 = arith.addi %scan3A_7, %scan3A_8 : i32
    %scan3A_10 = arith.constant 1 : i32
    scf.for %scan3A_15 = %scan3A_7 to %scan3A_9 step %scan3A_10  : i32 {
      %mul3A_16 = arith.constant 10 : i32
      %mul3A_17 = arith.muli %scan3A_15, %mul3A_16 : i32
      %add3A_18 = arith.addi %add3A_6, %mul3A_17 : i32
      %dma_start3A = arith.constant 0 : i32
      %dma_start3A_19 = arith.constant 0 : i32
      %dma_start3A_20 = tpu.memref_slice %arg3[%dma_start3A, %add3A_18, %dma_start3A_19] : memref<2x12500x128xi32, #tpu.memory_space<hbm>> -> memref<1x10x128xi32, #tpu.memory_space<hbm>>
      %dma_start3A_21 = tpu.memref_squeeze %dma_start3A_20 : memref<1x10x128xi32, #tpu.memory_space<hbm>> -> memref<10x128xi32, #tpu.memory_space<hbm>>
      %dma_start3A_22 = arith.constant 0 : i32
      %dma_start3A_23 = tpu.memref_slice %arg3[%dma_start3A, %add3A_18, %dma_start3A_22] : memref<2x12500x128xi32, #tpu.memory_space<hbm>> -> memref<1x10x128xi32, #tpu.memory_space<hbm>>
      %dma_start3A_24 = tpu.memref_squeeze %dma_start3A_23 : memref<1x10x128xi32, #tpu.memory_space<hbm>> -> memref<10x128xi32, #tpu.memory_space<hbm>>
      tpu.enqueue_dma source(%dma_start3A_24 : memref<10x128xi32, #tpu.memory_space<hbm>>) target(%arg6 : memref<10x128xi32, #tpu.memory_space<vmem>>) target_semaphore(%arg20 : memref<!tpu.dma_semaphore, #tpu.memory_space<semaphore_mem>>)
      %dma_start3A_25 = arith.constant 1 : i32
      %dma_start3A_26 = arith.constant 0 : i32
      %dma_start3A_27 = tpu.memref_slice %arg3[%dma_start3A_25, %add3A_18, %dma_start3A_26] : memref<2x12500x128xi32, #tpu.memory_space<hbm>> -> memref<1x10x128xi32, #tpu.memory_space<hbm>>
      %dma_start3A_28 = tpu.memref_squeeze %dma_start3A_27 : memref<1x10x128xi32, #tpu.memory_space<hbm>> -> memref<10x128xi32, #tpu.memory_space<hbm>>
      %dma_start3A_29 = arith.constant 0 : i32
      %dma_start3A_30 = tpu.memref_slice %arg3[%dma_start3A_25, %add3A_18, %dma_start3A_29] : memref<2x12500x128xi32, #tpu.memory_space<hbm>> -> memref<1x10x128xi32, #tpu.memory_space<hbm>>
      %dma_start3A_31 = tpu.memref_squeeze %dma_start3A_30 : memref<1x10x128xi32, #tpu.memory_space<hbm>> -> memref<10x128xi32, #tpu.memory_space<hbm>>
      tpu.enqueue_dma source(%dma_start3A_31 : memref<10x128xi32, #tpu.memory_space<hbm>>) target(%arg7 : memref<10x128xi32, #tpu.memory_space<vmem>>) target_semaphore(%arg21 : memref<!tpu.dma_semaphore, #tpu.memory_space<semaphore_mem>>)
      %dma_wait3A = arith.constant 0 : i32
      %dma_wait3A_32 = arith.constant 0 : i32
      %dma_wait3A_33 = tpu.memref_slice %arg3[%dma_wait3A, %add3A_18, %dma_wait3A_32] : memref<2x12500x128xi32, #tpu.memory_space<hbm>> -> memref<1x10x128xi32, #tpu.memory_space<hbm>>
      %dma_wait3A_34 = tpu.memref_squeeze %dma_wait3A_33 : memref<1x10x128xi32, #tpu.memory_space<hbm>> -> memref<10x128xi32, #tpu.memory_space<hbm>>
      %dma_wait3A_35 = arith.constant 0 : i32
      %dma_wait3A_36 = tpu.memref_slice %arg3[%dma_wait3A, %add3A_18, %dma_wait3A_35] : memref<2x12500x128xi32, #tpu.memory_space<hbm>> -> memref<1x10x128xi32, #tpu.memory_space<hbm>>
      %dma_wait3A_37 = tpu.memref_squeeze %dma_wait3A_36 : memref<1x10x128xi32, #tpu.memory_space<hbm>> -> memref<10x128xi32, #tpu.memory_space<hbm>>
      tpu.wait_dma2 semaphore(%arg20 : memref<!tpu.dma_semaphore, #tpu.memory_space<semaphore_mem>>) src(%dma_wait3A_37 : memref<10x128xi32, #tpu.memory_space<hbm>>) dst(%arg6 : memref<10x128xi32, #tpu.memory_space<vmem>>)
      %dma_start3A_38 = arith.constant 0 : i32
      %dma_start3A_39 = arith.constant 0 : i32
      %dma_start3A_40 = arith.constant 0 : i32
      %dma_start3A_41 = arith.constant 0 : i32
      %dma_start3A_42 = tpu.memref_slice %arg8[%dma_start3A_39, %dma_start3A_40, %dma_start3A_41] : memref<10x128x16xf32, #tpu.memory_space<vmem>> -> memref<1x128x16xf32, #tpu.memory_space<vmem>>
      %dma_start3A_43 = tpu.memref_squeeze %dma_start3A_42 : memref<1x128x16xf32, #tpu.memory_space<vmem>> -> memref<128x16xf32, #tpu.memory_space<vmem>>
      %dma_start3A_44 = arith.constant 0 : i32
      %dma_start3A_45 = tpu.memref_slice %arg6[%dma_start3A_38, %dma_start3A_44] : memref<10x128xi32, #tpu.memory_space<vmem>> -> memref<1x128xi32, #tpu.memory_space<vmem>>
      %dma_start3A_46 = tpu.memref_squeeze %dma_start3A_45 : memref<1x128xi32, #tpu.memory_space<vmem>> -> memref<128xi32, #tpu.memory_space<vmem>>
      %dma_start3A_47 = arith.constant 0 : i32
      %dma_start3A_48 = arith.constant 0 : i32
      %dma_start3A_49 = tpu.memref_slice %arg2[%dma_start3A_47, %dma_start3A_48] : memref<100352x16xf32, #tpu.memory_space<hbm>> -> memref<100352x16xf32, #tpu.memory_space<hbm>>
      tpu.enqueue_indirect_dma source(%dma_start3A_49 : memref<100352x16xf32, #tpu.memory_space<hbm>>) target(%dma_start3A_43 : memref<128x16xf32, #tpu.memory_space<vmem>>) offsets(%dma_start3A_46 : memref<128xi32, #tpu.memory_space<vmem>>) semaphore(%arg10 : memref<!tpu.dma_semaphore, #tpu.memory_space<semaphore_mem>>)
      %dma_start3A_50 = arith.constant 1 : i32
      %dma_start3A_51 = arith.constant 1 : i32
      %dma_start3A_52 = arith.constant 0 : i32
      %dma_start3A_53 = arith.constant 0 : i32
      %dma_start3A_54 = tpu.memref_slice %arg8[%dma_start3A_51, %dma_start3A_52, %dma_start3A_53] : memref<10x128x16xf32, #tpu.memory_space<vmem>> -> memref<1x128x16xf32, #tpu.memory_space<vmem>>
      %dma_start3A_55 = tpu.memref_squeeze %dma_start3A_54 : memref<1x128x16xf32, #tpu.memory_space<vmem>> -> memref<128x16xf32, #tpu.memory_space<vmem>>
      %dma_start3A_56 = arith.constant 0 : i32
      %dma_start3A_57 = tpu.memref_slice %arg6[%dma_start3A_50, %dma_start3A_56] : memref<10x128xi32, #tpu.memory_space<vmem>> -> memref<1x128xi32, #tpu.memory_space<vmem>>
      %dma_start3A_58 = tpu.memref_squeeze %dma_start3A_57 : memref<1x128xi32, #tpu.memory_space<vmem>> -> memref<128xi32, #tpu.memory_space<vmem>>
      %dma_start3A_59 = arith.constant 0 : i32
      %dma_start3A_60 = arith.constant 0 : i32
      %dma_start3A_61 = tpu.memref_slice %arg2[%dma_start3A_59, %dma_start3A_60] : memref<100352x16xf32, #tpu.memory_space<hbm>> -> memref<100352x16xf32, #tpu.memory_space<hbm>>
      tpu.enqueue_indirect_dma source(%dma_start3A_61 : memref<100352x16xf32, #tpu.memory_space<hbm>>) target(%dma_start3A_55 : memref<128x16xf32, #tpu.memory_space<vmem>>) offsets(%dma_start3A_58 : memref<128xi32, #tpu.memory_space<vmem>>) semaphore(%arg10 : memref<!tpu.dma_semaphore, #tpu.memory_space<semaphore_mem>>)
      %dma_start3A_62 = arith.constant 2 : i32
      %dma_start3A_63 = arith.constant 2 : i32
      %dma_start3A_64 = arith.constant 0 : i32
      %dma_start3A_65 = arith.constant 0 : i32
      %dma_start3A_66 = tpu.memref_slice %arg8[%dma_start3A_63, %dma_start3A_64, %dma_start3A_65] : memref<10x128x16xf32, #tpu.memory_space<vmem>> -> memref<1x128x16xf32, #tpu.memory_space<vmem>>
      %dma_start3A_67 = tpu.memref_squeeze %dma_start3A_66 : memref<1x128x16xf32, #tpu.memory_space<vmem>> -> memref<128x16xf32, #tpu.memory_space<vmem>>
      %dma_start3A_68 = arith.constant 0 : i32
      %dma_start3A_69 = tpu.memref_slice %arg6[%dma_start3A_62, %dma_start3A_68] : memref<10x128xi32, #tpu.memory_space<vmem>> -> memref<1x128xi32, #tpu.memory_space<vmem>>
      %dma_start3A_70 = tpu.memref_squeeze %dma_start3A_69 : memref<1x128xi32, #tpu.memory_space<vmem>> -> memref<128xi32, #tpu.memory_space<vmem>>
      %dma_start3A_71 = arith.constant 0 : i32
      %dma_start3A_72 = arith.constant 0 : i32
      %dma_start3A_73 = tpu.memref_slice %arg2[%dma_start3A_71, %dma_start3A_72] : memref<100352x16xf32, #tpu.memory_space<hbm>> -> memref<100352x16xf32, #tpu.memory_space<hbm>>
      tpu.enqueue_indirect_dma source(%dma_start3A_73 : memref<100352x16xf32, #tpu.memory_space<hbm>>) target(%dma_start3A_67 : memref<128x16xf32, #tpu.memory_space<vmem>>) offsets(%dma_start3A_70 : memref<128xi32, #tpu.memory_space<vmem>>) semaphore(%arg11 : memref<!tpu.dma_semaphore, #tpu.memory_space<semaphore_mem>>)
      %dma_start3A_74 = arith.constant 3 : i32
      %dma_start3A_75 = arith.constant 3 : i32
      %dma_start3A_76 = arith.constant 0 : i32
      %dma_start3A_77 = arith.constant 0 : i32
      %dma_start3A_78 = tpu.memref_slice %arg8[%dma_start3A_75, %dma_start3A_76, %dma_start3A_77] : memref<10x128x16xf32, #tpu.memory_space<vmem>> -> memref<1x128x16xf32, #tpu.memory_space<vmem>>
      %dma_start3A_79 = tpu.memref_squeeze %dma_start3A_78 : memref<1x128x16xf32, #tpu.memory_space<vmem>> -> memref<128x16xf32, #tpu.memory_space<vmem>>
      %dma_start3A_80 = arith.constant 0 : i32
      %dma_start3A_81 = tpu.memref_slice %arg6[%dma_start3A_74, %dma_start3A_80] : memref<10x128xi32, #tpu.memory_space<vmem>> -> memref<1x128xi32, #tpu.memory_space<vmem>>
      %dma_start3A_82 = tpu.memref_squeeze %dma_start3A_81 : memref<1x128xi32, #tpu.memory_space<vmem>> -> memref<128xi32, #tpu.memory_space<vmem>>
      %dma_start3A_83 = arith.constant 0 : i32
      %dma_start3A_84 = arith.constant 0 : i32
      %dma_start3A_85 = tpu.memref_slice %arg2[%dma_start3A_83, %dma_start3A_84] : memref<100352x16xf32, #tpu.memory_space<hbm>> -> memref<100352x16xf32, #tpu.memory_space<hbm>>
      tpu.enqueue_indirect_dma source(%dma_start3A_85 : memref<100352x16xf32, #tpu.memory_space<hbm>>) target(%dma_start3A_79 : memref<128x16xf32, #tpu.memory_space<vmem>>) offsets(%dma_start3A_82 : memref<128xi32, #tpu.memory_space<vmem>>) semaphore(%arg11 : memref<!tpu.dma_semaphore, #tpu.memory_space<semaphore_mem>>)
      %dma_start3A_86 = arith.constant 4 : i32
      %dma_start3A_87 = arith.constant 4 : i32
      %dma_start3A_88 = arith.constant 0 : i32
      %dma_start3A_89 = arith.constant 0 : i32
      %dma_start3A_90 = tpu.memref_slice %arg8[%dma_start3A_87, %dma_start3A_88, %dma_start3A_89] : memref<10x128x16xf32, #tpu.memory_space<vmem>> -> memref<1x128x16xf32, #tpu.memory_space<vmem>>
      %dma_start3A_91 = tpu.memref_squeeze %dma_start3A_90 : memref<1x128x16xf32, #tpu.memory_space<vmem>> -> memref<128x16xf32, #tpu.memory_space<vmem>>
      %dma_start3A_92 = arith.constant 0 : i32
      %dma_start3A_93 = tpu.memref_slice %arg6[%dma_start3A_86, %dma_start3A_92] : memref<10x128xi32, #tpu.memory_space<vmem>> -> memref<1x128xi32, #tpu.memory_space<vmem>>
      %dma_start3A_94 = tpu.memref_squeeze %dma_start3A_93 : memref<1x128xi32, #tpu.memory_space<vmem>> -> memref<128xi32, #tpu.memory_space<vmem>>
      %dma_start3A_95 = arith.constant 0 : i32
      %dma_start3A_96 = arith.constant 0 : i32
      %dma_start3A_97 = tpu.memref_slice %arg2[%dma_start3A_95, %dma_start3A_96] : memref<100352x16xf32, #tpu.memory_space<hbm>> -> memref<100352x16xf32, #tpu.memory_space<hbm>>
      tpu.enqueue_indirect_dma source(%dma_start3A_97 : memref<100352x16xf32, #tpu.memory_space<hbm>>) target(%dma_start3A_91 : memref<128x16xf32, #tpu.memory_space<vmem>>) offsets(%dma_start3A_94 : memref<128xi32, #tpu.memory_space<vmem>>) semaphore(%arg12 : memref<!tpu.dma_semaphore, #tpu.memory_space<semaphore_mem>>)
      %dma_start3A_98 = arith.constant 5 : i32
      %dma_start3A_99 = arith.constant 5 : i32
      %dma_start3A_100 = arith.constant 0 : i32
      %dma_start3A_101 = arith.constant 0 : i32
      %dma_start3A_102 = tpu.memref_slice %arg8[%dma_start3A_99, %dma_start3A_100, %dma_start3A_101] : memref<10x128x16xf32, #tpu.memory_space<vmem>> -> memref<1x128x16xf32, #tpu.memory_space<vmem>>
      %dma_start3A_103 = tpu.memref_squeeze %dma_start3A_102 : memref<1x128x16xf32, #tpu.memory_space<vmem>> -> memref<128x16xf32, #tpu.memory_space<vmem>>
      %dma_start3A_104 = arith.constant 0 : i32
      %dma_start3A_105 = tpu.memref_slice %arg6[%dma_start3A_98, %dma_start3A_104] : memref<10x128xi32, #tpu.memory_space<vmem>> -> memref<1x128xi32, #tpu.memory_space<vmem>>
      %dma_start3A_106 = tpu.memref_squeeze %dma_start3A_105 : memref<1x128xi32, #tpu.memory_space<vmem>> -> memref<128xi32, #tpu.memory_space<vmem>>
      %dma_start3A_107 = arith.constant 0 : i32
      %dma_start3A_108 = arith.constant 0 : i32
      %dma_start3A_109 = tpu.memref_slice %arg2[%dma_start3A_107, %dma_start3A_108] : memref<100352x16xf32, #tpu.memory_space<hbm>> -> memref<100352x16xf32, #tpu.memory_space<hbm>>
      tpu.enqueue_indirect_dma source(%dma_start3A_109 : memref<100352x16xf32, #tpu.memory_space<hbm>>) target(%dma_start3A_103 : memref<128x16xf32, #tpu.memory_space<vmem>>) offsets(%dma_start3A_106 : memref<128xi32, #tpu.memory_space<vmem>>) semaphore(%arg12 : memref<!tpu.dma_semaphore, #tpu.memory_space<semaphore_mem>>)
      %dma_start3A_110 = arith.constant 6 : i32
      %dma_start3A_111 = arith.constant 6 : i32
      %dma_start3A_112 = arith.constant 0 : i32
      %dma_start3A_113 = arith.constant 0 : i32
      %dma_start3A_114 = tpu.memref_slice %arg8[%dma_start3A_111, %dma_start3A_112, %dma_start3A_113] : memref<10x128x16xf32, #tpu.memory_space<vmem>> -> memref<1x128x16xf32, #tpu.memory_space<vmem>>
      %dma_start3A_115 = tpu.memref_squeeze %dma_start3A_114 : memref<1x128x16xf32, #tpu.memory_space<vmem>> -> memref<128x16xf32, #tpu.memory_space<vmem>>
      %dma_start3A_116 = arith.constant 0 : i32
      %dma_start3A_117 = tpu.memref_slice %arg6[%dma_start3A_110, %dma_start3A_116] : memref<10x128xi32, #tpu.memory_space<vmem>> -> memref<1x128xi32, #tpu.memory_space<vmem>>
      %dma_start3A_118 = tpu.memref_squeeze %dma_start3A_117 : memref<1x128xi32, #tpu.memory_space<vmem>> -> memref<128xi32, #tpu.memory_space<vmem>>
      %dma_start3A_119 = arith.constant 0 : i32
      %dma_start3A_120 = arith.constant 0 : i32
      %dma_start3A_121 = tpu.memref_slice %arg2[%dma_start3A_119, %dma_start3A_120] : memref<100352x16xf32, #tpu.memory_space<hbm>> -> memref<100352x16xf32, #tpu.memory_space<hbm>>
      tpu.enqueue_indirect_dma source(%dma_start3A_121 : memref<100352x16xf32, #tpu.memory_space<hbm>>) target(%dma_start3A_115 : memref<128x16xf32, #tpu.memory_space<vmem>>) offsets(%dma_start3A_118 : memref<128xi32, #tpu.memory_space<vmem>>) semaphore(%arg13 : memref<!tpu.dma_semaphore, #tpu.memory_space<semaphore_mem>>)
      %dma_start3A_122 = arith.constant 7 : i32
      %dma_start3A_123 = arith.constant 7 : i32
      %dma_start3A_124 = arith.constant 0 : i32
      %dma_start3A_125 = arith.constant 0 : i32
      %dma_start3A_126 = tpu.memref_slice %arg8[%dma_start3A_123, %dma_start3A_124, %dma_start3A_125] : memref<10x128x16xf32, #tpu.memory_space<vmem>> -> memref<1x128x16xf32, #tpu.memory_space<vmem>>
      %dma_start3A_127 = tpu.memref_squeeze %dma_start3A_126 : memref<1x128x16xf32, #tpu.memory_space<vmem>> -> memref<128x16xf32, #tpu.memory_space<vmem>>
      %dma_start3A_128 = arith.constant 0 : i32
      %dma_start3A_129 = tpu.memref_slice %arg6[%dma_start3A_122, %dma_start3A_128] : memref<10x128xi32, #tpu.memory_space<vmem>> -> memref<1x128xi32, #tpu.memory_space<vmem>>
      %dma_start3A_130 = tpu.memref_squeeze %dma_start3A_129 : memref<1x128xi32, #tpu.memory_space<vmem>> -> memref<128xi32, #tpu.memory_space<vmem>>
      %dma_start3A_131 = arith.constant 0 : i32
      %dma_start3A_132 = arith.constant 0 : i32
      %dma_start3A_133 = tpu.memref_slice %arg2[%dma_start3A_131, %dma_start3A_132] : memref<100352x16xf32, #tpu.memory_space<hbm>> -> memref<100352x16xf32, #tpu.memory_space<hbm>>
      tpu.enqueue_indirect_dma source(%dma_start3A_133 : memref<100352x16xf32, #tpu.memory_space<hbm>>) target(%dma_start3A_127 : memref<128x16xf32, #tpu.memory_space<vmem>>) offsets(%dma_start3A_130 : memref<128xi32, #tpu.memory_space<vmem>>) semaphore(%arg13 : memref<!tpu.dma_semaphore, #tpu.memory_space<semaphore_mem>>)
      %dma_start3A_134 = arith.constant 8 : i32
      %dma_start3A_135 = arith.constant 8 : i32
      %dma_start3A_136 = arith.constant 0 : i32
      %dma_start3A_137 = arith.constant 0 : i32
      %dma_start3A_138 = tpu.memref_slice %arg8[%dma_start3A_135, %dma_start3A_136, %dma_start3A_137] : memref<10x128x16xf32, #tpu.memory_space<vmem>> -> memref<1x128x16xf32, #tpu.memory_space<vmem>>
      %dma_start3A_139 = tpu.memref_squeeze %dma_start3A_138 : memref<1x128x16xf32, #tpu.memory_space<vmem>> -> memref<128x16xf32, #tpu.memory_space<vmem>>
      %dma_start3A_140 = arith.constant 0 : i32
      %dma_start3A_141 = tpu.memref_slice %arg6[%dma_start3A_134, %dma_start3A_140] : memref<10x128xi32, #tpu.memory_space<vmem>> -> memref<1x128xi32, #tpu.memory_space<vmem>>
      %dma_start3A_142 = tpu.memref_squeeze %dma_start3A_141 : memref<1x128xi32, #tpu.memory_space<vmem>> -> memref<128xi32, #tpu.memory_space<vmem>>
      %dma_start3A_143 = arith.constant 0 : i32
      %dma_start3A_144 = arith.constant 0 : i32
      %dma_start3A_145 = tpu.memref_slice %arg2[%dma_start3A_143, %dma_start3A_144] : memref<100352x16xf32, #tpu.memory_space<hbm>> -> memref<100352x16xf32, #tpu.memory_space<hbm>>
      tpu.enqueue_indirect_dma source(%dma_start3A_145 : memref<100352x16xf32, #tpu.memory_space<hbm>>) target(%dma_start3A_139 : memref<128x16xf32, #tpu.memory_space<vmem>>) offsets(%dma_start3A_142 : memref<128xi32, #tpu.memory_space<vmem>>) semaphore(%arg14 : memref<!tpu.dma_semaphore, #tpu.memory_space<semaphore_mem>>)
      %dma_start3A_146 = arith.constant 9 : i32
      %dma_start3A_147 = arith.constant 9 : i32
      %dma_start3A_148 = arith.constant 0 : i32
      %dma_start3A_149 = arith.constant 0 : i32
      %dma_start3A_150 = tpu.memref_slice %arg8[%dma_start3A_147, %dma_start3A_148, %dma_start3A_149] : memref<10x128x16xf32, #tpu.memory_space<vmem>> -> memref<1x128x16xf32, #tpu.memory_space<vmem>>
      %dma_start3A_151 = tpu.memref_squeeze %dma_start3A_150 : memref<1x128x16xf32, #tpu.memory_space<vmem>> -> memref<128x16xf32, #tpu.memory_space<vmem>>
      %dma_start3A_152 = arith.constant 0 : i32
      %dma_start3A_153 = tpu.memref_slice %arg6[%dma_start3A_146, %dma_start3A_152] : memref<10x128xi32, #tpu.memory_space<vmem>> -> memref<1x128xi32, #tpu.memory_space<vmem>>
      %dma_start3A_154 = tpu.memref_squeeze %dma_start3A_153 : memref<1x128xi32, #tpu.memory_space<vmem>> -> memref<128xi32, #tpu.memory_space<vmem>>
      %dma_start3A_155 = arith.constant 0 : i32
      %dma_start3A_156 = arith.constant 0 : i32
      %dma_start3A_157 = tpu.memref_slice %arg2[%dma_start3A_155, %dma_start3A_156] : memref<100352x16xf32, #tpu.memory_space<hbm>> -> memref<100352x16xf32, #tpu.memory_space<hbm>>
      tpu.enqueue_indirect_dma source(%dma_start3A_157 : memref<100352x16xf32, #tpu.memory_space<hbm>>) target(%dma_start3A_151 : memref<128x16xf32, #tpu.memory_space<vmem>>) offsets(%dma_start3A_154 : memref<128xi32, #tpu.memory_space<vmem>>) semaphore(%arg14 : memref<!tpu.dma_semaphore, #tpu.memory_space<semaphore_mem>>)
      %dma_wait3A_158 = arith.constant 1 : i32
      %dma_wait3A_159 = arith.constant 0 : i32
      %dma_wait3A_160 = tpu.memref_slice %arg3[%dma_wait3A_158, %add3A_18, %dma_wait3A_159] : memref<2x12500x128xi32, #tpu.memory_space<hbm>> -> memref<1x10x128xi32, #tpu.memory_space<hbm>>
      %dma_wait3A_161 = tpu.memref_squeeze %dma_wait3A_160 : memref<1x10x128xi32, #tpu.memory_space<hbm>> -> memref<10x128xi32, #tpu.memory_space<hbm>>
      %dma_wait3A_162 = arith.constant 0 : i32
      %dma_wait3A_163 = tpu.memref_slice %arg3[%dma_wait3A_158, %add3A_18, %dma_wait3A_162] : memref<2x12500x128xi32, #tpu.memory_space<hbm>> -> memref<1x10x128xi32, #tpu.memory_space<hbm>>
      %dma_wait3A_164 = tpu.memref_squeeze %dma_wait3A_163 : memref<1x10x128xi32, #tpu.memory_space<hbm>> -> memref<10x128xi32, #tpu.memory_space<hbm>>
      tpu.wait_dma2 semaphore(%arg21 : memref<!tpu.dma_semaphore, #tpu.memory_space<semaphore_mem>>) src(%dma_wait3A_164 : memref<10x128xi32, #tpu.memory_space<hbm>>) dst(%arg7 : memref<10x128xi32, #tpu.memory_space<vmem>>)
      %dma_wait3A_165 = arith.constant 0 : i32
      %dma_wait3A_166 = arith.constant 0 : i32
      %dma_wait3A_167 = arith.constant 0 : i32
      %dma_wait3A_168 = arith.constant 0 : i32
      %dma_wait3A_169 = tpu.memref_slice %arg8[%dma_wait3A_166, %dma_wait3A_167, %dma_wait3A_168] : memref<10x128x16xf32, #tpu.memory_space<vmem>> -> memref<1x128x16xf32, #tpu.memory_space<vmem>>
      %dma_wait3A_170 = tpu.memref_squeeze %dma_wait3A_169 : memref<1x128x16xf32, #tpu.memory_space<vmem>> -> memref<128x16xf32, #tpu.memory_space<vmem>>
      %dma_wait3A_171 = arith.constant 0 : i32
      %dma_wait3A_172 = tpu.memref_slice %arg6[%dma_wait3A_165, %dma_wait3A_171] : memref<10x128xi32, #tpu.memory_space<vmem>> -> memref<1x128xi32, #tpu.memory_space<vmem>>
      %dma_wait3A_173 = tpu.memref_squeeze %dma_wait3A_172 : memref<1x128xi32, #tpu.memory_space<vmem>> -> memref<128xi32, #tpu.memory_space<vmem>>
      %dma_wait3A_174 = arith.constant 0 : i32
      %dma_wait3A_175 = arith.constant 0 : i32
      %dma_wait3A_176 = tpu.memref_slice %arg2[%dma_wait3A_174, %dma_wait3A_175] : memref<100352x16xf32, #tpu.memory_space<hbm>> -> memref<100352x16xf32, #tpu.memory_space<hbm>>
      tpu.wait_indirect_dma semaphore(%arg10 : memref<!tpu.dma_semaphore, #tpu.memory_space<semaphore_mem>>) src(%dma_wait3A_176 : memref<100352x16xf32, #tpu.memory_space<hbm>>) dst(%dma_wait3A_170 : memref<128x16xf32, #tpu.memory_space<vmem>>)
      %dma_wait3A_177 = arith.constant 1 : i32
      %dma_wait3A_178 = arith.constant 1 : i32
      %dma_wait3A_179 = arith.constant 0 : i32
      %dma_wait3A_180 = arith.constant 0 : i32
      %dma_wait3A_181 = tpu.memref_slice %arg8[%dma_wait3A_178, %dma_wait3A_179, %dma_wait3A_180] : memref<10x128x16xf32, #tpu.memory_space<vmem>> -> memref<1x128x16xf32, #tpu.memory_space<vmem>>
      %dma_wait3A_182 = tpu.memref_squeeze %dma_wait3A_181 : memref<1x128x16xf32, #tpu.memory_space<vmem>> -> memref<128x16xf32, #tpu.memory_space<vmem>>
      %dma_wait3A_183 = arith.constant 0 : i32
      %dma_wait3A_184 = tpu.memref_slice %arg6[%dma_wait3A_177, %dma_wait3A_183] : memref<10x128xi32, #tpu.memory_space<vmem>> -> memref<1x128xi32, #tpu.memory_space<vmem>>
      %dma_wait3A_185 = tpu.memref_squeeze %dma_wait3A_184 : memref<1x128xi32, #tpu.memory_space<vmem>> -> memref<128xi32, #tpu.memory_space<vmem>>
      %dma_wait3A_186 = arith.constant 0 : i32
      %dma_wait3A_187 = arith.constant 0 : i32
      %dma_wait3A_188 = tpu.memref_slice %arg2[%dma_wait3A_186, %dma_wait3A_187] : memref<100352x16xf32, #tpu.memory_space<hbm>> -> memref<100352x16xf32, #tpu.memory_space<hbm>>
      tpu.wait_indirect_dma semaphore(%arg10 : memref<!tpu.dma_semaphore, #tpu.memory_space<semaphore_mem>>) src(%dma_wait3A_188 : memref<100352x16xf32, #tpu.memory_space<hbm>>) dst(%dma_wait3A_182 : memref<128x16xf32, #tpu.memory_space<vmem>>)
      %dma_start3A_189 = arith.constant 0 : i32
      %dma_start3A_190 = arith.constant 0 : i32
      %dma_start3A_191 = arith.constant 0 : i32
      %dma_start3A_192 = arith.constant 0 : i32
      %dma_start3A_193 = tpu.memref_slice %arg8[%dma_start3A_189, %dma_start3A_191, %dma_start3A_192] : memref<10x128x16xf32, #tpu.memory_space<vmem>> -> memref<1x128x16xf32, #tpu.memory_space<vmem>>
      %dma_start3A_194 = tpu.memref_squeeze %dma_start3A_193 : memref<1x128x16xf32, #tpu.memory_space<vmem>> -> memref<128x16xf32, #tpu.memory_space<vmem>>
      %dma_start3A_195 = arith.constant 0 : i32
      %dma_start3A_196 = tpu.memref_slice %arg7[%dma_start3A_190, %dma_start3A_195] : memref<10x128xi32, #tpu.memory_space<vmem>> -> memref<1x128xi32, #tpu.memory_space<vmem>>
      %dma_start3A_197 = tpu.memref_squeeze %dma_start3A_196 : memref<1x128xi32, #tpu.memory_space<vmem>> -> memref<128xi32, #tpu.memory_space<vmem>>
      %dma_start3A_198 = arith.constant 0 : i32
      %dma_start3A_199 = arith.constant 0 : i32
      %dma_start3A_200 = tpu.memref_slice %arg9[%dma_start3A_198, %dma_start3A_199] : memref<100352x16xf32, #tpu.memory_space<vmem_shared>> -> memref<100352x16xf32, #tpu.memory_space<vmem_shared>>
      tpu.enqueue_indirect_dma source(%dma_start3A_194 : memref<128x16xf32, #tpu.memory_space<vmem>>) target(%dma_start3A_200 : memref<100352x16xf32, #tpu.memory_space<vmem_shared>>) offsets(%dma_start3A_197 : memref<128xi32, #tpu.memory_space<vmem>>) semaphore(%arg15 : memref<!tpu.dma_semaphore, #tpu.memory_space<semaphore_mem>>) {add = true}
      %dma_start3A_201 = arith.constant 1 : i32
      %dma_start3A_202 = arith.constant 1 : i32
      %dma_start3A_203 = arith.constant 0 : i32
      %dma_start3A_204 = arith.constant 0 : i32
      %dma_start3A_205 = tpu.memref_slice %arg8[%dma_start3A_201, %dma_start3A_203, %dma_start3A_204] : memref<10x128x16xf32, #tpu.memory_space<vmem>> -> memref<1x128x16xf32, #tpu.memory_space<vmem>>
      %dma_start3A_206 = tpu.memref_squeeze %dma_start3A_205 : memref<1x128x16xf32, #tpu.memory_space<vmem>> -> memref<128x16xf32, #tpu.memory_space<vmem>>
      %dma_start3A_207 = arith.constant 0 : i32
      %dma_start3A_208 = tpu.memref_slice %arg7[%dma_start3A_202, %dma_start3A_207] : memref<10x128xi32, #tpu.memory_space<vmem>> -> memref<1x128xi32, #tpu.memory_space<vmem>>
      %dma_start3A_209 = tpu.memref_squeeze %dma_start3A_208 : memref<1x128xi32, #tpu.memory_space<vmem>> -> memref<128xi32, #tpu.memory_space<vmem>>
      %dma_start3A_210 = arith.constant 0 : i32
      %dma_start3A_211 = arith.constant 0 : i32
      %dma_start3A_212 = tpu.memref_slice %arg9[%dma_start3A_210, %dma_start3A_211] : memref<100352x16xf32, #tpu.memory_space<vmem_shared>> -> memref<100352x16xf32, #tpu.memory_space<vmem_shared>>
      tpu.enqueue_indirect_dma source(%dma_start3A_206 : memref<128x16xf32, #tpu.memory_space<vmem>>) target(%dma_start3A_212 : memref<100352x16xf32, #tpu.memory_space<vmem_shared>>) offsets(%dma_start3A_209 : memref<128xi32, #tpu.memory_space<vmem>>) semaphore(%arg15 : memref<!tpu.dma_semaphore, #tpu.memory_space<semaphore_mem>>) {add = true}
      %dma_wait3A_213 = arith.constant 2 : i32
      %dma_wait3A_214 = arith.constant 2 : i32
      %dma_wait3A_215 = arith.constant 0 : i32
      %dma_wait3A_216 = arith.constant 0 : i32
      %dma_wait3A_217 = tpu.memref_slice %arg8[%dma_wait3A_214, %dma_wait3A_215, %dma_wait3A_216] : memref<10x128x16xf32, #tpu.memory_space<vmem>> -> memref<1x128x16xf32, #tpu.memory_space<vmem>>
      %dma_wait3A_218 = tpu.memref_squeeze %dma_wait3A_217 : memref<1x128x16xf32, #tpu.memory_space<vmem>> -> memref<128x16xf32, #tpu.memory_space<vmem>>
      %dma_wait3A_219 = arith.constant 0 : i32
      %dma_wait3A_220 = tpu.memref_slice %arg6[%dma_wait3A_213, %dma_wait3A_219] : memref<10x128xi32, #tpu.memory_space<vmem>> -> memref<1x128xi32, #tpu.memory_space<vmem>>
      %dma_wait3A_221 = tpu.memref_squeeze %dma_wait3A_220 : memref<1x128xi32, #tpu.memory_space<vmem>> -> memref<128xi32, #tpu.memory_space<vmem>>
      %dma_wait3A_222 = arith.constant 0 : i32
      %dma_wait3A_223 = arith.constant 0 : i32
      %dma_wait3A_224 = tpu.memref_slice %arg2[%dma_wait3A_222, %dma_wait3A_223] : memref<100352x16xf32, #tpu.memory_space<hbm>> -> memref<100352x16xf32, #tpu.memory_space<hbm>>
      tpu.wait_indirect_dma semaphore(%arg11 : memref<!tpu.dma_semaphore, #tpu.memory_space<semaphore_mem>>) src(%dma_wait3A_224 : memref<100352x16xf32, #tpu.memory_space<hbm>>) dst(%dma_wait3A_218 : memref<128x16xf32, #tpu.memory_space<vmem>>)
      %dma_wait3A_225 = arith.constant 3 : i32
      %dma_wait3A_226 = arith.constant 3 : i32
      %dma_wait3A_227 = arith.constant 0 : i32
      %dma_wait3A_228 = arith.constant 0 : i32
      %dma_wait3A_229 = tpu.memref_slice %arg8[%dma_wait3A_226, %dma_wait3A_227, %dma_wait3A_228] : memref<10x128x16xf32, #tpu.memory_space<vmem>> -> memref<1x128x16xf32, #tpu.memory_space<vmem>>
      %dma_wait3A_230 = tpu.memref_squeeze %dma_wait3A_229 : memref<1x128x16xf32, #tpu.memory_space<vmem>> -> memref<128x16xf32, #tpu.memory_space<vmem>>
      %dma_wait3A_231 = arith.constant 0 : i32
      %dma_wait3A_232 = tpu.memref_slice %arg6[%dma_wait3A_225, %dma_wait3A_231] : memref<10x128xi32, #tpu.memory_space<vmem>> -> memref<1x128xi32, #tpu.memory_space<vmem>>
      %dma_wait3A_233 = tpu.memref_squeeze %dma_wait3A_232 : memref<1x128xi32, #tpu.memory_space<vmem>> -> memref<128xi32, #tpu.memory_space<vmem>>
      %dma_wait3A_234 = arith.constant 0 : i32
      %dma_wait3A_235 = arith.constant 0 : i32
      %dma_wait3A_236 = tpu.memref_slice %arg2[%dma_wait3A_234, %dma_wait3A_235] : memref<100352x16xf32, #tpu.memory_space<hbm>> -> memref<100352x16xf32, #tpu.memory_space<hbm>>
      tpu.wait_indirect_dma semaphore(%arg11 : memref<!tpu.dma_semaphore, #tpu.memory_space<semaphore_mem>>) src(%dma_wait3A_236 : memref<100352x16xf32, #tpu.memory_space<hbm>>) dst(%dma_wait3A_230 : memref<128x16xf32, #tpu.memory_space<vmem>>)
      %dma_start3A_237 = arith.constant 2 : i32
      %dma_start3A_238 = arith.constant 2 : i32
      %dma_start3A_239 = arith.constant 0 : i32
      %dma_start3A_240 = arith.constant 0 : i32
      %dma_start3A_241 = tpu.memref_slice %arg8[%dma_start3A_237, %dma_start3A_239, %dma_start3A_240] : memref<10x128x16xf32, #tpu.memory_space<vmem>> -> memref<1x128x16xf32, #tpu.memory_space<vmem>>
      %dma_start3A_242 = tpu.memref_squeeze %dma_start3A_241 : memref<1x128x16xf32, #tpu.memory_space<vmem>> -> memref<128x16xf32, #tpu.memory_space<vmem>>
      %dma_start3A_243 = arith.constant 0 : i32
      %dma_start3A_244 = tpu.memref_slice %arg7[%dma_start3A_238, %dma_start3A_243] : memref<10x128xi32, #tpu.memory_space<vmem>> -> memref<1x128xi32, #tpu.memory_space<vmem>>
      %dma_start3A_245 = tpu.memref_squeeze %dma_start3A_244 : memref<1x128xi32, #tpu.memory_space<vmem>> -> memref<128xi32, #tpu.memory_space<vmem>>
      %dma_start3A_246 = arith.constant 0 : i32
      %dma_start3A_247 = arith.constant 0 : i32
      %dma_start3A_248 = tpu.memref_slice %arg9[%dma_start3A_246, %dma_start3A_247] : memref<100352x16xf32, #tpu.memory_space<vmem_shared>> -> memref<100352x16xf32, #tpu.memory_space<vmem_shared>>
      tpu.enqueue_indirect_dma source(%dma_start3A_242 : memref<128x16xf32, #tpu.memory_space<vmem>>) target(%dma_start3A_248 : memref<100352x16xf32, #tpu.memory_space<vmem_shared>>) offsets(%dma_start3A_245 : memref<128xi32, #tpu.memory_space<vmem>>) semaphore(%arg16 : memref<!tpu.dma_semaphore, #tpu.memory_space<semaphore_mem>>) {add = true}
      %dma_start3A_249 = arith.constant 3 : i32
      %dma_start3A_250 = arith.constant 3 : i32
      %dma_start3A_251 = arith.constant 0 : i32
      %dma_start3A_252 = arith.constant 0 : i32
      %dma_start3A_253 = tpu.memref_slice %arg8[%dma_start3A_249, %dma_start3A_251, %dma_start3A_252] : memref<10x128x16xf32, #tpu.memory_space<vmem>> -> memref<1x128x16xf32, #tpu.memory_space<vmem>>
      %dma_start3A_254 = tpu.memref_squeeze %dma_start3A_253 : memref<1x128x16xf32, #tpu.memory_space<vmem>> -> memref<128x16xf32, #tpu.memory_space<vmem>>
      %dma_start3A_255 = arith.constant 0 : i32
      %dma_start3A_256 = tpu.memref_slice %arg7[%dma_start3A_250, %dma_start3A_255] : memref<10x128xi32, #tpu.memory_space<vmem>> -> memref<1x128xi32, #tpu.memory_space<vmem>>
      %dma_start3A_257 = tpu.memref_squeeze %dma_start3A_256 : memref<1x128xi32, #tpu.memory_space<vmem>> -> memref<128xi32, #tpu.memory_space<vmem>>
      %dma_start3A_258 = arith.constant 0 : i32
      %dma_start3A_259 = arith.constant 0 : i32
      %dma_start3A_260 = tpu.memref_slice %arg9[%dma_start3A_258, %dma_start3A_259] : memref<100352x16xf32, #tpu.memory_space<vmem_shared>> -> memref<100352x16xf32, #tpu.memory_space<vmem_shared>>
      tpu.enqueue_indirect_dma source(%dma_start3A_254 : memref<128x16xf32, #tpu.memory_space<vmem>>) target(%dma_start3A_260 : memref<100352x16xf32, #tpu.memory_space<vmem_shared>>) offsets(%dma_start3A_257 : memref<128xi32, #tpu.memory_space<vmem>>) semaphore(%arg16 : memref<!tpu.dma_semaphore, #tpu.memory_space<semaphore_mem>>) {add = true}
      %dma_wait3A_261 = arith.constant 4 : i32
      %dma_wait3A_262 = arith.constant 4 : i32
      %dma_wait3A_263 = arith.constant 0 : i32
      %dma_wait3A_264 = arith.constant 0 : i32
      %dma_wait3A_265 = tpu.memref_slice %arg8[%dma_wait3A_262, %dma_wait3A_263, %dma_wait3A_264] : memref<10x128x16xf32, #tpu.memory_space<vmem>> -> memref<1x128x16xf32, #tpu.memory_space<vmem>>
      %dma_wait3A_266 = tpu.memref_squeeze %dma_wait3A_265 : memref<1x128x16xf32, #tpu.memory_space<vmem>> -> memref<128x16xf32, #tpu.memory_space<vmem>>
      %dma_wait3A_267 = arith.constant 0 : i32
      %dma_wait3A_268 = tpu.memref_slice %arg6[%dma_wait3A_261, %dma_wait3A_267] : memref<10x128xi32, #tpu.memory_space<vmem>> -> memref<1x128xi32, #tpu.memory_space<vmem>>
      %dma_wait3A_269 = tpu.memref_squeeze %dma_wait3A_268 : memref<1x128xi32, #tpu.memory_space<vmem>> -> memref<128xi32, #tpu.memory_space<vmem>>
      %dma_wait3A_270 = arith.constant 0 : i32
      %dma_wait3A_271 = arith.constant 0 : i32
      %dma_wait3A_272 = tpu.memref_slice %arg2[%dma_wait3A_270, %dma_wait3A_271] : memref<100352x16xf32, #tpu.memory_space<hbm>> -> memref<100352x16xf32, #tpu.memory_space<hbm>>
      tpu.wait_indirect_dma semaphore(%arg12 : memref<!tpu.dma_semaphore, #tpu.memory_space<semaphore_mem>>) src(%dma_wait3A_272 : memref<100352x16xf32, #tpu.memory_space<hbm>>) dst(%dma_wait3A_266 : memref<128x16xf32, #tpu.memory_space<vmem>>)
      %dma_wait3A_273 = arith.constant 5 : i32
      %dma_wait3A_274 = arith.constant 5 : i32
      %dma_wait3A_275 = arith.constant 0 : i32
      %dma_wait3A_276 = arith.constant 0 : i32
      %dma_wait3A_277 = tpu.memref_slice %arg8[%dma_wait3A_274, %dma_wait3A_275, %dma_wait3A_276] : memref<10x128x16xf32, #tpu.memory_space<vmem>> -> memref<1x128x16xf32, #tpu.memory_space<vmem>>
      %dma_wait3A_278 = tpu.memref_squeeze %dma_wait3A_277 : memref<1x128x16xf32, #tpu.memory_space<vmem>> -> memref<128x16xf32, #tpu.memory_space<vmem>>
      %dma_wait3A_279 = arith.constant 0 : i32
      %dma_wait3A_280 = tpu.memref_slice %arg6[%dma_wait3A_273, %dma_wait3A_279] : memref<10x128xi32, #tpu.memory_space<vmem>> -> memref<1x128xi32, #tpu.memory_space<vmem>>
      %dma_wait3A_281 = tpu.memref_squeeze %dma_wait3A_280 : memref<1x128xi32, #tpu.memory_space<vmem>> -> memref<128xi32, #tpu.memory_space<vmem>>
      %dma_wait3A_282 = arith.constant 0 : i32
      %dma_wait3A_283 = arith.constant 0 : i32
      %dma_wait3A_284 = tpu.memref_slice %arg2[%dma_wait3A_282, %dma_wait3A_283] : memref<100352x16xf32, #tpu.memory_space<hbm>> -> memref<100352x16xf32, #tpu.memory_space<hbm>>
      tpu.wait_indirect_dma semaphore(%arg12 : memref<!tpu.dma_semaphore, #tpu.memory_space<semaphore_mem>>) src(%dma_wait3A_284 : memref<100352x16xf32, #tpu.memory_space<hbm>>) dst(%dma_wait3A_278 : memref<128x16xf32, #tpu.memory_space<vmem>>)
      %dma_start3A_285 = arith.constant 4 : i32
      %dma_start3A_286 = arith.constant 4 : i32
      %dma_start3A_287 = arith.constant 0 : i32
      %dma_start3A_288 = arith.constant 0 : i32
      %dma_start3A_289 = tpu.memref_slice %arg8[%dma_start3A_285, %dma_start3A_287, %dma_start3A_288] : memref<10x128x16xf32, #tpu.memory_space<vmem>> -> memref<1x128x16xf32, #tpu.memory_space<vmem>>
      %dma_start3A_290 = tpu.memref_squeeze %dma_start3A_289 : memref<1x128x16xf32, #tpu.memory_space<vmem>> -> memref<128x16xf32, #tpu.memory_space<vmem>>
      %dma_start3A_291 = arith.constant 0 : i32
      %dma_start3A_292 = tpu.memref_slice %arg7[%dma_start3A_286, %dma_start3A_291] : memref<10x128xi32, #tpu.memory_space<vmem>> -> memref<1x128xi32, #tpu.memory_space<vmem>>
      %dma_start3A_293 = tpu.memref_squeeze %dma_start3A_292 : memref<1x128xi32, #tpu.memory_space<vmem>> -> memref<128xi32, #tpu.memory_space<vmem>>
      %dma_start3A_294 = arith.constant 0 : i32
      %dma_start3A_295 = arith.constant 0 : i32
      %dma_start3A_296 = tpu.memref_slice %arg9[%dma_start3A_294, %dma_start3A_295] : memref<100352x16xf32, #tpu.memory_space<vmem_shared>> -> memref<100352x16xf32, #tpu.memory_space<vmem_shared>>
      tpu.enqueue_indirect_dma source(%dma_start3A_290 : memref<128x16xf32, #tpu.memory_space<vmem>>) target(%dma_start3A_296 : memref<100352x16xf32, #tpu.memory_space<vmem_shared>>) offsets(%dma_start3A_293 : memref<128xi32, #tpu.memory_space<vmem>>) semaphore(%arg17 : memref<!tpu.dma_semaphore, #tpu.memory_space<semaphore_mem>>) {add = true}
      %dma_start3A_297 = arith.constant 5 : i32
      %dma_start3A_298 = arith.constant 5 : i32
      %dma_start3A_299 = arith.constant 0 : i32
      %dma_start3A_300 = arith.constant 0 : i32
      %dma_start3A_301 = tpu.memref_slice %arg8[%dma_start3A_297, %dma_start3A_299, %dma_start3A_300] : memref<10x128x16xf32, #tpu.memory_space<vmem>> -> memref<1x128x16xf32, #tpu.memory_space<vmem>>
      %dma_start3A_302 = tpu.memref_squeeze %dma_start3A_301 : memref<1x128x16xf32, #tpu.memory_space<vmem>> -> memref<128x16xf32, #tpu.memory_space<vmem>>
      %dma_start3A_303 = arith.constant 0 : i32
      %dma_start3A_304 = tpu.memref_slice %arg7[%dma_start3A_298, %dma_start3A_303] : memref<10x128xi32, #tpu.memory_space<vmem>> -> memref<1x128xi32, #tpu.memory_space<vmem>>
      %dma_start3A_305 = tpu.memref_squeeze %dma_start3A_304 : memref<1x128xi32, #tpu.memory_space<vmem>> -> memref<128xi32, #tpu.memory_space<vmem>>
      %dma_start3A_306 = arith.constant 0 : i32
      %dma_start3A_307 = arith.constant 0 : i32
      %dma_start3A_308 = tpu.memref_slice %arg9[%dma_start3A_306, %dma_start3A_307] : memref<100352x16xf32, #tpu.memory_space<vmem_shared>> -> memref<100352x16xf32, #tpu.memory_space<vmem_shared>>
      tpu.enqueue_indirect_dma source(%dma_start3A_302 : memref<128x16xf32, #tpu.memory_space<vmem>>) target(%dma_start3A_308 : memref<100352x16xf32, #tpu.memory_space<vmem_shared>>) offsets(%dma_start3A_305 : memref<128xi32, #tpu.memory_space<vmem>>) semaphore(%arg17 : memref<!tpu.dma_semaphore, #tpu.memory_space<semaphore_mem>>) {add = true}
      %dma_wait3A_309 = arith.constant 6 : i32
      %dma_wait3A_310 = arith.constant 6 : i32
      %dma_wait3A_311 = arith.constant 0 : i32
      %dma_wait3A_312 = arith.constant 0 : i32
      %dma_wait3A_313 = tpu.memref_slice %arg8[%dma_wait3A_310, %dma_wait3A_311, %dma_wait3A_312] : memref<10x128x16xf32, #tpu.memory_space<vmem>> -> memref<1x128x16xf32, #tpu.memory_space<vmem>>
      %dma_wait3A_314 = tpu.memref_squeeze %dma_wait3A_313 : memref<1x128x16xf32, #tpu.memory_space<vmem>> -> memref<128x16xf32, #tpu.memory_space<vmem>>
      %dma_wait3A_315 = arith.constant 0 : i32
      %dma_wait3A_316 = tpu.memref_slice %arg6[%dma_wait3A_309, %dma_wait3A_315] : memref<10x128xi32, #tpu.memory_space<vmem>> -> memref<1x128xi32, #tpu.memory_space<vmem>>
      %dma_wait3A_317 = tpu.memref_squeeze %dma_wait3A_316 : memref<1x128xi32, #tpu.memory_space<vmem>> -> memref<128xi32, #tpu.memory_space<vmem>>
      %dma_wait3A_318 = arith.constant 0 : i32
      %dma_wait3A_319 = arith.constant 0 : i32
      %dma_wait3A_320 = tpu.memref_slice %arg2[%dma_wait3A_318, %dma_wait3A_319] : memref<100352x16xf32, #tpu.memory_space<hbm>> -> memref<100352x16xf32, #tpu.memory_space<hbm>>
      tpu.wait_indirect_dma semaphore(%arg13 : memref<!tpu.dma_semaphore, #tpu.memory_space<semaphore_mem>>) src(%dma_wait3A_320 : memref<100352x16xf32, #tpu.memory_space<hbm>>) dst(%dma_wait3A_314 : memref<128x16xf32, #tpu.memory_space<vmem>>)
      %dma_wait3A_321 = arith.constant 7 : i32
      %dma_wait3A_322 = arith.constant 7 : i32
      %dma_wait3A_323 = arith.constant 0 : i32
      %dma_wait3A_324 = arith.constant 0 : i32
      %dma_wait3A_325 = tpu.memref_slice %arg8[%dma_wait3A_322, %dma_wait3A_323, %dma_wait3A_324] : memref<10x128x16xf32, #tpu.memory_space<vmem>> -> memref<1x128x16xf32, #tpu.memory_space<vmem>>
      %dma_wait3A_326 = tpu.memref_squeeze %dma_wait3A_325 : memref<1x128x16xf32, #tpu.memory_space<vmem>> -> memref<128x16xf32, #tpu.memory_space<vmem>>
      %dma_wait3A_327 = arith.constant 0 : i32
      %dma_wait3A_328 = tpu.memref_slice %arg6[%dma_wait3A_321, %dma_wait3A_327] : memref<10x128xi32, #tpu.memory_space<vmem>> -> memref<1x128xi32, #tpu.memory_space<vmem>>
      %dma_wait3A_329 = tpu.memref_squeeze %dma_wait3A_328 : memref<1x128xi32, #tpu.memory_space<vmem>> -> memref<128xi32, #tpu.memory_space<vmem>>
      %dma_wait3A_330 = arith.constant 0 : i32
      %dma_wait3A_331 = arith.constant 0 : i32
      %dma_wait3A_332 = tpu.memref_slice %arg2[%dma_wait3A_330, %dma_wait3A_331] : memref<100352x16xf32, #tpu.memory_space<hbm>> -> memref<100352x16xf32, #tpu.memory_space<hbm>>
      tpu.wait_indirect_dma semaphore(%arg13 : memref<!tpu.dma_semaphore, #tpu.memory_space<semaphore_mem>>) src(%dma_wait3A_332 : memref<100352x16xf32, #tpu.memory_space<hbm>>) dst(%dma_wait3A_326 : memref<128x16xf32, #tpu.memory_space<vmem>>)
      %dma_start3A_333 = arith.constant 6 : i32
      %dma_start3A_334 = arith.constant 6 : i32
      %dma_start3A_335 = arith.constant 0 : i32
      %dma_start3A_336 = arith.constant 0 : i32
      %dma_start3A_337 = tpu.memref_slice %arg8[%dma_start3A_333, %dma_start3A_335, %dma_start3A_336] : memref<10x128x16xf32, #tpu.memory_space<vmem>> -> memref<1x128x16xf32, #tpu.memory_space<vmem>>
      %dma_start3A_338 = tpu.memref_squeeze %dma_start3A_337 : memref<1x128x16xf32, #tpu.memory_space<vmem>> -> memref<128x16xf32, #tpu.memory_space<vmem>>
      %dma_start3A_339 = arith.constant 0 : i32
      %dma_start3A_340 = tpu.memref_slice %arg7[%dma_start3A_334, %dma_start3A_339] : memref<10x128xi32, #tpu.memory_space<vmem>> -> memref<1x128xi32, #tpu.memory_space<vmem>>
      %dma_start3A_341 = tpu.memref_squeeze %dma_start3A_340 : memref<1x128xi32, #tpu.memory_space<vmem>> -> memref<128xi32, #tpu.memory_space<vmem>>
      %dma_start3A_342 = arith.constant 0 : i32
      %dma_start3A_343 = arith.constant 0 : i32
      %dma_start3A_344 = tpu.memref_slice %arg9[%dma_start3A_342, %dma_start3A_343] : memref<100352x16xf32, #tpu.memory_space<vmem_shared>> -> memref<100352x16xf32, #tpu.memory_space<vmem_shared>>
      tpu.enqueue_indirect_dma source(%dma_start3A_338 : memref<128x16xf32, #tpu.memory_space<vmem>>) target(%dma_start3A_344 : memref<100352x16xf32, #tpu.memory_space<vmem_shared>>) offsets(%dma_start3A_341 : memref<128xi32, #tpu.memory_space<vmem>>) semaphore(%arg18 : memref<!tpu.dma_semaphore, #tpu.memory_space<semaphore_mem>>) {add = true}
      %dma_start3A_345 = arith.constant 7 : i32
      %dma_start3A_346 = arith.constant 7 : i32
      %dma_start3A_347 = arith.constant 0 : i32
      %dma_start3A_348 = arith.constant 0 : i32
      %dma_start3A_349 = tpu.memref_slice %arg8[%dma_start3A_345, %dma_start3A_347, %dma_start3A_348] : memref<10x128x16xf32, #tpu.memory_space<vmem>> -> memref<1x128x16xf32, #tpu.memory_space<vmem>>
      %dma_start3A_350 = tpu.memref_squeeze %dma_start3A_349 : memref<1x128x16xf32, #tpu.memory_space<vmem>> -> memref<128x16xf32, #tpu.memory_space<vmem>>
      %dma_start3A_351 = arith.constant 0 : i32
      %dma_start3A_352 = tpu.memref_slice %arg7[%dma_start3A_346, %dma_start3A_351] : memref<10x128xi32, #tpu.memory_space<vmem>> -> memref<1x128xi32, #tpu.memory_space<vmem>>
      %dma_start3A_353 = tpu.memref_squeeze %dma_start3A_352 : memref<1x128xi32, #tpu.memory_space<vmem>> -> memref<128xi32, #tpu.memory_space<vmem>>
      %dma_start3A_354 = arith.constant 0 : i32
      %dma_start3A_355 = arith.constant 0 : i32
      %dma_start3A_356 = tpu.memref_slice %arg9[%dma_start3A_354, %dma_start3A_355] : memref<100352x16xf32, #tpu.memory_space<vmem_shared>> -> memref<100352x16xf32, #tpu.memory_space<vmem_shared>>
      tpu.enqueue_indirect_dma source(%dma_start3A_350 : memref<128x16xf32, #tpu.memory_space<vmem>>) target(%dma_start3A_356 : memref<100352x16xf32, #tpu.memory_space<vmem_shared>>) offsets(%dma_start3A_353 : memref<128xi32, #tpu.memory_space<vmem>>) semaphore(%arg18 : memref<!tpu.dma_semaphore, #tpu.memory_space<semaphore_mem>>) {add = true}
      %dma_wait3A_357 = arith.constant 8 : i32
      %dma_wait3A_358 = arith.constant 8 : i32
      %dma_wait3A_359 = arith.constant 0 : i32
      %dma_wait3A_360 = arith.constant 0 : i32
      %dma_wait3A_361 = tpu.memref_slice %arg8[%dma_wait3A_358, %dma_wait3A_359, %dma_wait3A_360] : memref<10x128x16xf32, #tpu.memory_space<vmem>> -> memref<1x128x16xf32, #tpu.memory_space<vmem>>
      %dma_wait3A_362 = tpu.memref_squeeze %dma_wait3A_361 : memref<1x128x16xf32, #tpu.memory_space<vmem>> -> memref<128x16xf32, #tpu.memory_space<vmem>>
      %dma_wait3A_363 = arith.constant 0 : i32
      %dma_wait3A_364 = tpu.memref_slice %arg6[%dma_wait3A_357, %dma_wait3A_363] : memref<10x128xi32, #tpu.memory_space<vmem>> -> memref<1x128xi32, #tpu.memory_space<vmem>>
      %dma_wait3A_365 = tpu.memref_squeeze %dma_wait3A_364 : memref<1x128xi32, #tpu.memory_space<vmem>> -> memref<128xi32, #tpu.memory_space<vmem>>
      %dma_wait3A_366 = arith.constant 0 : i32
      %dma_wait3A_367 = arith.constant 0 : i32
      %dma_wait3A_368 = tpu.memref_slice %arg2[%dma_wait3A_366, %dma_wait3A_367] : memref<100352x16xf32, #tpu.memory_space<hbm>> -> memref<100352x16xf32, #tpu.memory_space<hbm>>
      tpu.wait_indirect_dma semaphore(%arg14 : memref<!tpu.dma_semaphore, #tpu.memory_space<semaphore_mem>>) src(%dma_wait3A_368 : memref<100352x16xf32, #tpu.memory_space<hbm>>) dst(%dma_wait3A_362 : memref<128x16xf32, #tpu.memory_space<vmem>>)
      %dma_wait3A_369 = arith.constant 9 : i32
      %dma_wait3A_370 = arith.constant 9 : i32
      %dma_wait3A_371 = arith.constant 0 : i32
      %dma_wait3A_372 = arith.constant 0 : i32
      %dma_wait3A_373 = tpu.memref_slice %arg8[%dma_wait3A_370, %dma_wait3A_371, %dma_wait3A_372] : memref<10x128x16xf32, #tpu.memory_space<vmem>> -> memref<1x128x16xf32, #tpu.memory_space<vmem>>
      %dma_wait3A_374 = tpu.memref_squeeze %dma_wait3A_373 : memref<1x128x16xf32, #tpu.memory_space<vmem>> -> memref<128x16xf32, #tpu.memory_space<vmem>>
      %dma_wait3A_375 = arith.constant 0 : i32
      %dma_wait3A_376 = tpu.memref_slice %arg6[%dma_wait3A_369, %dma_wait3A_375] : memref<10x128xi32, #tpu.memory_space<vmem>> -> memref<1x128xi32, #tpu.memory_space<vmem>>
      %dma_wait3A_377 = tpu.memref_squeeze %dma_wait3A_376 : memref<1x128xi32, #tpu.memory_space<vmem>> -> memref<128xi32, #tpu.memory_space<vmem>>
      %dma_wait3A_378 = arith.constant 0 : i32
      %dma_wait3A_379 = arith.constant 0 : i32
      %dma_wait3A_380 = tpu.memref_slice %arg2[%dma_wait3A_378, %dma_wait3A_379] : memref<100352x16xf32, #tpu.memory_space<hbm>> -> memref<100352x16xf32, #tpu.memory_space<hbm>>
      tpu.wait_indirect_dma semaphore(%arg14 : memref<!tpu.dma_semaphore, #tpu.memory_space<semaphore_mem>>) src(%dma_wait3A_380 : memref<100352x16xf32, #tpu.memory_space<hbm>>) dst(%dma_wait3A_374 : memref<128x16xf32, #tpu.memory_space<vmem>>)
      %dma_start3A_381 = arith.constant 8 : i32
      %dma_start3A_382 = arith.constant 8 : i32
      %dma_start3A_383 = arith.constant 0 : i32
      %dma_start3A_384 = arith.constant 0 : i32
      %dma_start3A_385 = tpu.memref_slice %arg8[%dma_start3A_381, %dma_start3A_383, %dma_start3A_384] : memref<10x128x16xf32, #tpu.memory_space<vmem>> -> memref<1x128x16xf32, #tpu.memory_space<vmem>>
      %dma_start3A_386 = tpu.memref_squeeze %dma_start3A_385 : memref<1x128x16xf32, #tpu.memory_space<vmem>> -> memref<128x16xf32, #tpu.memory_space<vmem>>
      %dma_start3A_387 = arith.constant 0 : i32
      %dma_start3A_388 = tpu.memref_slice %arg7[%dma_start3A_382, %dma_start3A_387] : memref<10x128xi32, #tpu.memory_space<vmem>> -> memref<1x128xi32, #tpu.memory_space<vmem>>
      %dma_start3A_389 = tpu.memref_squeeze %dma_start3A_388 : memref<1x128xi32, #tpu.memory_space<vmem>> -> memref<128xi32, #tpu.memory_space<vmem>>
      %dma_start3A_390 = arith.constant 0 : i32
      %dma_start3A_391 = arith.constant 0 : i32
      %dma_start3A_392 = tpu.memref_slice %arg9[%dma_start3A_390, %dma_start3A_391] : memref<100352x16xf32, #tpu.memory_space<vmem_shared>> -> memref<100352x16xf32, #tpu.memory_space<vmem_shared>>
      tpu.enqueue_indirect_dma source(%dma_start3A_386 : memref<128x16xf32, #tpu.memory_space<vmem>>) target(%dma_start3A_392 : memref<100352x16xf32, #tpu.memory_space<vmem_shared>>) offsets(%dma_start3A_389 : memref<128xi32, #tpu.memory_space<vmem>>) semaphore(%arg19 : memref<!tpu.dma_semaphore, #tpu.memory_space<semaphore_mem>>) {add = true}
      %dma_start3A_393 = arith.constant 9 : i32
      %dma_start3A_394 = arith.constant 9 : i32
      %dma_start3A_395 = arith.constant 0 : i32
      %dma_start3A_396 = arith.constant 0 : i32
      %dma_start3A_397 = tpu.memref_slice %arg8[%dma_start3A_393, %dma_start3A_395, %dma_start3A_396] : memref<10x128x16xf32, #tpu.memory_space<vmem>> -> memref<1x128x16xf32, #tpu.memory_space<vmem>>
      %dma_start3A_398 = tpu.memref_squeeze %dma_start3A_397 : memref<1x128x16xf32, #tpu.memory_space<vmem>> -> memref<128x16xf32, #tpu.memory_space<vmem>>
      %dma_start3A_399 = arith.constant 0 : i32
      %dma_start3A_400 = tpu.memref_slice %arg7[%dma_start3A_394, %dma_start3A_399] : memref<10x128xi32, #tpu.memory_space<vmem>> -> memref<1x128xi32, #tpu.memory_space<vmem>>
      %dma_start3A_401 = tpu.memref_squeeze %dma_start3A_400 : memref<1x128xi32, #tpu.memory_space<vmem>> -> memref<128xi32, #tpu.memory_space<vmem>>
      %dma_start3A_402 = arith.constant 0 : i32
      %dma_start3A_403 = arith.constant 0 : i32
      %dma_start3A_404 = tpu.memref_slice %arg9[%dma_start3A_402, %dma_start3A_403] : memref<100352x16xf32, #tpu.memory_space<vmem_shared>> -> memref<100352x16xf32, #tpu.memory_space<vmem_shared>>
      tpu.enqueue_indirect_dma source(%dma_start3A_398 : memref<128x16xf32, #tpu.memory_space<vmem>>) target(%dma_start3A_404 : memref<100352x16xf32, #tpu.memory_space<vmem_shared>>) offsets(%dma_start3A_401 : memref<128xi32, #tpu.memory_space<vmem>>) semaphore(%arg19 : memref<!tpu.dma_semaphore, #tpu.memory_space<semaphore_mem>>) {add = true}
      %dma_wait3A_405 = arith.constant 0 : i32
      %dma_wait3A_406 = arith.constant 0 : i32
      %dma_wait3A_407 = arith.constant 0 : i32
      %dma_wait3A_408 = arith.constant 0 : i32
      %dma_wait3A_409 = tpu.memref_slice %arg8[%dma_wait3A_405, %dma_wait3A_407, %dma_wait3A_408] : memref<10x128x16xf32, #tpu.memory_space<vmem>> -> memref<1x128x16xf32, #tpu.memory_space<vmem>>
      %dma_wait3A_410 = tpu.memref_squeeze %dma_wait3A_409 : memref<1x128x16xf32, #tpu.memory_space<vmem>> -> memref<128x16xf32, #tpu.memory_space<vmem>>
      %dma_wait3A_411 = arith.constant 0 : i32
      %dma_wait3A_412 = tpu.memref_slice %arg7[%dma_wait3A_406, %dma_wait3A_411] : memref<10x128xi32, #tpu.memory_space<vmem>> -> memref<1x128xi32, #tpu.memory_space<vmem>>
      %dma_wait3A_413 = tpu.memref_squeeze %dma_wait3A_412 : memref<1x128xi32, #tpu.memory_space<vmem>> -> memref<128xi32, #tpu.memory_space<vmem>>
      %dma_wait3A_414 = arith.constant 0 : i32
      %dma_wait3A_415 = arith.constant 0 : i32
      %dma_wait3A_416 = tpu.memref_slice %arg9[%dma_wait3A_414, %dma_wait3A_415] : memref<100352x16xf32, #tpu.memory_space<vmem_shared>> -> memref<100352x16xf32, #tpu.memory_space<vmem_shared>>
      tpu.wait_indirect_dma semaphore(%arg15 : memref<!tpu.dma_semaphore, #tpu.memory_space<semaphore_mem>>) src(%dma_wait3A_410 : memref<128x16xf32, #tpu.memory_space<vmem>>) dst(%dma_wait3A_416 : memref<100352x16xf32, #tpu.memory_space<vmem_shared>>)
      %dma_wait3A_417 = arith.constant 1 : i32
      %dma_wait3A_418 = arith.constant 1 : i32
      %dma_wait3A_419 = arith.constant 0 : i32
      %dma_wait3A_420 = arith.constant 0 : i32
      %dma_wait3A_421 = tpu.memref_slice %arg8[%dma_wait3A_417, %dma_wait3A_419, %dma_wait3A_420] : memref<10x128x16xf32, #tpu.memory_space<vmem>> -> memref<1x128x16xf32, #tpu.memory_space<vmem>>
      %dma_wait3A_422 = tpu.memref_squeeze %dma_wait3A_421 : memref<1x128x16xf32, #tpu.memory_space<vmem>> -> memref<128x16xf32, #tpu.memory_space<vmem>>
      %dma_wait3A_423 = arith.constant 0 : i32
      %dma_wait3A_424 = tpu.memref_slice %arg7[%dma_wait3A_418, %dma_wait3A_423] : memref<10x128xi32, #tpu.memory_space<vmem>> -> memref<1x128xi32, #tpu.memory_space<vmem>>
      %dma_wait3A_425 = tpu.memref_squeeze %dma_wait3A_424 : memref<1x128xi32, #tpu.memory_space<vmem>> -> memref<128xi32, #tpu.memory_space<vmem>>
      %dma_wait3A_426 = arith.constant 0 : i32
      %dma_wait3A_427 = arith.constant 0 : i32
      %dma_wait3A_428 = tpu.memref_slice %arg9[%dma_wait3A_426, %dma_wait3A_427] : memref<100352x16xf32, #tpu.memory_space<vmem_shared>> -> memref<100352x16xf32, #tpu.memory_space<vmem_shared>>
      tpu.wait_indirect_dma semaphore(%arg15 : memref<!tpu.dma_semaphore, #tpu.memory_space<semaphore_mem>>) src(%dma_wait3A_422 : memref<128x16xf32, #tpu.memory_space<vmem>>) dst(%dma_wait3A_428 : memref<100352x16xf32, #tpu.memory_space<vmem_shared>>)
      %dma_wait3A_429 = arith.constant 2 : i32
      %dma_wait3A_430 = arith.constant 2 : i32
      %dma_wait3A_431 = arith.constant 0 : i32
      %dma_wait3A_432 = arith.constant 0 : i32
      %dma_wait3A_433 = tpu.memref_slice %arg8[%dma_wait3A_429, %dma_wait3A_431, %dma_wait3A_432] : memref<10x128x16xf32, #tpu.memory_space<vmem>> -> memref<1x128x16xf32, #tpu.memory_space<vmem>>
      %dma_wait3A_434 = tpu.memref_squeeze %dma_wait3A_433 : memref<1x128x16xf32, #tpu.memory_space<vmem>> -> memref<128x16xf32, #tpu.memory_space<vmem>>
      %dma_wait3A_435 = arith.constant 0 : i32
      %dma_wait3A_436 = tpu.memref_slice %arg7[%dma_wait3A_430, %dma_wait3A_435] : memref<10x128xi32, #tpu.memory_space<vmem>> -> memref<1x128xi32, #tpu.memory_space<vmem>>
      %dma_wait3A_437 = tpu.memref_squeeze %dma_wait3A_436 : memref<1x128xi32, #tpu.memory_space<vmem>> -> memref<128xi32, #tpu.memory_space<vmem>>
      %dma_wait3A_438 = arith.constant 0 : i32
      %dma_wait3A_439 = arith.constant 0 : i32
      %dma_wait3A_440 = tpu.memref_slice %arg9[%dma_wait3A_438, %dma_wait3A_439] : memref<100352x16xf32, #tpu.memory_space<vmem_shared>> -> memref<100352x16xf32, #tpu.memory_space<vmem_shared>>
      tpu.wait_indirect_dma semaphore(%arg16 : memref<!tpu.dma_semaphore, #tpu.memory_space<semaphore_mem>>) src(%dma_wait3A_434 : memref<128x16xf32, #tpu.memory_space<vmem>>) dst(%dma_wait3A_440 : memref<100352x16xf32, #tpu.memory_space<vmem_shared>>)
      %dma_wait3A_441 = arith.constant 3 : i32
      %dma_wait3A_442 = arith.constant 3 : i32
      %dma_wait3A_443 = arith.constant 0 : i32
      %dma_wait3A_444 = arith.constant 0 : i32
      %dma_wait3A_445 = tpu.memref_slice %arg8[%dma_wait3A_441, %dma_wait3A_443, %dma_wait3A_444] : memref<10x128x16xf32, #tpu.memory_space<vmem>> -> memref<1x128x16xf32, #tpu.memory_space<vmem>>
      %dma_wait3A_446 = tpu.memref_squeeze %dma_wait3A_445 : memref<1x128x16xf32, #tpu.memory_space<vmem>> -> memref<128x16xf32, #tpu.memory_space<vmem>>
      %dma_wait3A_447 = arith.constant 0 : i32
      %dma_wait3A_448 = tpu.memref_slice %arg7[%dma_wait3A_442, %dma_wait3A_447] : memref<10x128xi32, #tpu.memory_space<vmem>> -> memref<1x128xi32, #tpu.memory_space<vmem>>
      %dma_wait3A_449 = tpu.memref_squeeze %dma_wait3A_448 : memref<1x128xi32, #tpu.memory_space<vmem>> -> memref<128xi32, #tpu.memory_space<vmem>>
      %dma_wait3A_450 = arith.constant 0 : i32
      %dma_wait3A_451 = arith.constant 0 : i32
      %dma_wait3A_452 = tpu.memref_slice %arg9[%dma_wait3A_450, %dma_wait3A_451] : memref<100352x16xf32, #tpu.memory_space<vmem_shared>> -> memref<100352x16xf32, #tpu.memory_space<vmem_shared>>
      tpu.wait_indirect_dma semaphore(%arg16 : memref<!tpu.dma_semaphore, #tpu.memory_space<semaphore_mem>>) src(%dma_wait3A_446 : memref<128x16xf32, #tpu.memory_space<vmem>>) dst(%dma_wait3A_452 : memref<100352x16xf32, #tpu.memory_space<vmem_shared>>)
      %dma_wait3A_453 = arith.constant 4 : i32
      %dma_wait3A_454 = arith.constant 4 : i32
      %dma_wait3A_455 = arith.constant 0 : i32
      %dma_wait3A_456 = arith.constant 0 : i32
      %dma_wait3A_457 = tpu.memref_slice %arg8[%dma_wait3A_453, %dma_wait3A_455, %dma_wait3A_456] : memref<10x128x16xf32, #tpu.memory_space<vmem>> -> memref<1x128x16xf32, #tpu.memory_space<vmem>>
      %dma_wait3A_458 = tpu.memref_squeeze %dma_wait3A_457 : memref<1x128x16xf32, #tpu.memory_space<vmem>> -> memref<128x16xf32, #tpu.memory_space<vmem>>
      %dma_wait3A_459 = arith.constant 0 : i32
      %dma_wait3A_460 = tpu.memref_slice %arg7[%dma_wait3A_454, %dma_wait3A_459] : memref<10x128xi32, #tpu.memory_space<vmem>> -> memref<1x128xi32, #tpu.memory_space<vmem>>
      %dma_wait3A_461 = tpu.memref_squeeze %dma_wait3A_460 : memref<1x128xi32, #tpu.memory_space<vmem>> -> memref<128xi32, #tpu.memory_space<vmem>>
      %dma_wait3A_462 = arith.constant 0 : i32
      %dma_wait3A_463 = arith.constant 0 : i32
      %dma_wait3A_464 = tpu.memref_slice %arg9[%dma_wait3A_462, %dma_wait3A_463] : memref<100352x16xf32, #tpu.memory_space<vmem_shared>> -> memref<100352x16xf32, #tpu.memory_space<vmem_shared>>
      tpu.wait_indirect_dma semaphore(%arg17 : memref<!tpu.dma_semaphore, #tpu.memory_space<semaphore_mem>>) src(%dma_wait3A_458 : memref<128x16xf32, #tpu.memory_space<vmem>>) dst(%dma_wait3A_464 : memref<100352x16xf32, #tpu.memory_space<vmem_shared>>)
      %dma_wait3A_465 = arith.constant 5 : i32
      %dma_wait3A_466 = arith.constant 5 : i32
      %dma_wait3A_467 = arith.constant 0 : i32
      %dma_wait3A_468 = arith.constant 0 : i32
      %dma_wait3A_469 = tpu.memref_slice %arg8[%dma_wait3A_465, %dma_wait3A_467, %dma_wait3A_468] : memref<10x128x16xf32, #tpu.memory_space<vmem>> -> memref<1x128x16xf32, #tpu.memory_space<vmem>>
      %dma_wait3A_470 = tpu.memref_squeeze %dma_wait3A_469 : memref<1x128x16xf32, #tpu.memory_space<vmem>> -> memref<128x16xf32, #tpu.memory_space<vmem>>
      %dma_wait3A_471 = arith.constant 0 : i32
      %dma_wait3A_472 = tpu.memref_slice %arg7[%dma_wait3A_466, %dma_wait3A_471] : memref<10x128xi32, #tpu.memory_space<vmem>> -> memref<1x128xi32, #tpu.memory_space<vmem>>
      %dma_wait3A_473 = tpu.memref_squeeze %dma_wait3A_472 : memref<1x128xi32, #tpu.memory_space<vmem>> -> memref<128xi32, #tpu.memory_space<vmem>>
      %dma_wait3A_474 = arith.constant 0 : i32
      %dma_wait3A_475 = arith.constant 0 : i32
      %dma_wait3A_476 = tpu.memref_slice %arg9[%dma_wait3A_474, %dma_wait3A_475] : memref<100352x16xf32, #tpu.memory_space<vmem_shared>> -> memref<100352x16xf32, #tpu.memory_space<vmem_shared>>
      tpu.wait_indirect_dma semaphore(%arg17 : memref<!tpu.dma_semaphore, #tpu.memory_space<semaphore_mem>>) src(%dma_wait3A_470 : memref<128x16xf32, #tpu.memory_space<vmem>>) dst(%dma_wait3A_476 : memref<100352x16xf32, #tpu.memory_space<vmem_shared>>)
      %dma_wait3A_477 = arith.constant 6 : i32
      %dma_wait3A_478 = arith.constant 6 : i32
      %dma_wait3A_479 = arith.constant 0 : i32
      %dma_wait3A_480 = arith.constant 0 : i32
      %dma_wait3A_481 = tpu.memref_slice %arg8[%dma_wait3A_477, %dma_wait3A_479, %dma_wait3A_480] : memref<10x128x16xf32, #tpu.memory_space<vmem>> -> memref<1x128x16xf32, #tpu.memory_space<vmem>>
      %dma_wait3A_482 = tpu.memref_squeeze %dma_wait3A_481 : memref<1x128x16xf32, #tpu.memory_space<vmem>> -> memref<128x16xf32, #tpu.memory_space<vmem>>
      %dma_wait3A_483 = arith.constant 0 : i32
      %dma_wait3A_484 = tpu.memref_slice %arg7[%dma_wait3A_478, %dma_wait3A_483] : memref<10x128xi32, #tpu.memory_space<vmem>> -> memref<1x128xi32, #tpu.memory_space<vmem>>
      %dma_wait3A_485 = tpu.memref_squeeze %dma_wait3A_484 : memref<1x128xi32, #tpu.memory_space<vmem>> -> memref<128xi32, #tpu.memory_space<vmem>>
      %dma_wait3A_486 = arith.constant 0 : i32
      %dma_wait3A_487 = arith.constant 0 : i32
      %dma_wait3A_488 = tpu.memref_slice %arg9[%dma_wait3A_486, %dma_wait3A_487] : memref<100352x16xf32, #tpu.memory_space<vmem_shared>> -> memref<100352x16xf32, #tpu.memory_space<vmem_shared>>
      tpu.wait_indirect_dma semaphore(%arg18 : memref<!tpu.dma_semaphore, #tpu.memory_space<semaphore_mem>>) src(%dma_wait3A_482 : memref<128x16xf32, #tpu.memory_space<vmem>>) dst(%dma_wait3A_488 : memref<100352x16xf32, #tpu.memory_space<vmem_shared>>)
      %dma_wait3A_489 = arith.constant 7 : i32
      %dma_wait3A_490 = arith.constant 7 : i32
      %dma_wait3A_491 = arith.constant 0 : i32
      %dma_wait3A_492 = arith.constant 0 : i32
      %dma_wait3A_493 = tpu.memref_slice %arg8[%dma_wait3A_489, %dma_wait3A_491, %dma_wait3A_492] : memref<10x128x16xf32, #tpu.memory_space<vmem>> -> memref<1x128x16xf32, #tpu.memory_space<vmem>>
      %dma_wait3A_494 = tpu.memref_squeeze %dma_wait3A_493 : memref<1x128x16xf32, #tpu.memory_space<vmem>> -> memref<128x16xf32, #tpu.memory_space<vmem>>
      %dma_wait3A_495 = arith.constant 0 : i32
      %dma_wait3A_496 = tpu.memref_slice %arg7[%dma_wait3A_490, %dma_wait3A_495] : memref<10x128xi32, #tpu.memory_space<vmem>> -> memref<1x128xi32, #tpu.memory_space<vmem>>
      %dma_wait3A_497 = tpu.memref_squeeze %dma_wait3A_496 : memref<1x128xi32, #tpu.memory_space<vmem>> -> memref<128xi32, #tpu.memory_space<vmem>>
      %dma_wait3A_498 = arith.constant 0 : i32
      %dma_wait3A_499 = arith.constant 0 : i32
      %dma_wait3A_500 = tpu.memref_slice %arg9[%dma_wait3A_498, %dma_wait3A_499] : memref<100352x16xf32, #tpu.memory_space<vmem_shared>> -> memref<100352x16xf32, #tpu.memory_space<vmem_shared>>
      tpu.wait_indirect_dma semaphore(%arg18 : memref<!tpu.dma_semaphore, #tpu.memory_space<semaphore_mem>>) src(%dma_wait3A_494 : memref<128x16xf32, #tpu.memory_space<vmem>>) dst(%dma_wait3A_500 : memref<100352x16xf32, #tpu.memory_space<vmem_shared>>)
      %dma_wait3A_501 = arith.constant 8 : i32
      %dma_wait3A_502 = arith.constant 8 : i32
      %dma_wait3A_503 = arith.constant 0 : i32
      %dma_wait3A_504 = arith.constant 0 : i32
      %dma_wait3A_505 = tpu.memref_slice %arg8[%dma_wait3A_501, %dma_wait3A_503, %dma_wait3A_504] : memref<10x128x16xf32, #tpu.memory_space<vmem>> -> memref<1x128x16xf32, #tpu.memory_space<vmem>>
      %dma_wait3A_506 = tpu.memref_squeeze %dma_wait3A_505 : memref<1x128x16xf32, #tpu.memory_space<vmem>> -> memref<128x16xf32, #tpu.memory_space<vmem>>
      %dma_wait3A_507 = arith.constant 0 : i32
      %dma_wait3A_508 = tpu.memref_slice %arg7[%dma_wait3A_502, %dma_wait3A_507] : memref<10x128xi32, #tpu.memory_space<vmem>> -> memref<1x128xi32, #tpu.memory_space<vmem>>
      %dma_wait3A_509 = tpu.memref_squeeze %dma_wait3A_508 : memref<1x128xi32, #tpu.memory_space<vmem>> -> memref<128xi32, #tpu.memory_space<vmem>>
      %dma_wait3A_510 = arith.constant 0 : i32
      %dma_wait3A_511 = arith.constant 0 : i32
      %dma_wait3A_512 = tpu.memref_slice %arg9[%dma_wait3A_510, %dma_wait3A_511] : memref<100352x16xf32, #tpu.memory_space<vmem_shared>> -> memref<100352x16xf32, #tpu.memory_space<vmem_shared>>
      tpu.wait_indirect_dma semaphore(%arg19 : memref<!tpu.dma_semaphore, #tpu.memory_space<semaphore_mem>>) src(%dma_wait3A_506 : memref<128x16xf32, #tpu.memory_space<vmem>>) dst(%dma_wait3A_512 : memref<100352x16xf32, #tpu.memory_space<vmem_shared>>)
      %dma_wait3A_513 = arith.constant 9 : i32
      %dma_wait3A_514 = arith.constant 9 : i32
      %dma_wait3A_515 = arith.constant 0 : i32
      %dma_wait3A_516 = arith.constant 0 : i32
      %dma_wait3A_517 = tpu.memref_slice %arg8[%dma_wait3A_513, %dma_wait3A_515, %dma_wait3A_516] : memref<10x128x16xf32, #tpu.memory_space<vmem>> -> memref<1x128x16xf32, #tpu.memory_space<vmem>>
      %dma_wait3A_518 = tpu.memref_squeeze %dma_wait3A_517 : memref<1x128x16xf32, #tpu.memory_space<vmem>> -> memref<128x16xf32, #tpu.memory_space<vmem>>
      %dma_wait3A_519 = arith.constant 0 : i32
      %dma_wait3A_520 = tpu.memref_slice %arg7[%dma_wait3A_514, %dma_wait3A_519] : memref<10x128xi32, #tpu.memory_space<vmem>> -> memref<1x128xi32, #tpu.memory_space<vmem>>
      %dma_wait3A_521 = tpu.memref_squeeze %dma_wait3A_520 : memref<1x128xi32, #tpu.memory_space<vmem>> -> memref<128xi32, #tpu.memory_space<vmem>>
      %dma_wait3A_522 = arith.constant 0 : i32
      %dma_wait3A_523 = arith.constant 0 : i32
      %dma_wait3A_524 = tpu.memref_slice %arg9[%dma_wait3A_522, %dma_wait3A_523] : memref<100352x16xf32, #tpu.memory_space<vmem_shared>> -> memref<100352x16xf32, #tpu.memory_space<vmem_shared>>
      tpu.wait_indirect_dma semaphore(%arg19 : memref<!tpu.dma_semaphore, #tpu.memory_space<semaphore_mem>>) src(%dma_wait3A_518 : memref<128x16xf32, #tpu.memory_space<vmem>>) dst(%dma_wait3A_524 : memref<100352x16xf32, #tpu.memory_space<vmem_shared>>)
    }
    %scan3A_11 = arith.constant 39 : i32
    %lt3A = arith.constant 20 : i32
    %lt3A_12 = arith.cmpi slt, %add3A, %lt3A : i32
    %convert_element_type3A = arith.extui %lt3A_12 : i1 to i32
    %cond3A = arith.constant 0 : i32
    %cond3A_13 = arith.cmpi ne, %convert_element_type3A, %cond3A : i32
    scf.if %cond3A_13 {
      %add3A_15 = arith.constant 390 : i32
      %add3A_16 = arith.addi %add3A_6, %add3A_15 : i32
      %run_scoped3A = arith.constant 0 : i32
      "tpu.region"() ({
        %run_scoped3A_64 = tpu.sem_alloc : memref<!tpu.dma_semaphore, #tpu.memory_space<semaphore_mem>>
        %dma_start3A_65 = arith.constant 0 : i32
        %dma_start3A_66 = arith.constant 0 : i32
        %dma_start3A_67 = tpu.memref_slice %arg6[%dma_start3A_65, %dma_start3A_66] : memref<10x128xi32, #tpu.memory_space<vmem>> -> memref<1x128xi32, #tpu.memory_space<vmem>>
        %dma_start3A_68 = arith.constant 0 : i32
        %dma_start3A_69 = tpu.memref_slice %arg3[%run_scoped3A, %add3A_16, %dma_start3A_68] : memref<2x12500x128xi32, #tpu.memory_space<hbm>> -> memref<1x1x128xi32, #tpu.memory_space<hbm>>
        %dma_start3A_70 = tpu.memref_squeeze %dma_start3A_69 : memref<1x1x128xi32, #tpu.memory_space<hbm>> -> memref<1x128xi32, #tpu.memory_space<hbm>>
        %dma_start3A_71 = arith.constant 0 : i32
        %dma_start3A_72 = arith.constant 0 : i32
        %dma_start3A_73 = tpu.memref_slice %arg6[%dma_start3A_71, %dma_start3A_72] : memref<10x128xi32, #tpu.memory_space<vmem>> -> memref<1x128xi32, #tpu.memory_space<vmem>>
        %dma_start3A_74 = arith.constant 0 : i32
        %dma_start3A_75 = tpu.memref_slice %arg3[%run_scoped3A, %add3A_16, %dma_start3A_74] : memref<2x12500x128xi32, #tpu.memory_space<hbm>> -> memref<1x1x128xi32, #tpu.memory_space<hbm>>
        %dma_start3A_76 = tpu.memref_squeeze %dma_start3A_75 : memref<1x1x128xi32, #tpu.memory_space<hbm>> -> memref<1x128xi32, #tpu.memory_space<hbm>>
        tpu.enqueue_dma source(%dma_start3A_76 : memref<1x128xi32, #tpu.memory_space<hbm>>) target(%dma_start3A_73 : memref<1x128xi32, #tpu.memory_space<vmem>>) target_semaphore(%run_scoped3A_64 : memref<!tpu.dma_semaphore, #tpu.memory_space<semaphore_mem>>)
        %dma_wait3A_77 = arith.constant 0 : i32
        %dma_wait3A_78 = arith.constant 0 : i32
        %dma_wait3A_79 = tpu.memref_slice %arg6[%dma_wait3A_77, %dma_wait3A_78] : memref<10x128xi32, #tpu.memory_space<vmem>> -> memref<1x128xi32, #tpu.memory_space<vmem>>
        %dma_wait3A_80 = arith.constant 0 : i32
        %dma_wait3A_81 = tpu.memref_slice %arg3[%run_scoped3A, %add3A_16, %dma_wait3A_80] : memref<2x12500x128xi32, #tpu.memory_space<hbm>> -> memref<1x1x128xi32, #tpu.memory_space<hbm>>
        %dma_wait3A_82 = tpu.memref_squeeze %dma_wait3A_81 : memref<1x1x128xi32, #tpu.memory_space<hbm>> -> memref<1x128xi32, #tpu.memory_space<hbm>>
        %dma_wait3A_83 = arith.constant 0 : i32
        %dma_wait3A_84 = arith.constant 0 : i32
        %dma_wait3A_85 = tpu.memref_slice %arg6[%dma_wait3A_83, %dma_wait3A_84] : memref<10x128xi32, #tpu.memory_space<vmem>> -> memref<1x128xi32, #tpu.memory_space<vmem>>
        %dma_wait3A_86 = arith.constant 0 : i32
        %dma_wait3A_87 = tpu.memref_slice %arg3[%run_scoped3A, %add3A_16, %dma_wait3A_86] : memref<2x12500x128xi32, #tpu.memory_space<hbm>> -> memref<1x1x128xi32, #tpu.memory_space<hbm>>
        %dma_wait3A_88 = tpu.memref_squeeze %dma_wait3A_87 : memref<1x1x128xi32, #tpu.memory_space<hbm>> -> memref<1x128xi32, #tpu.memory_space<hbm>>
        tpu.wait_dma2 semaphore(%run_scoped3A_64 : memref<!tpu.dma_semaphore, #tpu.memory_space<semaphore_mem>>) src(%dma_wait3A_88 : memref<1x128xi32, #tpu.memory_space<hbm>>) dst(%dma_wait3A_85 : memref<1x128xi32, #tpu.memory_space<vmem>>)
        tpu.yield
      }) : () -> ()
      %run_scoped3A_17 = arith.constant 1 : i32
      "tpu.region"() ({
        %run_scoped3A_64 = tpu.sem_alloc : memref<!tpu.dma_semaphore, #tpu.memory_space<semaphore_mem>>
        %dma_start3A_65 = arith.constant 0 : i32
        %dma_start3A_66 = arith.constant 0 : i32
        %dma_start3A_67 = tpu.memref_slice %arg7[%dma_start3A_65, %dma_start3A_66] : memref<10x128xi32, #tpu.memory_space<vmem>> -> memref<1x128xi32, #tpu.memory_space<vmem>>
        %dma_start3A_68 = arith.constant 0 : i32
        %dma_start3A_69 = tpu.memref_slice %arg3[%run_scoped3A_17, %add3A_16, %dma_start3A_68] : memref<2x12500x128xi32, #tpu.memory_space<hbm>> -> memref<1x1x128xi32, #tpu.memory_space<hbm>>
        %dma_start3A_70 = tpu.memref_squeeze %dma_start3A_69 : memref<1x1x128xi32, #tpu.memory_space<hbm>> -> memref<1x128xi32, #tpu.memory_space<hbm>>
        %dma_start3A_71 = arith.constant 0 : i32
        %dma_start3A_72 = arith.constant 0 : i32
        %dma_start3A_73 = tpu.memref_slice %arg7[%dma_start3A_71, %dma_start3A_72] : memref<10x128xi32, #tpu.memory_space<vmem>> -> memref<1x128xi32, #tpu.memory_space<vmem>>
        %dma_start3A_74 = arith.constant 0 : i32
        %dma_start3A_75 = tpu.memref_slice %arg3[%run_scoped3A_17, %add3A_16, %dma_start3A_74] : memref<2x12500x128xi32, #tpu.memory_space<hbm>> -> memref<1x1x128xi32, #tpu.memory_space<hbm>>
        %dma_start3A_76 = tpu.memref_squeeze %dma_start3A_75 : memref<1x1x128xi32, #tpu.memory_space<hbm>> -> memref<1x128xi32, #tpu.memory_space<hbm>>
        tpu.enqueue_dma source(%dma_start3A_76 : memref<1x128xi32, #tpu.memory_space<hbm>>) target(%dma_start3A_73 : memref<1x128xi32, #tpu.memory_space<vmem>>) target_semaphore(%run_scoped3A_64 : memref<!tpu.dma_semaphore, #tpu.memory_space<semaphore_mem>>)
        %dma_wait3A_77 = arith.constant 0 : i32
        %dma_wait3A_78 = arith.constant 0 : i32
        %dma_wait3A_79 = tpu.memref_slice %arg7[%dma_wait3A_77, %dma_wait3A_78] : memref<10x128xi32, #tpu.memory_space<vmem>> -> memref<1x128xi32, #tpu.memory_space<vmem>>
        %dma_wait3A_80 = arith.constant 0 : i32
        %dma_wait3A_81 = tpu.memref_slice %arg3[%run_scoped3A_17, %add3A_16, %dma_wait3A_80] : memref<2x12500x128xi32, #tpu.memory_space<hbm>> -> memref<1x1x128xi32, #tpu.memory_space<hbm>>
        %dma_wait3A_82 = tpu.memref_squeeze %dma_wait3A_81 : memref<1x1x128xi32, #tpu.memory_space<hbm>> -> memref<1x128xi32, #tpu.memory_space<hbm>>
        %dma_wait3A_83 = arith.constant 0 : i32
        %dma_wait3A_84 = arith.constant 0 : i32
        %dma_wait3A_85 = tpu.memref_slice %arg7[%dma_wait3A_83, %dma_wait3A_84] : memref<10x128xi32, #tpu.memory_space<vmem>> -> memref<1x128xi32, #tpu.memory_space<vmem>>
        %dma_wait3A_86 = arith.constant 0 : i32
        %dma_wait3A_87 = tpu.memref_slice %arg3[%run_scoped3A_17, %add3A_16, %dma_wait3A_86] : memref<2x12500x128xi32, #tpu.memory_space<hbm>> -> memref<1x1x128xi32, #tpu.memory_space<hbm>>
        %dma_wait3A_88 = tpu.memref_squeeze %dma_wait3A_87 : memref<1x1x128xi32, #tpu.memory_space<hbm>> -> memref<1x128xi32, #tpu.memory_space<hbm>>
        tpu.wait_dma2 semaphore(%run_scoped3A_64 : memref<!tpu.dma_semaphore, #tpu.memory_space<semaphore_mem>>) src(%dma_wait3A_88 : memref<1x128xi32, #tpu.memory_space<hbm>>) dst(%dma_wait3A_85 : memref<1x128xi32, #tpu.memory_space<vmem>>)
        tpu.yield
      }) : () -> ()
      %dma_start3A = arith.constant 0 : i32
      %dma_start3A_18 = arith.constant 0 : i32
      %dma_start3A_19 = arith.constant 0 : i32
      %dma_start3A_20 = arith.constant 0 : i32
      %dma_start3A_21 = tpu.memref_slice %arg8[%dma_start3A_18, %dma_start3A_19, %dma_start3A_20] : memref<10x128x16xf32, #tpu.memory_space<vmem>> -> memref<1x128x16xf32, #tpu.memory_space<vmem>>
      %dma_start3A_22 = tpu.memref_squeeze %dma_start3A_21 : memref<1x128x16xf32, #tpu.memory_space<vmem>> -> memref<128x16xf32, #tpu.memory_space<vmem>>
      %dma_start3A_23 = arith.constant 0 : i32
      %dma_start3A_24 = tpu.memref_slice %arg6[%dma_start3A, %dma_start3A_23] : memref<10x128xi32, #tpu.memory_space<vmem>> -> memref<1x128xi32, #tpu.memory_space<vmem>>
      %dma_start3A_25 = tpu.memref_squeeze %dma_start3A_24 : memref<1x128xi32, #tpu.memory_space<vmem>> -> memref<128xi32, #tpu.memory_space<vmem>>
      %dma_start3A_26 = arith.constant 0 : i32
      %dma_start3A_27 = arith.constant 0 : i32
      %dma_start3A_28 = tpu.memref_slice %arg2[%dma_start3A_26, %dma_start3A_27] : memref<100352x16xf32, #tpu.memory_space<hbm>> -> memref<100352x16xf32, #tpu.memory_space<hbm>>
      tpu.enqueue_indirect_dma source(%dma_start3A_28 : memref<100352x16xf32, #tpu.memory_space<hbm>>) target(%dma_start3A_22 : memref<128x16xf32, #tpu.memory_space<vmem>>) offsets(%dma_start3A_25 : memref<128xi32, #tpu.memory_space<vmem>>) semaphore(%arg10 : memref<!tpu.dma_semaphore, #tpu.memory_space<semaphore_mem>>)
      %dma_wait3A = arith.constant 0 : i32
      %dma_wait3A_29 = arith.constant 0 : i32
      %dma_wait3A_30 = arith.constant 0 : i32
      %dma_wait3A_31 = arith.constant 0 : i32
      %dma_wait3A_32 = tpu.memref_slice %arg8[%dma_wait3A_29, %dma_wait3A_30, %dma_wait3A_31] : memref<10x128x16xf32, #tpu.memory_space<vmem>> -> memref<1x128x16xf32, #tpu.memory_space<vmem>>
      %dma_wait3A_33 = tpu.memref_squeeze %dma_wait3A_32 : memref<1x128x16xf32, #tpu.memory_space<vmem>> -> memref<128x16xf32, #tpu.memory_space<vmem>>
      %dma_wait3A_34 = arith.constant 0 : i32
      %dma_wait3A_35 = tpu.memref_slice %arg6[%dma_wait3A, %dma_wait3A_34] : memref<10x128xi32, #tpu.memory_space<vmem>> -> memref<1x128xi32, #tpu.memory_space<vmem>>
      %dma_wait3A_36 = tpu.memref_squeeze %dma_wait3A_35 : memref<1x128xi32, #tpu.memory_space<vmem>> -> memref<128xi32, #tpu.memory_space<vmem>>
      %dma_wait3A_37 = arith.constant 0 : i32
      %dma_wait3A_38 = arith.constant 0 : i32
      %dma_wait3A_39 = tpu.memref_slice %arg2[%dma_wait3A_37, %dma_wait3A_38] : memref<100352x16xf32, #tpu.memory_space<hbm>> -> memref<100352x16xf32, #tpu.memory_space<hbm>>
      tpu.wait_indirect_dma semaphore(%arg10 : memref<!tpu.dma_semaphore, #tpu.memory_space<semaphore_mem>>) src(%dma_wait3A_39 : memref<100352x16xf32, #tpu.memory_space<hbm>>) dst(%dma_wait3A_33 : memref<128x16xf32, #tpu.memory_space<vmem>>)
      %dma_start3A_40 = arith.constant 0 : i32
      %dma_start3A_41 = arith.constant 0 : i32
      %dma_start3A_42 = arith.constant 0 : i32
      %dma_start3A_43 = arith.constant 0 : i32
      %dma_start3A_44 = tpu.memref_slice %arg8[%dma_start3A_40, %dma_start3A_42, %dma_start3A_43] : memref<10x128x16xf32, #tpu.memory_space<vmem>> -> memref<1x128x16xf32, #tpu.memory_space<vmem>>
      %dma_start3A_45 = tpu.memref_squeeze %dma_start3A_44 : memref<1x128x16xf32, #tpu.memory_space<vmem>> -> memref<128x16xf32, #tpu.memory_space<vmem>>
      %dma_start3A_46 = arith.constant 0 : i32
      %dma_start3A_47 = tpu.memref_slice %arg7[%dma_start3A_41, %dma_start3A_46] : memref<10x128xi32, #tpu.memory_space<vmem>> -> memref<1x128xi32, #tpu.memory_space<vmem>>
      %dma_start3A_48 = tpu.memref_squeeze %dma_start3A_47 : memref<1x128xi32, #tpu.memory_space<vmem>> -> memref<128xi32, #tpu.memory_space<vmem>>
      %dma_start3A_49 = arith.constant 0 : i32
      %dma_start3A_50 = arith.constant 0 : i32
      %dma_start3A_51 = tpu.memref_slice %arg9[%dma_start3A_49, %dma_start3A_50] : memref<100352x16xf32, #tpu.memory_space<vmem_shared>> -> memref<100352x16xf32, #tpu.memory_space<vmem_shared>>
      tpu.enqueue_indirect_dma source(%dma_start3A_45 : memref<128x16xf32, #tpu.memory_space<vmem>>) target(%dma_start3A_51 : memref<100352x16xf32, #tpu.memory_space<vmem_shared>>) offsets(%dma_start3A_48 : memref<128xi32, #tpu.memory_space<vmem>>) semaphore(%arg15 : memref<!tpu.dma_semaphore, #tpu.memory_space<semaphore_mem>>) {add = true}
      %dma_wait3A_52 = arith.constant 0 : i32
      %dma_wait3A_53 = arith.constant 0 : i32
      %dma_wait3A_54 = arith.constant 0 : i32
      %dma_wait3A_55 = arith.constant 0 : i32
      %dma_wait3A_56 = tpu.memref_slice %arg8[%dma_wait3A_52, %dma_wait3A_54, %dma_wait3A_55] : memref<10x128x16xf32, #tpu.memory_space<vmem>> -> memref<1x128x16xf32, #tpu.memory_space<vmem>>
      %dma_wait3A_57 = tpu.memref_squeeze %dma_wait3A_56 : memref<1x128x16xf32, #tpu.memory_space<vmem>> -> memref<128x16xf32, #tpu.memory_space<vmem>>
      %dma_wait3A_58 = arith.constant 0 : i32
      %dma_wait3A_59 = tpu.memref_slice %arg7[%dma_wait3A_53, %dma_wait3A_58] : memref<10x128xi32, #tpu.memory_space<vmem>> -> memref<1x128xi32, #tpu.memory_space<vmem>>
      %dma_wait3A_60 = tpu.memref_squeeze %dma_wait3A_59 : memref<1x128xi32, #tpu.memory_space<vmem>> -> memref<128xi32, #tpu.memory_space<vmem>>
      %dma_wait3A_61 = arith.constant 0 : i32
      %dma_wait3A_62 = arith.constant 0 : i32
      %dma_wait3A_63 = tpu.memref_slice %arg9[%dma_wait3A_61, %dma_wait3A_62] : memref<100352x16xf32, #tpu.memory_space<vmem_shared>> -> memref<100352x16xf32, #tpu.memory_space<vmem_shared>>
      tpu.wait_indirect_dma semaphore(%arg15 : memref<!tpu.dma_semaphore, #tpu.memory_space<semaphore_mem>>) src(%dma_wait3A_57 : memref<128x16xf32, #tpu.memory_space<vmem>>) dst(%dma_wait3A_63 : memref<100352x16xf32, #tpu.memory_space<vmem_shared>>)
    } else {
    }
    %barrier3A_14 = arith.constant 0 : index
    tpu.barrier barrier_id(%barrier3A_14)
    "tpu.region"() ({
      %run_scoped3A = tpu.sem_alloc : memref<!tpu.dma_semaphore, #tpu.memory_space<semaphore_mem>>
      %dma_start3A = arith.constant 0 : i32
      %dma_start3A_15 = arith.constant 0 : i32
      %dma_start3A_16 = tpu.memref_slice %arg5[%arg0, %dma_start3A, %dma_start3A_15] : memref<2x100352x16xf32, #tpu.memory_space<hbm>> -> memref<1x100352x16xf32, #tpu.memory_space<hbm>>
      %dma_start3A_17 = tpu.memref_squeeze %dma_start3A_16 : memref<1x100352x16xf32, #tpu.memory_space<hbm>> -> memref<100352x16xf32, #tpu.memory_space<hbm>>
      %dma_start3A_18 = arith.constant 0 : i32
      %dma_start3A_19 = tpu.memref_slice %dma_start3A_17[%mul3A_2, %dma_start3A_18] : memref<100352x16xf32, #tpu.memory_space<hbm>> -> memref<6272x16xf32, #tpu.memory_space<hbm>>
      %dma_start3A_20 = arith.constant 0 : i32
      %dma_start3A_21 = tpu.memref_slice %arg9[%mul3A_2, %dma_start3A_20] : memref<100352x16xf32, #tpu.memory_space<vmem_shared>> -> memref<6272x16xf32, #tpu.memory_space<vmem_shared>>
      tpu.enqueue_dma source(%dma_start3A_21 : memref<6272x16xf32, #tpu.memory_space<vmem_shared>>) target(%dma_start3A_19 : memref<6272x16xf32, #tpu.memory_space<hbm>>) target_semaphore(%run_scoped3A : memref<!tpu.dma_semaphore, #tpu.memory_space<semaphore_mem>>)
      %dma_wait3A = arith.constant 0 : i32
      %dma_wait3A_22 = arith.constant 0 : i32
      %dma_wait3A_23 = tpu.memref_slice %arg5[%arg0, %dma_wait3A, %dma_wait3A_22] : memref<2x100352x16xf32, #tpu.memory_space<hbm>> -> memref<1x100352x16xf32, #tpu.memory_space<hbm>>
      %dma_wait3A_24 = tpu.memref_squeeze %dma_wait3A_23 : memref<1x100352x16xf32, #tpu.memory_space<hbm>> -> memref<100352x16xf32, #tpu.memory_space<hbm>>
      %dma_wait3A_25 = arith.constant 0 : i32
      %dma_wait3A_26 = tpu.memref_slice %dma_wait3A_24[%mul3A_2, %dma_wait3A_25] : memref<100352x16xf32, #tpu.memory_space<hbm>> -> memref<6272x16xf32, #tpu.memory_space<hbm>>
      %dma_wait3A_27 = arith.constant 0 : i32
      %dma_wait3A_28 = tpu.memref_slice %arg9[%mul3A_2, %dma_wait3A_27] : memref<100352x16xf32, #tpu.memory_space<vmem_shared>> -> memref<6272x16xf32, #tpu.memory_space<vmem_shared>>
      tpu.wait_dma2 semaphore(%run_scoped3A : memref<!tpu.dma_semaphore, #tpu.memory_space<semaphore_mem>>) src(%dma_wait3A_28 : memref<6272x16xf32, #tpu.memory_space<vmem_shared>>) dst(%dma_wait3A_26 : memref<6272x16xf32, #tpu.memory_space<hbm>>)
      tpu.yield
    }) : () -> ()
    return
  }
}

module attributes {stable_mosaic.version = 14 : i64} {
  func.func @_tc_matmul_body(%arg0: i32, %arg1: memref<784x256xf32, #tpu.memory_space<vmem>>, %arg2: memref<256x128xf32, #tpu.memory_space<vmem>>, %arg3: memref<784x128xf32, #tpu.memory_space<vmem>>) attributes {dimension_semantics = [#tpu.dimension_semantics<arbitrary>], iteration_bounds = array<i64: 16>, scalar_prefetch = 0 : i64, scratch_operands = 0 : i64, tpu.core_type = #tpu.core_type<tc>, window_params = [{transform_indices = @transform_0, window_bounds = array<i64: 784, 256>}, {pipeline_mode = #tpu.pipeline_mode<synchronous>, transform_indices = @transform_1, window_bounds = array<i64: 256, 128>}, {transform_indices = @transform_2, window_bounds = array<i64: 784, 128>}]} {
    %get3A = arith.constant 0 : index
    %get3A_0 = arith.constant 0 : index
    %get3A_1 = vector.load %arg1[%get3A, %get3A_0] : memref<784x256xf32, #tpu.memory_space<vmem>>, vector<784x256xf32>
    %get3A_2 = arith.constant 0 : index
    %get3A_3 = arith.constant 0 : index
    %get3A_4 = vector.load %arg2[%get3A_2, %get3A_3] : memref<256x128xf32, #tpu.memory_space<vmem>>, vector<256x128xf32>
    %dot_general3A = arith.constant dense<0.000000e+00> : vector<784x128xf32>
    %dot_general3A_5 = tpu.matmul %get3A_1, %get3A_4, %dot_general3A {dimension_numbers = #tpu.dot_dimension_numbers<[1], [0], [0], [1], [0, 0, 1, 1], [], []>, transpose_lhs_hint = false} : vector<784x256xf32>, vector<256x128xf32>, vector<784x128xf32> -> vector<784x128xf32>
    %swap3A = arith.constant 0 : index
    %swap3A_6 = arith.constant 0 : index
    %swap3A_7 = vector.load %arg3[%swap3A, %swap3A_6] : memref<784x128xf32, #tpu.memory_space<vmem>>, vector<784x128xf32>
    tpu.vector_store %arg3[%swap3A, %swap3A_6], %dot_general3A_5 {strides = array<i32>} : memref<784x128xf32, #tpu.memory_space<vmem>>, vector<784x128xf32>,
    return
  }
  func.func @transform_0(%arg0: i32) -> (i32, i32) {
    %c0_i32 = arith.constant 0 : i32
    %c0_i32_0 = arith.constant 0 : i32
    return %arg0, %c0_i32 : i32, i32
  }
  func.func @transform_1(%arg0: i32) -> (i32, i32) {
    %c0_i32 = arith.constant 0 : i32
    %c0_i32_0 = arith.constant 0 : i32
    %c0_i32_1 = arith.constant 0 : i32
    return %c0_i32, %c0_i32_0 : i32, i32
  }
  func.func @transform_2(%arg0: i32) -> (i32, i32) {
    %c0_i32 = arith.constant 0 : i32
    %c0_i32_0 = arith.constant 0 : i32
    return %arg0, %c0_i32 : i32, i32
  }
}

module attributes {stable_mosaic.version = 14 : i64} {
  func.func @_tc_prep_body(%arg0: i32, %arg1: memref<2x1568x128xf32, #tpu.memory_space<vmem>>, %arg2: memref<1568x128xf32, #tpu.memory_space<vmem>>, %arg3: memref<1568x128xf32, #tpu.memory_space<vmem>>, %arg4: memref<1568x128xf32, #tpu.memory_space<vmem>>) attributes {dimension_semantics = [#tpu.dimension_semantics<arbitrary>], iteration_bounds = array<i64: 8>, scalar_prefetch = 0 : i64, scratch_operands = 0 : i64, tpu.core_type = #tpu.core_type<tc>, window_params = [{transform_indices = @transform_0, window_bounds = array<i64: 2, 1568, 128>}, {transform_indices = @transform_1, window_bounds = array<i64: 1568, 128>}, {transform_indices = @transform_2, window_bounds = array<i64: 1568, 128>}, {transform_indices = @transform_3, window_bounds = array<i64: 1568, 128>}]} {
    %get3A = arith.constant 0 : index
    %get3A_0 = arith.constant 0 : index
    %get3A_1 = arith.constant 0 : index
    %get3A_2 = vector.load %arg1[%get3A, %get3A_0, %get3A_1] : memref<2x1568x128xf32, #tpu.memory_space<vmem>>, vector<1x1568x128xf32>
    %get3A_3 = vector.shape_cast %get3A_2 : vector<1x1568x128xf32> to vector<1568x128xf32>
    %get3A_4 = arith.constant 1 : index
    %get3A_5 = arith.constant 0 : index
    %get3A_6 = arith.constant 0 : index
    %get3A_7 = vector.load %arg1[%get3A_4, %get3A_5, %get3A_6] : memref<2x1568x128xf32, #tpu.memory_space<vmem>>, vector<1x1568x128xf32>
    %get3A_8 = vector.shape_cast %get3A_7 : vector<1x1568x128xf32> to vector<1568x128xf32>
    %add3A = arith.addf %get3A_3, %get3A_8 : vector<1568x128xf32>
    %add3A_9 = arith.constant 1.000000e+00 : f32
    %add3A_10 = vector.broadcast %add3A_9 : f32 to vector<1568x128xf32>
    %add3A_11 = arith.addf %add3A, %add3A_10 : vector<1568x128xf32>
    %rsqrt3A = math.rsqrt %add3A_11 : vector<1568x128xf32>
    %mul3A = arith.constant 1568 : i32
    %mul3A_12 = arith.muli %arg0, %mul3A : i32
    %iota3A = tpu.iota {dimensions = array<i32: 0>} : vector<1568x128xi32>
    %add3A_13 = vector.broadcast %mul3A_12 : i32 to vector<1568x128xi32>
    %add3A_14 = arith.addi %add3A_13, %iota3A : vector<1568x128xi32>
    %lt3A = arith.constant 12500 : i32
    %lt3A_15 = vector.broadcast %lt3A : i32 to vector<1568x128xi32>
    %lt3A_16 = arith.cmpi slt, %add3A_14, %lt3A_15 : vector<1568x128xi32>
    %get3A_17 = arith.constant 0 : index
    %get3A_18 = arith.constant 0 : index
    %get3A_19 = vector.load %arg2[%get3A_17, %get3A_18] : memref<1568x128xf32, #tpu.memory_space<vmem>>, vector<1568x128xf32>
    %jit3A = arith.constant 0.000000e+00 : f32
    %broadcast_in_dim3A = vector.broadcast %jit3A : f32 to vector<1568x128xf32>
    %select_n3A = arith.select %lt3A_16, %get3A_19, %broadcast_in_dim3A : vector<1568x128xi1>, vector<1568x128xf32>
    %mul3A_20 = arith.mulf %select_n3A, %rsqrt3A : vector<1568x128xf32>
    %swap3A = arith.constant 0 : index
    %swap3A_21 = arith.constant 0 : index
    %swap3A_22 = vector.load %arg3[%swap3A, %swap3A_21] : memref<1568x128xf32, #tpu.memory_space<vmem>>, vector<1568x128xf32>
    tpu.vector_store %arg3[%swap3A, %swap3A_21], %mul3A_20 {strides = array<i32>} : memref<1568x128xf32, #tpu.memory_space<vmem>>, vector<1568x128xf32>,
    %swap3A_23 = arith.constant 0 : index
    %swap3A_24 = arith.constant 0 : index
    %swap3A_25 = vector.load %arg4[%swap3A_23, %swap3A_24] : memref<1568x128xf32, #tpu.memory_space<vmem>>, vector<1568x128xf32>
    tpu.vector_store %arg4[%swap3A_23, %swap3A_24], %rsqrt3A {strides = array<i32>} : memref<1568x128xf32, #tpu.memory_space<vmem>>, vector<1568x128xf32>,
    return
  }
  func.func @transform_0(%arg0: i32) -> (i32, i32, i32) {
    %c0_i32 = arith.constant 0 : i32
    %c0_i32_0 = arith.constant 0 : i32
    %c0_i32_1 = arith.constant 0 : i32
    return %c0_i32, %arg0, %c0_i32_0 : i32, i32, i32
  }
  func.func @transform_1(%arg0: i32) -> (i32, i32) {
    %c0_i32 = arith.constant 0 : i32
    %c0_i32_0 = arith.constant 0 : i32
    return %arg0, %c0_i32 : i32, i32
  }
  func.func @transform_2(%arg0: i32) -> (i32, i32) {
    %c0_i32 = arith.constant 0 : i32
    %c0_i32_0 = arith.constant 0 : i32
    return %arg0, %c0_i32 : i32, i32
  }
  func.func @transform_3(%arg0: i32) -> (i32, i32) {
    %c0_i32 = arith.constant 0 : i32
    %c0_i32_0 = arith.constant 0 : i32
    return %arg0, %c0_i32 : i32, i32
  }
}

module attributes {stable_mosaic.version = 14 : i64} {
  func.func @_tc_mid2_body(%arg0: i32, %arg1: memref<2x1568x128xf32, #tpu.memory_space<vmem>>, %arg2: memref<1568x128xf32, #tpu.memory_space<vmem>>, %arg3: memref<1568x128xf32, #tpu.memory_space<vmem>>, %arg4: memref<1x128xf32, #tpu.memory_space<vmem>>, %arg5: memref<1568x128xf32, #tpu.memory_space<vmem>>) attributes {dimension_semantics = [#tpu.dimension_semantics<arbitrary>], iteration_bounds = array<i64: 8>, scalar_prefetch = 0 : i64, scratch_operands = 0 : i64, tpu.core_type = #tpu.core_type<tc>, window_params = [{transform_indices = @transform_0, window_bounds = array<i64: 2, 1568, 128>}, {transform_indices = @transform_1, window_bounds = array<i64: 1568, 128>}, {transform_indices = @transform_2, window_bounds = array<i64: 1568, 128>}, {pipeline_mode = #tpu.pipeline_mode<synchronous>, transform_indices = @transform_3, window_bounds = array<i64: 1, 128>}, {transform_indices = @transform_4, window_bounds = array<i64: 1568, 128>}]} {
    %get3A = arith.constant 0 : index
    %get3A_0 = arith.constant 0 : index
    %get3A_1 = vector.load %arg3[%get3A, %get3A_0] : memref<1568x128xf32, #tpu.memory_space<vmem>>, vector<1568x128xf32>
    %get3A_2 = arith.constant 0 : index
    %get3A_3 = arith.constant 0 : index
    %get3A_4 = arith.constant 0 : index
    %get3A_5 = vector.load %arg1[%get3A_2, %get3A_3, %get3A_4] : memref<2x1568x128xf32, #tpu.memory_space<vmem>>, vector<1x1568x128xf32>
    %get3A_6 = vector.shape_cast %get3A_5 : vector<1x1568x128xf32> to vector<1568x128xf32>
    %get3A_7 = arith.constant 1 : index
    %get3A_8 = arith.constant 0 : index
    %get3A_9 = arith.constant 0 : index
    %get3A_10 = vector.load %arg1[%get3A_7, %get3A_8, %get3A_9] : memref<2x1568x128xf32, #tpu.memory_space<vmem>>, vector<1x1568x128xf32>
    %get3A_11 = vector.shape_cast %get3A_10 : vector<1x1568x128xf32> to vector<1568x128xf32>
    %add3A = arith.addf %get3A_6, %get3A_11 : vector<1568x128xf32>
    %get3A_12 = arith.constant 0 : index
    %get3A_13 = arith.constant 0 : index
    %get3A_14 = vector.load %arg2[%get3A_12, %get3A_13] : memref<1568x128xf32, #tpu.memory_space<vmem>>, vector<1568x128xf32>
    %add3A_15 = arith.addf %add3A, %get3A_14 : vector<1568x128xf32>
    %mul3A = arith.mulf %get3A_1, %add3A_15 : vector<1568x128xf32>
    %get3A_16 = arith.constant 0 : index
    %get3A_17 = arith.constant 0 : index
    %get3A_18 = vector.load %arg4[%get3A_16, %get3A_17] : memref<1x128xf32, #tpu.memory_space<vmem>>, vector<1x128xf32>
    %add3A_19 = vector.broadcast %get3A_18 : vector<1x128xf32> to vector<1568x128xf32>
    %add3A_20 = arith.addf %mul3A, %add3A_19 : vector<1568x128xf32>
    %swap3A = arith.constant 0 : index
    %swap3A_21 = arith.constant 0 : index
    %swap3A_22 = vector.load %arg5[%swap3A, %swap3A_21] : memref<1568x128xf32, #tpu.memory_space<vmem>>, vector<1568x128xf32>
    tpu.vector_store %arg5[%swap3A, %swap3A_21], %add3A_20 {strides = array<i32>} : memref<1568x128xf32, #tpu.memory_space<vmem>>, vector<1568x128xf32>,
    return
  }
  func.func @transform_0(%arg0: i32) -> (i32, i32, i32) {
    %c0_i32 = arith.constant 0 : i32
    %c0_i32_0 = arith.constant 0 : i32
    %c0_i32_1 = arith.constant 0 : i32
    return %c0_i32, %arg0, %c0_i32_0 : i32, i32, i32
  }
  func.func @transform_1(%arg0: i32) -> (i32, i32) {
    %c0_i32 = arith.constant 0 : i32
    %c0_i32_0 = arith.constant 0 : i32
    return %arg0, %c0_i32 : i32, i32
  }
  func.func @transform_2(%arg0: i32) -> (i32, i32) {
    %c0_i32 = arith.constant 0 : i32
    %c0_i32_0 = arith.constant 0 : i32
    return %arg0, %c0_i32 : i32, i32
  }
  func.func @transform_3(%arg0: i32) -> (i32, i32) {
    %c0_i32 = arith.constant 0 : i32
    %c0_i32_0 = arith.constant 0 : i32
    %c0_i32_1 = arith.constant 0 : i32
    return %c0_i32, %c0_i32_0 : i32, i32
  }
  func.func @transform_4(%arg0: i32) -> (i32, i32) {
    %c0_i32 = arith.constant 0 : i32
    %c0_i32_0 = arith.constant 0 : i32
    return %arg0, %c0_i32 : i32, i32
  }
}

module attributes {stable_mosaic.version = 14 : i64} {
  func.func @_tc_mid_body(%arg0: i32, %arg1: memref<2x1568x128xf32, #tpu.memory_space<vmem>>, %arg2: memref<1568x128xf32, #tpu.memory_space<vmem>>, %arg3: memref<1568x128xf32, #tpu.memory_space<vmem>>, %arg4: memref<1x128xf32, #tpu.memory_space<vmem>>, %arg5: memref<128x128xf32, #tpu.memory_space<vmem>>, %arg6: memref<1568x128xf32, #tpu.memory_space<vmem>>) attributes {dimension_semantics = [#tpu.dimension_semantics<arbitrary>], iteration_bounds = array<i64: 8>, scalar_prefetch = 0 : i64, scratch_operands = 0 : i64, tpu.core_type = #tpu.core_type<tc>, window_params = [{transform_indices = @transform_0, window_bounds = array<i64: 2, 1568, 128>}, {transform_indices = @transform_1, window_bounds = array<i64: 1568, 128>}, {transform_indices = @transform_2, window_bounds = array<i64: 1568, 128>}, {pipeline_mode = #tpu.pipeline_mode<synchronous>, transform_indices = @transform_3, window_bounds = array<i64: 1, 128>}, {pipeline_mode = #tpu.pipeline_mode<synchronous>, transform_indices = @transform_4, window_bounds = array<i64: 128, 128>}, {transform_indices = @transform_5, window_bounds = array<i64: 1568, 128>}]} {
    %get3A = arith.constant 0 : index
    %get3A_0 = arith.constant 0 : index
    %get3A_1 = vector.load %arg3[%get3A, %get3A_0] : memref<1568x128xf32, #tpu.memory_space<vmem>>, vector<1568x128xf32>
    %get3A_2 = arith.constant 0 : index
    %get3A_3 = arith.constant 0 : index
    %get3A_4 = arith.constant 0 : index
    %get3A_5 = vector.load %arg1[%get3A_2, %get3A_3, %get3A_4] : memref<2x1568x128xf32, #tpu.memory_space<vmem>>, vector<1x1568x128xf32>
    %get3A_6 = vector.shape_cast %get3A_5 : vector<1x1568x128xf32> to vector<1568x128xf32>
    %get3A_7 = arith.constant 1 : index
    %get3A_8 = arith.constant 0 : index
    %get3A_9 = arith.constant 0 : index
    %get3A_10 = vector.load %arg1[%get3A_7, %get3A_8, %get3A_9] : memref<2x1568x128xf32, #tpu.memory_space<vmem>>, vector<1x1568x128xf32>
    %get3A_11 = vector.shape_cast %get3A_10 : vector<1x1568x128xf32> to vector<1568x128xf32>
    %add3A = arith.addf %get3A_6, %get3A_11 : vector<1568x128xf32>
    %get3A_12 = arith.constant 0 : index
    %get3A_13 = arith.constant 0 : index
    %get3A_14 = vector.load %arg2[%get3A_12, %get3A_13] : memref<1568x128xf32, #tpu.memory_space<vmem>>, vector<1568x128xf32>
    %add3A_15 = arith.addf %add3A, %get3A_14 : vector<1568x128xf32>
    %mul3A = arith.mulf %get3A_1, %add3A_15 : vector<1568x128xf32>
    %get3A_16 = arith.constant 0 : index
    %get3A_17 = arith.constant 0 : index
    %get3A_18 = vector.load %arg4[%get3A_16, %get3A_17] : memref<1x128xf32, #tpu.memory_space<vmem>>, vector<1x128xf32>
    %add3A_19 = vector.broadcast %get3A_18 : vector<1x128xf32> to vector<1568x128xf32>
    %add3A_20 = arith.addf %mul3A, %add3A_19 : vector<1568x128xf32>
    %max3A = arith.constant 0.000000e+00 : f32
    %max3A_21 = vector.broadcast %max3A : f32 to vector<1568x128xf32>
    %max3A_22 = arith.maximumf %add3A_20, %max3A_21 : vector<1568x128xf32>
    %get3A_23 = arith.constant 0 : index
    %get3A_24 = arith.constant 0 : index
    %get3A_25 = vector.load %arg5[%get3A_23, %get3A_24] : memref<128x128xf32, #tpu.memory_space<vmem>>, vector<128x128xf32>
    %dot_general3A = arith.constant dense<0.000000e+00> : vector<1568x128xf32>
    %dot_general3A_26 = tpu.matmul %max3A_22, %get3A_25, %dot_general3A {dimension_numbers = #tpu.dot_dimension_numbers<[1], [0], [0], [1], [0, 0, 1, 1], [], []>, transpose_lhs_hint = false} : vector<1568x128xf32>, vector<128x128xf32>, vector<1568x128xf32> -> vector<1568x128xf32>
    %get3A_27 = arith.constant 0 : index
    %get3A_28 = arith.constant 0 : index
    %get3A_29 = vector.load %arg3[%get3A_27, %get3A_28] : memref<1568x128xf32, #tpu.memory_space<vmem>>, vector<1568x128xf32>
    %mul3A_30 = arith.mulf %dot_general3A_26, %get3A_29 : vector<1568x128xf32>
    %swap3A = arith.constant 0 : index
    %swap3A_31 = arith.constant 0 : index
    %swap3A_32 = vector.load %arg6[%swap3A, %swap3A_31] : memref<1568x128xf32, #tpu.memory_space<vmem>>, vector<1568x128xf32>
    tpu.vector_store %arg6[%swap3A, %swap3A_31], %mul3A_30 {strides = array<i32>} : memref<1568x128xf32, #tpu.memory_space<vmem>>, vector<1568x128xf32>,
    return
  }
  func.func @transform_0(%arg0: i32) -> (i32, i32, i32) {
    %c0_i32 = arith.constant 0 : i32
    %c0_i32_0 = arith.constant 0 : i32
    %c0_i32_1 = arith.constant 0 : i32
    return %c0_i32, %arg0, %c0_i32_0 : i32, i32, i32
  }
  func.func @transform_1(%arg0: i32) -> (i32, i32) {
    %c0_i32 = arith.constant 0 : i32
    %c0_i32_0 = arith.constant 0 : i32
    return %arg0, %c0_i32 : i32, i32
  }
  func.func @transform_2(%arg0: i32) -> (i32, i32) {
    %c0_i32 = arith.constant 0 : i32
    %c0_i32_0 = arith.constant 0 : i32
    return %arg0, %c0_i32 : i32, i32
  }
  func.func @transform_3(%arg0: i32) -> (i32, i32) {
    %c0_i32 = arith.constant 0 : i32
    %c0_i32_0 = arith.constant 0 : i32
    %c0_i32_1 = arith.constant 0 : i32
    return %c0_i32, %c0_i32_0 : i32, i32
  }
  func.func @transform_4(%arg0: i32) -> (i32, i32) {
    %c0_i32 = arith.constant 0 : i32
    %c0_i32_0 = arith.constant 0 : i32
    %c0_i32_1 = arith.constant 0 : i32
    return %c0_i32, %c0_i32_0 : i32, i32
  }
  func.func @transform_5(%arg0: i32) -> (i32, i32) {
    %c0_i32 = arith.constant 0 : i32
    %c0_i32_0 = arith.constant 0 : i32
    return %arg0, %c0_i32 : i32, i32
  }
}

module attributes {stable_mosaic.version = 14 : i64} {
  func.func @_tc_out_body(%arg0: memref<2x80x16xf32, #tpu.memory_space<vmem>>, %arg1: memref<2x80x16xf32, #tpu.memory_space<vmem>>, %arg2: memref<16x5xf32, #tpu.memory_space<vmem>>, %arg3: memref<1x5xf32, #tpu.memory_space<vmem>>, %arg4: memref<64x5xf32, #tpu.memory_space<vmem>>) attributes {dimension_semantics = [], scalar_prefetch = 0 : i64, scratch_operands = 0 : i64, tpu.core_type = #tpu.core_type<tc>} {
    %get3A = arith.constant 0 : index
    %get3A_0 = arith.constant 0 : index
    %get3A_1 = arith.constant 0 : index
    %get3A_2 = vector.load %arg0[%get3A, %get3A_0, %get3A_1] : memref<2x80x16xf32, #tpu.memory_space<vmem>>, vector<1x64x16xf32>
    %get3A_3 = vector.shape_cast %get3A_2 : vector<1x64x16xf32> to vector<64x16xf32>
    %get3A_4 = arith.constant 1 : index
    %get3A_5 = arith.constant 0 : index
    %get3A_6 = arith.constant 0 : index
    %get3A_7 = vector.load %arg0[%get3A_4, %get3A_5, %get3A_6] : memref<2x80x16xf32, #tpu.memory_space<vmem>>, vector<1x64x16xf32>
    %get3A_8 = vector.shape_cast %get3A_7 : vector<1x64x16xf32> to vector<64x16xf32>
    %add3A = arith.addf %get3A_3, %get3A_8 : vector<64x16xf32>
    %get3A_9 = arith.constant 0 : index
    %get3A_10 = arith.constant 0 : index
    %get3A_11 = arith.constant 0 : index
    %get3A_12 = vector.load %arg1[%get3A_9, %get3A_10, %get3A_11] : memref<2x80x16xf32, #tpu.memory_space<vmem>>, vector<1x64x1xf32>
    %get3A_13 = vector.shape_cast %get3A_12 : vector<1x64x1xf32> to vector<64x1xf32>
    %get3A_14 = arith.constant 1 : index
    %get3A_15 = arith.constant 0 : index
    %get3A_16 = arith.constant 0 : index
    %get3A_17 = vector.load %arg1[%get3A_14, %get3A_15, %get3A_16] : memref<2x80x16xf32, #tpu.memory_space<vmem>>, vector<1x64x1xf32>
    %get3A_18 = vector.shape_cast %get3A_17 : vector<1x64x1xf32> to vector<64x1xf32>
    %add3A_19 = arith.addf %get3A_13, %get3A_18 : vector<64x1xf32>
    %max3A = arith.constant 1.000000e+00 : f32
    %max3A_20 = vector.broadcast %max3A : f32 to vector<64x1xf32>
    %max3A_21 = arith.maximumf %add3A_19, %max3A_20 : vector<64x1xf32>
    %div3A = vector.broadcast %max3A_21 : vector<64x1xf32> to vector<64x16xf32>
    %div3A_22 = arith.divf %add3A, %div3A : vector<64x16xf32>
    %get3A_23 = arith.constant 0 : index
    %get3A_24 = arith.constant 0 : index
    %get3A_25 = vector.load %arg2[%get3A_23, %get3A_24] : memref<16x5xf32, #tpu.memory_space<vmem>>, vector<16x5xf32>
    %dot_general3A = arith.constant dense<0.000000e+00> : vector<64x5xf32>
    %dot_general3A_26 = tpu.matmul %div3A_22, %get3A_25, %dot_general3A {dimension_numbers = #tpu.dot_dimension_numbers<[1], [0], [0], [1], [0, 0, 1, 1], [], []>, transpose_lhs_hint = false} : vector<64x16xf32>, vector<16x5xf32>, vector<64x5xf32> -> vector<64x5xf32>
    %get3A_27 = arith.constant 0 : index
    %get3A_28 = arith.constant 0 : index
    %get3A_29 = vector.load %arg3[%get3A_27, %get3A_28] : memref<1x5xf32, #tpu.memory_space<vmem>>, vector<1x5xf32>
    %add3A_30 = vector.broadcast %get3A_29 : vector<1x5xf32> to vector<64x5xf32>
    %add3A_31 = arith.addf %dot_general3A_26, %add3A_30 : vector<64x5xf32>
    %reduce_max3A = arith.constant dense<0xFF800000> : vector<64xf32>
    %reduce_max3A_32 = vector.multi_reduction <maximumf>, %add3A_31, %reduce_max3A [1] : vector<64x5xf32> to vector<64xf32>
    %broadcast_in_dim3A = vector.shape_cast %reduce_max3A_32 : vector<64xf32> to vector<64x1xf32>
    %sub3A = vector.broadcast %broadcast_in_dim3A : vector<64x1xf32> to vector<64x5xf32>
    %sub3A_33 = arith.subf %add3A_31, %sub3A : vector<64x5xf32>
    %exp3A = math.exp %sub3A_33 : vector<64x5xf32>
    %reduce_sum3A = arith.constant dense<0.000000e+00> : vector<64xf32>
    %reduce_sum3A_34 = vector.multi_reduction <add>, %exp3A, %reduce_sum3A [1] : vector<64x5xf32> to vector<64xf32>
    %broadcast_in_dim3A_35 = vector.shape_cast %reduce_sum3A_34 : vector<64xf32> to vector<64x1xf32>
    %div3A_36 = vector.broadcast %broadcast_in_dim3A_35 : vector<64x1xf32> to vector<64x5xf32>
    %div3A_37 = arith.divf %exp3A, %div3A_36 : vector<64x5xf32>
    %swap3A = arith.constant 0 : index
    %swap3A_38 = arith.constant 0 : index
    %swap3A_39 = vector.load %arg4[%swap3A, %swap3A_38] : memref<64x5xf32, #tpu.memory_space<vmem>>, vector<64x5xf32>
    tpu.vector_store %arg4[%swap3A, %swap3A_38], %div3A_37 {strides = array<i32>} : memref<64x5xf32, #tpu.memory_space<vmem>>, vector<64x5xf32>,
    return
  }
}

</mosaic_0001>

<sc_bundles>
// kernel: kernel.11.cloned.1.call-start
scs
__scs_entry_jumppad:
0x0: {  	(pc) =	sbr.rel $0x88, $3  }
0x1: {  	(tag) =	ssettag $0x0;
	lr =	simm.s32 $0x1  }
0x2: {  	[smem:$0x3F98] =	sst lr;
	_ =	strace $0xD0000000  }
0x3: {  	_ = 	snop  }
0x4: {  	_ = 	snop  }
0x5: {  	_ = 	snop  }
0x6: {  	_ = 	snop  }
0x7: {  	_ = 	snop  }
__scs_overlays_trampoline_lowered:
0x8: {  	[smem:$0x3FA7] =	sst s0  }
0x9: {  	[smem:$0x3FA8] =	sst s1  }
0xa: {  	[smem:$0x3FA9] =	sst s2  }
0xb: {  	[smem:$0x3FAA] =	sst s3  }
0xc: {  	[smem:$0x3FAB] =	sst s4  }
0xd: {  	[smem:$0x3FAC] =	sst s5  }
0xe: {  	[smem:$0x3FAD] =	sst s6  }
0xf: {  	[smem:$0x3FAE] =	sst s7  }
0x10: {  	[smem:$0x3FAF] =	sst s8  }
0x11: {  	[smem:$0x3FB0] =	sst s9;
	s0 =	simm.s32 @!p0 $0x0  }
0x12: {  	s1 =	sld [smem:$0x3F96];
	s0 =	simm.s32 @p0 $0x1  }
0x13: {  	[smem:$0x3FB1] =	sst s0;
	s0 =	simm.s32 @!p1 $0x0  }
0x14: {  	s2 =	sld [smem:$0x3F95];
	s0 =	simm.s32 @p1 $0x1  }
0x15: {  	[smem:$0x3FB2] =	sst s0;
	s0 =	simm.s32 @!p2 $0x0  }
0x16: {  	s3 =	sld [smem:$0x3FDB];
	s0 =	simm.s32 @p2 $0x1  }
0x17: {  	s4 =	simm.s32 $0x1BF5;
	[smem:$0x3FB4] =	sst s0  }
0x18: {  	s0 =	sld [smem:$0x3F97];
	_ =	swait.ge [sflag:s4], $0x0  }
0x19: {  	s7 =	sld [smem:$0x3F98]  }
0x1a: {  	s8 =	sadd.s32 $0xFFFFE003, lr  }
0x1b: {  	s9 =	sadd.s32 $0xFFFFFEF7, lr;
	s5 =	simm.s32 $0xFFFFFFFF;
	p2 =	slt.u32 s8, $0xFFFFF086  }
0x1c: {  	p1 =	slt.u32 s9, $0xF7A;
	s5 =	simm.s32 @!p2 $0x0  }
0x1d: {  	s5 =	simm.s32 @p1 $0x1;
	p0 =	seq.s32 s7, s2  }
0x1e: {  	s7 =	smul.u32 @!p0 $0xF7A, s2;
	p2 =	seq.s32 @!p0 s5, $0x0  }
0x1f: {  	s9 =	smul.u32 $0xF7A, s1;
	s8 =	simm.s32 @!p0 $0x1BF5;
	p2 =	por !p2, p0  }
0x20: {  	[sflag:s8] =	ssyncset.s32 @!p0 $0xFFFFF086;
	s6 =	sadd.s32 @!p0 s3, s7;
	s7 =	simm.s32 @!p0 $0x108  }
0x21: {  	s3 =	sadd.s32 s3, s9;
	s6 =	sadd.s32 @!p0 $0x88, s6;
	s7 =	simm.s32 @p2 $0x1082  }
0x22: {  	[simem:s7], [sflag:s8] =	dma.local @!p0 [hbm:s6], $0xF7A  }
0x23: {  	s9 =	sor.u32 $0xD0000000, s2;
	s6 =	simm.s32 $0x108;
	_ =	swait.ge @!p0 [sflag:s8], $0x0  }
0x24: {  	s3 =	sadd.s32 $0x88, s3;
	s6 =	simm.s32 @!p1 $0x1082;
	[sflag:s4] =	ssyncset.s32 $0xFFFFF086  }
0x25: {  	[simem:s6], [sflag:s4] =	dma.local [hbm:s3], $0xF7A  }
0x26: {  	[smem:$0x3F98] =	sst s1;
	(tag) =	ssettag s2;
	_ =	strace s9  }
0x27: {  	s1 =	sld [smem:$0x3FA8]  }
0x28: {  	s2 =	sld [smem:$0x3FA9]  }
0x29: {  	s4 =	sld [smem:$0x3FAB]  }
0x2a: {  	p0 =	seq.s32 s5, $0x0;
	s5 =	sld [smem:$0x3FAC]  }
0x2b: {  	s6 =	sld [smem:$0x3FAD]  }
0x2c: {  	s7 =	sld [smem:$0x3FAE]  }
0x2d: {  	s3 =	simm.s32 $0x108;
	s8 =	sld [smem:$0x3FAF]  }
0x2e: {  	s3 =	simm.s32 @!p0 $0x1082;
	s9 =	sld [smem:$0x3FB0]  }
0x2f: {  	lr =	sadd.s32 s0, s3;
	s0 =	sld [smem:$0x3FA7]  }
0x30: {  	s3 =	sld [smem:$0x3FAA]  }
0x31: {  	[smem:$0x3FB3] =	sst s10  }
0x32: {  	s10 =	sld [smem:$0x3FB1];
	_ =	sdelay $0x3  }
0x33: {  	p0 =	seq.s32 s10, $0x1;
	s10 =	sld [smem:$0x3FB3];
	_ =	sdelay $0x3  }
0x34: {  	[smem:$0x3FB3] =	sst s10  }
0x35: {  	s10 =	sld [smem:$0x3FB2];
	_ =	sdelay $0x3  }
0x36: {  	p1 =	seq.s32 s10, $0x1;
	s10 =	sld [smem:$0x3FB3];
	_ =	sdelay $0x3  }
0x37: {  	[smem:$0x3FB3] =	sst s10  }
0x38: {  	s10 =	sld [smem:$0x3FB4]  }
0x39: {  	_ = 	snop;
	(pc) =	sbr.ind lr, $3  }
0x3a: {  	_ = 	snop  }
0x3b: {  	_ = 	snop  }
0x3c: {  	p2 =	seq.s32 s10, $0x1;
	s10 =	sld [smem:$0x3FB3]  }
0x3d: {  	_ =	shalt  }
0x3e: {  	_ =	shalt  }
0x3f: {  	_ =	shalt  }
0x40: {  	_ =	shalt  }
0x41: {  	_ =	shalt  }
0x42: {  	_ =	shalt  }
0x43: {  	_ =	shalt  }
0x44: {  	_ =	shalt  }
0x45: {  	_ =	shalt  }
0x46: {  	_ =	shalt  }
0x47: {  	_ =	shalt  }
0x48: {  	_ =	shalt  }
0x49: {  	_ =	shalt  }
0x4a: {  	_ =	shalt  }
0x4b: {  	_ =	shalt  }
0x4c: {  	_ =	shalt  }
0x4d: {  	_ =	shalt  }
0x4e: {  	_ =	shalt  }
0x4f: {  	_ =	shalt  }
0x50: {  	_ =	shalt  }
0x51: {  	_ =	shalt  }
0x52: {  	_ =	shalt  }
0x53: {  	_ =	shalt  }
0x54: {  	_ =	shalt  }
0x55: {  	_ =	shalt  }
0x56: {  	_ =	shalt  }
0x57: {  	_ =	shalt  }
0x58: {  	_ =	shalt  }
0x59: {  	_ =	shalt  }
0x5a: {  	_ =	shalt  }
0x5b: {  	_ =	shalt  }
0x5c: {  	_ =	shalt  }
0x5d: {  	_ =	shalt  }
0x5e: {  	_ =	shalt  }
0x5f: {  	_ =	shalt  }
0x60: {  	_ =	shalt  }
0x61: {  	_ =	shalt  }
0x62: {  	_ =	shalt  }
0x63: {  	_ =	shalt  }
0x64: {  	_ =	shalt  }
0x65: {  	_ =	shalt  }
0x66: {  	_ =	shalt  }
0x67: {  	_ =	shalt  }
0x68: {  	_ =	shalt  }
0x69: {  	_ =	shalt  }
0x6a: {  	_ =	shalt  }
0x6b: {  	_ =	shalt  }
0x6c: {  	_ =	shalt  }
0x6d: {  	_ =	shalt  }
0x6e: {  	_ =	shalt  }
0x6f: {  	_ =	shalt  }
0x70: {  	_ =	shalt  }
0x71: {  	_ =	shalt  }
0x72: {  	_ =	shalt  }
0x73: {  	_ =	shalt  }
0x74: {  	_ =	shalt  }
0x75: {  	_ =	shalt  }
0x76: {  	_ =	shalt  }
0x77: {  	_ =	shalt  }
0x78: {  	_ =	shalt  }
0x79: {  	_ =	shalt  }
0x7a: {  	_ =	shalt  }
0x7b: {  	_ =	shalt  }
0x7c: {  	_ =	shalt  }
0x7d: {  	_ =	shalt  }
0x7e: {  	_ =	shalt  }
0x7f: {  	_ =	shalt  }
0x80: {  	_ =	shalt  }
0x81: {  	_ =	shalt  }
0x82: {  	_ =	shalt  }
0x83: {  	_ =	shalt  }
0x84: {  	_ =	shalt  }
0x85: {  	_ =	shalt  }
0x86: {  	_ =	shalt  }
0x87: {  	_ =	shalt  }
.Lfunc_end0:
.L_simem_size_0:
called_computation_lowered:
.L_overlay_start_0:
0x88: {  	s2 =	sld [smem:$0x3FD9]  }
0x89: {  	s3 =	sld [smem:$0x3FFE];
	_ =	sdelay $0x1  }
0x8a: {  	s1 =	srdreg.scid  }
0x8b: {  	s0 =	sand.u32 $0x1, s1  }
0x8c: {  	s16 =	sshll.u32 s0, $0xA;
	s2 =	sadd.s32 s3, s2  }
0x8d: {  	s2 =	sadd.s32 s2, s16  }
0x8e: {  	[smem:$0x3FBF] =	sst s2  }
0x8f: {  	_ = 	snop  }
0x90: {  	(tm) =	ssettm $0x1  }
0x91: {  	s17 =	sld [smem:$0x3FFB];
	_ =	sdelay $0x3  }
0x92: {  	_ =	strace s17  }
0x93: {  	s2 =	sld [smem:$0x3FFC];
	_ =	sdelay $0x3  }
0x94: {  	_ =	strace s2  }
0x95: {  	s2 =	sld [smem:$0x3FFD];
	_ =	sdelay $0x3  }
0x96: {  	_ =	strace s2  }
0x97: {  	_ =	strace $0x8FFFFFFF  }
0x98: {  	s18 =	sld [smem:$0x3FDB];
	_ =	sdelay $0x1  }
0x99: {  	s19 =	simm.s32 $_scs_section_size  }
0x9a: {  	s4 =	simm.s32 $_size__tile_overlayer_lowered;
	s5 =	simm.s32 $_tile_overlayer_lowered  }
0x9b: {  	s22 =	simm.s32 $0x1BFF;
	s21 =	sshll.u32 s5, $0x1;
	s2 =	sadd.s32 s19, s18  }
0x9c: {  	s6 =	simm.s32 $0x0;
	s20 =	sshll.u32 s4, $0x1;
	s4 =	sadd.s32 s21, s2  }
0x9d: {  	[timem:s6], [sflag:s22] =	dma.local [hbm:s4], s20  }
0x9e: {  	_ =	swait.ge [sflag:s22], s20  }
0x9f: {  	s3 =	ssub.s32 $0x0, s20;
	[sflag:s22] =	ssyncset.done $0x0  }
0xa0: {  	[sflag:s22] =	ssyncadd.s32 s3;
	_ =	sdelay $0x1  }
0xa1: {  	s23 =	simm.s32 $0x1B8B  }
0xa2: {  	_ =	swait.ge [sflag:s23], $0x1  }
0xa3: {  	[sflag:s23] =	ssyncset.done $0x0  }
0xa4: {  	s25 =	simm.s32 $0x1B8E;
	s24 =	sld [smem:$0x3FFE];
	[sflag:s23] =	ssyncadd.s32 $0xFFFFFFFF  }
0xa5: {  	s26 =	simm.s32 $execute0_lowered;
	[smem:$0x3FD2] =	sst s25  }
0xa6: {  	s4 =	sshll.u32 s26, $0x1;
	_ =	strace $0x80000046;
	[dreg:$0x1] =	wrdreg $0xFFFFFFFF  }
0xa7: {  	s28 =	simm.s32 $_size_execute0_lowered;
	s2 =	sadd.s32 s2, s4;
	[dreg:$0x0] =	wrdreg $0x0  }
0xa8: {  	s4 =	sshll.u32 s28, $0x1;
	[dreg:$0x2] =	wrdreg s2  }
0xa9: {  	[dreg:$0x3] =	wrdreg s4  }
0xaa: {  	[dreg:$0x4] =	wrdreg $0xC0  }
0xab: {  	_ =	task [dreg:s6], $0x5FFFF  }
0xac: {  	[dreg:$0x1] =	wrdreg $0xFFFFFFFF  }
0xad: {  	[dreg:$0x0] =	wrdreg $0x60  }
0xae: {  	[dreg:$0x2] =	wrdreg s24  }
0xaf: {  	[dreg:$0x3] =	wrdreg $0x2D000  }
0xb0: {  	[dreg:$0x4] =	wrdreg $0x9  }
0xb1: {  	_ =	task.clear_ibuf [dreg:s6], $0x5FFFF;
	_ =	strace $0x90000046  }
0xb2: {  	s29 =	simm.s32 $0x9;
	_ =	strace $0x80000048  }
0xb3: {  	_ =	swait.ge [sflag:s29], $0x1  }
0xb4: {  	[sflag:s29] =	ssyncadd.s32 $0xFFFFFFFF  }
0xb5: {  	_ =	strace $0x90000048  }
0xb6: {  	_ =	sfence  }
0xb7: {  	s30 =	sld [smem:$0x0];
	_ =	sdelay $0x2  }
0xb8: {  	s31 =	sshll.u32 s1, $0xD;
	s1 =	sshrl.u32 s1, $0x2  }
0xb9: {  	s3 =	sand.u32 $0x4000, s31;
	s1 =	sadd.s32 s1, s30  }
0xba: {  	s0 =	sor.u32 s3, s0;
	s1 =	sshll.u32 s1, $0x11  }
0xbb: {  	s0 =	sor.u32 s1, s0  }
0xbc: {  	s0 =	sadd.s32 $0x8F2B, s0  }
0xbd: {  	[sflag:s0] =	ssyncadd.remote.s32 $0x1  }
0xbe: {  	_ =	sfence.sel $0xFFFF  }
0xbf: {  	[dreg:$0x0] =	wrdreg $0xFFFFFFFF;
	(pc) =	sbr.abs _section_cstart, $3  }
0xc0: {  	[dreg:$0x1] =	wrdreg $0xFFFFFFFF  }
0xc1: {  	_ =	task.clear_ibuf [dreg:s6], $0x2FFFF;
	_ =	strace $0x9FFFFFFF  }
0xc2: {  	(tm) =	ssettm $0x7FFFFFFF  }
0xc3: {  	_ =	shalt  }
tec
execute0_lowered:
.L_overlay_start_1:
0x0: {  	(tag) =	ssettag $0x1  }
0x1: {  	s0 =	rddreg [dreg:$0x0]  }
0x2: {  	s2 =	rddreg [dreg:$0x1]  }
0x3: {  	s1 =	srdreg.scid;
	s11 =	stileid.u32  }
0x4: {  	s3 =	simm.s32 $0x0;
	s20 =	simm.s32 $0xD00;
	s28 =	simm.s32 $0x180  }
0x5: {  	s29 =	simm.s32 $0x200;
	s30 =	simm.s32 $0x280;
	s31 =	simm.s32 $0x300  }
0x6: {  	s1 =	sand.u32 $0x1, s1;
	s4 =	sshll.u32 s11, $0x1;
	s8 =	smul.u32 $0x62000, s11  }
0x7: {  	[smem:$0x7FF] =	sst s3;
	s7 =	sadd.s32 $0x3E00, s0;
	s24 =	smul.u32 $0x18800, s11  }
0x8: {  	p0 =	sgt.u32 s11, $0x9;
	s5 =	smul.u32 $0x31000, s1;
	s4 =	sor.u32 s1, s4  }
0x9: {  	_ =	strace $0x80000047;
	s21 =	ssub.s32 $0x2, s1;
	s1 =	smul.u32 $0x1860, s1  }
0xa: {  	s6 =	smul.u32 $0x186, s4;
	s9 =	smin.u32 s4, $0x14;
	s22 =	sshrl.u32 s21, $0x1  }
0xb: {  	s8 =	sshrl.u32 s8, $0x2;
	s0 =	sadd.s32 s5, s0;
	s5 =	ssub.s32 s21, s22  }
0xc: {  	s4 =	sadd.s32 s9, s6;
	s0 =	sadd.s32 $0x65A00, s0;
	s5 =	smax.u32 s5, $0x1  }
0xd: {  	s6 =	simm.s32 $0x1;
	s10 =	sshll.u32 s4, $0x4;
	s4 =	sadd.s32 s8, s2  }
0xe: {  	s8 =	sshrl.u32 s24, $0x3;
	[dreg:$0x5] =	wrdreg s5;
	s23 =	sadd.s32 s10, s7  }
0xf: {  	s25 =	sadd.s32 $0x18000, s4;
	s10 =	sadd.s32 s24, s2;
	s21 =	sadd.s32 $0x2000, s4  }
0x10: {  	s22 =	sadd.s32 $0x4000, s4;
	s24 =	sadd.s32 $0x8000, s4;
	s12 =	sadd.s32 $0xA000, s4  }
0x11: {  	s13 =	sadd.s32 $0xC000, s4;
	s14 =	sadd.s32 $0xE000, s4;
	[dreg:$0x3] =	wrdreg s25  }
0x12: {  	s15 =	sadd.s32 $0x10000, s4;
	s16 =	sadd.s32 $0x12000, s4;
	[dreg:$0x6] =	wrdreg s21  }
0x13: {  	s17 =	sadd.s32 $0x14000, s4;
	s18 =	sadd.s32 $0x16000, s4;
	[dreg:$0x7] =	wrdreg s22  }
0x14: {  	s26 =	sadd.s32 $0x325A0, s23;
	s23 =	sadd.s32 $0x6000, s4;
	[dreg:$0x9] =	wrdreg s24  }
0x15: {  	s25 =	smul.u32 $0x30C0, s11;
	s21 =	simm.s32 $0x2;
	[dreg:$0x4] =	wrdreg s26  }
0x16: {  	s22 =	simm.s32 $0x80;
	s24 =	simm.s32 $0x500;
	[dreg:$0x8] =	wrdreg s23  }
0x17: {  	s26 =	sshll.u32 s9, $0x4;
	s23 =	sadd.s32 s8, s0;
	s5 =	sadd.s32 s25, s7  }
0x18: {  	s0 =	simm.s32 $0x380;
	s25 =	sshrl.u32 s10, $0x3;
	s1 =	sadd.s32 s1, s5  }
0x19: {  	s7 =	simm.s32 $0x0;
	s5 =	simm.s32 $0x480;
	s1 =	sadd.s32 s26, s1  }
0x1a: {  	v0 =	vimm.f32 $0.0e+00;
	v1 =	vimm.f32 $1.000000000e+00;
	s26 =	simm.s32 $0x100;
	s19 =	sadd.s32 $0x30D40, s1;
	s1 =	simm.s32 $0x400  }
.LBB2_1:
0x1b: {  	s8 =	simm.s32 $0x0  }
.LBB2_2:
0x1c: {  	p1 =	sne.s32 s8, $0x7FC0  }
.Ltmp0:
0x1d: {  	_ = 	snop;
	(pc) =	sbr.rel @p1 .LBB2_2-.Ltmp0, $3  }
0x1e: {  	_ =	sdelay $0x1  }
0x1f: {  	s9 =	sshra.s32 s8, $0x2  }
0x20: {  	s8 =	sadd.s32 $0x40, s8;
	[tilespmem:s9+$0xD00] =	vst v0  }
0x21: {  	s8 =	simm.s32 $0x40;
	s9 =	simm.s32 $0x0  }
.LBB2_4:
0x22: {  	p1 =	sne.s32 s8, $0x1FC0;
	[tilespmem:s9+$0x500] =	vst v1;
	s9 =	smov.u32 s8;
	s8 =	sadd.s32 $0x40, s8  }
.Ltmp1:
0x23: {  	(pc) =	sbr.rel @p1 .LBB2_4-.Ltmp1, $2  }
0x24: {  	_ =	sdelay $0x2  }
0x25: {  	s9 =	sshra.s32 s9, $0x2  }
0x26: {  	[tilespmem:s9+$0x500] =	vst v1  }
0x27: {  	[spmem:s4] =	stream.linear.scatter [tilespmem:s20], [sflag:$0x2], $0x2000, $0x38;
	[tilespmem:$0x1B500] =	vst v63  }
0x28: {  	_ =	swait.ge [sflag:s21], $0x2000  }
0x29: {  	[sflag:s21] =	ssyncset.done $0x0  }
0x2a: {  	s8 =	rddreg [dreg:$0x6];
	[sflag:s21] =	ssyncadd.s32 $0xFFFFE000  }
0x2b: {  	[spmem:s8] =	stream.linear.scatter [tilespmem:s20], [sflag:$0x2], $0x2000, $0x38;
	[tilespmem:$0x1B500] =	vst v63  }
0x2c: {  	_ =	swait.ge [sflag:s21], $0x2000  }
0x2d: {  	[sflag:s21] =	ssyncset.done $0x0  }
0x2e: {  	s10 =	rddreg [dreg:$0x7];
	[sflag:s21] =	ssyncadd.s32 $0xFFFFE000  }
0x2f: {  	[spmem:s10] =	stream.linear.scatter [tilespmem:s20], [sflag:$0x2], $0x2000, $0x38;
	[tilespmem:$0x1B500] =	vst v63  }
0x30: {  	_ =	swait.ge [sflag:s21], $0x2000  }
0x31: {  	[sflag:s21] =	ssyncset.done $0x0  }
0x32: {  	s11 =	rddreg [dreg:$0x8];
	[sflag:s21] =	ssyncadd.s32 $0xFFFFE000  }
0x33: {  	[spmem:s11] =	stream.linear.scatter [tilespmem:s20], [sflag:$0x2], $0x2000, $0x38;
	[tilespmem:$0x1B500] =	vst v63  }
0x34: {  	_ =	swait.ge [sflag:s21], $0x2000  }
0x35: {  	[sflag:s21] =	ssyncset.done $0x0  }
0x36: {  	s9 =	rddreg [dreg:$0x9];
	[sflag:s21] =	ssyncadd.s32 $0xFFFFE000  }
0x37: {  	[spmem:s9] =	stream.linear.scatter [tilespmem:s20], [sflag:$0x2], $0x2000, $0x38;
	[tilespmem:$0x1B500] =	vst v63  }
0x38: {  	_ =	swait.ge [sflag:s21], $0x2000  }
0x39: {  	[sflag:s21] =	ssyncset.done $0x0  }
0x3a: {  	[sflag:s21] =	ssyncadd.s32 $0xFFFFE000  }
0x3b: {  	[spmem:s12] =	stream.linear.scatter [tilespmem:s20], [sflag:$0x2], $0x2000, $0x38;
	[tilespmem:$0x1B500] =	vst v63  }
0x3c: {  	_ =	swait.ge [sflag:s21], $0x2000  }
0x3d: {  	[sflag:s21] =	ssyncset.done $0x0  }
0x3e: {  	[sflag:s21] =	ssyncadd.s32 $0xFFFFE000  }
0x3f: {  	[spmem:s13] =	stream.linear.scatter [tilespmem:s20], [sflag:$0x2], $0x2000, $0x38;
	[tilespmem:$0x1B500] =	vst v63  }
0x40: {  	_ =	swait.ge [sflag:s21], $0x2000  }
0x41: {  	[sflag:s21] =	ssyncset.done $0x0  }
0x42: {  	[sflag:s21] =	ssyncadd.s32 $0xFFFFE000  }
0x43: {  	[spmem:s14] =	stream.linear.scatter [tilespmem:s20], [sflag:$0x2], $0x2000, $0x38;
	[tilespmem:$0x1B500] =	vst v63  }
0x44: {  	_ =	swait.ge [sflag:s21], $0x2000  }
0x45: {  	[sflag:s21] =	ssyncset.done $0x0  }
0x46: {  	[sflag:s21] =	ssyncadd.s32 $0xFFFFE000  }
0x47: {  	[spmem:s15] =	stream.linear.scatter [tilespmem:s20], [sflag:$0x2], $0x2000, $0x38;
	[tilespmem:$0x1B500] =	vst v63  }
0x48: {  	_ =	swait.ge [sflag:s21], $0x2000  }
0x49: {  	[sflag:s21] =	ssyncset.done $0x0  }
0x4a: {  	[sflag:s21] =	ssyncadd.s32 $0xFFFFE000  }
0x4b: {  	[spmem:s16] =	stream.linear.scatter [tilespmem:s20], [sflag:$0x2], $0x2000, $0x38;
	[tilespmem:$0x1B500] =	vst v63  }
0x4c: {  	_ =	swait.ge [sflag:s21], $0x2000  }
0x4d: {  	[sflag:s21] =	ssyncset.done $0x0  }
0x4e: {  	[sflag:s21] =	ssyncadd.s32 $0xFFFFE000  }
0x4f: {  	[spmem:s17] =	stream.linear.scatter [tilespmem:s20], [sflag:$0x2], $0x2000, $0x38;
	[tilespmem:$0x1B500] =	vst v63  }
0x50: {  	_ =	swait.ge [sflag:s21], $0x2000  }
0x51: {  	[sflag:s21] =	ssyncset.done $0x0  }
0x52: {  	[sflag:s21] =	ssyncadd.s32 $0xFFFFE000  }
0x53: {  	[spmem:s18] =	stream.linear.scatter [tilespmem:s20], [sflag:$0x2], $0x2000, $0x38;
	[tilespmem:$0x1B500] =	vst v63  }
0x54: {  	_ =	swait.ge [sflag:s21], $0x2000  }
0x55: {  	[sflag:s21] =	ssyncset.done $0x0  }
0x56: {  	s10 =	rddreg [dreg:$0x3];
	[sflag:s21] =	ssyncadd.s32 $0xFFFFE000  }
0x57: {  	[spmem:s10] =	stream.linear.scatter [tilespmem:s20], [sflag:$0x2], $0x800, $0x38;
	[tilespmem:$0x1B500] =	vst v63  }
0x58: {  	_ =	swait.ge [sflag:s21], $0x800  }
0x59: {  	[sflag:s21] =	ssyncset.done $0x0  }
0x5a: {  	[sflag:s21] =	ssyncadd.s32 $0xFFFFF800  }
0x5b: {  	s11 =	sadd.s32 $0x0, s19;
	[bflag:$0x0] =	sbarrier.arrive $0xFFFF  }
0x5c: {  	[tilespmem:s3], [sflag:$0x2] =	stream.linear.gather [hbm4b:s11+s3], $0x500, $0x38;
	[tilespmem:$0x1B500] =	vst v63  }
0x5d: {  	_ =	swait.ge [sflag:s21], $0x500  }
0x5e: {  	[sflag:s21] =	ssyncset.done $0x0  }
0x5f: {  	[sflag:s21] =	ssyncadd.s32 $0xFFFFFB00  }
0x60: {  	[spmem:s2] =	stream.indirect.scatter.add.f32 [tilespmem:s24], [sflag:$0x1], $0x10, s3, s22, $0xb8;
	[tilespmem:$0x1B500] =	vst v63  }
0x61: {  	_ = 	snop  }
0x62: {  	[spmem:s2] =	stream.indirect.scatter.add.f32 [tilespmem:s24], [sflag:$0x1], $0x10, s22, s22, $0xb8;
	[tilespmem:$0x1B500] =	vst v63  }
0x63: {  	_ = 	snop  }
0x64: {  	[spmem:s2] =	stream.indirect.scatter.add.f32 [tilespmem:s24], [sflag:$0x1], $0x10, s26, s22, $0xb8;
	[tilespmem:$0x1B500] =	vst v63  }
0x65: {  	_ = 	snop  }
0x66: {  	[spmem:s2] =	stream.indirect.scatter.add.f32 [tilespmem:s24], [sflag:$0x1], $0x10, s28, s22, $0xb8;
	[tilespmem:$0x1B500] =	vst v63  }
0x67: {  	_ = 	snop  }
0x68: {  	[spmem:s2] =	stream.indirect.scatter.add.f32 [tilespmem:s24], [sflag:$0x1], $0x10, s29, s22, $0xb8;
	[tilespmem:$0x1B500] =	vst v63  }
0x69: {  	_ = 	snop  }
0x6a: {  	[spmem:s2] =	stream.indirect.scatter.add.f32 [tilespmem:s24], [sflag:$0x1], $0x10, s30, s22, $0xb8;
	[tilespmem:$0x1B500] =	vst v63  }
0x6b: {  	_ = 	snop  }
0x6c: {  	[spmem:s2] =	stream.indirect.scatter.add.f32 [tilespmem:s24], [sflag:$0x1], $0x10, s31, s22, $0xb8;
	[tilespmem:$0x1B500] =	vst v63  }
0x6d: {  	_ = 	snop  }
0x6e: {  	[spmem:s2] =	stream.indirect.scatter.add.f32 [tilespmem:s24], [sflag:$0x1], $0x10, s0, s22, $0xb8;
	[tilespmem:$0x1B500] =	vst v63  }
0x6f: {  	_ = 	snop  }
0x70: {  	[spmem:s2] =	stream.indirect.scatter.add.f32 [tilespmem:s24], [sflag:$0x1], $0x10, s1, s22, $0xb8;
	[tilespmem:$0x1B500] =	vst v63  }
0x71: {  	_ = 	snop  }
0x72: {  	[spmem:s2] =	stream.indirect.scatter.add.f32 [tilespmem:s24], [sflag:$0x1], $0x10, s5, s22, $0xb8;
	[tilespmem:$0x1B500] =	vst v63  }
0x73: {  	_ =	swait.ge [sflag:s6], $0x800  }
0x74: {  	[sflag:s6] =	ssyncset.done $0x0  }
0x75: {  	[sflag:s6] =	ssyncadd.s32 $0xFFFFF800  }
0x76: {  	_ =	swait.ge [sflag:s6], $0x800  }
0x77: {  	[sflag:s6] =	ssyncset.done $0x0  }
0x78: {  	[sflag:s6] =	ssyncadd.s32 $0xFFFFF800  }
0x79: {  	_ =	swait.ge [sflag:s6], $0x800  }
0x7a: {  	[sflag:s6] =	ssyncset.done $0x0  }
0x7b: {  	[sflag:s6] =	ssyncadd.s32 $0xFFFFF800  }
0x7c: {  	_ =	swait.ge [sflag:s6], $0x800  }
0x7d: {  	[sflag:s6] =	ssyncset.done $0x0  }
0x7e: {  	[sflag:s6] =	ssyncadd.s32 $0xFFFFF800  }
0x7f: {  	_ =	swait.ge [sflag:s6], $0x800  }
0x80: {  	[sflag:s6] =	ssyncset.done $0x0  }
0x81: {  	[sflag:s6] =	ssyncadd.s32 $0xFFFFF800  }
0x82: {  	_ =	swait.ge [sflag:s6], $0x800  }
0x83: {  	[sflag:s6] =	ssyncset.done $0x0  }
0x84: {  	[sflag:s6] =	ssyncadd.s32 $0xFFFFF800  }
0x85: {  	_ =	swait.ge [sflag:s6], $0x800  }
0x86: {  	[sflag:s6] =	ssyncset.done $0x0  }
0x87: {  	[sflag:s6] =	ssyncadd.s32 $0xFFFFF800  }
0x88: {  	_ =	swait.ge [sflag:s6], $0x800  }
0x89: {  	[sflag:s6] =	ssyncset.done $0x0  }
0x8a: {  	[sflag:s6] =	ssyncadd.s32 $0xFFFFF800  }
0x8b: {  	_ =	swait.ge [sflag:s6], $0x800  }
0x8c: {  	[sflag:s6] =	ssyncset.done $0x0  }
0x8d: {  	[sflag:s6] =	ssyncadd.s32 $0xFFFFF800  }
0x8e: {  	_ =	swait.ge [sflag:s6], $0x800  }
0x8f: {  	s8 =	simm.s32 $0xA0;
	s9 =	simm.s32 $0x140;
	[sflag:s6] =	ssyncset.done $0x0  }
.LBB2_6:
0x90: {  	s11 =	sadd.s32 s8, s19  }
0x91: {  	[sflag:s6] =	ssyncadd.s32 $0xFFFFF800;
	s8 =	smov.u32 s9;
	s10 =	sadd.s32 $0xA0, s9  }
0x92: {  	[tilespmem:s3], [sflag:$0x2] =	stream.linear.gather [hbm4b:s11+s3], $0x500, $0x38;
	[tilespmem:$0x1B500] =	vst v63  }
0x93: {  	p1 =	sne.s32 s9, $0x17C0;
	_ =	swait.ge [sflag:s21], $0x500  }
0x94: {  	[sflag:s21] =	ssyncset.done $0x0  }
0x95: {  	[sflag:s21] =	ssyncadd.s32 $0xFFFFFB00  }
0x96: {  	[spmem:s2] =	stream.indirect.scatter.add.f32 [tilespmem:s24], [sflag:$0x1], $0x10, s3, s22, $0xb8;
	[tilespmem:$0x1B500] =	vst v63  }
0x97: {  	_ = 	snop  }
0x98: {  	[spmem:s2] =	stream.indirect.scatter.add.f32 [tilespmem:s24], [sflag:$0x1], $0x10, s22, s22, $0xb8;
	[tilespmem:$0x1B500] =	vst v63  }
0x99: {  	_ = 	snop  }
0x9a: {  	[spmem:s2] =	stream.indirect.scatter.add.f32 [tilespmem:s24], [sflag:$0x1], $0x10, s26, s22, $0xb8;
	[tilespmem:$0x1B500] =	vst v63  }
0x9b: {  	_ = 	snop  }
0x9c: {  	[spmem:s2] =	stream.indirect.scatter.add.f32 [tilespmem:s24], [sflag:$0x1], $0x10, s28, s22, $0xb8;
	[tilespmem:$0x1B500] =	vst v63  }
0x9d: {  	_ = 	snop  }
0x9e: {  	[spmem:s2] =	stream.indirect.scatter.add.f32 [tilespmem:s24], [sflag:$0x1], $0x10, s29, s22, $0xb8;
	[tilespmem:$0x1B500] =	vst v63  }
0x9f: {  	_ = 	snop  }
0xa0: {  	[spmem:s2] =	stream.indirect.scatter.add.f32 [tilespmem:s24], [sflag:$0x1], $0x10, s30, s22, $0xb8;
	[tilespmem:$0x1B500] =	vst v63  }
0xa1: {  	_ = 	snop  }
0xa2: {  	[spmem:s2] =	stream.indirect.scatter.add.f32 [tilespmem:s24], [sflag:$0x1], $0x10, s31, s22, $0xb8;
	[tilespmem:$0x1B500] =	vst v63  }
0xa3: {  	_ = 	snop  }
0xa4: {  	[spmem:s2] =	stream.indirect.scatter.add.f32 [tilespmem:s24], [sflag:$0x1], $0x10, s0, s22, $0xb8;
	[tilespmem:$0x1B500] =	vst v63  }
0xa5: {  	_ = 	snop  }
0xa6: {  	[spmem:s2] =	stream.indirect.scatter.add.f32 [tilespmem:s24], [sflag:$0x1], $0x10, s1, s22, $0xb8;
	[tilespmem:$0x1B500] =	vst v63  }
0xa7: {  	_ = 	snop  }
0xa8: {  	[spmem:s2] =	stream.indirect.scatter.add.f32 [tilespmem:s24], [sflag:$0x1], $0x10, s5, s22, $0xb8;
	[tilespmem:$0x1B500] =	vst v63  }
0xa9: {  	_ =	swait.ge [sflag:s6], $0x800  }
0xaa: {  	[sflag:s6] =	ssyncset.done $0x0  }
0xab: {  	[sflag:s6] =	ssyncadd.s32 $0xFFFFF800  }
0xac: {  	_ =	swait.ge [sflag:s6], $0x800  }
0xad: {  	[sflag:s6] =	ssyncset.done $0x0  }
0xae: {  	[sflag:s6] =	ssyncadd.s32 $0xFFFFF800  }
0xaf: {  	_ =	swait.ge [sflag:s6], $0x800  }
0xb0: {  	[sflag:s6] =	ssyncset.done $0x0  }
0xb1: {  	[sflag:s6] =	ssyncadd.s32 $0xFFFFF800  }
0xb2: {  	_ =	swait.ge [sflag:s6], $0x800  }
0xb3: {  	[sflag:s6] =	ssyncset.done $0x0  }
0xb4: {  	[sflag:s6] =	ssyncadd.s32 $0xFFFFF800  }
0xb5: {  	_ =	swait.ge [sflag:s6], $0x800  }
0xb6: {  	[sflag:s6] =	ssyncset.done $0x0  }
0xb7: {  	[sflag:s6] =	ssyncadd.s32 $0xFFFFF800  }
0xb8: {  	_ =	swait.ge [sflag:s6], $0x800  }
0xb9: {  	[sflag:s6] =	ssyncset.done $0x0  }
0xba: {  	[sflag:s6] =	ssyncadd.s32 $0xFFFFF800  }
0xbb: {  	_ =	swait.ge [sflag:s6], $0x800  }
0xbc: {  	[sflag:s6] =	ssyncset.done $0x0  }
0xbd: {  	[sflag:s6] =	ssyncadd.s32 $0xFFFFF800  }
0xbe: {  	_ =	swait.ge [sflag:s6], $0x800  }
0xbf: {  	[sflag:s6] =	ssyncset.done $0x0  }
0xc0: {  	[sflag:s6] =	ssyncadd.s32 $0xFFFFF800  }
.Ltmp2:
0xc1: {  	_ =	swait.ge [sflag:s6], $0x800;
	(pc) =	sbr.rel @p1 .LBB2_6-.Ltmp2, $4  }
0xc2: {  	[sflag:s6] =	ssyncset.done $0x0  }
0xc3: {  	[sflag:s6] =	ssyncadd.s32 $0xFFFFF800  }
0xc4: {  	_ =	swait.ge [sflag:s6], $0x800  }
0xc5: {  	s9 =	smov.u32 s10;
	[sflag:s6] =	ssyncset.done $0x0  }
0xc6: {  	s8 =	sadd.s32 s8, s19;
	[sflag:s6] =	ssyncadd.s32 $0xFFFFF800  }
0xc7: {  	[tilespmem:s3], [sflag:$0x2] =	stream.linear.gather [hbm4b:s8+s3], $0x500, $0x38;
	[tilespmem:$0x1B500] =	vst v63  }
0xc8: {  	_ =	swait.ge [sflag:s21], $0x500  }
0xc9: {  	[sflag:s21] =	ssyncset.done $0x0  }
0xca: {  	[sflag:s21] =	ssyncadd.s32 $0xFFFFFB00  }
0xcb: {  	[spmem:s2] =	stream.indirect.scatter.add.f32 [tilespmem:s24], [sflag:$0x1], $0x10, s3, s22, $0xb8;
	[tilespmem:$0x1B500] =	vst v63  }
0xcc: {  	_ = 	snop  }
0xcd: {  	[spmem:s2] =	stream.indirect.scatter.add.f32 [tilespmem:s24], [sflag:$0x1], $0x10, s22, s22, $0xb8;
	[tilespmem:$0x1B500] =	vst v63  }
0xce: {  	_ = 	snop  }
0xcf: {  	[spmem:s2] =	stream.indirect.scatter.add.f32 [tilespmem:s24], [sflag:$0x1], $0x10, s26, s22, $0xb8;
	[tilespmem:$0x1B500] =	vst v63  }
0xd0: {  	_ = 	snop  }
0xd1: {  	[spmem:s2] =	stream.indirect.scatter.add.f32 [tilespmem:s24], [sflag:$0x1], $0x10, s28, s22, $0xb8;
	[tilespmem:$0x1B500] =	vst v63  }
0xd2: {  	_ = 	snop  }
0xd3: {  	[spmem:s2] =	stream.indirect.scatter.add.f32 [tilespmem:s24], [sflag:$0x1], $0x10, s29, s22, $0xb8;
	[tilespmem:$0x1B500] =	vst v63  }
0xd4: {  	_ = 	snop  }
0xd5: {  	[spmem:s2] =	stream.indirect.scatter.add.f32 [tilespmem:s24], [sflag:$0x1], $0x10, s30, s22, $0xb8;
	[tilespmem:$0x1B500] =	vst v63  }
0xd6: {  	_ = 	snop  }
0xd7: {  	[spmem:s2] =	stream.indirect.scatter.add.f32 [tilespmem:s24], [sflag:$0x1], $0x10, s31, s22, $0xb8;
	[tilespmem:$0x1B500] =	vst v63  }
0xd8: {  	_ = 	snop  }
0xd9: {  	[spmem:s2] =	stream.indirect.scatter.add.f32 [tilespmem:s24], [sflag:$0x1], $0x10, s0, s22, $0xb8;
	[tilespmem:$0x1B500] =	vst v63  }
0xda: {  	_ = 	snop  }
0xdb: {  	[spmem:s2] =	stream.indirect.scatter.add.f32 [tilespmem:s24], [sflag:$0x1], $0x10, s1, s22, $0xb8;
	[tilespmem:$0x1B500] =	vst v63  }
0xdc: {  	_ = 	snop  }
0xdd: {  	[spmem:s2] =	stream.indirect.scatter.add.f32 [tilespmem:s24], [sflag:$0x1], $0x10, s5, s22, $0xb8;
	[tilespmem:$0x1B500] =	vst v63  }
0xde: {  	_ =	swait.ge [sflag:s6], $0x800  }
0xdf: {  	[sflag:s6] =	ssyncset.done $0x0  }
0xe0: {  	[sflag:s6] =	ssyncadd.s32 $0xFFFFF800  }
0xe1: {  	_ =	swait.ge [sflag:s6], $0x800  }
0xe2: {  	[sflag:s6] =	ssyncset.done $0x0  }
0xe3: {  	[sflag:s6] =	ssyncadd.s32 $0xFFFFF800  }
0xe4: {  	_ =	swait.ge [sflag:s6], $0x800  }
0xe5: {  	[sflag:s6] =	ssyncset.done $0x0  }
0xe6: {  	[sflag:s6] =	ssyncadd.s32 $0xFFFFF800  }
0xe7: {  	_ =	swait.ge [sflag:s6], $0x800  }
0xe8: {  	[sflag:s6] =	ssyncset.done $0x0  }
0xe9: {  	[sflag:s6] =	ssyncadd.s32 $0xFFFFF800  }
0xea: {  	_ =	swait.ge [sflag:s6], $0x800  }
0xeb: {  	[sflag:s6] =	ssyncset.done $0x0  }
0xec: {  	[sflag:s6] =	ssyncadd.s32 $0xFFFFF800  }
0xed: {  	_ =	swait.ge [sflag:s6], $0x800  }
0xee: {  	[sflag:s6] =	ssyncset.done $0x0  }
0xef: {  	[sflag:s6] =	ssyncadd.s32 $0xFFFFF800  }
0xf0: {  	_ =	swait.ge [sflag:s6], $0x800  }
0xf1: {  	[sflag:s6] =	ssyncset.done $0x0  }
0xf2: {  	[sflag:s6] =	ssyncadd.s32 $0xFFFFF800  }
0xf3: {  	_ =	swait.ge [sflag:s6], $0x800  }
0xf4: {  	[sflag:s6] =	ssyncset.done $0x0  }
0xf5: {  	[sflag:s6] =	ssyncadd.s32 $0xFFFFF800  }
0xf6: {  	_ =	swait.ge [sflag:s6], $0x800  }
0xf7: {  	[sflag:s6] =	ssyncset.done $0x0  }
0xf8: {  	[sflag:s6] =	ssyncadd.s32 $0xFFFFF800  }
0xf9: {  	_ =	swait.ge [sflag:s6], $0x800  }
0xfa: {  	[sflag:s6] =	ssyncset.done $0x0  }
0xfb: {  	s8 =	simm.s32 @!p0 $0x0;
	s9 =	rddreg [dreg:$0x4];
	[sflag:s6] =	ssyncadd.s32 $0xFFFFF800  }
0xfc: {  	[tilespmem:s8], [sflag:$0x2] =	stream.linear.gather @!p0 [hbm4b:s9+s8], $0x80, $0x38;
	[tilespmem:$0x1B500] =	vst v63  }
0xfd: {  	s9 =	simm.s32 @!p0 $0x2  }
0xfe: {  	_ =	swait.ge @!p0 [sflag:s9], $0x80  }
0xff: {  	[sflag:s9] =	ssyncset.done @!p0 $0x0  }
0x100: {  	s10 =	simm.s32 @!p0 $0x500;
	[sflag:s9] =	ssyncadd.s32 @!p0 $0xFFFFFF80;
	s9 =	simm.s32 @!p0 $0x80  }
0x101: {  	[spmem:s2] =	stream.indirect.scatter.add.f32 @!p0 [tilespmem:s10], [sflag:$0x1], $0x10, s8, s9, $0xb8;
	[tilespmem:$0x1B500] =	vst v63  }
0x102: {  	s8 =	simm.s32 @!p0 $0x1  }
0x103: {  	_ =	swait.ge @!p0 [sflag:s8], $0x800  }
0x104: {  	s10 =	stileid.u32;
	[sflag:s8] =	ssyncset.done @!p0 $0x0  }
0x105: {  	[sflag:s8] =	ssyncadd.s32 @!p0 $0xFFFFF800;
	s8 =	sshll.u32 s10, $0x6  }
0x106: {  	[bflag:$0x0] =	sbarrier.arrive $0xFFFF;
	s8 =	sor.u32 $0x1C02, s8  }
0x107: {  	[hbm:s23], [sflag:s8] =	dma.local [spmem:s25], $0x3100  }
0x108: {  	_ =	swait.ge [sflag:s21], $0x3100  }
0x109: {  	s7 =	sadd.s32 $0x1, s7;
	s11 =	rddreg [dreg:$0x5]  }
0x10a: {  	p1 =	sne.s32 s7, s11  }
.Ltmp3:
0x10b: {  	_ = 	snop;
	(pc) =	sbr.rel @p1 .LBB2_1-.Ltmp3, $3  }
0x10c: {  	_ =	sdelay $0x1  }
0x10d: {  	[sflag:s21] =	ssyncset.done $0x0  }
0x10e: {  	[sflag:s21] =	ssyncadd.s32 $0xFFFFCF00  }
0x10f: {  	_ =	sfence.sel $0x180000  }
0x110: {  	[bflag:$0x0] =	sbarrier.arrive $0xFFFF  }
0x111: {  	_ =	strace $0x90000047  }
0x112: {  	s0 =	stileid.u32;
	[bflag:$0x2] =	sbarrier.arrive $0xFFFF  }
0x113: {  	p0 =	sne.s32 s0, $0x0;
	s0 =	rddreg [dreg:$0x2]  }
0x114: {  	s0 =	sadd.s32 @!p0 $0x100000, s0  }
0x115: {  	[sflag:s0] =	ssyncadd.tile.s32 @!p0 $0x1;
	_ =	shalt  }
.Lfunc_end2:
_tile_overlayer_lowered:
.L_overlay_start_2:
0x116: {  	(tag) =	ssettag $0x2  }
0x117: {  	s0 =	rddreg [dreg:$0x0];
	s2 =	stileid.u32  }
0x118: {  	s1 =	rddreg [dreg:$0x1];
	p0 =	sne.s32 s2, $0x0  }
0x119: {  	s3 =	rddreg [dreg:$0x2];
	[bflag:$0x3] =	sbarrier.arrive $0xFFFF;
	s2 =	simm.s32 @!p0 $0x1C02  }
0x11a: {  	[timem:s3], [sflag:s2] =	dma.local @!p0 [hbm:s0], s1  }
0x11b: {  	s0 =	simm.s32 @!p0 $0x2  }
0x11c: {  	_ =	swait.ge @!p0 [sflag:s0], s1  }
0x11d: {  	s1 =	ssub.s32 @!p0 $0x0, s1;
	[sflag:s0] =	ssyncset.done @!p0 $0x0  }
0x11e: {  	[sflag:s0] =	ssyncadd.s32 @!p0 s1  }
0x11f: {  	[bflag:$0x3] =	sbarrier.arrive $0xFFFF  }
0x120: {  	_ =	shalt  }

// kernel: kernel.14.cloned.1.call-start
scs
__scs_entry_jumppad:
0x0: {  	(pc) =	sbr.rel $0x88, $3  }
0x1: {  	(tag) =	ssettag $0x0;
	lr =	simm.s32 $0x1  }
0x2: {  	[smem:$0x3F98] =	sst lr;
	_ =	strace $0xD0000000  }
0x3: {  	_ = 	snop  }
0x4: {  	_ = 	snop  }
0x5: {  	_ = 	snop  }
0x6: {  	_ = 	snop  }
0x7: {  	_ = 	snop  }
__scs_overlays_trampoline_lowered:
0x8: {  	[smem:$0x3FA7] =	sst s0  }
0x9: {  	[smem:$0x3FA8] =	sst s1  }
0xa: {  	[smem:$0x3FA9] =	sst s2  }
0xb: {  	[smem:$0x3FAA] =	sst s3  }
0xc: {  	[smem:$0x3FAB] =	sst s4  }
0xd: {  	[smem:$0x3FAC] =	sst s5  }
0xe: {  	[smem:$0x3FAD] =	sst s6  }
0xf: {  	[smem:$0x3FAE] =	sst s7  }
0x10: {  	[smem:$0x3FAF] =	sst s8  }
0x11: {  	[smem:$0x3FB0] =	sst s9;
	s0 =	simm.s32 @!p0 $0x0  }
0x12: {  	s1 =	sld [smem:$0x3F96];
	s0 =	simm.s32 @p0 $0x1  }
0x13: {  	[smem:$0x3FB1] =	sst s0;
	s0 =	simm.s32 @!p1 $0x0  }
0x14: {  	s2 =	sld [smem:$0x3F95];
	s0 =	simm.s32 @p1 $0x1  }
0x15: {  	[smem:$0x3FB2] =	sst s0;
	s0 =	simm.s32 @!p2 $0x0  }
0x16: {  	s3 =	sld [smem:$0x3FDB];
	s0 =	simm.s32 @p2 $0x1  }
0x17: {  	s4 =	simm.s32 $0x1BF5;
	[smem:$0x3FB4] =	sst s0  }
0x18: {  	s0 =	sld [smem:$0x3F97];
	_ =	swait.ge [sflag:s4], $0x0  }
0x19: {  	s7 =	sld [smem:$0x3F98]  }
0x1a: {  	s8 =	sadd.s32 $0xFFFFE003, lr  }
0x1b: {  	s9 =	sadd.s32 $0xFFFFFEF7, lr;
	s5 =	simm.s32 $0xFFFFFFFF;
	p2 =	slt.u32 s8, $0xFFFFF086  }
0x1c: {  	p1 =	slt.u32 s9, $0xF7A;
	s5 =	simm.s32 @!p2 $0x0  }
0x1d: {  	s5 =	simm.s32 @p1 $0x1;
	p0 =	seq.s32 s7, s2  }
0x1e: {  	s7 =	smul.u32 @!p0 $0xF7A, s2;
	p2 =	seq.s32 @!p0 s5, $0x0  }
0x1f: {  	s9 =	smul.u32 $0xF7A, s1;
	s8 =	simm.s32 @!p0 $0x1BF5;
	p2 =	por !p2, p0  }
0x20: {  	[sflag:s8] =	ssyncset.s32 @!p0 $0xFFFFF086;
	s6 =	sadd.s32 @!p0 s3, s7;
	s7 =	simm.s32 @!p0 $0x108  }
0x21: {  	s3 =	sadd.s32 s3, s9;
	s6 =	sadd.s32 @!p0 $0x88, s6;
	s7 =	simm.s32 @p2 $0x1082  }
0x22: {  	[simem:s7], [sflag:s8] =	dma.local @!p0 [hbm:s6], $0xF7A  }
0x23: {  	s9 =	sor.u32 $0xD0000000, s2;
	s6 =	simm.s32 $0x108;
	_ =	swait.ge @!p0 [sflag:s8], $0x0  }
0x24: {  	s3 =	sadd.s32 $0x88, s3;
	s6 =	simm.s32 @!p1 $0x1082;
	[sflag:s4] =	ssyncset.s32 $0xFFFFF086  }
0x25: {  	[simem:s6], [sflag:s4] =	dma.local [hbm:s3], $0xF7A  }
0x26: {  	[smem:$0x3F98] =	sst s1;
	(tag) =	ssettag s2;
	_ =	strace s9  }
0x27: {  	s1 =	sld [smem:$0x3FA8]  }
0x28: {  	s2 =	sld [smem:$0x3FA9]  }
0x29: {  	s4 =	sld [smem:$0x3FAB]  }
0x2a: {  	p0 =	seq.s32 s5, $0x0;
	s5 =	sld [smem:$0x3FAC]  }
0x2b: {  	s6 =	sld [smem:$0x3FAD]  }
0x2c: {  	s7 =	sld [smem:$0x3FAE]  }
0x2d: {  	s3 =	simm.s32 $0x108;
	s8 =	sld [smem:$0x3FAF]  }
0x2e: {  	s3 =	simm.s32 @!p0 $0x1082;
	s9 =	sld [smem:$0x3FB0]  }
0x2f: {  	lr =	sadd.s32 s0, s3;
	s0 =	sld [smem:$0x3FA7]  }
0x30: {  	s3 =	sld [smem:$0x3FAA]  }
0x31: {  	[smem:$0x3FB3] =	sst s10  }
0x32: {  	s10 =	sld [smem:$0x3FB1];
	_ =	sdelay $0x3  }
0x33: {  	p0 =	seq.s32 s10, $0x1;
	s10 =	sld [smem:$0x3FB3];
	_ =	sdelay $0x3  }
0x34: {  	[smem:$0x3FB3] =	sst s10  }
0x35: {  	s10 =	sld [smem:$0x3FB2];
	_ =	sdelay $0x3  }
0x36: {  	p1 =	seq.s32 s10, $0x1;
	s10 =	sld [smem:$0x3FB3];
	_ =	sdelay $0x3  }
0x37: {  	[smem:$0x3FB3] =	sst s10  }
0x38: {  	s10 =	sld [smem:$0x3FB4]  }
0x39: {  	_ = 	snop;
	(pc) =	sbr.ind lr, $3  }
0x3a: {  	_ = 	snop  }
0x3b: {  	_ = 	snop  }
0x3c: {  	p2 =	seq.s32 s10, $0x1;
	s10 =	sld [smem:$0x3FB3]  }
0x3d: {  	_ =	shalt  }
0x3e: {  	_ =	shalt  }
0x3f: {  	_ =	shalt  }
0x40: {  	_ =	shalt  }
0x41: {  	_ =	shalt  }
0x42: {  	_ =	shalt  }
0x43: {  	_ =	shalt  }
0x44: {  	_ =	shalt  }
0x45: {  	_ =	shalt  }
0x46: {  	_ =	shalt  }
0x47: {  	_ =	shalt  }
0x48: {  	_ =	shalt  }
0x49: {  	_ =	shalt  }
0x4a: {  	_ =	shalt  }
0x4b: {  	_ =	shalt  }
0x4c: {  	_ =	shalt  }
0x4d: {  	_ =	shalt  }
0x4e: {  	_ =	shalt  }
0x4f: {  	_ =	shalt  }
0x50: {  	_ =	shalt  }
0x51: {  	_ =	shalt  }
0x52: {  	_ =	shalt  }
0x53: {  	_ =	shalt  }
0x54: {  	_ =	shalt  }
0x55: {  	_ =	shalt  }
0x56: {  	_ =	shalt  }
0x57: {  	_ =	shalt  }
0x58: {  	_ =	shalt  }
0x59: {  	_ =	shalt  }
0x5a: {  	_ =	shalt  }
0x5b: {  	_ =	shalt  }
0x5c: {  	_ =	shalt  }
0x5d: {  	_ =	shalt  }
0x5e: {  	_ =	shalt  }
0x5f: {  	_ =	shalt  }
0x60: {  	_ =	shalt  }
0x61: {  	_ =	shalt  }
0x62: {  	_ =	shalt  }
0x63: {  	_ =	shalt  }
0x64: {  	_ =	shalt  }
0x65: {  	_ =	shalt  }
0x66: {  	_ =	shalt  }
0x67: {  	_ =	shalt  }
0x68: {  	_ =	shalt  }
0x69: {  	_ =	shalt  }
0x6a: {  	_ =	shalt  }
0x6b: {  	_ =	shalt  }
0x6c: {  	_ =	shalt  }
0x6d: {  	_ =	shalt  }
0x6e: {  	_ =	shalt  }
0x6f: {  	_ =	shalt  }
0x70: {  	_ =	shalt  }
0x71: {  	_ =	shalt  }
0x72: {  	_ =	shalt  }
0x73: {  	_ =	shalt  }
0x74: {  	_ =	shalt  }
0x75: {  	_ =	shalt  }
0x76: {  	_ =	shalt  }
0x77: {  	_ =	shalt  }
0x78: {  	_ =	shalt  }
0x79: {  	_ =	shalt  }
0x7a: {  	_ =	shalt  }
0x7b: {  	_ =	shalt  }
0x7c: {  	_ =	shalt  }
0x7d: {  	_ =	shalt  }
0x7e: {  	_ =	shalt  }
0x7f: {  	_ =	shalt  }
0x80: {  	_ =	shalt  }
0x81: {  	_ =	shalt  }
0x82: {  	_ =	shalt  }
0x83: {  	_ =	shalt  }
0x84: {  	_ =	shalt  }
0x85: {  	_ =	shalt  }
0x86: {  	_ =	shalt  }
0x87: {  	_ =	shalt  }
.Lfunc_end0:
.L_simem_size_0:
called_computation.1_lowered:
.L_overlay_start_0:
0x88: {  	s2 =	sld [smem:$0x3FD9]  }
0x89: {  	s3 =	sld [smem:$0x3FFE];
	_ =	sdelay $0x1  }
0x8a: {  	s1 =	srdreg.scid  }
0x8b: {  	s0 =	sand.u32 $0x1, s1  }
0x8c: {  	s16 =	sshll.u32 s0, $0xA;
	s2 =	sadd.s32 s3, s2  }
0x8d: {  	s2 =	sadd.s32 s2, s16  }
0x8e: {  	[smem:$0x3FBF] =	sst s2  }
0x8f: {  	_ = 	snop  }
0x90: {  	(tm) =	ssettm $0x1  }
0x91: {  	s17 =	sld [smem:$0x3FFB];
	_ =	sdelay $0x3  }
0x92: {  	_ =	strace s17  }
0x93: {  	s2 =	sld [smem:$0x3FFC];
	_ =	sdelay $0x3  }
0x94: {  	_ =	strace s2  }
0x95: {  	s2 =	sld [smem:$0x3FFD];
	_ =	sdelay $0x3  }
0x96: {  	_ =	strace s2  }
0x97: {  	_ =	strace $0x8FFFFFFF  }
0x98: {  	s18 =	sld [smem:$0x3FDB];
	_ =	sdelay $0x1  }
0x99: {  	s19 =	simm.s32 $_scs_section_size  }
0x9a: {  	s4 =	simm.s32 $_size__tile_overlayer_lowered;
	s5 =	simm.s32 $_tile_overlayer_lowered  }
0x9b: {  	s22 =	simm.s32 $0x1BFF;
	s21 =	sshll.u32 s5, $0x1;
	s2 =	sadd.s32 s19, s18  }
0x9c: {  	s6 =	simm.s32 $0x0;
	s20 =	sshll.u32 s4, $0x1;
	s4 =	sadd.s32 s21, s2  }
0x9d: {  	[timem:s6], [sflag:s22] =	dma.local [hbm:s4], s20  }
0x9e: {  	_ =	swait.ge [sflag:s22], s20  }
0x9f: {  	s3 =	ssub.s32 $0x0, s20;
	[sflag:s22] =	ssyncset.done $0x0  }
0xa0: {  	[sflag:s22] =	ssyncadd.s32 s3;
	_ =	sdelay $0x1  }
0xa1: {  	s23 =	simm.s32 $0x1B8B  }
0xa2: {  	_ =	swait.ge [sflag:s23], $0x1  }
0xa3: {  	[sflag:s23] =	ssyncset.done $0x0  }
0xa4: {  	s25 =	simm.s32 $0x1B8E;
	s24 =	sld [smem:$0x3FFE];
	[sflag:s23] =	ssyncadd.s32 $0xFFFFFFFF  }
0xa5: {  	s26 =	simm.s32 $execute0_lowered;
	[smem:$0x3FD2] =	sst s25  }
0xa6: {  	s4 =	sshll.u32 s26, $0x1;
	_ =	strace $0x80000049;
	[dreg:$0x1] =	wrdreg $0xFFFFFFFF  }
0xa7: {  	s28 =	simm.s32 $_size_execute0_lowered;
	s2 =	sadd.s32 s2, s4;
	[dreg:$0x0] =	wrdreg $0x0  }
0xa8: {  	s4 =	sshll.u32 s28, $0x1;
	[dreg:$0x2] =	wrdreg s2  }
0xa9: {  	[dreg:$0x3] =	wrdreg s4  }
0xaa: {  	[dreg:$0x4] =	wrdreg $0xC0  }
0xab: {  	_ =	task [dreg:s6], $0x5FFFF  }
0xac: {  	[dreg:$0x1] =	wrdreg $0xFFFFFFFF  }
0xad: {  	[dreg:$0x0] =	wrdreg $0x60  }
0xae: {  	[dreg:$0x2] =	wrdreg s24  }
0xaf: {  	[dreg:$0x3] =	wrdreg $0x5A000  }
0xb0: {  	[dreg:$0x4] =	wrdreg $0x9  }
0xb1: {  	_ =	task.clear_ibuf [dreg:s6], $0x5FFFF;
	_ =	strace $0x90000049  }
0xb2: {  	s29 =	simm.s32 $0x9;
	_ =	strace $0x8000004B  }
0xb3: {  	_ =	swait.ge [sflag:s29], $0x1  }
0xb4: {  	[sflag:s29] =	ssyncadd.s32 $0xFFFFFFFF  }
0xb5: {  	_ =	strace $0x9000004B  }
0xb6: {  	_ =	sfence  }
0xb7: {  	s30 =	sld [smem:$0x0];
	_ =	sdelay $0x2  }
0xb8: {  	s31 =	sshll.u32 s1, $0xD;
	s1 =	sshrl.u32 s1, $0x2  }
0xb9: {  	s3 =	sand.u32 $0x4000, s31;
	s1 =	sadd.s32 s1, s30  }
0xba: {  	s0 =	sor.u32 s3, s0;
	s1 =	sshll.u32 s1, $0x11  }
0xbb: {  	s0 =	sor.u32 s1, s0  }
0xbc: {  	s0 =	sadd.s32 $0x8F2B, s0  }
0xbd: {  	[sflag:s0] =	ssyncadd.remote.s32 $0x1  }
0xbe: {  	_ =	sfence.sel $0xFFFF  }
0xbf: {  	[dreg:$0x0] =	wrdreg $0xFFFFFFFF;
	(pc) =	sbr.abs _section_cstart, $3  }
0xc0: {  	[dreg:$0x1] =	wrdreg $0xFFFFFFFF  }
0xc1: {  	_ =	task.clear_ibuf [dreg:s6], $0x2FFFF;
	_ =	strace $0x9FFFFFFF  }
0xc2: {  	(tm) =	ssettm $0x7FFFFFFF  }
0xc3: {  	_ =	shalt  }
tec
execute0_lowered:
.L_overlay_start_1:
0x0: {  	(tag) =	ssettag $0x1  }
0x1: {  	s1 =	rddreg [dreg:$0x0]  }
0x2: {  	s2 =	rddreg [dreg:$0x1];
	s3 =	simm.s32 $0x0  }
0x3: {  	s24 =	stileid.u32;
	s0 =	srdreg.scid;
	s25 =	simm.s32 $0x100  }
0x4: {  	s26 =	simm.s32 $0x180;
	s14 =	simm.s32 $0x380;
	s15 =	simm.s32 $0x400  }
0x5: {  	s16 =	simm.s32 $0x480;
	s17 =	simm.s32 $0x580;
	s18 =	simm.s32 $0x600  }
0x6: {  	s19 =	simm.s32 $0x680;
	s20 =	simm.s32 $0x700;
	s21 =	simm.s32 $0x780  }
0x7: {  	s28 =	simm.s32 $0x1;
	s29 =	simm.s32 $0x2;
	[smem:$0x7FF] =	sst s3  }
0x8: {  	s30 =	simm.s32 $0x3;
	_ =	strace $0x8000004A;
	[dreg:$0x4] =	wrdreg s25  }
0x9: {  	s31 =	simm.s32 $0x4;
	s5 =	smul.u32 $0x18800, s24;
	[dreg:$0x5] =	wrdreg s26  }
0xa: {  	s6 =	sand.u32 $0x1, s0;
	s4 =	sadd.s32 $0x65A00, s1;
	[dreg:$0x9] =	wrdreg s14  }
0xb: {  	s8 =	sadd.s32 $0x3E00, s1;
	s22 =	sshll.u32 s24, $0x1;
	[dreg:$0xa] =	wrdreg s15  }
0xc: {  	s11 =	smul.u32 $0x30C, s24;
	s23 =	sshll.u32 s24, $0x6;
	[dreg:$0xb] =	wrdreg s16  }
0xd: {  	p0 =	sgt.u32 s24, $0x9;
	s24 =	simm.s32 $0xD;
	[dreg:$0xc] =	wrdreg s17  }
0xe: {  	s7 =	smul.u32 $0x31000, s6;
	s10 =	ssub.s32 $0x2, s6;
	[dreg:$0xd] =	wrdreg s18  }
0xf: {  	s14 =	simm.s32 $0x80;
	s15 =	simm.s32 $0xA00;
	[dreg:$0xe] =	wrdreg s19  }
0x10: {  	s16 =	simm.s32 $0x1200;
	s17 =	simm.s32 $0x1A00;
	[dreg:$0xf] =	wrdreg s20  }
0x11: {  	s18 =	simm.s32 $0x2200;
	[dreg:$0x10] =	wrdreg s21;
	s19 =	simm.s32 $0x2A00  }
0x12: {  	s20 =	simm.s32 $0x3200;
	s25 =	simm.s32 $0x900;
	s21 =	simm.s32 $0x3A00  }
0x13: {  	s26 =	simm.s32 $0x980;
	s0 =	sshrl.u32 s5, $0x3;
	[dreg:$0x13] =	wrdreg s25  }
0x14: {  	s12 =	sshrl.u32 s10, $0x1;
	s5 =	sadd.s32 s5, s2;
	[dreg:$0x14] =	wrdreg s26  }
0x15: {  	s25 =	simm.s32 $0x5200;
	s26 =	simm.s32 $0xC;
	s9 =	sadd.s32 s0, s1  }
0x16: {  	s1 =	sadd.s32 s7, s1;
	s7 =	sor.u32 s6, s22;
	s6 =	smul.u32 $0x186, s6  }
0x17: {  	s10 =	ssub.s32 s10, s12;
	s22 =	simm.s32 $0x800;
	s13 =	smin.u32 s7, $0x14  }
0x18: {  	s7 =	smul.u32 $0x186, s7;
	s9 =	sadd.s32 $0x96A00, s9;
	s1 =	sadd.s32 $0xC7A00, s1  }
0x19: {  	s12 =	smax.u32 s10, $0x1;
	s10 =	sshrl.u32 s5, $0x3;
	[dreg:$0x11] =	wrdreg s22  }
0x1a: {  	s22 =	simm.s32 $0x4200;
	s5 =	simm.s32 $0x7;
	[dreg:$0x15] =	wrdreg s9  }
0x1b: {  	s11 =	sadd.s32 s11, s13;
	s9 =	simm.s32 $0x280;
	[dreg:$0x19] =	wrdreg s12  }
0x1c: {  	s12 =	simm.s32 $0x500;
	s0 =	sadd.s32 s0, s1;
	[dreg:$0x1a] =	wrdreg s10  }
0x1d: {  	s1 =	simm.s32 $0x6;
	s6 =	sadd.s32 s6, s11;
	[dreg:$0x7] =	wrdreg s9  }
0x1e: {  	s7 =	sadd.s32 s13, s7;
	s13 =	simm.s32 $0x300;
	[dreg:$0x1b] =	wrdreg s0  }
0x1f: {  	s11 =	sor.u32 $0x1C0D, s23;
	s23 =	simm.s32 $0x880;
	[dreg:$0x8] =	wrdreg s13  }
0x20: {  	s6 =	sshll.u32 s6, $0x4;
	s7 =	sshll.u32 s7, $0x4;
	[dreg:$0x12] =	wrdreg s23  }
0x21: {  	[dreg:$0x16] =	wrdreg s11;
	s6 =	sadd.s32 s6, s8;
	s7 =	sadd.s32 s8, s7  }
0x22: {  	s0 =	simm.s32 $0x5;
	[dreg:$0x3] =	wrdreg s6;
	s8 =	sadd.s32 $0x1860, s7  }
0x23: {  	s9 =	simm.s32 $0xA;
	s7 =	sadd.s32 $0x325A0, s7;
	[dreg:$0x17] =	wrdreg s8  }
0x24: {  	s13 =	simm.s32 $0xB;
	s6 =	simm.s32 $0x0;
	[dreg:$0x18] =	wrdreg s7  }
0x25: {  	s23 =	simm.s32 $0x4A00;
	s8 =	simm.s32 $0x200;
	[dreg:$0x1c] =	wrdreg s6  }
0x26: {  	s7 =	simm.s32 $0x8;
	[dreg:$0x6] =	wrdreg s8;
	s8 =	simm.s32 $0x9  }
.LBB2_1:
0x27: {  	s6 =	rddreg [dreg:$0x15]  }
0x28: {  	[spmem:s10], [sflag:s11] =	dma.local [hbm:s6], $0x3100  }
0x29: {  	_ =	swait.ge [sflag:s24], $0x3100  }
0x2a: {  	[sflag:s24] =	ssyncset.done $0x0  }
0x2b: {  	[sflag:s24] =	ssyncadd.s32 $0xFFFFCF00  }
0x2c: {  	[bflag:$0x0] =	sbarrier.arrive $0xFFFF  }
0x2d: {  	s10 =	rddreg [dreg:$0x3]  }
0x2e: {  	s6 =	sadd.s32 $0x0, s10  }
0x2f: {  	[tilespmem:s3], [sflag:$0xB] =	stream.linear.gather [hbm4b:s6+s3], $0x500, $0x38;
	[tilespmem:$0x1E200] =	vst v63  }
0x30: {  	s6 =	sadd.s32 $0x30D40, s6  }
0x31: {  	[tilespmem:s12], [sflag:$0xC] =	stream.linear.gather [hbm4b:s6+s3], $0x500, $0x38;
	[tilespmem:$0x1E200] =	vst v63  }
0x32: {  	_ =	swait.ge [sflag:s13], $0x500  }
0x33: {  	[sflag:s13] =	ssyncset.done $0x0  }
0x34: {  	[sflag:s13] =	ssyncadd.s32 $0xFFFFFB00  }
0x35: {  	[tilespmem:s15], [sflag:$0x1] =	stream.indirect.gather [hbm4b:s4+s14], $0x10, s3, s14, $0xb8;
	[tilespmem:$0x1E200] =	vst v63  }
0x36: {  	_ = 	snop  }
0x37: {  	[tilespmem:s16], [sflag:$0x1] =	stream.indirect.gather [hbm4b:s4+s14], $0x10, s14, s14, $0xb8;
	[tilespmem:$0x1E200] =	vst v63  }
0x38: {  	s11 =	rddreg [dreg:$0x4]  }
0x39: {  	[tilespmem:s17], [sflag:$0x2] =	stream.indirect.gather [hbm4b:s4+s14], $0x10, s11, s14, $0xb8;
	[tilespmem:$0x1E200] =	vst v63  }
0x3a: {  	s24 =	rddreg [dreg:$0x5]  }
0x3b: {  	[tilespmem:s18], [sflag:$0x2] =	stream.indirect.gather [hbm4b:s4+s14], $0x10, s24, s14, $0xb8;
	[tilespmem:$0x1E200] =	vst v63  }
0x3c: {  	s11 =	rddreg [dreg:$0x6]  }
0x3d: {  	[tilespmem:s19], [sflag:$0x3] =	stream.indirect.gather [hbm4b:s4+s14], $0x10, s11, s14, $0xb8;
	[tilespmem:$0x1E200] =	vst v63  }
0x3e: {  	s24 =	rddreg [dreg:$0x7]  }
0x3f: {  	[tilespmem:s20], [sflag:$0x3] =	stream.indirect.gather [hbm4b:s4+s14], $0x10, s24, s14, $0xb8;
	[tilespmem:$0x1E200] =	vst v63  }
0x40: {  	s11 =	rddreg [dreg:$0x8]  }
0x41: {  	[tilespmem:s21], [sflag:$0x4] =	stream.indirect.gather [hbm4b:s4+s14], $0x10, s11, s14, $0xb8;
	[tilespmem:$0x1E200] =	vst v63  }
0x42: {  	s24 =	rddreg [dreg:$0x9]  }
0x43: {  	[tilespmem:s22], [sflag:$0x4] =	stream.indirect.gather [hbm4b:s4+s14], $0x10, s24, s14, $0xb8;
	[tilespmem:$0x1E200] =	vst v63  }
0x44: {  	s11 =	rddreg [dreg:$0xa]  }
0x45: {  	[tilespmem:s23], [sflag:$0x5] =	stream.indirect.gather [hbm4b:s4+s14], $0x10, s11, s14, $0xb8;
	[tilespmem:$0x1E200] =	vst v63  }
0x46: {  	s24 =	rddreg [dreg:$0xb]  }
0x47: {  	[tilespmem:s25], [sflag:$0x5] =	stream.indirect.gather [hbm4b:s4+s14], $0x10, s24, s14, $0xb8;
	[tilespmem:$0x1E200] =	vst v63  }
0x48: {  	_ =	swait.ge [sflag:s26], $0x500  }
0x49: {  	[sflag:s26] =	ssyncset.done $0x0  }
0x4a: {  	[sflag:s26] =	ssyncadd.s32 $0xFFFFFB00  }
0x4b: {  	_ =	swait.ge [sflag:s28], $0x800  }
0x4c: {  	[sflag:s28] =	ssyncset.done $0x0  }
0x4d: {  	[sflag:s28] =	ssyncadd.s32 $0xFFFFF800  }
0x4e: {  	_ =	swait.ge [sflag:s28], $0x800  }
0x4f: {  	[sflag:s28] =	ssyncset.done $0x0  }
0x50: {  	[sflag:s28] =	ssyncadd.s32 $0xFFFFF800  }
0x51: {  	[spmem:s2] =	stream.indirect.scatter.add.f32 [tilespmem:s15], [sflag:$0x6], $0x10, s12, s14, $0xb8;
	[tilespmem:$0x1E200] =	vst v63  }
0x52: {  	s10 =	rddreg [dreg:$0xc]  }
0x53: {  	[spmem:s2] =	stream.indirect.scatter.add.f32 [tilespmem:s16], [sflag:$0x6], $0x10, s10, s14, $0xb8;
	[tilespmem:$0x1E200] =	vst v63  }
0x54: {  	_ =	swait.ge [sflag:s29], $0x800  }
0x55: {  	[sflag:s29] =	ssyncset.done $0x0  }
0x56: {  	[sflag:s29] =	ssyncadd.s32 $0xFFFFF800  }
0x57: {  	_ =	swait.ge [sflag:s29], $0x800  }
0x58: {  	[sflag:s29] =	ssyncset.done $0x0  }
0x59: {  	s11 =	rddreg [dreg:$0xd];
	[sflag:s29] =	ssyncadd.s32 $0xFFFFF800  }
0x5a: {  	[spmem:s2] =	stream.indirect.scatter.add.f32 [tilespmem:s17], [sflag:$0x7], $0x10, s11, s14, $0xb8;
	[tilespmem:$0x1E200] =	vst v63  }
0x5b: {  	s24 =	rddreg [dreg:$0xe]  }
0x5c: {  	[spmem:s2] =	stream.indirect.scatter.add.f32 [tilespmem:s18], [sflag:$0x7], $0x10, s24, s14, $0xb8;
	[tilespmem:$0x1E200] =	vst v63  }
0x5d: {  	_ =	swait.ge [sflag:s30], $0x800  }
0x5e: {  	[sflag:s30] =	ssyncset.done $0x0  }
0x5f: {  	[sflag:s30] =	ssyncadd.s32 $0xFFFFF800  }
0x60: {  	_ =	swait.ge [sflag:s30], $0x800  }
0x61: {  	[sflag:s30] =	ssyncset.done $0x0  }
0x62: {  	s11 =	rddreg [dreg:$0xf];
	[sflag:s30] =	ssyncadd.s32 $0xFFFFF800  }
0x63: {  	[spmem:s2] =	stream.indirect.scatter.add.f32 [tilespmem:s19], [sflag:$0x8], $0x10, s11, s14, $0xb8;
	[tilespmem:$0x1E200] =	vst v63  }
0x64: {  	s24 =	rddreg [dreg:$0x10]  }
0x65: {  	[spmem:s2] =	stream.indirect.scatter.add.f32 [tilespmem:s20], [sflag:$0x8], $0x10, s24, s14, $0xb8;
	[tilespmem:$0x1E200] =	vst v63  }
0x66: {  	_ =	swait.ge [sflag:s31], $0x800  }
0x67: {  	[sflag:s31] =	ssyncset.done $0x0  }
0x68: {  	[sflag:s31] =	ssyncadd.s32 $0xFFFFF800  }
0x69: {  	_ =	swait.ge [sflag:s31], $0x800  }
0x6a: {  	[sflag:s31] =	ssyncset.done $0x0  }
0x6b: {  	s11 =	rddreg [dreg:$0x11];
	[sflag:s31] =	ssyncadd.s32 $0xFFFFF800  }
0x6c: {  	[spmem:s2] =	stream.indirect.scatter.add.f32 [tilespmem:s21], [sflag:$0x9], $0x10, s11, s14, $0xb8;
	[tilespmem:$0x1E200] =	vst v63  }
0x6d: {  	s24 =	rddreg [dreg:$0x12]  }
0x6e: {  	[spmem:s2] =	stream.indirect.scatter.add.f32 [tilespmem:s22], [sflag:$0x9], $0x10, s24, s14, $0xb8;
	[tilespmem:$0x1E200] =	vst v63  }
0x6f: {  	_ =	swait.ge [sflag:s0], $0x800  }
0x70: {  	[sflag:s0] =	ssyncset.done $0x0  }
0x71: {  	[sflag:s0] =	ssyncadd.s32 $0xFFFFF800  }
0x72: {  	_ =	swait.ge [sflag:s0], $0x800  }
0x73: {  	[sflag:s0] =	ssyncset.done $0x0  }
0x74: {  	s11 =	rddreg [dreg:$0x13];
	[sflag:s0] =	ssyncadd.s32 $0xFFFFF800  }
0x75: {  	[spmem:s2] =	stream.indirect.scatter.add.f32 [tilespmem:s23], [sflag:$0xA], $0x10, s11, s14, $0xb8;
	[tilespmem:$0x1E200] =	vst v63  }
0x76: {  	s24 =	rddreg [dreg:$0x14]  }
0x77: {  	[spmem:s2] =	stream.indirect.scatter.add.f32 [tilespmem:s25], [sflag:$0xA], $0x10, s24, s14, $0xb8;
	[tilespmem:$0x1E200] =	vst v63  }
0x78: {  	_ =	swait.ge [sflag:s1], $0x800  }
0x79: {  	[sflag:s1] =	ssyncset.done $0x0  }
0x7a: {  	[sflag:s1] =	ssyncadd.s32 $0xFFFFF800  }
0x7b: {  	_ =	swait.ge [sflag:s1], $0x800  }
0x7c: {  	[sflag:s1] =	ssyncset.done $0x0  }
0x7d: {  	[sflag:s1] =	ssyncadd.s32 $0xFFFFF800  }
0x7e: {  	_ =	swait.ge [sflag:s5], $0x800  }
0x7f: {  	[sflag:s5] =	ssyncset.done $0x0  }
0x80: {  	[sflag:s5] =	ssyncadd.s32 $0xFFFFF800  }
0x81: {  	_ =	swait.ge [sflag:s5], $0x800  }
0x82: {  	[sflag:s5] =	ssyncset.done $0x0  }
0x83: {  	[sflag:s5] =	ssyncadd.s32 $0xFFFFF800  }
0x84: {  	_ =	swait.ge [sflag:s7], $0x800  }
0x85: {  	[sflag:s7] =	ssyncset.done $0x0  }
0x86: {  	[sflag:s7] =	ssyncadd.s32 $0xFFFFF800  }
0x87: {  	_ =	swait.ge [sflag:s7], $0x800  }
0x88: {  	[sflag:s7] =	ssyncset.done $0x0  }
0x89: {  	[sflag:s7] =	ssyncadd.s32 $0xFFFFF800  }
0x8a: {  	_ =	swait.ge [sflag:s8], $0x800  }
0x8b: {  	[sflag:s8] =	ssyncset.done $0x0  }
0x8c: {  	[sflag:s8] =	ssyncadd.s32 $0xFFFFF800  }
0x8d: {  	_ =	swait.ge [sflag:s8], $0x800  }
0x8e: {  	[sflag:s8] =	ssyncset.done $0x0  }
0x8f: {  	[sflag:s8] =	ssyncadd.s32 $0xFFFFF800  }
0x90: {  	_ =	swait.ge [sflag:s9], $0x800  }
0x91: {  	[sflag:s9] =	ssyncset.done $0x0  }
0x92: {  	[sflag:s9] =	ssyncadd.s32 $0xFFFFF800  }
0x93: {  	s6 =	simm.s32 $0xA0;
	_ =	swait.ge [sflag:s9], $0x800  }
0x94: {  	s10 =	simm.s32 $0x140;
	s11 =	rddreg [dreg:$0x3];
	[sflag:s9] =	ssyncset.done $0x0  }
.LBB2_2:
0x95: {  	[sflag:s9] =	ssyncadd.s32 $0xFFFFF800;
	s11 =	sadd.s32 s6, s11  }
0x96: {  	[tilespmem:s3], [sflag:$0xB] =	stream.linear.gather [hbm4b:s11+s3], $0x500, $0x38;
	[tilespmem:$0x1E200] =	vst v63  }
0x97: {  	s11 =	sadd.s32 $0x30D40, s11  }
0x98: {  	[tilespmem:s12], [sflag:$0xC] =	stream.linear.gather [hbm4b:s11+s3], $0x500, $0x38;
	[tilespmem:$0x1E200] =	vst v63  }
0x99: {  	_ =	swait.ge [sflag:s13], $0x500  }
0x9a: {  	[sflag:s13] =	ssyncset.done $0x0  }
0x9b: {  	[sflag:s13] =	ssyncadd.s32 $0xFFFFFB00  }
0x9c: {  	[tilespmem:s15], [sflag:$0x1] =	stream.indirect.gather [hbm4b:s4+s14], $0x10, s3, s14, $0xb8;
	[tilespmem:$0x1E200] =	vst v63  }
0x9d: {  	_ = 	snop  }
0x9e: {  	[tilespmem:s16], [sflag:$0x1] =	stream.indirect.gather [hbm4b:s4+s14], $0x10, s14, s14, $0xb8;
	[tilespmem:$0x1E200] =	vst v63  }
0x9f: {  	s24 =	smov.u32 s10;
	s11 =	rddreg [dreg:$0x4]  }
0xa0: {  	[tilespmem:s17], [sflag:$0x2] =	stream.indirect.gather [hbm4b:s4+s14], $0x10, s11, s14, $0xb8;
	[tilespmem:$0x1E200] =	vst v63  }
0xa1: {  	s6 =	smov.u32 s24;
	s24 =	rddreg [dreg:$0x5]  }
0xa2: {  	[tilespmem:s18], [sflag:$0x2] =	stream.indirect.gather [hbm4b:s4+s14], $0x10, s24, s14, $0xb8;
	[tilespmem:$0x1E200] =	vst v63  }
0xa3: {  	s11 =	rddreg [dreg:$0x6]  }
0xa4: {  	[tilespmem:s19], [sflag:$0x3] =	stream.indirect.gather [hbm4b:s4+s14], $0x10, s11, s14, $0xb8;
	[tilespmem:$0x1E200] =	vst v63  }
0xa5: {  	s24 =	rddreg [dreg:$0x7]  }
0xa6: {  	[tilespmem:s20], [sflag:$0x3] =	stream.indirect.gather [hbm4b:s4+s14], $0x10, s24, s14, $0xb8;
	[tilespmem:$0x1E200] =	vst v63  }
0xa7: {  	s11 =	rddreg [dreg:$0x8]  }
0xa8: {  	[tilespmem:s21], [sflag:$0x4] =	stream.indirect.gather [hbm4b:s4+s14], $0x10, s11, s14, $0xb8;
	[tilespmem:$0x1E200] =	vst v63  }
0xa9: {  	s24 =	rddreg [dreg:$0x9]  }
0xaa: {  	[tilespmem:s22], [sflag:$0x4] =	stream.indirect.gather [hbm4b:s4+s14], $0x10, s24, s14, $0xb8;
	[tilespmem:$0x1E200] =	vst v63  }
0xab: {  	s11 =	rddreg [dreg:$0xa]  }
0xac: {  	[tilespmem:s23], [sflag:$0x5] =	stream.indirect.gather [hbm4b:s4+s14], $0x10, s11, s14, $0xb8;
	[tilespmem:$0x1E200] =	vst v63  }
0xad: {  	s24 =	rddreg [dreg:$0xb]  }
0xae: {  	[tilespmem:s25], [sflag:$0x5] =	stream.indirect.gather [hbm4b:s4+s14], $0x10, s24, s14, $0xb8;
	[tilespmem:$0x1E200] =	vst v63  }
0xaf: {  	_ =	swait.ge [sflag:s26], $0x500  }
0xb0: {  	[sflag:s26] =	ssyncset.done $0x0  }
0xb1: {  	[sflag:s26] =	ssyncadd.s32 $0xFFFFFB00  }
0xb2: {  	_ =	swait.ge [sflag:s28], $0x800  }
0xb3: {  	[sflag:s28] =	ssyncset.done $0x0  }
0xb4: {  	[sflag:s28] =	ssyncadd.s32 $0xFFFFF800  }
0xb5: {  	_ =	swait.ge [sflag:s28], $0x800  }
0xb6: {  	[sflag:s28] =	ssyncset.done $0x0  }
0xb7: {  	[sflag:s28] =	ssyncadd.s32 $0xFFFFF800  }
0xb8: {  	[spmem:s2] =	stream.indirect.scatter.add.f32 [tilespmem:s15], [sflag:$0x6], $0x10, s12, s14, $0xb8;
	[tilespmem:$0x1E200] =	vst v63  }
0xb9: {  	s24 =	rddreg [dreg:$0xc]  }
0xba: {  	[spmem:s2] =	stream.indirect.scatter.add.f32 [tilespmem:s16], [sflag:$0x6], $0x10, s24, s14, $0xb8;
	[tilespmem:$0x1E200] =	vst v63  }
0xbb: {  	_ =	swait.ge [sflag:s29], $0x800  }
0xbc: {  	[sflag:s29] =	ssyncset.done $0x0  }
0xbd: {  	[sflag:s29] =	ssyncadd.s32 $0xFFFFF800  }
0xbe: {  	_ =	swait.ge [sflag:s29], $0x800  }
0xbf: {  	[sflag:s29] =	ssyncset.done $0x0  }
0xc0: {  	s11 =	rddreg [dreg:$0xd];
	[sflag:s29] =	ssyncadd.s32 $0xFFFFF800  }
0xc1: {  	[spmem:s2] =	stream.indirect.scatter.add.f32 [tilespmem:s17], [sflag:$0x7], $0x10, s11, s14, $0xb8;
	[tilespmem:$0x1E200] =	vst v63  }
0xc2: {  	s24 =	rddreg [dreg:$0xe]  }
0xc3: {  	[spmem:s2] =	stream.indirect.scatter.add.f32 [tilespmem:s18], [sflag:$0x7], $0x10, s24, s14, $0xb8;
	[tilespmem:$0x1E200] =	vst v63  }
0xc4: {  	_ =	swait.ge [sflag:s30], $0x800  }
0xc5: {  	[sflag:s30] =	ssyncset.done $0x0  }
0xc6: {  	[sflag:s30] =	ssyncadd.s32 $0xFFFFF800  }
0xc7: {  	_ =	swait.ge [sflag:s30], $0x800  }
0xc8: {  	[sflag:s30] =	ssyncset.done $0x0  }
0xc9: {  	s11 =	rddreg [dreg:$0xf];
	[sflag:s30] =	ssyncadd.s32 $0xFFFFF800  }
0xca: {  	[spmem:s2] =	stream.indirect.scatter.add.f32 [tilespmem:s19], [sflag:$0x8], $0x10, s11, s14, $0xb8;
	[tilespmem:$0x1E200] =	vst v63  }
0xcb: {  	s24 =	rddreg [dreg:$0x10]  }
0xcc: {  	[spmem:s2] =	stream.indirect.scatter.add.f32 [tilespmem:s20], [sflag:$0x8], $0x10, s24, s14, $0xb8;
	[tilespmem:$0x1E200] =	vst v63  }
0xcd: {  	_ =	swait.ge [sflag:s31], $0x800  }
0xce: {  	[sflag:s31] =	ssyncset.done $0x0  }
0xcf: {  	[sflag:s31] =	ssyncadd.s32 $0xFFFFF800  }
0xd0: {  	_ =	swait.ge [sflag:s31], $0x800  }
0xd1: {  	[sflag:s31] =	ssyncset.done $0x0  }
0xd2: {  	s11 =	rddreg [dreg:$0x11];
	[sflag:s31] =	ssyncadd.s32 $0xFFFFF800  }
0xd3: {  	[spmem:s2] =	stream.indirect.scatter.add.f32 [tilespmem:s21], [sflag:$0x9], $0x10, s11, s14, $0xb8;
	[tilespmem:$0x1E200] =	vst v63  }
0xd4: {  	s24 =	rddreg [dreg:$0x12]  }
0xd5: {  	[spmem:s2] =	stream.indirect.scatter.add.f32 [tilespmem:s22], [sflag:$0x9], $0x10, s24, s14, $0xb8;
	[tilespmem:$0x1E200] =	vst v63  }
0xd6: {  	_ =	swait.ge [sflag:s0], $0x800  }
0xd7: {  	[sflag:s0] =	ssyncset.done $0x0  }
0xd8: {  	[sflag:s0] =	ssyncadd.s32 $0xFFFFF800  }
0xd9: {  	_ =	swait.ge [sflag:s0], $0x800  }
0xda: {  	[sflag:s0] =	ssyncset.done $0x0  }
0xdb: {  	s11 =	rddreg [dreg:$0x13];
	[sflag:s0] =	ssyncadd.s32 $0xFFFFF800  }
0xdc: {  	[spmem:s2] =	stream.indirect.scatter.add.f32 [tilespmem:s23], [sflag:$0xA], $0x10, s11, s14, $0xb8;
	[tilespmem:$0x1E200] =	vst v63  }
0xdd: {  	s24 =	rddreg [dreg:$0x14]  }
0xde: {  	[spmem:s2] =	stream.indirect.scatter.add.f32 [tilespmem:s25], [sflag:$0xA], $0x10, s24, s14, $0xb8;
	[tilespmem:$0x1E200] =	vst v63  }
0xdf: {  	_ =	swait.ge [sflag:s1], $0x800  }
0xe0: {  	[sflag:s1] =	ssyncset.done $0x0  }
0xe1: {  	[sflag:s1] =	ssyncadd.s32 $0xFFFFF800  }
0xe2: {  	_ =	swait.ge [sflag:s1], $0x800  }
0xe3: {  	[sflag:s1] =	ssyncset.done $0x0  }
0xe4: {  	[sflag:s1] =	ssyncadd.s32 $0xFFFFF800  }
0xe5: {  	_ =	swait.ge [sflag:s5], $0x800  }
0xe6: {  	[sflag:s5] =	ssyncset.done $0x0  }
0xe7: {  	[sflag:s5] =	ssyncadd.s32 $0xFFFFF800  }
0xe8: {  	_ =	swait.ge [sflag:s5], $0x800  }
0xe9: {  	[sflag:s5] =	ssyncset.done $0x0  }
0xea: {  	[sflag:s5] =	ssyncadd.s32 $0xFFFFF800  }
0xeb: {  	_ =	swait.ge [sflag:s7], $0x800  }
0xec: {  	[sflag:s7] =	ssyncset.done $0x0  }
0xed: {  	[sflag:s7] =	ssyncadd.s32 $0xFFFFF800  }
0xee: {  	_ =	swait.ge [sflag:s7], $0x800  }
0xef: {  	[sflag:s7] =	ssyncset.done $0x0  }
0xf0: {  	[sflag:s7] =	ssyncadd.s32 $0xFFFFF800  }
0xf1: {  	_ =	swait.ge [sflag:s8], $0x800  }
0xf2: {  	[sflag:s8] =	ssyncset.done $0x0  }
0xf3: {  	[sflag:s8] =	ssyncadd.s32 $0xFFFFF800  }
0xf4: {  	_ =	swait.ge [sflag:s8], $0x800  }
0xf5: {  	[sflag:s8] =	ssyncset.done $0x0  }
0xf6: {  	p1 =	sne.s32 s10, $0x17C0;
	[sflag:s8] =	ssyncadd.s32 $0xFFFFF800  }
.Ltmp0:
0xf7: {  	_ =	swait.ge [sflag:s9], $0x800;
	(pc) =	sbr.rel @p1 .LBB2_2-.Ltmp0, $4  }
0xf8: {  	[sflag:s9] =	ssyncset.done $0x0  }
0xf9: {  	[sflag:s9] =	ssyncadd.s32 $0xFFFFF800  }
0xfa: {  	_ =	swait.ge [sflag:s9], $0x800  }
0xfb: {  	s10 =	sadd.s32 $0xA0, s10;
	s11 =	rddreg [dreg:$0x3];
	[sflag:s9] =	ssyncset.done $0x0  }
0xfc: {  	[sflag:s9] =	ssyncadd.s32 $0xFFFFF800;
	s6 =	sadd.s32 s6, s11  }
0xfd: {  	[tilespmem:s3], [sflag:$0xB] =	stream.linear.gather [hbm4b:s6+s3], $0x500, $0x38;
	[tilespmem:$0x1E200] =	vst v63  }
0xfe: {  	s6 =	sadd.s32 $0x30D40, s6  }
0xff: {  	[tilespmem:s12], [sflag:$0xC] =	stream.linear.gather [hbm4b:s6+s3], $0x500, $0x38;
	[tilespmem:$0x1E200] =	vst v63  }
0x100: {  	_ =	swait.ge [sflag:s13], $0x500  }
0x101: {  	[sflag:s13] =	ssyncset.done $0x0  }
0x102: {  	[sflag:s13] =	ssyncadd.s32 $0xFFFFFB00  }
0x103: {  	[tilespmem:s15], [sflag:$0x1] =	stream.indirect.gather [hbm4b:s4+s14], $0x10, s3, s14, $0xb8;
	[tilespmem:$0x1E200] =	vst v63  }
0x104: {  	_ = 	snop  }
0x105: {  	[tilespmem:s16], [sflag:$0x1] =	stream.indirect.gather [hbm4b:s4+s14], $0x10, s14, s14, $0xb8;
	[tilespmem:$0x1E200] =	vst v63  }
0x106: {  	s24 =	rddreg [dreg:$0x4]  }
0x107: {  	[tilespmem:s17], [sflag:$0x2] =	stream.indirect.gather [hbm4b:s4+s14], $0x10, s24, s14, $0xb8;
	[tilespmem:$0x1E200] =	vst v63  }
0x108: {  	s10 =	rddreg [dreg:$0x5]  }
0x109: {  	[tilespmem:s18], [sflag:$0x2] =	stream.indirect.gather [hbm4b:s4+s14], $0x10, s10, s14, $0xb8;
	[tilespmem:$0x1E200] =	vst v63  }
0x10a: {  	s11 =	rddreg [dreg:$0x6]  }
0x10b: {  	[tilespmem:s19], [sflag:$0x3] =	stream.indirect.gather [hbm4b:s4+s14], $0x10, s11, s14, $0xb8;
	[tilespmem:$0x1E200] =	vst v63  }
0x10c: {  	s24 =	rddreg [dreg:$0x7]  }
0x10d: {  	[tilespmem:s20], [sflag:$0x3] =	stream.indirect.gather [hbm4b:s4+s14], $0x10, s24, s14, $0xb8;
	[tilespmem:$0x1E200] =	vst v63  }
0x10e: {  	s11 =	rddreg [dreg:$0x8]  }
0x10f: {  	[tilespmem:s21], [sflag:$0x4] =	stream.indirect.gather [hbm4b:s4+s14], $0x10, s11, s14, $0xb8;
	[tilespmem:$0x1E200] =	vst v63  }
0x110: {  	s24 =	rddreg [dreg:$0x9]  }
0x111: {  	[tilespmem:s22], [sflag:$0x4] =	stream.indirect.gather [hbm4b:s4+s14], $0x10, s24, s14, $0xb8;
	[tilespmem:$0x1E200] =	vst v63  }
0x112: {  	s11 =	rddreg [dreg:$0xa]  }
0x113: {  	[tilespmem:s23], [sflag:$0x5] =	stream.indirect.gather [hbm4b:s4+s14], $0x10, s11, s14, $0xb8;
	[tilespmem:$0x1E200] =	vst v63  }
0x114: {  	s24 =	rddreg [dreg:$0xb]  }
0x115: {  	[tilespmem:s25], [sflag:$0x5] =	stream.indirect.gather [hbm4b:s4+s14], $0x10, s24, s14, $0xb8;
	[tilespmem:$0x1E200] =	vst v63  }
0x116: {  	_ =	swait.ge [sflag:s26], $0x500  }
0x117: {  	[sflag:s26] =	ssyncset.done $0x0  }
0x118: {  	[sflag:s26] =	ssyncadd.s32 $0xFFFFFB00  }
0x119: {  	_ =	swait.ge [sflag:s28], $0x800  }
0x11a: {  	[sflag:s28] =	ssyncset.done $0x0  }
0x11b: {  	[sflag:s28] =	ssyncadd.s32 $0xFFFFF800  }
0x11c: {  	_ =	swait.ge [sflag:s28], $0x800  }
0x11d: {  	[sflag:s28] =	ssyncset.done $0x0  }
0x11e: {  	[sflag:s28] =	ssyncadd.s32 $0xFFFFF800  }
0x11f: {  	[spmem:s2] =	stream.indirect.scatter.add.f32 [tilespmem:s15], [sflag:$0x6], $0x10, s12, s14, $0xb8;
	[tilespmem:$0x1E200] =	vst v63  }
0x120: {  	s10 =	rddreg [dreg:$0xc]  }
0x121: {  	[spmem:s2] =	stream.indirect.scatter.add.f32 [tilespmem:s16], [sflag:$0x6], $0x10, s10, s14, $0xb8;
	[tilespmem:$0x1E200] =	vst v63  }
0x122: {  	_ =	swait.ge [sflag:s29], $0x800  }
0x123: {  	[sflag:s29] =	ssyncset.done $0x0  }
0x124: {  	[sflag:s29] =	ssyncadd.s32 $0xFFFFF800  }
0x125: {  	_ =	swait.ge [sflag:s29], $0x800  }
0x126: {  	[sflag:s29] =	ssyncset.done $0x0  }
0x127: {  	s11 =	rddreg [dreg:$0xd];
	[sflag:s29] =	ssyncadd.s32 $0xFFFFF800  }
0x128: {  	[spmem:s2] =	stream.indirect.scatter.add.f32 [tilespmem:s17], [sflag:$0x7], $0x10, s11, s14, $0xb8;
	[tilespmem:$0x1E200] =	vst v63  }
0x129: {  	s24 =	rddreg [dreg:$0xe]  }
0x12a: {  	[spmem:s2] =	stream.indirect.scatter.add.f32 [tilespmem:s18], [sflag:$0x7], $0x10, s24, s14, $0xb8;
	[tilespmem:$0x1E200] =	vst v63  }
0x12b: {  	_ =	swait.ge [sflag:s30], $0x800  }
0x12c: {  	[sflag:s30] =	ssyncset.done $0x0  }
0x12d: {  	[sflag:s30] =	ssyncadd.s32 $0xFFFFF800  }
0x12e: {  	_ =	swait.ge [sflag:s30], $0x800  }
0x12f: {  	[sflag:s30] =	ssyncset.done $0x0  }
0x130: {  	s11 =	rddreg [dreg:$0xf];
	[sflag:s30] =	ssyncadd.s32 $0xFFFFF800  }
0x131: {  	[spmem:s2] =	stream.indirect.scatter.add.f32 [tilespmem:s19], [sflag:$0x8], $0x10, s11, s14, $0xb8;
	[tilespmem:$0x1E200] =	vst v63  }
0x132: {  	s24 =	rddreg [dreg:$0x10]  }
0x133: {  	[spmem:s2] =	stream.indirect.scatter.add.f32 [tilespmem:s20], [sflag:$0x8], $0x10, s24, s14, $0xb8;
	[tilespmem:$0x1E200] =	vst v63  }
0x134: {  	_ =	swait.ge [sflag:s31], $0x800  }
0x135: {  	[sflag:s31] =	ssyncset.done $0x0  }
0x136: {  	[sflag:s31] =	ssyncadd.s32 $0xFFFFF800  }
0x137: {  	_ =	swait.ge [sflag:s31], $0x800  }
0x138: {  	[sflag:s31] =	ssyncset.done $0x0  }
0x139: {  	s11 =	rddreg [dreg:$0x11];
	[sflag:s31] =	ssyncadd.s32 $0xFFFFF800  }
0x13a: {  	[spmem:s2] =	stream.indirect.scatter.add.f32 [tilespmem:s21], [sflag:$0x9], $0x10, s11, s14, $0xb8;
	[tilespmem:$0x1E200] =	vst v63  }
0x13b: {  	s24 =	rddreg [dreg:$0x12]  }
0x13c: {  	[spmem:s2] =	stream.indirect.scatter.add.f32 [tilespmem:s22], [sflag:$0x9], $0x10, s24, s14, $0xb8;
	[tilespmem:$0x1E200] =	vst v63  }
0x13d: {  	_ =	swait.ge [sflag:s0], $0x800  }
0x13e: {  	[sflag:s0] =	ssyncset.done $0x0  }
0x13f: {  	[sflag:s0] =	ssyncadd.s32 $0xFFFFF800  }
0x140: {  	_ =	swait.ge [sflag:s0], $0x800  }
0x141: {  	[sflag:s0] =	ssyncset.done $0x0  }
0x142: {  	s11 =	rddreg [dreg:$0x13];
	[sflag:s0] =	ssyncadd.s32 $0xFFFFF800  }
0x143: {  	[spmem:s2] =	stream.indirect.scatter.add.f32 [tilespmem:s23], [sflag:$0xA], $0x10, s11, s14, $0xb8;
	[tilespmem:$0x1E200] =	vst v63  }
0x144: {  	s24 =	rddreg [dreg:$0x14]  }
0x145: {  	[spmem:s2] =	stream.indirect.scatter.add.f32 [tilespmem:s25], [sflag:$0xA], $0x10, s24, s14, $0xb8;
	[tilespmem:$0x1E200] =	vst v63  }
0x146: {  	_ =	swait.ge [sflag:s1], $0x800  }
0x147: {  	[sflag:s1] =	ssyncset.done $0x0  }
0x148: {  	[sflag:s1] =	ssyncadd.s32 $0xFFFFF800  }
0x149: {  	_ =	swait.ge [sflag:s1], $0x800  }
0x14a: {  	[sflag:s1] =	ssyncset.done $0x0  }
0x14b: {  	[sflag:s1] =	ssyncadd.s32 $0xFFFFF800  }
0x14c: {  	_ =	swait.ge [sflag:s5], $0x800  }
0x14d: {  	[sflag:s5] =	ssyncset.done $0x0  }
0x14e: {  	[sflag:s5] =	ssyncadd.s32 $0xFFFFF800  }
0x14f: {  	_ =	swait.ge [sflag:s5], $0x800  }
0x150: {  	[sflag:s5] =	ssyncset.done $0x0  }
0x151: {  	[sflag:s5] =	ssyncadd.s32 $0xFFFFF800  }
0x152: {  	_ =	swait.ge [sflag:s7], $0x800  }
0x153: {  	[sflag:s7] =	ssyncset.done $0x0  }
0x154: {  	[sflag:s7] =	ssyncadd.s32 $0xFFFFF800  }
0x155: {  	_ =	swait.ge [sflag:s7], $0x800  }
0x156: {  	[sflag:s7] =	ssyncset.done $0x0  }
0x157: {  	[sflag:s7] =	ssyncadd.s32 $0xFFFFF800  }
0x158: {  	_ =	swait.ge [sflag:s8], $0x800  }
0x159: {  	[sflag:s8] =	ssyncset.done $0x0  }
0x15a: {  	[sflag:s8] =	ssyncadd.s32 $0xFFFFF800  }
0x15b: {  	_ =	swait.ge [sflag:s8], $0x800  }
0x15c: {  	[sflag:s8] =	ssyncset.done $0x0  }
0x15d: {  	[sflag:s8] =	ssyncadd.s32 $0xFFFFF800  }
0x15e: {  	_ =	swait.ge [sflag:s9], $0x800  }
0x15f: {  	[sflag:s9] =	ssyncset.done $0x0  }
0x160: {  	[sflag:s9] =	ssyncadd.s32 $0xFFFFF800  }
0x161: {  	_ =	swait.ge [sflag:s9], $0x800  }
0x162: {  	[sflag:s9] =	ssyncset.done $0x0  }
0x163: {  	s6 =	simm.s32 @!p0 $0x0;
	s10 =	rddreg [dreg:$0x17];
	[sflag:s9] =	ssyncadd.s32 $0xFFFFF800  }
0x164: {  	[tilespmem:s6], [sflag:$0xD] =	stream.linear.gather @!p0 [hbm4b:s10+s6], $0x80, $0x38;
	[tilespmem:$0x1E200] =	vst v63  }
0x165: {  	s10 =	simm.s32 @!p0 $0xD  }
0x166: {  	_ =	swait.ge @!p0 [sflag:s10], $0x80  }
0x167: {  	[sflag:s10] =	ssyncset.done @!p0 $0x0  }
0x168: {  	s11 =	simm.s32 @!p0 $0x500;
	s24 =	rddreg [dreg:$0x18];
	[sflag:s10] =	ssyncadd.s32 @!p0 $0xFFFFFF80  }
0x169: {  	[tilespmem:s11], [sflag:$0xD] =	stream.linear.gather @!p0 [hbm4b:s24+s6], $0x80, $0x38;
	[tilespmem:$0x1E200] =	vst v63  }
0x16a: {  	_ =	swait.ge @!p0 [sflag:s10], $0x80  }
0x16b: {  	[sflag:s10] =	ssyncset.done @!p0 $0x0  }
0x16c: {  	s24 =	simm.s32 @!p0 $0xA00;
	[sflag:s10] =	ssyncadd.s32 @!p0 $0xFFFFFF80;
	s10 =	simm.s32 @!p0 $0x80  }
0x16d: {  	[tilespmem:s24], [sflag:$0x1] =	stream.indirect.gather @!p0 [hbm4b:s4+s10], $0x10, s6, s10, $0xb8;
	[tilespmem:$0x1E200] =	vst v63  }
0x16e: {  	s6 =	simm.s32 @!p0 $0x1  }
0x16f: {  	_ =	swait.ge @!p0 [sflag:s6], $0x800  }
0x170: {  	[sflag:s6] =	ssyncset.done @!p0 $0x0  }
0x171: {  	[sflag:s6] =	ssyncadd.s32 @!p0 $0xFFFFF800;
	s6 =	simm.s32 @!p0 $0x6  }
0x172: {  	[spmem:s2] =	stream.indirect.scatter.add.f32 @!p0 [tilespmem:s24], [sflag:$0x6], $0x10, s11, s10, $0xb8;
	[tilespmem:$0x1E200] =	vst v63  }
0x173: {  	_ =	swait.ge @!p0 [sflag:s6], $0x800  }
0x174: {  	[sflag:s6] =	ssyncset.done @!p0 $0x0  }
0x175: {  	[sflag:s6] =	ssyncadd.s32 @!p0 $0xFFFFF800  }
0x176: {  	[bflag:$0x0] =	sbarrier.arrive $0xFFFF  }
0x177: {  	s10 =	rddreg [dreg:$0x16]  }
0x178: {  	s6 =	rddreg [dreg:$0x1a]  }
0x179: {  	s24 =	rddreg [dreg:$0x1b]  }
0x17a: {  	[hbm:s24], [sflag:s10] =	dma.local [spmem:s6], $0x3100  }
0x17b: {  	s24 =	simm.s32 $0xD  }
0x17c: {  	_ =	swait.ge [sflag:s24], $0x3100  }
0x17d: {  	s6 =	rddreg [dreg:$0x1c]  }
0x17e: {  	s11 =	sadd.s32 $0x1, s6;
	s6 =	rddreg [dreg:$0x19]  }
0x17f: {  	p1 =	sne.s32 s11, s6  }
.Ltmp1:
0x180: {  	_ = 	snop;
	(pc) =	sbr.rel @p1 .LBB2_1-.Ltmp1, $3  }
0x181: {  	_ =	sdelay $0x1  }
0x182: {  	[sflag:s24] =	ssyncset.done $0x0;
	[dreg:$0x1c] =	wrdreg s11  }
0x183: {  	[sflag:s24] =	ssyncadd.s32 $0xFFFFCF00;
	s11 =	smov.u32 s10;
	s10 =	rddreg [dreg:$0x1a]  }
0x184: {  	_ =	sfence.sel $0x180000  }
0x185: {  	[bflag:$0x0] =	sbarrier.arrive $0xFFFF  }
0x186: {  	_ =	strace $0x9000004A  }
0x187: {  	s0 =	stileid.u32;
	[bflag:$0x2] =	sbarrier.arrive $0xFFFF  }
0x188: {  	p0 =	sne.s32 s0, $0x0;
	s0 =	rddreg [dreg:$0x2]  }
0x189: {  	s0 =	sadd.s32 @!p0 $0x100000, s0  }
0x18a: {  	[sflag:s0] =	ssyncadd.tile.s32 @!p0 $0x1;
	_ =	shalt  }
.Lfunc_end2:
_tile_overlayer_lowered:
.L_overlay_start_2:
0x18b: {  	(tag) =	ssettag $0x2  }
0x18c: {  	s0 =	rddreg [dreg:$0x0];
	s2 =	stileid.u32  }
0x18d: {  	s1 =	rddreg [dreg:$0x1];
	p0 =	sne.s32 s2, $0x0  }
0x18e: {  	s3 =	rddreg [dreg:$0x2];
	[bflag:$0x3] =	sbarrier.arrive $0xFFFF;
	s2 =	simm.s32 @!p0 $0x1C0D  }
0x18f: {  	[timem:s3], [sflag:s2] =	dma.local @!p0 [hbm:s0], s1  }
0x190: {  	s0 =	simm.s32 @!p0 $0xD  }
0x191: {  	_ =	swait.ge @!p0 [sflag:s0], s1  }
0x192: {  	s1 =	ssub.s32 @!p0 $0x0, s1;
	[sflag:s0] =	ssyncset.done @!p0 $0x0  }
0x193: {  	[sflag:s0] =	ssyncadd.s32 @!p0 s1  }
0x194: {  	[bflag:$0x3] =	sbarrier.arrive $0xFFFF  }
0x195: {  	_ =	shalt  }

// kernel: kernel.17.cloned.1.call-start
scs
__scs_entry_jumppad:
0x0: {  	(pc) =	sbr.rel $0x88, $3  }
0x1: {  	(tag) =	ssettag $0x0;
	lr =	simm.s32 $0x1  }
0x2: {  	[smem:$0x3F98] =	sst lr;
	_ =	strace $0xD0000000  }
0x3: {  	_ = 	snop  }
0x4: {  	_ = 	snop  }
0x5: {  	_ = 	snop  }
0x6: {  	_ = 	snop  }
0x7: {  	_ = 	snop  }
__scs_overlays_trampoline_lowered:
0x8: {  	[smem:$0x3FA7] =	sst s0  }
0x9: {  	[smem:$0x3FA8] =	sst s1  }
0xa: {  	[smem:$0x3FA9] =	sst s2  }
0xb: {  	[smem:$0x3FAA] =	sst s3  }
0xc: {  	[smem:$0x3FAB] =	sst s4  }
0xd: {  	[smem:$0x3FAC] =	sst s5  }
0xe: {  	[smem:$0x3FAD] =	sst s6  }
0xf: {  	[smem:$0x3FAE] =	sst s7  }
0x10: {  	[smem:$0x3FAF] =	sst s8  }
0x11: {  	[smem:$0x3FB0] =	sst s9;
	s0 =	simm.s32 @!p0 $0x0  }
0x12: {  	s1 =	sld [smem:$0x3F96];
	s0 =	simm.s32 @p0 $0x1  }
0x13: {  	[smem:$0x3FB1] =	sst s0;
	s0 =	simm.s32 @!p1 $0x0  }
0x14: {  	s2 =	sld [smem:$0x3F95];
	s0 =	simm.s32 @p1 $0x1  }
0x15: {  	[smem:$0x3FB2] =	sst s0;
	s0 =	simm.s32 @!p2 $0x0  }
0x16: {  	s3 =	sld [smem:$0x3FDB];
	s0 =	simm.s32 @p2 $0x1  }
0x17: {  	s4 =	simm.s32 $0x1BF5;
	[smem:$0x3FB4] =	sst s0  }
0x18: {  	s0 =	sld [smem:$0x3F97];
	_ =	swait.ge [sflag:s4], $0x0  }
0x19: {  	s7 =	sld [smem:$0x3F98]  }
0x1a: {  	s8 =	sadd.s32 $0xFFFFE003, lr  }
0x1b: {  	s9 =	sadd.s32 $0xFFFFFEF7, lr;
	s5 =	simm.s32 $0xFFFFFFFF;
	p2 =	slt.u32 s8, $0xFFFFF086  }
0x1c: {  	p1 =	slt.u32 s9, $0xF7A;
	s5 =	simm.s32 @!p2 $0x0  }
0x1d: {  	s5 =	simm.s32 @p1 $0x1;
	p0 =	seq.s32 s7, s2  }
0x1e: {  	s7 =	smul.u32 @!p0 $0xF7A, s2;
	p2 =	seq.s32 @!p0 s5, $0x0  }
0x1f: {  	s9 =	smul.u32 $0xF7A, s1;
	s8 =	simm.s32 @!p0 $0x1BF5;
	p2 =	por !p2, p0  }
0x20: {  	[sflag:s8] =	ssyncset.s32 @!p0 $0xFFFFF086;
	s6 =	sadd.s32 @!p0 s3, s7;
	s7 =	simm.s32 @!p0 $0x108  }
0x21: {  	s3 =	sadd.s32 s3, s9;
	s6 =	sadd.s32 @!p0 $0x88, s6;
	s7 =	simm.s32 @p2 $0x1082  }
0x22: {  	[simem:s7], [sflag:s8] =	dma.local @!p0 [hbm:s6], $0xF7A  }
0x23: {  	s9 =	sor.u32 $0xD0000000, s2;
	s6 =	simm.s32 $0x108;
	_ =	swait.ge @!p0 [sflag:s8], $0x0  }
0x24: {  	s3 =	sadd.s32 $0x88, s3;
	s6 =	simm.s32 @!p1 $0x1082;
	[sflag:s4] =	ssyncset.s32 $0xFFFFF086  }
0x25: {  	[simem:s6], [sflag:s4] =	dma.local [hbm:s3], $0xF7A  }
0x26: {  	[smem:$0x3F98] =	sst s1;
	(tag) =	ssettag s2;
	_ =	strace s9  }
0x27: {  	s1 =	sld [smem:$0x3FA8]  }
0x28: {  	s2 =	sld [smem:$0x3FA9]  }
0x29: {  	s4 =	sld [smem:$0x3FAB]  }
0x2a: {  	p0 =	seq.s32 s5, $0x0;
	s5 =	sld [smem:$0x3FAC]  }
0x2b: {  	s6 =	sld [smem:$0x3FAD]  }
0x2c: {  	s7 =	sld [smem:$0x3FAE]  }
0x2d: {  	s3 =	simm.s32 $0x108;
	s8 =	sld [smem:$0x3FAF]  }
0x2e: {  	s3 =	simm.s32 @!p0 $0x1082;
	s9 =	sld [smem:$0x3FB0]  }
0x2f: {  	lr =	sadd.s32 s0, s3;
	s0 =	sld [smem:$0x3FA7]  }
0x30: {  	s3 =	sld [smem:$0x3FAA]  }
0x31: {  	[smem:$0x3FB3] =	sst s10  }
0x32: {  	s10 =	sld [smem:$0x3FB1];
	_ =	sdelay $0x3  }
0x33: {  	p0 =	seq.s32 s10, $0x1;
	s10 =	sld [smem:$0x3FB3];
	_ =	sdelay $0x3  }
0x34: {  	[smem:$0x3FB3] =	sst s10  }
0x35: {  	s10 =	sld [smem:$0x3FB2];
	_ =	sdelay $0x3  }
0x36: {  	p1 =	seq.s32 s10, $0x1;
	s10 =	sld [smem:$0x3FB3];
	_ =	sdelay $0x3  }
0x37: {  	[smem:$0x3FB3] =	sst s10  }
0x38: {  	s10 =	sld [smem:$0x3FB4]  }
0x39: {  	_ = 	snop;
	(pc) =	sbr.ind lr, $3  }
0x3a: {  	_ = 	snop  }
0x3b: {  	_ = 	snop  }
0x3c: {  	p2 =	seq.s32 s10, $0x1;
	s10 =	sld [smem:$0x3FB3]  }
0x3d: {  	_ =	shalt  }
0x3e: {  	_ =	shalt  }
0x3f: {  	_ =	shalt  }
0x40: {  	_ =	shalt  }
0x41: {  	_ =	shalt  }
0x42: {  	_ =	shalt  }
0x43: {  	_ =	shalt  }
0x44: {  	_ =	shalt  }
0x45: {  	_ =	shalt  }
0x46: {  	_ =	shalt  }
0x47: {  	_ =	shalt  }
0x48: {  	_ =	shalt  }
0x49: {  	_ =	shalt  }
0x4a: {  	_ =	shalt  }
0x4b: {  	_ =	shalt  }
0x4c: {  	_ =	shalt  }
0x4d: {  	_ =	shalt  }
0x4e: {  	_ =	shalt  }
0x4f: {  	_ =	shalt  }
0x50: {  	_ =	shalt  }
0x51: {  	_ =	shalt  }
0x52: {  	_ =	shalt  }
0x53: {  	_ =	shalt  }
0x54: {  	_ =	shalt  }
0x55: {  	_ =	shalt  }
0x56: {  	_ =	shalt  }
0x57: {  	_ =	shalt  }
0x58: {  	_ =	shalt  }
0x59: {  	_ =	shalt  }
0x5a: {  	_ =	shalt  }
0x5b: {  	_ =	shalt  }
0x5c: {  	_ =	shalt  }
0x5d: {  	_ =	shalt  }
0x5e: {  	_ =	shalt  }
0x5f: {  	_ =	shalt  }
0x60: {  	_ =	shalt  }
0x61: {  	_ =	shalt  }
0x62: {  	_ =	shalt  }
0x63: {  	_ =	shalt  }
0x64: {  	_ =	shalt  }
0x65: {  	_ =	shalt  }
0x66: {  	_ =	shalt  }
0x67: {  	_ =	shalt  }
0x68: {  	_ =	shalt  }
0x69: {  	_ =	shalt  }
0x6a: {  	_ =	shalt  }
0x6b: {  	_ =	shalt  }
0x6c: {  	_ =	shalt  }
0x6d: {  	_ =	shalt  }
0x6e: {  	_ =	shalt  }
0x6f: {  	_ =	shalt  }
0x70: {  	_ =	shalt  }
0x71: {  	_ =	shalt  }
0x72: {  	_ =	shalt  }
0x73: {  	_ =	shalt  }
0x74: {  	_ =	shalt  }
0x75: {  	_ =	shalt  }
0x76: {  	_ =	shalt  }
0x77: {  	_ =	shalt  }
0x78: {  	_ =	shalt  }
0x79: {  	_ =	shalt  }
0x7a: {  	_ =	shalt  }
0x7b: {  	_ =	shalt  }
0x7c: {  	_ =	shalt  }
0x7d: {  	_ =	shalt  }
0x7e: {  	_ =	shalt  }
0x7f: {  	_ =	shalt  }
0x80: {  	_ =	shalt  }
0x81: {  	_ =	shalt  }
0x82: {  	_ =	shalt  }
0x83: {  	_ =	shalt  }
0x84: {  	_ =	shalt  }
0x85: {  	_ =	shalt  }
0x86: {  	_ =	shalt  }
0x87: {  	_ =	shalt  }
.Lfunc_end0:
.L_simem_size_0:
called_computation.2_lowered:
.L_overlay_start_0:
0x88: {  	s2 =	sld [smem:$0x3FD9]  }
0x89: {  	s3 =	sld [smem:$0x3FFE];
	_ =	sdelay $0x1  }
0x8a: {  	s1 =	srdreg.scid  }
0x8b: {  	s0 =	sand.u32 $0x1, s1  }
0x8c: {  	s16 =	sshll.u32 s0, $0xA;
	s2 =	sadd.s32 s3, s2  }
0x8d: {  	s2 =	sadd.s32 s2, s16  }
0x8e: {  	[smem:$0x3FBF] =	sst s2  }
0x8f: {  	_ = 	snop  }
0x90: {  	(tm) =	ssettm $0x1  }
0x91: {  	s17 =	sld [smem:$0x3FFB];
	_ =	sdelay $0x3  }
0x92: {  	_ =	strace s17  }
0x93: {  	s2 =	sld [smem:$0x3FFC];
	_ =	sdelay $0x3  }
0x94: {  	_ =	strace s2  }
0x95: {  	s2 =	sld [smem:$0x3FFD];
	_ =	sdelay $0x3  }
0x96: {  	_ =	strace s2  }
0x97: {  	_ =	strace $0x8FFFFFFF  }
0x98: {  	s18 =	sld [smem:$0x3FDB];
	_ =	sdelay $0x1  }
0x99: {  	s19 =	simm.s32 $_scs_section_size  }
0x9a: {  	s4 =	simm.s32 $_size__tile_overlayer_lowered;
	s5 =	simm.s32 $_tile_overlayer_lowered  }
0x9b: {  	s22 =	simm.s32 $0x1BFF;
	s21 =	sshll.u32 s5, $0x1;
	s2 =	sadd.s32 s19, s18  }
0x9c: {  	s6 =	simm.s32 $0x0;
	s20 =	sshll.u32 s4, $0x1;
	s4 =	sadd.s32 s21, s2  }
0x9d: {  	[timem:s6], [sflag:s22] =	dma.local [hbm:s4], s20  }
0x9e: {  	_ =	swait.ge [sflag:s22], s20  }
0x9f: {  	s3 =	ssub.s32 $0x0, s20;
	[sflag:s22] =	ssyncset.done $0x0  }
0xa0: {  	[sflag:s22] =	ssyncadd.s32 s3;
	_ =	sdelay $0x1  }
0xa1: {  	s23 =	simm.s32 $0x1B8B  }
0xa2: {  	_ =	swait.ge [sflag:s23], $0x1  }
0xa3: {  	[sflag:s23] =	ssyncset.done $0x0  }
0xa4: {  	s25 =	simm.s32 $0x1B8E;
	s24 =	sld [smem:$0x3FFE];
	[sflag:s23] =	ssyncadd.s32 $0xFFFFFFFF  }
0xa5: {  	s26 =	simm.s32 $execute0_lowered;
	[smem:$0x3FD2] =	sst s25  }
0xa6: {  	s4 =	sshll.u32 s26, $0x1;
	_ =	strace $0x8000004C;
	[dreg:$0x1] =	wrdreg $0xFFFFFFFF  }
0xa7: {  	s28 =	simm.s32 $_size_execute0_lowered;
	s2 =	sadd.s32 s2, s4;
	[dreg:$0x0] =	wrdreg $0x0  }
0xa8: {  	s4 =	sshll.u32 s28, $0x1;
	[dreg:$0x2] =	wrdreg s2  }
0xa9: {  	[dreg:$0x3] =	wrdreg s4  }
0xaa: {  	[dreg:$0x4] =	wrdreg $0xC0  }
0xab: {  	_ =	task [dreg:s6], $0x5FFFF  }
0xac: {  	[dreg:$0x1] =	wrdreg $0xFFFFFFFF  }
0xad: {  	[dreg:$0x0] =	wrdreg $0x60  }
0xae: {  	[dreg:$0x2] =	wrdreg s24  }
0xaf: {  	[dreg:$0x3] =	wrdreg $0x5A000  }
0xb0: {  	[dreg:$0x4] =	wrdreg $0x9  }
0xb1: {  	_ =	task.clear_ibuf [dreg:s6], $0x5FFFF;
	_ =	strace $0x9000004C  }
0xb2: {  	s29 =	simm.s32 $0x9;
	_ =	strace $0x8000004E  }
0xb3: {  	_ =	swait.ge [sflag:s29], $0x1  }
0xb4: {  	[sflag:s29] =	ssyncadd.s32 $0xFFFFFFFF  }
0xb5: {  	_ =	strace $0x9000004E  }
0xb6: {  	_ =	sfence  }
0xb7: {  	s30 =	sld [smem:$0x0];
	_ =	sdelay $0x2  }
0xb8: {  	s31 =	sshll.u32 s1, $0xD;
	s1 =	sshrl.u32 s1, $0x2  }
0xb9: {  	s3 =	sand.u32 $0x4000, s31;
	s1 =	sadd.s32 s1, s30  }
0xba: {  	s0 =	sor.u32 s3, s0;
	s1 =	sshll.u32 s1, $0x11  }
0xbb: {  	s0 =	sor.u32 s1, s0  }
0xbc: {  	s0 =	sadd.s32 $0x8F2B, s0  }
0xbd: {  	[sflag:s0] =	ssyncadd.remote.s32 $0x1  }
0xbe: {  	_ =	sfence.sel $0xFFFF  }
0xbf: {  	[dreg:$0x0] =	wrdreg $0xFFFFFFFF;
	(pc) =	sbr.abs _section_cstart, $3  }
0xc0: {  	[dreg:$0x1] =	wrdreg $0xFFFFFFFF  }
0xc1: {  	_ =	task.clear_ibuf [dreg:s6], $0x2FFFF;
	_ =	strace $0x9FFFFFFF  }
0xc2: {  	(tm) =	ssettm $0x7FFFFFFF  }
0xc3: {  	_ =	shalt  }
tec
execute0_lowered:
.L_overlay_start_1:
0x0: {  	(tag) =	ssettag $0x1  }
0x1: {  	s1 =	rddreg [dreg:$0x0]  }
0x2: {  	s2 =	rddreg [dreg:$0x1];
	s3 =	simm.s32 $0x0  }
0x3: {  	s24 =	stileid.u32;
	s0 =	srdreg.scid;
	s25 =	simm.s32 $0x100  }
0x4: {  	s26 =	simm.s32 $0x180;
	s14 =	simm.s32 $0x380;
	s15 =	simm.s32 $0x400  }
0x5: {  	s16 =	simm.s32 $0x480;
	s17 =	simm.s32 $0x580;
	s18 =	simm.s32 $0x600  }
0x6: {  	s19 =	simm.s32 $0x680;
	s20 =	simm.s32 $0x700;
	s21 =	simm.s32 $0x780  }
0x7: {  	s28 =	simm.s32 $0x1;
	s29 =	simm.s32 $0x2;
	[smem:$0x7FF] =	sst s3  }
0x8: {  	s30 =	simm.s32 $0x3;
	_ =	strace $0x8000004D;
	[dreg:$0x4] =	wrdreg s25  }
0x9: {  	s31 =	simm.s32 $0x4;
	s5 =	smul.u32 $0x18800, s24;
	[dreg:$0x5] =	wrdreg s26  }
0xa: {  	s6 =	sand.u32 $0x1, s0;
	s4 =	sadd.s32 $0x65A00, s1;
	[dreg:$0x9] =	wrdreg s14  }
0xb: {  	s8 =	sadd.s32 $0x3E00, s1;
	s22 =	sshll.u32 s24, $0x1;
	[dreg:$0xa] =	wrdreg s15  }
0xc: {  	s11 =	smul.u32 $0x30C, s24;
	s23 =	sshll.u32 s24, $0x6;
	[dreg:$0xb] =	wrdreg s16  }
0xd: {  	p0 =	sgt.u32 s24, $0x9;
	s24 =	simm.s32 $0xD;
	[dreg:$0xc] =	wrdreg s17  }
0xe: {  	s7 =	smul.u32 $0x31000, s6;
	s10 =	ssub.s32 $0x2, s6;
	[dreg:$0xd] =	wrdreg s18  }
0xf: {  	s14 =	simm.s32 $0x80;
	s15 =	simm.s32 $0xA00;
	[dreg:$0xe] =	wrdreg s19  }
0x10: {  	s16 =	simm.s32 $0x1200;
	s17 =	simm.s32 $0x1A00;
	[dreg:$0xf] =	wrdreg s20  }
0x11: {  	s18 =	simm.s32 $0x2200;
	[dreg:$0x10] =	wrdreg s21;
	s19 =	simm.s32 $0x2A00  }
0x12: {  	s20 =	simm.s32 $0x3200;
	s25 =	simm.s32 $0x900;
	s21 =	simm.s32 $0x3A00  }
0x13: {  	s26 =	simm.s32 $0x980;
	s0 =	sshrl.u32 s5, $0x3;
	[dreg:$0x13] =	wrdreg s25  }
0x14: {  	s12 =	sshrl.u32 s10, $0x1;
	s5 =	sadd.s32 s5, s2;
	[dreg:$0x14] =	wrdreg s26  }
0x15: {  	s25 =	simm.s32 $0x5200;
	s26 =	simm.s32 $0xC;
	s9 =	sadd.s32 s0, s1  }
0x16: {  	s1 =	sadd.s32 s7, s1;
	s7 =	sor.u32 s6, s22;
	s6 =	smul.u32 $0x186, s6  }
0x17: {  	s10 =	ssub.s32 s10, s12;
	s22 =	simm.s32 $0x800;
	s13 =	smin.u32 s7, $0x14  }
0x18: {  	s7 =	smul.u32 $0x186, s7;
	s9 =	sadd.s32 $0x96A00, s9;
	s1 =	sadd.s32 $0xC7A00, s1  }
0x19: {  	s12 =	smax.u32 s10, $0x1;
	s10 =	sshrl.u32 s5, $0x3;
	[dreg:$0x11] =	wrdreg s22  }
0x1a: {  	s22 =	simm.s32 $0x4200;
	s5 =	simm.s32 $0x7;
	[dreg:$0x15] =	wrdreg s9  }
0x1b: {  	s11 =	sadd.s32 s11, s13;
	s9 =	simm.s32 $0x280;
	[dreg:$0x19] =	wrdreg s12  }
0x1c: {  	s12 =	simm.s32 $0x500;
	s0 =	sadd.s32 s0, s1;
	[dreg:$0x1a] =	wrdreg s10  }
0x1d: {  	s1 =	simm.s32 $0x6;
	s6 =	sadd.s32 s6, s11;
	[dreg:$0x7] =	wrdreg s9  }
0x1e: {  	s7 =	sadd.s32 s13, s7;
	s13 =	simm.s32 $0x300;
	[dreg:$0x1b] =	wrdreg s0  }
0x1f: {  	s11 =	sor.u32 $0x1C0D, s23;
	s23 =	simm.s32 $0x880;
	[dreg:$0x8] =	wrdreg s13  }
0x20: {  	s6 =	sshll.u32 s6, $0x4;
	s7 =	sshll.u32 s7, $0x4;
	[dreg:$0x12] =	wrdreg s23  }
0x21: {  	[dreg:$0x16] =	wrdreg s11;
	s6 =	sadd.s32 s6, s8;
	s7 =	sadd.s32 s8, s7  }
0x22: {  	s0 =	simm.s32 $0x5;
	[dreg:$0x3] =	wrdreg s6;
	s8 =	sadd.s32 $0x1860, s7  }
0x23: {  	s9 =	simm.s32 $0xA;
	s7 =	sadd.s32 $0x325A0, s7;
	[dreg:$0x17] =	wrdreg s8  }
0x24: {  	s13 =	simm.s32 $0xB;
	s6 =	simm.s32 $0x0;
	[dreg:$0x18] =	wrdreg s7  }
0x25: {  	s23 =	simm.s32 $0x4A00;
	s8 =	simm.s32 $0x200;
	[dreg:$0x1c] =	wrdreg s6  }
0x26: {  	s7 =	simm.s32 $0x8;
	[dreg:$0x6] =	wrdreg s8;
	s8 =	simm.s32 $0x9  }
.LBB2_1:
0x27: {  	s6 =	rddreg [dreg:$0x15]  }
0x28: {  	[spmem:s10], [sflag:s11] =	dma.local [hbm:s6], $0x3100  }
0x29: {  	_ =	swait.ge [sflag:s24], $0x3100  }
0x2a: {  	[sflag:s24] =	ssyncset.done $0x0  }
0x2b: {  	[sflag:s24] =	ssyncadd.s32 $0xFFFFCF00  }
0x2c: {  	[bflag:$0x0] =	sbarrier.arrive $0xFFFF  }
0x2d: {  	s10 =	rddreg [dreg:$0x3]  }
0x2e: {  	s6 =	sadd.s32 $0x0, s10  }
0x2f: {  	[tilespmem:s3], [sflag:$0xB] =	stream.linear.gather [hbm4b:s6+s3], $0x500, $0x38;
	[tilespmem:$0x1E200] =	vst v63  }
0x30: {  	s6 =	sadd.s32 $0x30D40, s6  }
0x31: {  	[tilespmem:s12], [sflag:$0xC] =	stream.linear.gather [hbm4b:s6+s3], $0x500, $0x38;
	[tilespmem:$0x1E200] =	vst v63  }
0x32: {  	_ =	swait.ge [sflag:s13], $0x500  }
0x33: {  	[sflag:s13] =	ssyncset.done $0x0  }
0x34: {  	[sflag:s13] =	ssyncadd.s32 $0xFFFFFB00  }
0x35: {  	[tilespmem:s15], [sflag:$0x1] =	stream.indirect.gather [hbm4b:s4+s14], $0x10, s3, s14, $0xb8;
	[tilespmem:$0x1E200] =	vst v63  }
0x36: {  	_ = 	snop  }
0x37: {  	[tilespmem:s16], [sflag:$0x1] =	stream.indirect.gather [hbm4b:s4+s14], $0x10, s14, s14, $0xb8;
	[tilespmem:$0x1E200] =	vst v63  }
0x38: {  	s11 =	rddreg [dreg:$0x4]  }
0x39: {  	[tilespmem:s17], [sflag:$0x2] =	stream.indirect.gather [hbm4b:s4+s14], $0x10, s11, s14, $0xb8;
	[tilespmem:$0x1E200] =	vst v63  }
0x3a: {  	s24 =	rddreg [dreg:$0x5]  }
0x3b: {  	[tilespmem:s18], [sflag:$0x2] =	stream.indirect.gather [hbm4b:s4+s14], $0x10, s24, s14, $0xb8;
	[tilespmem:$0x1E200] =	vst v63  }
0x3c: {  	s11 =	rddreg [dreg:$0x6]  }
0x3d: {  	[tilespmem:s19], [sflag:$0x3] =	stream.indirect.gather [hbm4b:s4+s14], $0x10, s11, s14, $0xb8;
	[tilespmem:$0x1E200] =	vst v63  }
0x3e: {  	s24 =	rddreg [dreg:$0x7]  }
0x3f: {  	[tilespmem:s20], [sflag:$0x3] =	stream.indirect.gather [hbm4b:s4+s14], $0x10, s24, s14, $0xb8;
	[tilespmem:$0x1E200] =	vst v63  }
0x40: {  	s11 =	rddreg [dreg:$0x8]  }
0x41: {  	[tilespmem:s21], [sflag:$0x4] =	stream.indirect.gather [hbm4b:s4+s14], $0x10, s11, s14, $0xb8;
	[tilespmem:$0x1E200] =	vst v63  }
0x42: {  	s24 =	rddreg [dreg:$0x9]  }
0x43: {  	[tilespmem:s22], [sflag:$0x4] =	stream.indirect.gather [hbm4b:s4+s14], $0x10, s24, s14, $0xb8;
	[tilespmem:$0x1E200] =	vst v63  }
0x44: {  	s11 =	rddreg [dreg:$0xa]  }
0x45: {  	[tilespmem:s23], [sflag:$0x5] =	stream.indirect.gather [hbm4b:s4+s14], $0x10, s11, s14, $0xb8;
	[tilespmem:$0x1E200] =	vst v63  }
0x46: {  	s24 =	rddreg [dreg:$0xb]  }
0x47: {  	[tilespmem:s25], [sflag:$0x5] =	stream.indirect.gather [hbm4b:s4+s14], $0x10, s24, s14, $0xb8;
	[tilespmem:$0x1E200] =	vst v63  }
0x48: {  	_ =	swait.ge [sflag:s26], $0x500  }
0x49: {  	[sflag:s26] =	ssyncset.done $0x0  }
0x4a: {  	[sflag:s26] =	ssyncadd.s32 $0xFFFFFB00  }
0x4b: {  	_ =	swait.ge [sflag:s28], $0x800  }
0x4c: {  	[sflag:s28] =	ssyncset.done $0x0  }
0x4d: {  	[sflag:s28] =	ssyncadd.s32 $0xFFFFF800  }
0x4e: {  	_ =	swait.ge [sflag:s28], $0x800  }
0x4f: {  	[sflag:s28] =	ssyncset.done $0x0  }
0x50: {  	[sflag:s28] =	ssyncadd.s32 $0xFFFFF800  }
0x51: {  	[spmem:s2] =	stream.indirect.scatter.add.f32 [tilespmem:s15], [sflag:$0x6], $0x10, s12, s14, $0xb8;
	[tilespmem:$0x1E200] =	vst v63  }
0x52: {  	s10 =	rddreg [dreg:$0xc]  }
0x53: {  	[spmem:s2] =	stream.indirect.scatter.add.f32 [tilespmem:s16], [sflag:$0x6], $0x10, s10, s14, $0xb8;
	[tilespmem:$0x1E200] =	vst v63  }
0x54: {  	_ =	swait.ge [sflag:s29], $0x800  }
0x55: {  	[sflag:s29] =	ssyncset.done $0x0  }
0x56: {  	[sflag:s29] =	ssyncadd.s32 $0xFFFFF800  }
0x57: {  	_ =	swait.ge [sflag:s29], $0x800  }
0x58: {  	[sflag:s29] =	ssyncset.done $0x0  }
0x59: {  	s11 =	rddreg [dreg:$0xd];
	[sflag:s29] =	ssyncadd.s32 $0xFFFFF800  }
0x5a: {  	[spmem:s2] =	stream.indirect.scatter.add.f32 [tilespmem:s17], [sflag:$0x7], $0x10, s11, s14, $0xb8;
	[tilespmem:$0x1E200] =	vst v63  }
0x5b: {  	s24 =	rddreg [dreg:$0xe]  }
0x5c: {  	[spmem:s2] =	stream.indirect.scatter.add.f32 [tilespmem:s18], [sflag:$0x7], $0x10, s24, s14, $0xb8;
	[tilespmem:$0x1E200] =	vst v63  }
0x5d: {  	_ =	swait.ge [sflag:s30], $0x800  }
0x5e: {  	[sflag:s30] =	ssyncset.done $0x0  }
0x5f: {  	[sflag:s30] =	ssyncadd.s32 $0xFFFFF800  }
0x60: {  	_ =	swait.ge [sflag:s30], $0x800  }
0x61: {  	[sflag:s30] =	ssyncset.done $0x0  }
0x62: {  	s11 =	rddreg [dreg:$0xf];
	[sflag:s30] =	ssyncadd.s32 $0xFFFFF800  }
0x63: {  	[spmem:s2] =	stream.indirect.scatter.add.f32 [tilespmem:s19], [sflag:$0x8], $0x10, s11, s14, $0xb8;
	[tilespmem:$0x1E200] =	vst v63  }
0x64: {  	s24 =	rddreg [dreg:$0x10]  }
0x65: {  	[spmem:s2] =	stream.indirect.scatter.add.f32 [tilespmem:s20], [sflag:$0x8], $0x10, s24, s14, $0xb8;
	[tilespmem:$0x1E200] =	vst v63  }
0x66: {  	_ =	swait.ge [sflag:s31], $0x800  }
0x67: {  	[sflag:s31] =	ssyncset.done $0x0  }
0x68: {  	[sflag:s31] =	ssyncadd.s32 $0xFFFFF800  }
0x69: {  	_ =	swait.ge [sflag:s31], $0x800  }
0x6a: {  	[sflag:s31] =	ssyncset.done $0x0  }
0x6b: {  	s11 =	rddreg [dreg:$0x11];
	[sflag:s31] =	ssyncadd.s32 $0xFFFFF800  }
0x6c: {  	[spmem:s2] =	stream.indirect.scatter.add.f32 [tilespmem:s21], [sflag:$0x9], $0x10, s11, s14, $0xb8;
	[tilespmem:$0x1E200] =	vst v63  }
0x6d: {  	s24 =	rddreg [dreg:$0x12]  }
0x6e: {  	[spmem:s2] =	stream.indirect.scatter.add.f32 [tilespmem:s22], [sflag:$0x9], $0x10, s24, s14, $0xb8;
	[tilespmem:$0x1E200] =	vst v63  }
0x6f: {  	_ =	swait.ge [sflag:s0], $0x800  }
0x70: {  	[sflag:s0] =	ssyncset.done $0x0  }
0x71: {  	[sflag:s0] =	ssyncadd.s32 $0xFFFFF800  }
0x72: {  	_ =	swait.ge [sflag:s0], $0x800  }
0x73: {  	[sflag:s0] =	ssyncset.done $0x0  }
0x74: {  	s11 =	rddreg [dreg:$0x13];
	[sflag:s0] =	ssyncadd.s32 $0xFFFFF800  }
0x75: {  	[spmem:s2] =	stream.indirect.scatter.add.f32 [tilespmem:s23], [sflag:$0xA], $0x10, s11, s14, $0xb8;
	[tilespmem:$0x1E200] =	vst v63  }
0x76: {  	s24 =	rddreg [dreg:$0x14]  }
0x77: {  	[spmem:s2] =	stream.indirect.scatter.add.f32 [tilespmem:s25], [sflag:$0xA], $0x10, s24, s14, $0xb8;
	[tilespmem:$0x1E200] =	vst v63  }
0x78: {  	_ =	swait.ge [sflag:s1], $0x800  }
0x79: {  	[sflag:s1] =	ssyncset.done $0x0  }
0x7a: {  	[sflag:s1] =	ssyncadd.s32 $0xFFFFF800  }
0x7b: {  	_ =	swait.ge [sflag:s1], $0x800  }
0x7c: {  	[sflag:s1] =	ssyncset.done $0x0  }
0x7d: {  	[sflag:s1] =	ssyncadd.s32 $0xFFFFF800  }
0x7e: {  	_ =	swait.ge [sflag:s5], $0x800  }
0x7f: {  	[sflag:s5] =	ssyncset.done $0x0  }
0x80: {  	[sflag:s5] =	ssyncadd.s32 $0xFFFFF800  }
0x81: {  	_ =	swait.ge [sflag:s5], $0x800  }
0x82: {  	[sflag:s5] =	ssyncset.done $0x0  }
0x83: {  	[sflag:s5] =	ssyncadd.s32 $0xFFFFF800  }
0x84: {  	_ =	swait.ge [sflag:s7], $0x800  }
0x85: {  	[sflag:s7] =	ssyncset.done $0x0  }
0x86: {  	[sflag:s7] =	ssyncadd.s32 $0xFFFFF800  }
0x87: {  	_ =	swait.ge [sflag:s7], $0x800  }
0x88: {  	[sflag:s7] =	ssyncset.done $0x0  }
0x89: {  	[sflag:s7] =	ssyncadd.s32 $0xFFFFF800  }
0x8a: {  	_ =	swait.ge [sflag:s8], $0x800  }
0x8b: {  	[sflag:s8] =	ssyncset.done $0x0  }
0x8c: {  	[sflag:s8] =	ssyncadd.s32 $0xFFFFF800  }
0x8d: {  	_ =	swait.ge [sflag:s8], $0x800  }
0x8e: {  	[sflag:s8] =	ssyncset.done $0x0  }
0x8f: {  	[sflag:s8] =	ssyncadd.s32 $0xFFFFF800  }
0x90: {  	_ =	swait.ge [sflag:s9], $0x800  }
0x91: {  	[sflag:s9] =	ssyncset.done $0x0  }
0x92: {  	[sflag:s9] =	ssyncadd.s32 $0xFFFFF800  }
0x93: {  	s6 =	simm.s32 $0xA0;
	_ =	swait.ge [sflag:s9], $0x800  }
0x94: {  	s10 =	simm.s32 $0x140;
	s11 =	rddreg [dreg:$0x3];
	[sflag:s9] =	ssyncset.done $0x0  }
.LBB2_2:
0x95: {  	[sflag:s9] =	ssyncadd.s32 $0xFFFFF800;
	s11 =	sadd.s32 s6, s11  }
0x96: {  	[tilespmem:s3], [sflag:$0xB] =	stream.linear.gather [hbm4b:s11+s3], $0x500, $0x38;
	[tilespmem:$0x1E200] =	vst v63  }
0x97: {  	s11 =	sadd.s32 $0x30D40, s11  }
0x98: {  	[tilespmem:s12], [sflag:$0xC] =	stream.linear.gather [hbm4b:s11+s3], $0x500, $0x38;
	[tilespmem:$0x1E200] =	vst v63  }
0x99: {  	_ =	swait.ge [sflag:s13], $0x500  }
0x9a: {  	[sflag:s13] =	ssyncset.done $0x0  }
0x9b: {  	[sflag:s13] =	ssyncadd.s32 $0xFFFFFB00  }
0x9c: {  	[tilespmem:s15], [sflag:$0x1] =	stream.indirect.gather [hbm4b:s4+s14], $0x10, s3, s14, $0xb8;
	[tilespmem:$0x1E200] =	vst v63  }
0x9d: {  	_ = 	snop  }
0x9e: {  	[tilespmem:s16], [sflag:$0x1] =	stream.indirect.gather [hbm4b:s4+s14], $0x10, s14, s14, $0xb8;
	[tilespmem:$0x1E200] =	vst v63  }
0x9f: {  	s24 =	smov.u32 s10;
	s11 =	rddreg [dreg:$0x4]  }
0xa0: {  	[tilespmem:s17], [sflag:$0x2] =	stream.indirect.gather [hbm4b:s4+s14], $0x10, s11, s14, $0xb8;
	[tilespmem:$0x1E200] =	vst v63  }
0xa1: {  	s6 =	smov.u32 s24;
	s24 =	rddreg [dreg:$0x5]  }
0xa2: {  	[tilespmem:s18], [sflag:$0x2] =	stream.indirect.gather [hbm4b:s4+s14], $0x10, s24, s14, $0xb8;
	[tilespmem:$0x1E200] =	vst v63  }
0xa3: {  	s11 =	rddreg [dreg:$0x6]  }
0xa4: {  	[tilespmem:s19], [sflag:$0x3] =	stream.indirect.gather [hbm4b:s4+s14], $0x10, s11, s14, $0xb8;
	[tilespmem:$0x1E200] =	vst v63  }
0xa5: {  	s24 =	rddreg [dreg:$0x7]  }
0xa6: {  	[tilespmem:s20], [sflag:$0x3] =	stream.indirect.gather [hbm4b:s4+s14], $0x10, s24, s14, $0xb8;
	[tilespmem:$0x1E200] =	vst v63  }
0xa7: {  	s11 =	rddreg [dreg:$0x8]  }
0xa8: {  	[tilespmem:s21], [sflag:$0x4] =	stream.indirect.gather [hbm4b:s4+s14], $0x10, s11, s14, $0xb8;
	[tilespmem:$0x1E200] =	vst v63  }
0xa9: {  	s24 =	rddreg [dreg:$0x9]  }
0xaa: {  	[tilespmem:s22], [sflag:$0x4] =	stream.indirect.gather [hbm4b:s4+s14], $0x10, s24, s14, $0xb8;
	[tilespmem:$0x1E200] =	vst v63  }
0xab: {  	s11 =	rddreg [dreg:$0xa]  }
0xac: {  	[tilespmem:s23], [sflag:$0x5] =	stream.indirect.gather [hbm4b:s4+s14], $0x10, s11, s14, $0xb8;
	[tilespmem:$0x1E200] =	vst v63  }
0xad: {  	s24 =	rddreg [dreg:$0xb]  }
0xae: {  	[tilespmem:s25], [sflag:$0x5] =	stream.indirect.gather [hbm4b:s4+s14], $0x10, s24, s14, $0xb8;
	[tilespmem:$0x1E200] =	vst v63  }
0xaf: {  	_ =	swait.ge [sflag:s26], $0x500  }
0xb0: {  	[sflag:s26] =	ssyncset.done $0x0  }
0xb1: {  	[sflag:s26] =	ssyncadd.s32 $0xFFFFFB00  }
0xb2: {  	_ =	swait.ge [sflag:s28], $0x800  }
0xb3: {  	[sflag:s28] =	ssyncset.done $0x0  }
0xb4: {  	[sflag:s28] =	ssyncadd.s32 $0xFFFFF800  }
0xb5: {  	_ =	swait.ge [sflag:s28], $0x800  }
0xb6: {  	[sflag:s28] =	ssyncset.done $0x0  }
0xb7: {  	[sflag:s28] =	ssyncadd.s32 $0xFFFFF800  }
0xb8: {  	[spmem:s2] =	stream.indirect.scatter.add.f32 [tilespmem:s15], [sflag:$0x6], $0x10, s12, s14, $0xb8;
	[tilespmem:$0x1E200] =	vst v63  }
0xb9: {  	s24 =	rddreg [dreg:$0xc]  }
0xba: {  	[spmem:s2] =	stream.indirect.scatter.add.f32 [tilespmem:s16], [sflag:$0x6], $0x10, s24, s14, $0xb8;
	[tilespmem:$0x1E200] =	vst v63  }
0xbb: {  	_ =	swait.ge [sflag:s29], $0x800  }
0xbc: {  	[sflag:s29] =	ssyncset.done $0x0  }
0xbd: {  	[sflag:s29] =	ssyncadd.s32 $0xFFFFF800  }
0xbe: {  	_ =	swait.ge [sflag:s29], $0x800  }
0xbf: {  	[sflag:s29] =	ssyncset.done $0x0  }
0xc0: {  	s11 =	rddreg [dreg:$0xd];
	[sflag:s29] =	ssyncadd.s32 $0xFFFFF800  }
0xc1: {  	[spmem:s2] =	stream.indirect.scatter.add.f32 [tilespmem:s17], [sflag:$0x7], $0x10, s11, s14, $0xb8;
	[tilespmem:$0x1E200] =	vst v63  }
0xc2: {  	s24 =	rddreg [dreg:$0xe]  }
0xc3: {  	[spmem:s2] =	stream.indirect.scatter.add.f32 [tilespmem:s18], [sflag:$0x7], $0x10, s24, s14, $0xb8;
	[tilespmem:$0x1E200] =	vst v63  }
0xc4: {  	_ =	swait.ge [sflag:s30], $0x800  }
0xc5: {  	[sflag:s30] =	ssyncset.done $0x0  }
0xc6: {  	[sflag:s30] =	ssyncadd.s32 $0xFFFFF800  }
0xc7: {  	_ =	swait.ge [sflag:s30], $0x800  }
0xc8: {  	[sflag:s30] =	ssyncset.done $0x0  }
0xc9: {  	s11 =	rddreg [dreg:$0xf];
	[sflag:s30] =	ssyncadd.s32 $0xFFFFF800  }
0xca: {  	[spmem:s2] =	stream.indirect.scatter.add.f32 [tilespmem:s19], [sflag:$0x8], $0x10, s11, s14, $0xb8;
	[tilespmem:$0x1E200] =	vst v63  }
0xcb: {  	s24 =	rddreg [dreg:$0x10]  }
0xcc: {  	[spmem:s2] =	stream.indirect.scatter.add.f32 [tilespmem:s20], [sflag:$0x8], $0x10, s24, s14, $0xb8;
	[tilespmem:$0x1E200] =	vst v63  }
0xcd: {  	_ =	swait.ge [sflag:s31], $0x800  }
0xce: {  	[sflag:s31] =	ssyncset.done $0x0  }
0xcf: {  	[sflag:s31] =	ssyncadd.s32 $0xFFFFF800  }
0xd0: {  	_ =	swait.ge [sflag:s31], $0x800  }
0xd1: {  	[sflag:s31] =	ssyncset.done $0x0  }
0xd2: {  	s11 =	rddreg [dreg:$0x11];
	[sflag:s31] =	ssyncadd.s32 $0xFFFFF800  }
0xd3: {  	[spmem:s2] =	stream.indirect.scatter.add.f32 [tilespmem:s21], [sflag:$0x9], $0x10, s11, s14, $0xb8;
	[tilespmem:$0x1E200] =	vst v63  }
0xd4: {  	s24 =	rddreg [dreg:$0x12]  }
0xd5: {  	[spmem:s2] =	stream.indirect.scatter.add.f32 [tilespmem:s22], [sflag:$0x9], $0x10, s24, s14, $0xb8;
	[tilespmem:$0x1E200] =	vst v63  }
0xd6: {  	_ =	swait.ge [sflag:s0], $0x800  }
0xd7: {  	[sflag:s0] =	ssyncset.done $0x0  }
0xd8: {  	[sflag:s0] =	ssyncadd.s32 $0xFFFFF800  }
0xd9: {  	_ =	swait.ge [sflag:s0], $0x800  }
0xda: {  	[sflag:s0] =	ssyncset.done $0x0  }
0xdb: {  	s11 =	rddreg [dreg:$0x13];
	[sflag:s0] =	ssyncadd.s32 $0xFFFFF800  }
0xdc: {  	[spmem:s2] =	stream.indirect.scatter.add.f32 [tilespmem:s23], [sflag:$0xA], $0x10, s11, s14, $0xb8;
	[tilespmem:$0x1E200] =	vst v63  }
0xdd: {  	s24 =	rddreg [dreg:$0x14]  }
0xde: {  	[spmem:s2] =	stream.indirect.scatter.add.f32 [tilespmem:s25], [sflag:$0xA], $0x10, s24, s14, $0xb8;
	[tilespmem:$0x1E200] =	vst v63  }
0xdf: {  	_ =	swait.ge [sflag:s1], $0x800  }
0xe0: {  	[sflag:s1] =	ssyncset.done $0x0  }
0xe1: {  	[sflag:s1] =	ssyncadd.s32 $0xFFFFF800  }
0xe2: {  	_ =	swait.ge [sflag:s1], $0x800  }
0xe3: {  	[sflag:s1] =	ssyncset.done $0x0  }
0xe4: {  	[sflag:s1] =	ssyncadd.s32 $0xFFFFF800  }
0xe5: {  	_ =	swait.ge [sflag:s5], $0x800  }
0xe6: {  	[sflag:s5] =	ssyncset.done $0x0  }
0xe7: {  	[sflag:s5] =	ssyncadd.s32 $0xFFFFF800  }
0xe8: {  	_ =	swait.ge [sflag:s5], $0x800  }
0xe9: {  	[sflag:s5] =	ssyncset.done $0x0  }
0xea: {  	[sflag:s5] =	ssyncadd.s32 $0xFFFFF800  }
0xeb: {  	_ =	swait.ge [sflag:s7], $0x800  }
0xec: {  	[sflag:s7] =	ssyncset.done $0x0  }
0xed: {  	[sflag:s7] =	ssyncadd.s32 $0xFFFFF800  }
0xee: {  	_ =	swait.ge [sflag:s7], $0x800  }
0xef: {  	[sflag:s7] =	ssyncset.done $0x0  }
0xf0: {  	[sflag:s7] =	ssyncadd.s32 $0xFFFFF800  }
0xf1: {  	_ =	swait.ge [sflag:s8], $0x800  }
0xf2: {  	[sflag:s8] =	ssyncset.done $0x0  }
0xf3: {  	[sflag:s8] =	ssyncadd.s32 $0xFFFFF800  }
0xf4: {  	_ =	swait.ge [sflag:s8], $0x800  }
0xf5: {  	[sflag:s8] =	ssyncset.done $0x0  }
0xf6: {  	p1 =	sne.s32 s10, $0x17C0;
	[sflag:s8] =	ssyncadd.s32 $0xFFFFF800  }
.Ltmp0:
0xf7: {  	_ =	swait.ge [sflag:s9], $0x800;
	(pc) =	sbr.rel @p1 .LBB2_2-.Ltmp0, $4  }
0xf8: {  	[sflag:s9] =	ssyncset.done $0x0  }
0xf9: {  	[sflag:s9] =	ssyncadd.s32 $0xFFFFF800  }
0xfa: {  	_ =	swait.ge [sflag:s9], $0x800  }
0xfb: {  	s10 =	sadd.s32 $0xA0, s10;
	s11 =	rddreg [dreg:$0x3];
	[sflag:s9] =	ssyncset.done $0x0  }
0xfc: {  	[sflag:s9] =	ssyncadd.s32 $0xFFFFF800;
	s6 =	sadd.s32 s6, s11  }
0xfd: {  	[tilespmem:s3], [sflag:$0xB] =	stream.linear.gather [hbm4b:s6+s3], $0x500, $0x38;
	[tilespmem:$0x1E200] =	vst v63  }
0xfe: {  	s6 =	sadd.s32 $0x30D40, s6  }
0xff: {  	[tilespmem:s12], [sflag:$0xC] =	stream.linear.gather [hbm4b:s6+s3], $0x500, $0x38;
	[tilespmem:$0x1E200] =	vst v63  }
0x100: {  	_ =	swait.ge [sflag:s13], $0x500  }
0x101: {  	[sflag:s13] =	ssyncset.done $0x0  }
0x102: {  	[sflag:s13] =	ssyncadd.s32 $0xFFFFFB00  }
0x103: {  	[tilespmem:s15], [sflag:$0x1] =	stream.indirect.gather [hbm4b:s4+s14], $0x10, s3, s14, $0xb8;
	[tilespmem:$0x1E200] =	vst v63  }
0x104: {  	_ = 	snop  }
0x105: {  	[tilespmem:s16], [sflag:$0x1] =	stream.indirect.gather [hbm4b:s4+s14], $0x10, s14, s14, $0xb8;
	[tilespmem:$0x1E200] =	vst v63  }
0x106: {  	s24 =	rddreg [dreg:$0x4]  }
0x107: {  	[tilespmem:s17], [sflag:$0x2] =	stream.indirect.gather [hbm4b:s4+s14], $0x10, s24, s14, $0xb8;
	[tilespmem:$0x1E200] =	vst v63  }
0x108: {  	s10 =	rddreg [dreg:$0x5]  }
0x109: {  	[tilespmem:s18], [sflag:$0x2] =	stream.indirect.gather [hbm4b:s4+s14], $0x10, s10, s14, $0xb8;
	[tilespmem:$0x1E200] =	vst v63  }
0x10a: {  	s11 =	rddreg [dreg:$0x6]  }
0x10b: {  	[tilespmem:s19], [sflag:$0x3] =	stream.indirect.gather [hbm4b:s4+s14], $0x10, s11, s14, $0xb8;
	[tilespmem:$0x1E200] =	vst v63  }
0x10c: {  	s24 =	rddreg [dreg:$0x7]  }
0x10d: {  	[tilespmem:s20], [sflag:$0x3] =	stream.indirect.gather [hbm4b:s4+s14], $0x10, s24, s14, $0xb8;
	[tilespmem:$0x1E200] =	vst v63  }
0x10e: {  	s11 =	rddreg [dreg:$0x8]  }
0x10f: {  	[tilespmem:s21], [sflag:$0x4] =	stream.indirect.gather [hbm4b:s4+s14], $0x10, s11, s14, $0xb8;
	[tilespmem:$0x1E200] =	vst v63  }
0x110: {  	s24 =	rddreg [dreg:$0x9]  }
0x111: {  	[tilespmem:s22], [sflag:$0x4] =	stream.indirect.gather [hbm4b:s4+s14], $0x10, s24, s14, $0xb8;
	[tilespmem:$0x1E200] =	vst v63  }
0x112: {  	s11 =	rddreg [dreg:$0xa]  }
0x113: {  	[tilespmem:s23], [sflag:$0x5] =	stream.indirect.gather [hbm4b:s4+s14], $0x10, s11, s14, $0xb8;
	[tilespmem:$0x1E200] =	vst v63  }
0x114: {  	s24 =	rddreg [dreg:$0xb]  }
0x115: {  	[tilespmem:s25], [sflag:$0x5] =	stream.indirect.gather [hbm4b:s4+s14], $0x10, s24, s14, $0xb8;
	[tilespmem:$0x1E200] =	vst v63  }
0x116: {  	_ =	swait.ge [sflag:s26], $0x500  }
0x117: {  	[sflag:s26] =	ssyncset.done $0x0  }
0x118: {  	[sflag:s26] =	ssyncadd.s32 $0xFFFFFB00  }
0x119: {  	_ =	swait.ge [sflag:s28], $0x800  }
0x11a: {  	[sflag:s28] =	ssyncset.done $0x0  }
0x11b: {  	[sflag:s28] =	ssyncadd.s32 $0xFFFFF800  }
0x11c: {  	_ =	swait.ge [sflag:s28], $0x800  }
0x11d: {  	[sflag:s28] =	ssyncset.done $0x0  }
0x11e: {  	[sflag:s28] =	ssyncadd.s32 $0xFFFFF800  }
0x11f: {  	[spmem:s2] =	stream.indirect.scatter.add.f32 [tilespmem:s15], [sflag:$0x6], $0x10, s12, s14, $0xb8;
	[tilespmem:$0x1E200] =	vst v63  }
0x120: {  	s10 =	rddreg [dreg:$0xc]  }
0x121: {  	[spmem:s2] =	stream.indirect.scatter.add.f32 [tilespmem:s16], [sflag:$0x6], $0x10, s10, s14, $0xb8;
	[tilespmem:$0x1E200] =	vst v63  }
0x122: {  	_ =	swait.ge [sflag:s29], $0x800  }
0x123: {  	[sflag:s29] =	ssyncset.done $0x0  }
0x124: {  	[sflag:s29] =	ssyncadd.s32 $0xFFFFF800  }
0x125: {  	_ =	swait.ge [sflag:s29], $0x800  }
0x126: {  	[sflag:s29] =	ssyncset.done $0x0  }
0x127: {  	s11 =	rddreg [dreg:$0xd];
	[sflag:s29] =	ssyncadd.s32 $0xFFFFF800  }
0x128: {  	[spmem:s2] =	stream.indirect.scatter.add.f32 [tilespmem:s17], [sflag:$0x7], $0x10, s11, s14, $0xb8;
	[tilespmem:$0x1E200] =	vst v63  }
0x129: {  	s24 =	rddreg [dreg:$0xe]  }
0x12a: {  	[spmem:s2] =	stream.indirect.scatter.add.f32 [tilespmem:s18], [sflag:$0x7], $0x10, s24, s14, $0xb8;
	[tilespmem:$0x1E200] =	vst v63  }
0x12b: {  	_ =	swait.ge [sflag:s30], $0x800  }
0x12c: {  	[sflag:s30] =	ssyncset.done $0x0  }
0x12d: {  	[sflag:s30] =	ssyncadd.s32 $0xFFFFF800  }
0x12e: {  	_ =	swait.ge [sflag:s30], $0x800  }
0x12f: {  	[sflag:s30] =	ssyncset.done $0x0  }
0x130: {  	s11 =	rddreg [dreg:$0xf];
	[sflag:s30] =	ssyncadd.s32 $0xFFFFF800  }
0x131: {  	[spmem:s2] =	stream.indirect.scatter.add.f32 [tilespmem:s19], [sflag:$0x8], $0x10, s11, s14, $0xb8;
	[tilespmem:$0x1E200] =	vst v63  }
0x132: {  	s24 =	rddreg [dreg:$0x10]  }
0x133: {  	[spmem:s2] =	stream.indirect.scatter.add.f32 [tilespmem:s20], [sflag:$0x8], $0x10, s24, s14, $0xb8;
	[tilespmem:$0x1E200] =	vst v63  }
0x134: {  	_ =	swait.ge [sflag:s31], $0x800  }
0x135: {  	[sflag:s31] =	ssyncset.done $0x0  }
0x136: {  	[sflag:s31] =	ssyncadd.s32 $0xFFFFF800  }
0x137: {  	_ =	swait.ge [sflag:s31], $0x800  }
0x138: {  	[sflag:s31] =	ssyncset.done $0x0  }
0x139: {  	s11 =	rddreg [dreg:$0x11];
	[sflag:s31] =	ssyncadd.s32 $0xFFFFF800  }
0x13a: {  	[spmem:s2] =	stream.indirect.scatter.add.f32 [tilespmem:s21], [sflag:$0x9], $0x10, s11, s14, $0xb8;
	[tilespmem:$0x1E200] =	vst v63  }
0x13b: {  	s24 =	rddreg [dreg:$0x12]  }
0x13c: {  	[spmem:s2] =	stream.indirect.scatter.add.f32 [tilespmem:s22], [sflag:$0x9], $0x10, s24, s14, $0xb8;
	[tilespmem:$0x1E200] =	vst v63  }
0x13d: {  	_ =	swait.ge [sflag:s0], $0x800  }
0x13e: {  	[sflag:s0] =	ssyncset.done $0x0  }
0x13f: {  	[sflag:s0] =	ssyncadd.s32 $0xFFFFF800  }
0x140: {  	_ =	swait.ge [sflag:s0], $0x800  }
0x141: {  	[sflag:s0] =	ssyncset.done $0x0  }
0x142: {  	s11 =	rddreg [dreg:$0x13];
	[sflag:s0] =	ssyncadd.s32 $0xFFFFF800  }
0x143: {  	[spmem:s2] =	stream.indirect.scatter.add.f32 [tilespmem:s23], [sflag:$0xA], $0x10, s11, s14, $0xb8;
	[tilespmem:$0x1E200] =	vst v63  }
0x144: {  	s24 =	rddreg [dreg:$0x14]  }
0x145: {  	[spmem:s2] =	stream.indirect.scatter.add.f32 [tilespmem:s25], [sflag:$0xA], $0x10, s24, s14, $0xb8;
	[tilespmem:$0x1E200] =	vst v63  }
0x146: {  	_ =	swait.ge [sflag:s1], $0x800  }
0x147: {  	[sflag:s1] =	ssyncset.done $0x0  }
0x148: {  	[sflag:s1] =	ssyncadd.s32 $0xFFFFF800  }
0x149: {  	_ =	swait.ge [sflag:s1], $0x800  }
0x14a: {  	[sflag:s1] =	ssyncset.done $0x0  }
0x14b: {  	[sflag:s1] =	ssyncadd.s32 $0xFFFFF800  }
0x14c: {  	_ =	swait.ge [sflag:s5], $0x800  }
0x14d: {  	[sflag:s5] =	ssyncset.done $0x0  }
0x14e: {  	[sflag:s5] =	ssyncadd.s32 $0xFFFFF800  }
0x14f: {  	_ =	swait.ge [sflag:s5], $0x800  }
0x150: {  	[sflag:s5] =	ssyncset.done $0x0  }
0x151: {  	[sflag:s5] =	ssyncadd.s32 $0xFFFFF800  }
0x152: {  	_ =	swait.ge [sflag:s7], $0x800  }
0x153: {  	[sflag:s7] =	ssyncset.done $0x0  }
0x154: {  	[sflag:s7] =	ssyncadd.s32 $0xFFFFF800  }
0x155: {  	_ =	swait.ge [sflag:s7], $0x800  }
0x156: {  	[sflag:s7] =	ssyncset.done $0x0  }
0x157: {  	[sflag:s7] =	ssyncadd.s32 $0xFFFFF800  }
0x158: {  	_ =	swait.ge [sflag:s8], $0x800  }
0x159: {  	[sflag:s8] =	ssyncset.done $0x0  }
0x15a: {  	[sflag:s8] =	ssyncadd.s32 $0xFFFFF800  }
0x15b: {  	_ =	swait.ge [sflag:s8], $0x800  }
0x15c: {  	[sflag:s8] =	ssyncset.done $0x0  }
0x15d: {  	[sflag:s8] =	ssyncadd.s32 $0xFFFFF800  }
0x15e: {  	_ =	swait.ge [sflag:s9], $0x800  }
0x15f: {  	[sflag:s9] =	ssyncset.done $0x0  }
0x160: {  	[sflag:s9] =	ssyncadd.s32 $0xFFFFF800  }
0x161: {  	_ =	swait.ge [sflag:s9], $0x800  }
0x162: {  	[sflag:s9] =	ssyncset.done $0x0  }
0x163: {  	s6 =	simm.s32 @!p0 $0x0;
	s10 =	rddreg [dreg:$0x17];
	[sflag:s9] =	ssyncadd.s32 $0xFFFFF800  }
0x164: {  	[tilespmem:s6], [sflag:$0xD] =	stream.linear.gather @!p0 [hbm4b:s10+s6], $0x80, $0x38;
	[tilespmem:$0x1E200] =	vst v63  }
0x165: {  	s10 =	simm.s32 @!p0 $0xD  }
0x166: {  	_ =	swait.ge @!p0 [sflag:s10], $0x80  }
0x167: {  	[sflag:s10] =	ssyncset.done @!p0 $0x0  }
0x168: {  	s11 =	simm.s32 @!p0 $0x500;
	s24 =	rddreg [dreg:$0x18];
	[sflag:s10] =	ssyncadd.s32 @!p0 $0xFFFFFF80  }
0x169: {  	[tilespmem:s11], [sflag:$0xD] =	stream.linear.gather @!p0 [hbm4b:s24+s6], $0x80, $0x38;
	[tilespmem:$0x1E200] =	vst v63  }
0x16a: {  	_ =	swait.ge @!p0 [sflag:s10], $0x80  }
0x16b: {  	[sflag:s10] =	ssyncset.done @!p0 $0x0  }
0x16c: {  	s24 =	simm.s32 @!p0 $0xA00;
	[sflag:s10] =	ssyncadd.s32 @!p0 $0xFFFFFF80;
	s10 =	simm.s32 @!p0 $0x80  }
0x16d: {  	[tilespmem:s24], [sflag:$0x1] =	stream.indirect.gather @!p0 [hbm4b:s4+s10], $0x10, s6, s10, $0xb8;
	[tilespmem:$0x1E200] =	vst v63  }
0x16e: {  	s6 =	simm.s32 @!p0 $0x1  }
0x16f: {  	_ =	swait.ge @!p0 [sflag:s6], $0x800  }
0x170: {  	[sflag:s6] =	ssyncset.done @!p0 $0x0  }
0x171: {  	[sflag:s6] =	ssyncadd.s32 @!p0 $0xFFFFF800;
	s6 =	simm.s32 @!p0 $0x6  }
0x172: {  	[spmem:s2] =	stream.indirect.scatter.add.f32 @!p0 [tilespmem:s24], [sflag:$0x6], $0x10, s11, s10, $0xb8;
	[tilespmem:$0x1E200] =	vst v63  }
0x173: {  	_ =	swait.ge @!p0 [sflag:s6], $0x800  }
0x174: {  	[sflag:s6] =	ssyncset.done @!p0 $0x0  }
0x175: {  	[sflag:s6] =	ssyncadd.s32 @!p0 $0xFFFFF800  }
0x176: {  	[bflag:$0x0] =	sbarrier.arrive $0xFFFF  }
0x177: {  	s10 =	rddreg [dreg:$0x16]  }
0x178: {  	s6 =	rddreg [dreg:$0x1a]  }
0x179: {  	s24 =	rddreg [dreg:$0x1b]  }
0x17a: {  	[hbm:s24], [sflag:s10] =	dma.local [spmem:s6], $0x3100  }
0x17b: {  	s24 =	simm.s32 $0xD  }
0x17c: {  	_ =	swait.ge [sflag:s24], $0x3100  }
0x17d: {  	s6 =	rddreg [dreg:$0x1c]  }
0x17e: {  	s11 =	sadd.s32 $0x1, s6;
	s6 =	rddreg [dreg:$0x19]  }
0x17f: {  	p1 =	sne.s32 s11, s6  }
.Ltmp1:
0x180: {  	_ = 	snop;
	(pc) =	sbr.rel @p1 .LBB2_1-.Ltmp1, $3  }
0x181: {  	_ =	sdelay $0x1  }
0x182: {  	[sflag:s24] =	ssyncset.done $0x0;
	[dreg:$0x1c] =	wrdreg s11  }
0x183: {  	[sflag:s24] =	ssyncadd.s32 $0xFFFFCF00;
	s11 =	smov.u32 s10;
	s10 =	rddreg [dreg:$0x1a]  }
0x184: {  	_ =	sfence.sel $0x180000  }
0x185: {  	[bflag:$0x0] =	sbarrier.arrive $0xFFFF  }
0x186: {  	_ =	strace $0x9000004D  }
0x187: {  	s0 =	stileid.u32;
	[bflag:$0x2] =	sbarrier.arrive $0xFFFF  }
0x188: {  	p0 =	sne.s32 s0, $0x0;
	s0 =	rddreg [dreg:$0x2]  }
0x189: {  	s0 =	sadd.s32 @!p0 $0x100000, s0  }
0x18a: {  	[sflag:s0] =	ssyncadd.tile.s32 @!p0 $0x1;
	_ =	shalt  }
.Lfunc_end2:
_tile_overlayer_lowered:
.L_overlay_start_2:
0x18b: {  	(tag) =	ssettag $0x2  }
0x18c: {  	s0 =	rddreg [dreg:$0x0];
	s2 =	stileid.u32  }
0x18d: {  	s1 =	rddreg [dreg:$0x1];
	p0 =	sne.s32 s2, $0x0  }
0x18e: {  	s3 =	rddreg [dreg:$0x2];
	[bflag:$0x3] =	sbarrier.arrive $0xFFFF;
	s2 =	simm.s32 @!p0 $0x1C0D  }
0x18f: {  	[timem:s3], [sflag:s2] =	dma.local @!p0 [hbm:s0], s1  }
0x190: {  	s0 =	simm.s32 @!p0 $0xD  }
0x191: {  	_ =	swait.ge @!p0 [sflag:s0], s1  }
0x192: {  	s1 =	ssub.s32 @!p0 $0x0, s1;
	[sflag:s0] =	ssyncset.done @!p0 $0x0  }
0x193: {  	[sflag:s0] =	ssyncadd.s32 @!p0 s1  }
0x194: {  	[bflag:$0x3] =	sbarrier.arrive $0xFFFF  }
0x195: {  	_ =	shalt  }

// kernel: kernel.20.cloned.1.call-start
scs
__scs_entry_jumppad:
0x0: {  	(pc) =	sbr.rel $0x88, $3  }
0x1: {  	(tag) =	ssettag $0x0;
	lr =	simm.s32 $0x1  }
0x2: {  	[smem:$0x3F98] =	sst lr;
	_ =	strace $0xD0000000  }
0x3: {  	_ = 	snop  }
0x4: {  	_ = 	snop  }
0x5: {  	_ = 	snop  }
0x6: {  	_ = 	snop  }
0x7: {  	_ = 	snop  }
__scs_overlays_trampoline_lowered:
0x8: {  	[smem:$0x3FA7] =	sst s0  }
0x9: {  	[smem:$0x3FA8] =	sst s1  }
0xa: {  	[smem:$0x3FA9] =	sst s2  }
0xb: {  	[smem:$0x3FAA] =	sst s3  }
0xc: {  	[smem:$0x3FAB] =	sst s4  }
0xd: {  	[smem:$0x3FAC] =	sst s5  }
0xe: {  	[smem:$0x3FAD] =	sst s6  }
0xf: {  	[smem:$0x3FAE] =	sst s7  }
0x10: {  	[smem:$0x3FAF] =	sst s8  }
0x11: {  	[smem:$0x3FB0] =	sst s9;
	s0 =	simm.s32 @!p0 $0x0  }
0x12: {  	s1 =	sld [smem:$0x3F96];
	s0 =	simm.s32 @p0 $0x1  }
0x13: {  	[smem:$0x3FB1] =	sst s0;
	s0 =	simm.s32 @!p1 $0x0  }
0x14: {  	s2 =	sld [smem:$0x3F95];
	s0 =	simm.s32 @p1 $0x1  }
0x15: {  	[smem:$0x3FB2] =	sst s0;
	s0 =	simm.s32 @!p2 $0x0  }
0x16: {  	s3 =	sld [smem:$0x3FDB];
	s0 =	simm.s32 @p2 $0x1  }
0x17: {  	s4 =	simm.s32 $0x1BF5;
	[smem:$0x3FB4] =	sst s0  }
0x18: {  	s0 =	sld [smem:$0x3F97];
	_ =	swait.ge [sflag:s4], $0x0  }
0x19: {  	s7 =	sld [smem:$0x3F98]  }
0x1a: {  	s8 =	sadd.s32 $0xFFFFE003, lr  }
0x1b: {  	s9 =	sadd.s32 $0xFFFFFEF7, lr;
	s5 =	simm.s32 $0xFFFFFFFF;
	p2 =	slt.u32 s8, $0xFFFFF086  }
0x1c: {  	p1 =	slt.u32 s9, $0xF7A;
	s5 =	simm.s32 @!p2 $0x0  }
0x1d: {  	s5 =	simm.s32 @p1 $0x1;
	p0 =	seq.s32 s7, s2  }
0x1e: {  	s7 =	smul.u32 @!p0 $0xF7A, s2;
	p2 =	seq.s32 @!p0 s5, $0x0  }
0x1f: {  	s9 =	smul.u32 $0xF7A, s1;
	s8 =	simm.s32 @!p0 $0x1BF5;
	p2 =	por !p2, p0  }
0x20: {  	[sflag:s8] =	ssyncset.s32 @!p0 $0xFFFFF086;
	s6 =	sadd.s32 @!p0 s3, s7;
	s7 =	simm.s32 @!p0 $0x108  }
0x21: {  	s3 =	sadd.s32 s3, s9;
	s6 =	sadd.s32 @!p0 $0x88, s6;
	s7 =	simm.s32 @p2 $0x1082  }
0x22: {  	[simem:s7], [sflag:s8] =	dma.local @!p0 [hbm:s6], $0xF7A  }
0x23: {  	s9 =	sor.u32 $0xD0000000, s2;
	s6 =	simm.s32 $0x108;
	_ =	swait.ge @!p0 [sflag:s8], $0x0  }
0x24: {  	s3 =	sadd.s32 $0x88, s3;
	s6 =	simm.s32 @!p1 $0x1082;
	[sflag:s4] =	ssyncset.s32 $0xFFFFF086  }
0x25: {  	[simem:s6], [sflag:s4] =	dma.local [hbm:s3], $0xF7A  }
0x26: {  	[smem:$0x3F98] =	sst s1;
	(tag) =	ssettag s2;
	_ =	strace s9  }
0x27: {  	s1 =	sld [smem:$0x3FA8]  }
0x28: {  	s2 =	sld [smem:$0x3FA9]  }
0x29: {  	s4 =	sld [smem:$0x3FAB]  }
0x2a: {  	p0 =	seq.s32 s5, $0x0;
	s5 =	sld [smem:$0x3FAC]  }
0x2b: {  	s6 =	sld [smem:$0x3FAD]  }
0x2c: {  	s7 =	sld [smem:$0x3FAE]  }
0x2d: {  	s3 =	simm.s32 $0x108;
	s8 =	sld [smem:$0x3FAF]  }
0x2e: {  	s3 =	simm.s32 @!p0 $0x1082;
	s9 =	sld [smem:$0x3FB0]  }
0x2f: {  	lr =	sadd.s32 s0, s3;
	s0 =	sld [smem:$0x3FA7]  }
0x30: {  	s3 =	sld [smem:$0x3FAA]  }
0x31: {  	[smem:$0x3FB3] =	sst s10  }
0x32: {  	s10 =	sld [smem:$0x3FB1];
	_ =	sdelay $0x3  }
0x33: {  	p0 =	seq.s32 s10, $0x1;
	s10 =	sld [smem:$0x3FB3];
	_ =	sdelay $0x3  }
0x34: {  	[smem:$0x3FB3] =	sst s10  }
0x35: {  	s10 =	sld [smem:$0x3FB2];
	_ =	sdelay $0x3  }
0x36: {  	p1 =	seq.s32 s10, $0x1;
	s10 =	sld [smem:$0x3FB3];
	_ =	sdelay $0x3  }
0x37: {  	[smem:$0x3FB3] =	sst s10  }
0x38: {  	s10 =	sld [smem:$0x3FB4]  }
0x39: {  	_ = 	snop;
	(pc) =	sbr.ind lr, $3  }
0x3a: {  	_ = 	snop  }
0x3b: {  	_ = 	snop  }
0x3c: {  	p2 =	seq.s32 s10, $0x1;
	s10 =	sld [smem:$0x3FB3]  }
0x3d: {  	_ =	shalt  }
0x3e: {  	_ =	shalt  }
0x3f: {  	_ =	shalt  }
0x40: {  	_ =	shalt  }
0x41: {  	_ =	shalt  }
0x42: {  	_ =	shalt  }
0x43: {  	_ =	shalt  }
0x44: {  	_ =	shalt  }
0x45: {  	_ =	shalt  }
0x46: {  	_ =	shalt  }
0x47: {  	_ =	shalt  }
0x48: {  	_ =	shalt  }
0x49: {  	_ =	shalt  }
0x4a: {  	_ =	shalt  }
0x4b: {  	_ =	shalt  }
0x4c: {  	_ =	shalt  }
0x4d: {  	_ =	shalt  }
0x4e: {  	_ =	shalt  }
0x4f: {  	_ =	shalt  }
0x50: {  	_ =	shalt  }
0x51: {  	_ =	shalt  }
0x52: {  	_ =	shalt  }
0x53: {  	_ =	shalt  }
0x54: {  	_ =	shalt  }
0x55: {  	_ =	shalt  }
0x56: {  	_ =	shalt  }
0x57: {  	_ =	shalt  }
0x58: {  	_ =	shalt  }
0x59: {  	_ =	shalt  }
0x5a: {  	_ =	shalt  }
0x5b: {  	_ =	shalt  }
0x5c: {  	_ =	shalt  }
0x5d: {  	_ =	shalt  }
0x5e: {  	_ =	shalt  }
0x5f: {  	_ =	shalt  }
0x60: {  	_ =	shalt  }
0x61: {  	_ =	shalt  }
0x62: {  	_ =	shalt  }
0x63: {  	_ =	shalt  }
0x64: {  	_ =	shalt  }
0x65: {  	_ =	shalt  }
0x66: {  	_ =	shalt  }
0x67: {  	_ =	shalt  }
0x68: {  	_ =	shalt  }
0x69: {  	_ =	shalt  }
0x6a: {  	_ =	shalt  }
0x6b: {  	_ =	shalt  }
0x6c: {  	_ =	shalt  }
0x6d: {  	_ =	shalt  }
0x6e: {  	_ =	shalt  }
0x6f: {  	_ =	shalt  }
0x70: {  	_ =	shalt  }
0x71: {  	_ =	shalt  }
0x72: {  	_ =	shalt  }
0x73: {  	_ =	shalt  }
0x74: {  	_ =	shalt  }
0x75: {  	_ =	shalt  }
0x76: {  	_ =	shalt  }
0x77: {  	_ =	shalt  }
0x78: {  	_ =	shalt  }
0x79: {  	_ =	shalt  }
0x7a: {  	_ =	shalt  }
0x7b: {  	_ =	shalt  }
0x7c: {  	_ =	shalt  }
0x7d: {  	_ =	shalt  }
0x7e: {  	_ =	shalt  }
0x7f: {  	_ =	shalt  }
0x80: {  	_ =	shalt  }
0x81: {  	_ =	shalt  }
0x82: {  	_ =	shalt  }
0x83: {  	_ =	shalt  }
0x84: {  	_ =	shalt  }
0x85: {  	_ =	shalt  }
0x86: {  	_ =	shalt  }
0x87: {  	_ =	shalt  }
.Lfunc_end0:
.L_simem_size_0:
called_computation.3_lowered:
.L_overlay_start_0:
0x88: {  	s2 =	sld [smem:$0x3FD9]  }
0x89: {  	s3 =	sld [smem:$0x3FFE];
	_ =	sdelay $0x1  }
0x8a: {  	s1 =	srdreg.scid  }
0x8b: {  	s0 =	sand.u32 $0x1, s1  }
0x8c: {  	s16 =	sshll.u32 s0, $0xA;
	s2 =	sadd.s32 s3, s2  }
0x8d: {  	s2 =	sadd.s32 s2, s16  }
0x8e: {  	[smem:$0x3FBF] =	sst s2  }
0x8f: {  	_ = 	snop  }
0x90: {  	(tm) =	ssettm $0x1  }
0x91: {  	s17 =	sld [smem:$0x3FFB];
	_ =	sdelay $0x3  }
0x92: {  	_ =	strace s17  }
0x93: {  	s2 =	sld [smem:$0x3FFC];
	_ =	sdelay $0x3  }
0x94: {  	_ =	strace s2  }
0x95: {  	s2 =	sld [smem:$0x3FFD];
	_ =	sdelay $0x3  }
0x96: {  	_ =	strace s2  }
0x97: {  	_ =	strace $0x8FFFFFFF  }
0x98: {  	s18 =	sld [smem:$0x3FDB];
	_ =	sdelay $0x1  }
0x99: {  	s19 =	simm.s32 $_scs_section_size  }
0x9a: {  	s4 =	simm.s32 $_size__tile_overlayer_lowered;
	s5 =	simm.s32 $_tile_overlayer_lowered  }
0x9b: {  	s22 =	simm.s32 $0x1BFF;
	s21 =	sshll.u32 s5, $0x1;
	s2 =	sadd.s32 s19, s18  }
0x9c: {  	s6 =	simm.s32 $0x0;
	s20 =	sshll.u32 s4, $0x1;
	s4 =	sadd.s32 s21, s2  }
0x9d: {  	[timem:s6], [sflag:s22] =	dma.local [hbm:s4], s20  }
0x9e: {  	_ =	swait.ge [sflag:s22], s20  }
0x9f: {  	s3 =	ssub.s32 $0x0, s20;
	[sflag:s22] =	ssyncset.done $0x0  }
0xa0: {  	[sflag:s22] =	ssyncadd.s32 s3;
	_ =	sdelay $0x1  }
0xa1: {  	s23 =	simm.s32 $0x1B8B  }
0xa2: {  	_ =	swait.ge [sflag:s23], $0x1  }
0xa3: {  	[sflag:s23] =	ssyncset.done $0x0  }
0xa4: {  	s25 =	simm.s32 $0x1B8E;
	s24 =	sld [smem:$0x3FFE];
	[sflag:s23] =	ssyncadd.s32 $0xFFFFFFFF  }
0xa5: {  	s26 =	simm.s32 $execute0_lowered;
	[smem:$0x3FD2] =	sst s25  }
0xa6: {  	s4 =	sshll.u32 s26, $0x1;
	_ =	strace $0x8000004F;
	[dreg:$0x1] =	wrdreg $0xFFFFFFFF  }
0xa7: {  	s28 =	simm.s32 $_size_execute0_lowered;
	s2 =	sadd.s32 s2, s4;
	[dreg:$0x0] =	wrdreg $0x0  }
0xa8: {  	s4 =	sshll.u32 s28, $0x1;
	[dreg:$0x2] =	wrdreg s2  }
0xa9: {  	[dreg:$0x3] =	wrdreg s4  }
0xaa: {  	[dreg:$0x4] =	wrdreg $0xC0  }
0xab: {  	_ =	task [dreg:s6], $0x5FFFF  }
0xac: {  	[dreg:$0x1] =	wrdreg $0xFFFFFFFF  }
0xad: {  	[dreg:$0x0] =	wrdreg $0x60  }
0xae: {  	[dreg:$0x2] =	wrdreg s24  }
0xaf: {  	[dreg:$0x3] =	wrdreg $0x4C000  }
0xb0: {  	[dreg:$0x4] =	wrdreg $0x4C500  }
0xb1: {  	[dreg:$0x5] =	wrdreg $0x9  }
0xb2: {  	_ =	task.clear_ibuf [dreg:s6], $0x6FFFF;
	_ =	strace $0x9000004F  }
0xb3: {  	s29 =	simm.s32 $0x9;
	_ =	strace $0x80000051  }
0xb4: {  	_ =	swait.ge [sflag:s29], $0x1  }
0xb5: {  	[sflag:s29] =	ssyncadd.s32 $0xFFFFFFFF  }
0xb6: {  	_ =	strace $0x90000051  }
0xb7: {  	_ =	sfence  }
0xb8: {  	s30 =	sld [smem:$0x0];
	_ =	sdelay $0x2  }
0xb9: {  	s31 =	sshll.u32 s1, $0xD;
	s1 =	sshrl.u32 s1, $0x2  }
0xba: {  	s3 =	sand.u32 $0x4000, s31;
	s1 =	sadd.s32 s1, s30  }
0xbb: {  	s0 =	sor.u32 s3, s0;
	s1 =	sshll.u32 s1, $0x11  }
0xbc: {  	s0 =	sor.u32 s1, s0  }
0xbd: {  	s0 =	sadd.s32 $0x8F2B, s0  }
0xbe: {  	[sflag:s0] =	ssyncadd.remote.s32 $0x1  }
0xbf: {  	_ =	sfence.sel $0xFFFF  }
0xc0: {  	[dreg:$0x0] =	wrdreg $0xFFFFFFFF;
	(pc) =	sbr.abs _section_cstart, $3  }
0xc1: {  	[dreg:$0x1] =	wrdreg $0xFFFFFFFF  }
0xc2: {  	_ =	task.clear_ibuf [dreg:s6], $0x2FFFF;
	_ =	strace $0x9FFFFFFF  }
0xc3: {  	(tm) =	ssettm $0x7FFFFFFF  }
tec
execute0_lowered:
.L_overlay_start_1:
0x0: {  	(tag) =	ssettag $0x1  }
0x1: {  	s0 =	rddreg [dreg:$0x0]  }
0x2: {  	s2 =	rddreg [dreg:$0x1]  }
0x3: {  	s3 =	rddreg [dreg:$0x2]  }
0x4: {  	s1 =	srdreg.scid;
	s26 =	stileid.u32;
	s4 =	simm.s32 $0x0  }
0x5: {  	s28 =	simm.s32 $0x300;
	s29 =	simm.s32 $0x3400;
	s11 =	smul.u32 $0x50, s26  }
0x6: {  	s30 =	simm.s32 $0x380;
	s31 =	simm.s32 $0x3C00;
	s14 =	smul.u32 $0x30, s26  }
0x7: {  	s1 =	sand.u32 $0x1, s1;
	s5 =	sshll.u32 s26, $0x1;
	s20 =	smul.u32 $0x300, s26  }
0x8: {  	[smem:$0x7FF] =	sst s4;
	s7 =	sadd.s32 $0x3E00, s0;
	s9 =	smul.u32 $0xA0, s1  }
0x9: {  	s8 =	sadd.s32 $0x129A00, s0;
	p0 =	sgt.u32 s26, $0x7;
	s15 =	smul.u32 $0x18, s1  }
0xa: {  	s5 =	sor.u32 s1, s5;
	s16 =	ssub.s32 $0x2, s1;
	s1 =	smul.u32 $0x180, s1  }
0xb: {  	s26 =	simm.s32 $0x2C00;
	_ =	strace $0x80000050;
	s6 =	smul.u32 $0x18, s5  }
0xc: {  	s10 =	smin.u32 s5, $0x10;
	s17 =	sshrl.u32 s16, $0x1;
	s5 =	sadd.s32 s11, s2  }
0xd: {  	s24 =	sshrl.u32 s11, $0x3;
	s0 =	sadd.s32 s9, s0;
	s9 =	ssub.s32 s16, s17  }
0xe: {  	s19 =	sadd.s32 s15, s14;
	s22 =	sshll.u32 s10, $0x4;
	s14 =	simm.s32 $0x400  }
0xf: {  	s15 =	simm.s32 $0x80;
	s16 =	simm.s32 $0xC00;
	s17 =	simm.s32 $0x100  }
0x10: {  	s6 =	sadd.s32 s10, s6;
	s23 =	sadd.s32 $0x34E00, s0;
	s9 =	smax.u32 s9, $0x1  }
0x11: {  	s0 =	sadd.s32 $0x35000, s0;
	s6 =	sshll.u32 s6, $0x7;
	[dreg:$0x6] =	wrdreg s9  }
0x12: {  	s25 =	sadd.s32 s24, s23;
	s0 =	sadd.s32 s24, s0;
	s12 =	sadd.s32 $0xC00, s6  }
0x13: {  	s6 =	sadd.s32 s11, s3;
	s11 =	sadd.s32 s10, s19;
	[dreg:$0x7] =	wrdreg s25  }
0x14: {  	s19 =	simm.s32 $0x180;
	[dreg:$0x8] =	wrdreg s0;
	s25 =	simm.s32 $0x280  }
0x15: {  	s0 =	simm.s32 $0x1;
	s13 =	sshll.u32 s12, $0x1;
	s12 =	sshrl.u32 s12, $0x3  }
0x16: {  	s21 =	sshll.u32 s11, $0x8;
	s13 =	sand.u32 $0x1FFFFF00, s13;
	s12 =	sadd.s32 s8, s12  }
0x17: {  	s8 =	sadd.s32 s20, s8;
	s9 =	sadd.s32 s21, s7;
	s20 =	simm.s32 $0x1C00  }
0x18: {  	s21 =	simm.s32 $0x200;
	[dreg:$0x4] =	wrdreg s12;
	s18 =	sadd.s32 s7, s13  }
0x19: {  	s1 =	sadd.s32 s1, s8;
	s12 =	simm.s32 $0x4400;
	s13 =	simm.s32 $0x3  }
0x1a: {  	s7 =	simm.s32 $0x0;
	[dreg:$0x5] =	wrdreg s18;
	s11 =	sadd.s32 s22, s1  }
0x1b: {  	v0 =	vimm.f32 $0.0e+00;
	v1 =	vimm.f32 $1.000000000e+00;
	s18 =	simm.s32 $0x1400;
	s22 =	simm.s32 $0x2400;
	s1 =	simm.s32 $0x2  }
.LBB2_1:
0x1c: {  	[tilespmem:$0x4400] =	vst v0  }
0x1d: {  	[tilespmem:$0x4410] =	vst v0  }
0x1e: {  	[tilespmem:$0x4420] =	vst v0  }
0x1f: {  	[tilespmem:$0x4430] =	vst v0  }
0x20: {  	[tilespmem:$0x4440] =	vst v0  }
0x21: {  	[spmem:s5] =	stream.linear.scatter [tilespmem:s12], [sflag:$0x3], $0x50, $0x38;
	[tilespmem:$0x4CA0] =	vst v63  }
0x22: {  	_ =	swait.ge [sflag:s13], $0x50  }
0x23: {  	[sflag:s13] =	ssyncset.done $0x0  }
0x24: {  	[sflag:s13] =	ssyncadd.s32 $0xFFFFFFB0  }
0x25: {  	[spmem:s6] =	stream.linear.scatter [tilespmem:s12], [sflag:$0x3], $0x50, $0x38;
	[tilespmem:$0x4CA0] =	vst v63  }
0x26: {  	_ =	swait.ge [sflag:s13], $0x50  }
0x27: {  	[sflag:s13] =	ssyncset.done $0x0  }
0x28: {  	s8 =	simm.s32 $0x40;
	s10 =	simm.s32 $0x0;
	[sflag:s13] =	ssyncadd.s32 $0xFFFFFFB0  }
.LBB2_2:
0x29: {  	p1 =	sne.s32 s8, $0x1FC0;
	[tilespmem:s10+$0x4400] =	vst v1;
	s10 =	smov.u32 s8;
	s8 =	sadd.s32 $0x40, s8  }
.Ltmp0:
0x2a: {  	(pc) =	sbr.rel @p1 .LBB2_2-.Ltmp0, $2  }
0x2b: {  	_ =	sdelay $0x2  }
0x2c: {  	s10 =	sshra.s32 s10, $0x2  }
0x2d: {  	[tilespmem:s10+$0x4400] =	vst v1  }
0x2e: {  	s8 =	sadd.s32 $0x0, s11;
	[bflag:$0x0] =	sbarrier.arrive $0xFFFF  }
0x2f: {  	[tilespmem:s4], [sflag:$0x3] =	stream.linear.gather [hbm4b:s8+s4], $0x400, $0x38;
	[tilespmem:$0x4CA0] =	vst v63  }
0x30: {  	_ =	swait.ge [sflag:s13], $0x400  }
0x31: {  	[sflag:s13] =	ssyncset.done $0x0  }
0x32: {  	[sflag:s13] =	ssyncadd.s32 $0xFFFFFC00  }
0x33: {  	[tilespmem:s14], [sflag:$0x3] =	stream.linear.gather [hbm4b:s9+s4], $0x4000, $0x38;
	[tilespmem:$0x4CA0] =	vst v63  }
0x34: {  	_ =	swait.ge [sflag:s13], $0x4000  }
0x35: {  	[sflag:s13] =	ssyncset.done $0x0  }
0x36: {  	[sflag:s13] =	ssyncadd.s32 $0xFFFFC000  }
0x37: {  	[spmem:s2] =	stream.indirect.scatter.add.f32 [tilespmem:s14], [sflag:$0x1], $0x10, s4, s15, $0xb8;
	[tilespmem:$0x4CA0] =	vst v63  }
0x38: {  	_ = 	snop  }
0x39: {  	[spmem:s2] =	stream.indirect.scatter.add.f32 [tilespmem:s16], [sflag:$0x1], $0x10, s15, s15, $0xb8;
	[tilespmem:$0x4CA0] =	vst v63  }
0x3a: {  	_ = 	snop  }
0x3b: {  	[spmem:s2] =	stream.indirect.scatter.add.f32 [tilespmem:s18], [sflag:$0x1], $0x10, s17, s15, $0xb8;
	[tilespmem:$0x4CA0] =	vst v63  }
0x3c: {  	_ = 	snop  }
0x3d: {  	[spmem:s2] =	stream.indirect.scatter.add.f32 [tilespmem:s20], [sflag:$0x1], $0x10, s19, s15, $0xb8;
	[tilespmem:$0x4CA0] =	vst v63  }
0x3e: {  	_ = 	snop  }
0x3f: {  	[spmem:s2] =	stream.indirect.scatter.add.f32 [tilespmem:s22], [sflag:$0x1], $0x10, s21, s15, $0xb8;
	[tilespmem:$0x4CA0] =	vst v63  }
0x40: {  	_ = 	snop  }
0x41: {  	[spmem:s2] =	stream.indirect.scatter.add.f32 [tilespmem:s26], [sflag:$0x1], $0x10, s25, s15, $0xb8;
	[tilespmem:$0x4CA0] =	vst v63  }
0x42: {  	_ = 	snop  }
0x43: {  	[spmem:s2] =	stream.indirect.scatter.add.f32 [tilespmem:s29], [sflag:$0x1], $0x10, s28, s15, $0xb8;
	[tilespmem:$0x4CA0] =	vst v63  }
0x44: {  	_ = 	snop  }
0x45: {  	[spmem:s2] =	stream.indirect.scatter.add.f32 [tilespmem:s31], [sflag:$0x1], $0x10, s30, s15, $0xb8;
	[tilespmem:$0x4CA0] =	vst v63  }
0x46: {  	_ = 	snop  }
0x47: {  	[spmem:s3] =	stream.indirect.scatter.add.f32 [tilespmem:s12], [sflag:$0x2], $0x10, s4, s15, $0xb8;
	[tilespmem:$0x4CA0] =	vst v63  }
0x48: {  	_ = 	snop  }
0x49: {  	[spmem:s3] =	stream.indirect.scatter.add.f32 [tilespmem:s12], [sflag:$0x2], $0x10, s15, s15, $0xb8;
	[tilespmem:$0x4CA0] =	vst v63  }
0x4a: {  	_ = 	snop  }
0x4b: {  	[spmem:s3] =	stream.indirect.scatter.add.f32 [tilespmem:s12], [sflag:$0x2], $0x10, s17, s15, $0xb8;
	[tilespmem:$0x4CA0] =	vst v63  }
0x4c: {  	_ = 	snop  }
0x4d: {  	[spmem:s3] =	stream.indirect.scatter.add.f32 [tilespmem:s12], [sflag:$0x2], $0x10, s19, s15, $0xb8;
	[tilespmem:$0x4CA0] =	vst v63  }
0x4e: {  	_ = 	snop  }
0x4f: {  	[spmem:s3] =	stream.indirect.scatter.add.f32 [tilespmem:s12], [sflag:$0x2], $0x10, s21, s15, $0xb8;
	[tilespmem:$0x4CA0] =	vst v63  }
0x50: {  	_ = 	snop  }
0x51: {  	[spmem:s3] =	stream.indirect.scatter.add.f32 [tilespmem:s12], [sflag:$0x2], $0x10, s25, s15, $0xb8;
	[tilespmem:$0x4CA0] =	vst v63  }
0x52: {  	_ = 	snop  }
0x53: {  	[spmem:s3] =	stream.indirect.scatter.add.f32 [tilespmem:s12], [sflag:$0x2], $0x10, s28, s15, $0xb8;
	[tilespmem:$0x4CA0] =	vst v63  }
0x54: {  	_ = 	snop  }
0x55: {  	[spmem:s3] =	stream.indirect.scatter.add.f32 [tilespmem:s12], [sflag:$0x2], $0x10, s30, s15, $0xb8;
	[tilespmem:$0x4CA0] =	vst v63  }
0x56: {  	_ =	swait.ge [sflag:s0], $0x800  }
0x57: {  	[sflag:s0] =	ssyncset.done $0x0  }
0x58: {  	[sflag:s0] =	ssyncadd.s32 $0xFFFFF800  }
0x59: {  	_ =	swait.ge [sflag:s0], $0x800  }
0x5a: {  	[sflag:s0] =	ssyncset.done $0x0  }
0x5b: {  	[sflag:s0] =	ssyncadd.s32 $0xFFFFF800  }
0x5c: {  	_ =	swait.ge [sflag:s0], $0x800  }
0x5d: {  	[sflag:s0] =	ssyncset.done $0x0  }
0x5e: {  	[sflag:s0] =	ssyncadd.s32 $0xFFFFF800  }
0x5f: {  	_ =	swait.ge [sflag:s0], $0x800  }
0x60: {  	[sflag:s0] =	ssyncset.done $0x0  }
0x61: {  	[sflag:s0] =	ssyncadd.s32 $0xFFFFF800  }
0x62: {  	_ =	swait.ge [sflag:s0], $0x800  }
0x63: {  	[sflag:s0] =	ssyncset.done $0x0  }
0x64: {  	[sflag:s0] =	ssyncadd.s32 $0xFFFFF800  }
0x65: {  	_ =	swait.ge [sflag:s0], $0x800  }
0x66: {  	[sflag:s0] =	ssyncset.done $0x0  }
0x67: {  	[sflag:s0] =	ssyncadd.s32 $0xFFFFF800  }
0x68: {  	_ =	swait.ge [sflag:s0], $0x800  }
0x69: {  	[sflag:s0] =	ssyncset.done $0x0  }
0x6a: {  	[sflag:s0] =	ssyncadd.s32 $0xFFFFF800  }
0x6b: {  	_ =	swait.ge [sflag:s0], $0x800  }
0x6c: {  	[sflag:s0] =	ssyncset.done $0x0  }
0x6d: {  	[sflag:s0] =	ssyncadd.s32 $0xFFFFF800  }
0x6e: {  	_ =	swait.ge [sflag:s1], $0x800  }
0x6f: {  	[sflag:s1] =	ssyncset.done $0x0  }
0x70: {  	[sflag:s1] =	ssyncadd.s32 $0xFFFFF800  }
0x71: {  	_ =	swait.ge [sflag:s1], $0x800  }
0x72: {  	[sflag:s1] =	ssyncset.done $0x0  }
0x73: {  	[sflag:s1] =	ssyncadd.s32 $0xFFFFF800  }
0x74: {  	_ =	swait.ge [sflag:s1], $0x800  }
0x75: {  	[sflag:s1] =	ssyncset.done $0x0  }
0x76: {  	[sflag:s1] =	ssyncadd.s32 $0xFFFFF800  }
0x77: {  	_ =	swait.ge [sflag:s1], $0x800  }
0x78: {  	[sflag:s1] =	ssyncset.done $0x0  }
0x79: {  	[sflag:s1] =	ssyncadd.s32 $0xFFFFF800  }
0x7a: {  	_ =	swait.ge [sflag:s1], $0x800  }
0x7b: {  	[sflag:s1] =	ssyncset.done $0x0  }
0x7c: {  	[sflag:s1] =	ssyncadd.s32 $0xFFFFF800  }
0x7d: {  	_ =	swait.ge [sflag:s1], $0x800  }
0x7e: {  	[sflag:s1] =	ssyncset.done $0x0  }
0x7f: {  	[sflag:s1] =	ssyncadd.s32 $0xFFFFF800  }
0x80: {  	_ =	swait.ge [sflag:s1], $0x800  }
0x81: {  	[sflag:s1] =	ssyncset.done $0x0  }
0x82: {  	[sflag:s1] =	ssyncadd.s32 $0xFFFFF800  }
0x83: {  	_ =	swait.ge [sflag:s1], $0x800  }
0x84: {  	s10 =	smov.u32 s9;
	s8 =	simm.s32 $0x80;
	[sflag:s1] =	ssyncset.done $0x0  }
.LBB2_4:
0x85: {  	p1 =	sne.s32 s8, $0x100;
	[sflag:s1] =	ssyncadd.s32 $0xFFFFF800;
	s10 =	sadd.s32 $0x800, s10  }
0x86: {  	s23 =	sadd.s32 s8, s11;
	s8 =	sadd.s32 $0x80, s8  }
0x87: {  	[tilespmem:s4], [sflag:$0x3] =	stream.linear.gather [hbm4b:s23+s4], $0x400, $0x38;
	[tilespmem:$0x4CA0] =	vst v63  }
0x88: {  	_ =	swait.ge [sflag:s13], $0x400  }
0x89: {  	[sflag:s13] =	ssyncset.done $0x0  }
0x8a: {  	[sflag:s13] =	ssyncadd.s32 $0xFFFFFC00  }
0x8b: {  	[tilespmem:s14], [sflag:$0x3] =	stream.linear.gather [hbm4b:s10+s4], $0x4000, $0x38;
	[tilespmem:$0x4CA0] =	vst v63  }
0x8c: {  	_ =	swait.ge [sflag:s13], $0x4000  }
0x8d: {  	[sflag:s13] =	ssyncset.done $0x0  }
0x8e: {  	[sflag:s13] =	ssyncadd.s32 $0xFFFFC000  }
0x8f: {  	[spmem:s2] =	stream.indirect.scatter.add.f32 [tilespmem:s14], [sflag:$0x1], $0x10, s4, s15, $0xb8;
	[tilespmem:$0x4CA0] =	vst v63  }
0x90: {  	_ = 	snop  }
0x91: {  	[spmem:s2] =	stream.indirect.scatter.add.f32 [tilespmem:s16], [sflag:$0x1], $0x10, s15, s15, $0xb8;
	[tilespmem:$0x4CA0] =	vst v63  }
0x92: {  	_ = 	snop  }
0x93: {  	[spmem:s2] =	stream.indirect.scatter.add.f32 [tilespmem:s18], [sflag:$0x1], $0x10, s17, s15, $0xb8;
	[tilespmem:$0x4CA0] =	vst v63  }
0x94: {  	_ = 	snop  }
0x95: {  	[spmem:s2] =	stream.indirect.scatter.add.f32 [tilespmem:s20], [sflag:$0x1], $0x10, s19, s15, $0xb8;
	[tilespmem:$0x4CA0] =	vst v63  }
0x96: {  	_ = 	snop  }
0x97: {  	[spmem:s2] =	stream.indirect.scatter.add.f32 [tilespmem:s22], [sflag:$0x1], $0x10, s21, s15, $0xb8;
	[tilespmem:$0x4CA0] =	vst v63  }
0x98: {  	_ = 	snop  }
0x99: {  	[spmem:s2] =	stream.indirect.scatter.add.f32 [tilespmem:s26], [sflag:$0x1], $0x10, s25, s15, $0xb8;
	[tilespmem:$0x4CA0] =	vst v63  }
0x9a: {  	_ = 	snop  }
0x9b: {  	[spmem:s2] =	stream.indirect.scatter.add.f32 [tilespmem:s29], [sflag:$0x1], $0x10, s28, s15, $0xb8;
	[tilespmem:$0x4CA0] =	vst v63  }
0x9c: {  	_ = 	snop  }
0x9d: {  	[spmem:s2] =	stream.indirect.scatter.add.f32 [tilespmem:s31], [sflag:$0x1], $0x10, s30, s15, $0xb8;
	[tilespmem:$0x4CA0] =	vst v63  }
0x9e: {  	_ = 	snop  }
0x9f: {  	[spmem:s3] =	stream.indirect.scatter.add.f32 [tilespmem:s12], [sflag:$0x2], $0x10, s4, s15, $0xb8;
	[tilespmem:$0x4CA0] =	vst v63  }
0xa0: {  	_ = 	snop  }
0xa1: {  	[spmem:s3] =	stream.indirect.scatter.add.f32 [tilespmem:s12], [sflag:$0x2], $0x10, s15, s15, $0xb8;
	[tilespmem:$0x4CA0] =	vst v63  }
0xa2: {  	_ = 	snop  }
0xa3: {  	[spmem:s3] =	stream.indirect.scatter.add.f32 [tilespmem:s12], [sflag:$0x2], $0x10, s17, s15, $0xb8;
	[tilespmem:$0x4CA0] =	vst v63  }
0xa4: {  	_ = 	snop  }
0xa5: {  	[spmem:s3] =	stream.indirect.scatter.add.f32 [tilespmem:s12], [sflag:$0x2], $0x10, s19, s15, $0xb8;
	[tilespmem:$0x4CA0] =	vst v63  }
0xa6: {  	_ = 	snop  }
0xa7: {  	[spmem:s3] =	stream.indirect.scatter.add.f32 [tilespmem:s12], [sflag:$0x2], $0x10, s21, s15, $0xb8;
	[tilespmem:$0x4CA0] =	vst v63  }
0xa8: {  	_ = 	snop  }
0xa9: {  	[spmem:s3] =	stream.indirect.scatter.add.f32 [tilespmem:s12], [sflag:$0x2], $0x10, s25, s15, $0xb8;
	[tilespmem:$0x4CA0] =	vst v63  }
0xaa: {  	_ = 	snop  }
0xab: {  	[spmem:s3] =	stream.indirect.scatter.add.f32 [tilespmem:s12], [sflag:$0x2], $0x10, s28, s15, $0xb8;
	[tilespmem:$0x4CA0] =	vst v63  }
0xac: {  	_ = 	snop  }
0xad: {  	[spmem:s3] =	stream.indirect.scatter.add.f32 [tilespmem:s12], [sflag:$0x2], $0x10, s30, s15, $0xb8;
	[tilespmem:$0x4CA0] =	vst v63  }
0xae: {  	_ =	swait.ge [sflag:s0], $0x800  }
0xaf: {  	[sflag:s0] =	ssyncset.done $0x0  }
0xb0: {  	[sflag:s0] =	ssyncadd.s32 $0xFFFFF800  }
0xb1: {  	_ =	swait.ge [sflag:s0], $0x800  }
0xb2: {  	[sflag:s0] =	ssyncset.done $0x0  }
0xb3: {  	[sflag:s0] =	ssyncadd.s32 $0xFFFFF800  }
0xb4: {  	_ =	swait.ge [sflag:s0], $0x800  }
0xb5: {  	[sflag:s0] =	ssyncset.done $0x0  }
0xb6: {  	[sflag:s0] =	ssyncadd.s32 $0xFFFFF800  }
0xb7: {  	_ =	swait.ge [sflag:s0], $0x800  }
0xb8: {  	[sflag:s0] =	ssyncset.done $0x0  }
0xb9: {  	[sflag:s0] =	ssyncadd.s32 $0xFFFFF800  }
0xba: {  	_ =	swait.ge [sflag:s0], $0x800  }
0xbb: {  	[sflag:s0] =	ssyncset.done $0x0  }
0xbc: {  	[sflag:s0] =	ssyncadd.s32 $0xFFFFF800  }
0xbd: {  	_ =	swait.ge [sflag:s0], $0x800  }
0xbe: {  	[sflag:s0] =	ssyncset.done $0x0  }
0xbf: {  	[sflag:s0] =	ssyncadd.s32 $0xFFFFF800  }
0xc0: {  	_ =	swait.ge [sflag:s0], $0x800  }
0xc1: {  	[sflag:s0] =	ssyncset.done $0x0  }
0xc2: {  	[sflag:s0] =	ssyncadd.s32 $0xFFFFF800  }
0xc3: {  	_ =	swait.ge [sflag:s0], $0x800  }
0xc4: {  	[sflag:s0] =	ssyncset.done $0x0  }
0xc5: {  	[sflag:s0] =	ssyncadd.s32 $0xFFFFF800  }
0xc6: {  	_ =	swait.ge [sflag:s1], $0x800  }
0xc7: {  	[sflag:s1] =	ssyncset.done $0x0  }
0xc8: {  	[sflag:s1] =	ssyncadd.s32 $0xFFFFF800  }
0xc9: {  	_ =	swait.ge [sflag:s1], $0x800  }
0xca: {  	[sflag:s1] =	ssyncset.done $0x0  }
0xcb: {  	[sflag:s1] =	ssyncadd.s32 $0xFFFFF800  }
0xcc: {  	_ =	swait.ge [sflag:s1], $0x800  }
0xcd: {  	[sflag:s1] =	ssyncset.done $0x0  }
0xce: {  	[sflag:s1] =	ssyncadd.s32 $0xFFFFF800  }
0xcf: {  	_ =	swait.ge [sflag:s1], $0x800  }
0xd0: {  	[sflag:s1] =	ssyncset.done $0x0  }
0xd1: {  	[sflag:s1] =	ssyncadd.s32 $0xFFFFF800  }
0xd2: {  	_ =	swait.ge [sflag:s1], $0x800  }
0xd3: {  	[sflag:s1] =	ssyncset.done $0x0  }
0xd4: {  	[sflag:s1] =	ssyncadd.s32 $0xFFFFF800  }
0xd5: {  	_ =	swait.ge [sflag:s1], $0x800  }
0xd6: {  	[sflag:s1] =	ssyncset.done $0x0  }
0xd7: {  	[sflag:s1] =	ssyncadd.s32 $0xFFFFF800  }
.Ltmp1:
0xd8: {  	_ =	swait.ge [sflag:s1], $0x800;
	(pc) =	sbr.rel @p1 .LBB2_4-.Ltmp1, $4  }
0xd9: {  	[sflag:s1] =	ssyncset.done $0x0  }
0xda: {  	[sflag:s1] =	ssyncadd.s32 $0xFFFFF800  }
0xdb: {  	_ =	swait.ge [sflag:s1], $0x800  }
0xdc: {  	[sflag:s1] =	ssyncset.done $0x0  }
0xdd: {  	[sflag:s1] =	ssyncadd.s32 $0xFFFFF800;
	s8 =	simm.s32 @!p0 $0x0;
	s10 =	rddreg [dreg:$0x4]  }
0xde: {  	[tilespmem:s8], [sflag:$0x3] =	stream.linear.gather @!p0 [hbm4b:s10+s8], $0x80, $0x38;
	[tilespmem:$0x4CA0] =	vst v63  }
0xdf: {  	s10 =	simm.s32 @!p0 $0x3  }
0xe0: {  	_ =	swait.ge @!p0 [sflag:s10], $0x80  }
0xe1: {  	[sflag:s10] =	ssyncset.done @!p0 $0x0  }
0xe2: {  	s23 =	simm.s32 @!p0 $0x400;
	s24 =	rddreg [dreg:$0x5];
	[sflag:s10] =	ssyncadd.s32 @!p0 $0xFFFFFF80  }
0xe3: {  	[tilespmem:s23], [sflag:$0x3] =	stream.linear.gather @!p0 [hbm4b:s24+s8], $0x800, $0x38;
	[tilespmem:$0x4CA0] =	vst v63  }
0xe4: {  	_ =	swait.ge @!p0 [sflag:s10], $0x800  }
0xe5: {  	[sflag:s10] =	ssyncset.done @!p0 $0x0  }
0xe6: {  	[sflag:s10] =	ssyncadd.s32 @!p0 $0xFFFFF800;
	s10 =	simm.s32 @!p0 $0x80  }
0xe7: {  	[spmem:s2] =	stream.indirect.scatter.add.f32 @!p0 [tilespmem:s23], [sflag:$0x1], $0x10, s8, s10, $0xb8;
	[tilespmem:$0x4CA0] =	vst v63  }
0xe8: {  	s23 =	simm.s32 @!p0 $0x1  }
0xe9: {  	_ =	swait.ge @!p0 [sflag:s23], $0x800  }
0xea: {  	[sflag:s23] =	ssyncset.done @!p0 $0x0  }
0xeb: {  	[sflag:s23] =	ssyncadd.s32 @!p0 $0xFFFFF800;
	s23 =	simm.s32 @!p0 $0x4400  }
0xec: {  	[spmem:s3] =	stream.indirect.scatter.add.f32 @!p0 [tilespmem:s23], [sflag:$0x2], $0x10, s8, s10, $0xb8;
	[tilespmem:$0x4CA0] =	vst v63  }
0xed: {  	s8 =	simm.s32 @!p0 $0x2  }
0xee: {  	_ =	swait.ge @!p0 [sflag:s8], $0x800  }
0xef: {  	[sflag:s8] =	ssyncset.done @!p0 $0x0  }
0xf0: {  	s10 =	stileid.u32;
	[sflag:s8] =	ssyncadd.s32 @!p0 $0xFFFFF800  }
0xf1: {  	s8 =	sshll.u32 s10, $0x6;
	[bflag:$0x0] =	sbarrier.arrive $0xFFFF  }
0xf2: {  	s23 =	sshrl.u32 s5, $0x3;
	s8 =	sor.u32 $0x1C03, s8;
	s24 =	rddreg [dreg:$0x7]  }
0xf3: {  	[hbm:s24], [sflag:s8] =	dma.local [spmem:s23], $0xA  }
0xf4: {  	_ =	swait.ge [sflag:s13], $0xA  }
0xf5: {  	[sflag:s13] =	ssyncset.done $0x0  }
0xf6: {  	s23 =	sshrl.u32 s6, $0x3;
	s24 =	rddreg [dreg:$0x8];
	[sflag:s13] =	ssyncadd.s32 $0xFFFFFFF6  }
0xf7: {  	[hbm:s24], [sflag:s8] =	dma.local [spmem:s23], $0xA  }
0xf8: {  	_ =	swait.ge [sflag:s13], $0xA  }
0xf9: {  	s7 =	sadd.s32 $0x1, s7;
	s24 =	rddreg [dreg:$0x6]  }
0xfa: {  	p1 =	sne.s32 s7, s24  }
.Ltmp2:
0xfb: {  	_ = 	snop;
	(pc) =	sbr.rel @p1 .LBB2_1-.Ltmp2, $3  }
0xfc: {  	_ =	sdelay $0x1  }
0xfd: {  	[sflag:s13] =	ssyncset.done $0x0  }
0xfe: {  	[sflag:s13] =	ssyncadd.s32 $0xFFFFFFF6  }
0xff: {  	_ =	sfence.sel $0x180000  }
0x100: {  	[bflag:$0x0] =	sbarrier.arrive $0xFFFF  }
0x101: {  	_ =	strace $0x90000050  }
0x102: {  	s0 =	stileid.u32;
	[bflag:$0x2] =	sbarrier.arrive $0xFFFF  }
0x103: {  	p0 =	sne.s32 s0, $0x0;
	s0 =	rddreg [dreg:$0x3]  }
0x104: {  	s0 =	sadd.s32 @!p0 $0x100000, s0  }
0x105: {  	[sflag:s0] =	ssyncadd.tile.s32 @!p0 $0x1;
	_ =	shalt  }
.Lfunc_end2:
_tile_overlayer_lowered:
.L_overlay_start_2:
0x106: {  	(tag) =	ssettag $0x2  }
0x107: {  	s0 =	rddreg [dreg:$0x0];
	s2 =	stileid.u32  }
0x108: {  	s1 =	rddreg [dreg:$0x1];
	p0 =	sne.s32 s2, $0x0  }
0x109: {  	s3 =	rddreg [dreg:$0x2];
	[bflag:$0x3] =	sbarrier.arrive $0xFFFF;
	s2 =	simm.s32 @!p0 $0x1C03  }
0x10a: {  	[timem:s3], [sflag:s2] =	dma.local @!p0 [hbm:s0], s1  }
0x10b: {  	s0 =	simm.s32 @!p0 $0x3  }
0x10c: {  	_ =	swait.ge @!p0 [sflag:s0], s1  }
0x10d: {  	s1 =	ssub.s32 @!p0 $0x0, s1;
	[sflag:s0] =	ssyncset.done @!p0 $0x0  }
0x10e: {  	[sflag:s0] =	ssyncadd.s32 @!p0 s1  }
0x10f: {  	[bflag:$0x3] =	sbarrier.arrive $0xFFFF  }
0x110: {  	_ =	shalt  }

</sc_bundles>
